<compile_context>
chip_gen: v7x
topology: tpu7x:2x2x1
jax: 0.10.2.dev20260603
libtpu: 0.0.44.dev20260713+nightly
codegen_flags: <defaults>
</compile_context>

<pallas_src>
import functools
import math

import jax
import jax.numpy as jnp
from jax import lax
from jax.experimental import pallas as pl
from jax.experimental.pallas import tpu as pltpu
from jax.experimental.pallas import tpu_sc as plsc

N = 10000
E = 320000
B = 32
L = 32
LD = 256
H = 128
C = 18
OBB = 3 + C

BLK = 1000
CHUNK = 128
NWORK = 32
NCHUNK = E // CHUNK
PERW = (NCHUNK + NWORK - 1) // NWORK
ROWS_PER_TILE = 626
N_PAD = 16 * ROWS_PER_TILE

def _make_sc_scatter_pipe(F):
  mesh = plsc.VectorSubcoreMesh(core_axis_name="c", subcore_axis_name="s")

  @functools.partial(
      pl.kernel,
      out_type=jax.ShapeDtypeStruct((2 * N_PAD, F), jnp.float32),
      mesh=mesh,
      compiler_params=pltpu.CompilerParams(use_tc_tiling_on_sc=False),
      scratch_types=[pltpu.VMEM((CHUNK,), jnp.int32) for _ in range(8)]
        + [pltpu.VMEM((CHUNK, F), jnp.float32) for _ in range(2)]
        + [pltpu.SemaphoreType.DMA for _ in range(8)]
        + [pltpu.VMEM_SHARED((N_PAD, F), jnp.float32)],
  )
  def k(tab_hbm, src_hbm, dst_hbm, zeros_hbm, out_hbm, *rest):
    srcv = rest[0:4]
    dstv = rest[4:8]
    rows = rest[8:10]
    sem_i = rest[10:14]
    sem_g = rest[14:16]
    sem_s = rest[16:18]
    acc_sh = rest[18]
    cid = lax.axis_index("c")
    sid = lax.axis_index("s")
    wid = sid * 2 + cid
    r0 = sid * ROWS_PER_TILE

    def valid(i):
      return (wid + NWORK * i) < NCHUNK

    def idx_copies(i, d):
      base = (wid + NWORK * i) * CHUNK
      return (pltpu.make_async_copy(src_hbm.at[pl.ds(base, CHUNK)], srcv[d],
                                    sem_i[d]),
              pltpu.make_async_copy(dst_hbm.at[pl.ds(base, CHUNK)], dstv[d],
                                    sem_i[d]))

    for cp in idx_copies(0, 0):
      cp.start()
    pltpu.sync_copy(zeros_hbm.at[pl.ds(r0, ROWS_PER_TILE)],
                    acc_sh.at[pl.ds(r0, ROWS_PER_TILE)])
    plsc.subcore_barrier()

    def step(kk, carry):
      for u in range(4):
        i = kk * 4 + u
        b = u % 2
        d = u % 4
        b1 = (u - 1) % 2
        d1 = (u - 1) % 4

        @pl.when(valid(i))
        def _():
          @pl.when(i >= 2)
          def _():
            pltpu.make_async_copy(rows[b], acc_sh.at[dstv[(u - 2) % 4]],
                                  sem_s[b]).wait()

          @pl.when(valid(i + 1))
          def _():
            for cp in idx_copies(i + 1, (u + 1) % 4):
              cp.start()

          for cp in idx_copies(i, d):
            cp.wait()
          pltpu.async_copy(tab_hbm.at[srcv[d]], rows[b], sem_g[b])

        @pl.when((i >= 1) & valid(i - 1))
        def _():
          pltpu.make_async_copy(tab_hbm.at[srcv[d1]], rows[b1],
                                sem_g[b1]).wait()
          pltpu.async_copy(rows[b1], acc_sh.at[dstv[d1]], sem_s[b1],
                           add=True)

      return carry

    lax.fori_loop(0, (PERW + 1) // 4, step, 0)
    for b in range(2):
      pltpu.make_async_copy(rows[b], acc_sh.at[dstv[b]], sem_s[b]).wait()
    plsc.subcore_barrier()
    pltpu.sync_copy(acc_sh.at[pl.ds(r0, ROWS_PER_TILE)],
                    out_hbm.at[pl.ds(cid * N_PAD + r0, ROWS_PER_TILE)])

  return k


def _lang_body(lf_ref, wl1, bl1, bng, bnb, wl2, bl2, out_ref):
  x = jnp.dot(lf_ref[...], wl1[...], preferred_element_type=jnp.float32)
  x = x + bl1[...]
  mu = jnp.mean(x, axis=0, keepdims=True)
  var = jnp.mean((x - mu) ** 2, axis=0, keepdims=True)
  x = (x - mu) * jax.lax.rsqrt(var + 1e-5) * bng[...] + bnb[...]
  x = jnp.maximum(x, 0.0)
  out_ref[...] = jnp.dot(x, wl2[...], preferred_element_type=jnp.float32) \
      + bl2[...]


def _vis_body(pts_ref, wv1, bv1, lng, lnb, wv2, bv2, out_ref):
  v = jnp.dot(pts_ref[...], wv1[...], preferred_element_type=jnp.float32)
  v = v + bv1[...]
  m = jnp.mean(v, axis=-1, keepdims=True)
  s = jnp.mean((v - m) ** 2, axis=-1, keepdims=True)
  v = (v - m) * jax.lax.rsqrt(s + 1e-5) * lng[...] + lnb[...]
  v = jnp.maximum(v, 0.0)
  out_ref[...] = jnp.dot(v, wv2[...], preferred_element_type=jnp.float32) \
      + bv2[...]


def _attn_body(g_ref, obb, bidx, lemb, mbias, wag, wao, wc, bc, out_ref):
  g = g_ref[...]
  xq = jnp.dot(g, wag[...], preferred_element_type=jnp.float32) + \
      jnp.dot(obb[...], wao[...], preferred_element_type=jnp.float32)
  sc = lax.dot_general(xq, lemb[...], (((1,), (1,)), ((), ())),
                       preferred_element_type=jnp.float32)
  sc = sc * (1.0 / math.sqrt(float(H)))
  colb = lax.broadcasted_iota(jnp.int32, (BLK, B * L), 1) // L
  in_batch = colb == bidx[...]
  sc = jnp.where(in_batch, sc + mbias[...], -3e9)
  mx = jnp.max(sc, axis=-1, keepdims=True)
  e = jnp.exp(sc - mx)
  attn = e / jnp.sum(e, axis=-1, keepdims=True)
  ctx = jnp.dot(attn, lemb[...], preferred_element_type=jnp.float32)
  out_ref[...] = jnp.dot(ctx, wc[...], preferred_element_type=jnp.float32) \
      + bc[...]


def _comb_body(is_last, ctxt, sga, sgb, s0a, s0b, xyz, wmg, wmo, wmr, bm,
               wf1, bf1, wf2, bf2, out_ref):
  s0 = s0a[...] + s0b[...]
  sobb = s0[:, :OBB]
  sxyz = s0[:, OBB:OBB + 3]
  deg = s0[:, OBB + 3:OBB + 4]
  srel = deg * xyz[...] - sxyz
  degc = jnp.maximum(deg, 1.0)
  sg = sga[...] + sgb[...]
  agg = (jnp.dot(sg, wmg[...], preferred_element_type=jnp.float32)
         + jnp.dot(sobb, wmo[...], preferred_element_type=jnp.float32)
         + jnp.dot(srel, wmr[...], preferred_element_type=jnp.float32)
         + deg * bm[...]) / degc
  out = jnp.maximum(agg + ctxt[...], 0.0)
  if is_last:
    h1 = jnp.dot(out, wf1[...], preferred_element_type=jnp.float32) + bf1[...]
    h1 = jnp.maximum(h1, 0.0)
    s = jnp.dot(h1, wf2[...], preferred_element_type=jnp.float32) + bf2[...]
    out_ref[...] = jax.nn.sigmoid(s)
  else:
    out_ref[...] = out


def _row_spec(cols):
  return pl.BlockSpec((BLK, cols), lambda i: (i, 0))


def _const_spec(shape):
  return pl.BlockSpec(shape, lambda i: (0, 0))


def _attn_call(g, obb, bidx, lemb, mbias, wag, wao, wc, bc):
  in_specs = [
      _row_spec(H), _row_spec(OBB), _row_spec(1),
      _const_spec((B * L, H)), _const_spec((1, B * L)),
      _const_spec((H, H)), _const_spec((OBB, H)),
      _const_spec((H, H)), _const_spec((1, H)),
  ]
  return pl.pallas_call(
      _attn_body,
      grid=(N // BLK,),
      in_specs=in_specs,
      out_specs=_row_spec(H),
      out_shape=jax.ShapeDtypeStruct((N, H), jnp.float32),
  )(g, obb, bidx, lemb, mbias, wag, wao, wc, bc)


def _comb_call(is_last, *args):
  in_specs = [
      _row_spec(H),
      _row_spec(H), _row_spec(H),
      _row_spec(32), _row_spec(32),
      _row_spec(3),
      _const_spec((H, H)), _const_spec((OBB, H)), _const_spec((3, H)),
      _const_spec((1, H)),
      _const_spec((H, H // 2)), _const_spec((1, H // 2)),
      _const_spec((H // 2, 1)), _const_spec((1, 1)),
  ]
  ocols = 1 if is_last else H
  return pl.pallas_call(
      functools.partial(_comb_body, is_last),
      grid=(N // BLK,),
      in_specs=in_specs,
      out_specs=_row_spec(ocols),
      out_shape=jax.ShapeDtypeStruct((N, ocols), jnp.float32),
  )(*args)


def kernel(pts_feat, obb_feat, support_xyz, lang_feats, lang_mask,
           edge_index, batch_index, params):
  p = params
  f32 = jnp.float32
  src = edge_index[0]
  dst = edge_index[1]

  lang_emb = pl.pallas_call(
      _lang_body,
      out_shape=jax.ShapeDtypeStruct((B * L, H), f32),
  )(lang_feats.reshape(B * L, LD), p['W_l1'], p['b_l1'].reshape(1, H),
    p['bn_g'].reshape(1, H), p['bn_b'].reshape(1, H), p['W_l2'],
    p['b_l2'].reshape(1, H))

  v = pl.pallas_call(
      _vis_body,
      grid=(N // BLK,),
      in_specs=[_row_spec(128)] + [_const_spec(s) for s in
                                   [(128, H), (1, H), (1, H), (1, H),
                                    (H, H), (1, H)]],
      out_specs=_row_spec(H),
      out_shape=jax.ShapeDtypeStruct((N, H), f32),
  )(pts_feat, p['W_v1'], p['b_v1'].reshape(1, H), p['ln_g'].reshape(1, H),
    p['ln_b'].reshape(1, H), p['W_v2'], p['b_v2'].reshape(1, H))

  t0 = jnp.concatenate([obb_feat, support_xyz, jnp.ones((N, 1), f32),
                        jnp.zeros((N, 7), f32)], axis=-1)
  zeros32 = jnp.zeros((N_PAD, 32), f32)
  zeros128 = jnp.zeros((N_PAD, H), f32)
  scat32 = _make_sc_scatter_pipe(32)
  scat128 = _make_sc_scatter_pipe(H)

  sg = scat128(v, src, dst, zeros128)
  sga, sgb = sg[:N], sg[N_PAD:N_PAD + N]
  s0 = scat32(t0, src, dst, zeros32)
  s0a, s0b = s0[:N], s0[N_PAD:N_PAD + N]

  mbias = jnp.where(lang_mask.reshape(1, B * L) > 0, 0.0, -1e9).astype(f32)
  bidx = batch_index.reshape(N, 1)

  g = v
  for i in (1, 2, 3):
    wa = p['Wa%d' % i]
    wm = p['Wm%d' % i]
    ctxt = _attn_call(g, obb_feat, bidx, lang_emb, mbias, wa[:H], wa[H:],
                      p['Wc%d' % i], p['bc%d' % i].reshape(1, H))
    g = _comb_call(
        i == 3, ctxt, sga, sgb, s0a, s0b, support_xyz, wm[:H],
        wm[H:H + OBB], wm[H + OBB:], p['bm%d' % i].reshape(1, H),
        p['W_f1'], p['b_f1'].reshape(1, H // 2), p['W_f2'],
        p['b_f2'].reshape(1, 1))
    if i < 3:
      sg = scat128(g, src, dst, zeros128)
      sga, sgb = sg[:N], sg[N_PAD:N_PAD + N]
  return g.reshape(N)

# --- scband reference (transcript-rebuilt; emitter-appended) ---
"""Pipeline reference for scband-text-guided-module-26723286516394 (READ-ONLY COPY).

The authoritative reference and input builder live on the scoring server;
editing this copy changes nothing except your own understanding.
"""

import jax, jax.numpy as jnp
import numpy as np

N = 10000; E = 320000; B = 32; L = 32; LD = 256; VD = 128; H = 128; C = 18
DIN = H + 3 + C

def setup_inputs(seed: int = 0):
    key = jax.random.key(seed)
    ks = jax.random.split(key, 40)
    def rn(k, shape):
        return jax.random.normal(k, shape, dtype=jnp.float32) * 0.05
    inp = {}
    inp['pts_feat'] = jax.random.normal(ks[0], (N, VD), dtype=jnp.float32)
    inp['obb_feat'] = jax.random.normal(ks[1], (N, 3 + C), dtype=jnp.float32)
    inp['support_xyz'] = jax.random.uniform(ks[2], (N, 3), dtype=jnp.float32)
    inp['lang_feats'] = jax.random.normal(ks[3], (B, L, LD), dtype=jnp.float32)
    inp['lang_mask'] = jnp.ones((B, L), dtype=jnp.float32)
    inp['edge_index'] = jax.random.randint(ks[4], (2, E), 0, N, dtype=jnp.int32)
    inp['batch_index'] = jnp.sort(jax.random.randint(ks[5], (N,), 0, B, dtype=jnp.int32))
    p = {}
    p['W_l1'] = rn(ks[6], (LD, H)); p['b_l1'] = jnp.zeros((H,), jnp.float32)
    p['bn_g'] = jnp.ones((H,), jnp.float32); p['bn_b'] = jnp.zeros((H,), jnp.float32)
    p['W_l2'] = rn(ks[7], (H, H)); p['b_l2'] = jnp.zeros((H,), jnp.float32)
    p['W_v1'] = rn(ks[8], (VD, H)); p['b_v1'] = jnp.zeros((H,), jnp.float32)
    p['ln_g'] = jnp.ones((H,), jnp.float32); p['ln_b'] = jnp.zeros((H,), jnp.float32)
    p['W_v2'] = rn(ks[9], (H, H)); p['b_v2'] = jnp.zeros((H,), jnp.float32)
    for i in range(1, 4):
        p['Wa%d' % i] = rn(ks[9 + 3 * i], (DIN, H))
        p['Wm%d' % i] = rn(ks[10 + 3 * i], (DIN + 3, H))
        p['bm%d' % i] = jnp.zeros((H,), jnp.float32)
        p['Wc%d' % i] = rn(ks[11 + 3 * i], (H, H))
        p['bc%d' % i] = jnp.zeros((H,), jnp.float32)
    p['W_f1'] = rn(ks[25], (H, H // 2)); p['b_f1'] = jnp.zeros((H // 2,), jnp.float32)
    p['W_f2'] = rn(ks[26], (H // 2, 1)); p['b_f2'] = jnp.zeros((1,), jnp.float32)
    inp['params'] = p
    return inp

def reference(pts_feat, obb_feat, support_xyz, lang_feats, lang_mask, edge_index, batch_index, params):
    p = params
    Bv, Lv, _ = lang_feats.shape
    n = pts_feat.shape[0]
    # lang_emb_fc: Linear -> BatchNorm1d (batch stats) -> ReLU -> Linear
    x = lang_feats.reshape(Bv * Lv, -1) @ p['W_l1'] + p['b_l1']
    mu = x.mean(0); var = x.var(0)
    x = (x - mu) / jnp.sqrt(var + 1e-5) * p['bn_g'] + p['bn_b']
    x = jax.nn.relu(x)
    lang_emb = (x @ p['W_l2'] + p['b_l2']).reshape(Bv, Lv, -1)
    # vis_emb_fc: Linear -> LayerNorm -> ReLU -> Linear
    v = pts_feat @ p['W_v1'] + p['b_v1']
    m = v.mean(-1, keepdims=True); s = v.var(-1, keepdims=True)
    v = (v - m) / jnp.sqrt(s + 1e-5) * p['ln_g'] + p['ln_b']
    v = jax.nn.relu(v)
    v = v @ p['W_v2'] + p['b_v2']
    # per-node gather of language tokens + mask
    lang_n = jnp.take(lang_emb, batch_index, axis=0)
    mask_n = jnp.take(lang_mask, batch_index, axis=0)
    src = edge_index[0]; dst = edge_index[1]
    rel = jnp.take(support_xyz, dst, axis=0) - jnp.take(support_xyz, src, axis=0)
    deg = jax.ops.segment_sum(jnp.ones(src.shape[0], jnp.float32), dst, num_segments=n)
    degc = jnp.clip(deg, 1.0)[:, None]
    def conv(xin, Wa, Wm, bm, Wc, bc):
        q = xin @ Wa
        sc = jnp.einsum('nh,nlh->nl', q, lang_n) / jnp.sqrt(jnp.float32(q.shape[-1]))
        sc = jnp.where(mask_n > 0, sc, -1e9)
        attn = jax.nn.softmax(sc, axis=-1)
        ctx = jnp.einsum('nl,nlh->nh', attn, lang_n)
        msg = jnp.concatenate([jnp.take(xin, src, axis=0), rel], axis=-1) @ Wm + bm
        agg = jax.ops.segment_sum(msg, dst, num_segments=n) / degc
        return agg + ctx @ Wc + bc
    g = jnp.concatenate([v, obb_feat], axis=-1)
    g = jax.nn.relu(conv(g, p['Wa1'], p['Wm1'], p['bm1'], p['Wc1'], p['bc1']))
    g = jnp.concatenate([g, obb_feat], axis=-1)
    g = jax.nn.relu(conv(g, p['Wa2'], p['Wm2'], p['bm2'], p['Wc2'], p['bc2']))
    g = jnp.concatenate([g, obb_feat], axis=-1)
    g = jax.nn.relu(conv(g, p['Wa3'], p['Wm3'], p['bm3'], p['Wc3'], p['bc3']))
    h1 = jax.nn.relu(g @ p['W_f1'] + p['b_f1'])
    scores = jax.nn.sigmoid((h1 @ p['W_f2'] + p['b_f2']).squeeze(-1))
    return scores

if __name__ == "__main__":
    import jax
    _d = setup_inputs()
    print(jax.jit(kernel)(*tuple(_d.values())))

</pallas_src>

<mosaic_0001>
#map = affine_map<(d0, d1) -> (0, 0)>
#map1 = affine_map<(d0, d1) -> (0)>
module attributes {stable_mosaic.version = 14 : i64} {
  func.func @k(%arg0: i32, %arg1: i32, %arg2: memref<10000x32xf32, #tpu.memory_space<hbm>>, %arg3: memref<320000xi32, #tpu.memory_space<hbm>>, %arg4: memref<320000xi32, #tpu.memory_space<hbm>>, %arg5: memref<10016x32xf32, #tpu.memory_space<hbm>>, %arg6: memref<20032x32xf32, #tpu.memory_space<hbm>>, %arg7: memref<128xi32, #tpu.memory_space<vmem>>, %arg8: memref<128xi32, #tpu.memory_space<vmem>>, %arg9: memref<128xi32, #tpu.memory_space<vmem>>, %arg10: memref<128xi32, #tpu.memory_space<vmem>>, %arg11: memref<128xi32, #tpu.memory_space<vmem>>, %arg12: memref<128xi32, #tpu.memory_space<vmem>>, %arg13: memref<128xi32, #tpu.memory_space<vmem>>, %arg14: memref<128xi32, #tpu.memory_space<vmem>>, %arg15: memref<128x32xf32, #tpu.memory_space<vmem>>, %arg16: memref<128x32xf32, #tpu.memory_space<vmem>>, %arg17: memref<!tpu.dma_semaphore, #tpu.memory_space<semaphore_mem>>, %arg18: memref<!tpu.dma_semaphore, #tpu.memory_space<semaphore_mem>>, %arg19: memref<!tpu.dma_semaphore, #tpu.memory_space<semaphore_mem>>, %arg20: memref<!tpu.dma_semaphore, #tpu.memory_space<semaphore_mem>>, %arg21: memref<!tpu.dma_semaphore, #tpu.memory_space<semaphore_mem>>, %arg22: memref<!tpu.dma_semaphore, #tpu.memory_space<semaphore_mem>>, %arg23: memref<!tpu.dma_semaphore, #tpu.memory_space<semaphore_mem>>, %arg24: memref<!tpu.dma_semaphore, #tpu.memory_space<semaphore_mem>>, %arg25: memref<10016x32xf32, #tpu.memory_space<vmem_shared>>) attributes {dimension_semantics = [#tpu.dimension_semantics<core_parallel>, #tpu.dimension_semantics<subcore_parallel>], iteration_bounds = array<i64: 2, 16>, scalar_prefetch = 0 : i64, scratch_operands = 19 : i64, tpu.core_type = #tpu.core_type<sc_vector_subcore>, window_params = [{transform_indices = #map}, {transform_indices = #map1}, {transform_indices = #map1}, {transform_indices = #map}, {transform_indices = #map}]} {
    %mul3A = arith.constant 2 : i32
    %mul3A_0 = arith.muli %arg1, %mul3A : i32
    %add3A = arith.addi %mul3A_0, %arg0 : i32
    %mul3A_1 = arith.constant 626 : i32
    %mul3A_2 = arith.muli %arg1, %mul3A_1 : i32
    %add3A_3 = arith.constant 0 : i32
    %add3A_4 = arith.addi %add3A, %add3A_3 : i32
    %mul3A_5 = arith.constant 128 : i32
    %mul3A_6 = arith.muli %add3A_4, %mul3A_5 : i32
    %dma_start3A = tpu.memref_slice %arg3[%mul3A_6] : memref<320000xi32, #tpu.memory_space<hbm>> -> memref<128xi32, #tpu.memory_space<hbm>>
    %dma_start3A_7 = tpu.memref_slice %arg3[%mul3A_6] : memref<320000xi32, #tpu.memory_space<hbm>> -> memref<128xi32, #tpu.memory_space<hbm>>
    tpu.enqueue_dma source(%dma_start3A_7 : memref<128xi32, #tpu.memory_space<hbm>>) target(%arg7 : memref<128xi32, #tpu.memory_space<vmem>>) target_semaphore(%arg17 : memref<!tpu.dma_semaphore, #tpu.memory_space<semaphore_mem>>)
    %dma_start3A_8 = tpu.memref_slice %arg4[%mul3A_6] : memref<320000xi32, #tpu.memory_space<hbm>> -> memref<128xi32, #tpu.memory_space<hbm>>
    %dma_start3A_9 = tpu.memref_slice %arg4[%mul3A_6] : memref<320000xi32, #tpu.memory_space<hbm>> -> memref<128xi32, #tpu.memory_space<hbm>>
    tpu.enqueue_dma source(%dma_start3A_9 : memref<128xi32, #tpu.memory_space<hbm>>) target(%arg11 : memref<128xi32, #tpu.memory_space<vmem>>) target_semaphore(%arg17 : memref<!tpu.dma_semaphore, #tpu.memory_space<semaphore_mem>>)
    "tpu.region"() ({
      %run_scoped3A = tpu.sem_alloc : memref<!tpu.dma_semaphore, #tpu.memory_space<semaphore_mem>>
      %dma_start3A_24 = arith.constant 0 : i32
      %dma_start3A_25 = tpu.memref_slice %arg25[%mul3A_2, %dma_start3A_24] : memref<10016x32xf32, #tpu.memory_space<vmem_shared>> -> memref<626x32xf32, #tpu.memory_space<vmem_shared>>
      %dma_start3A_26 = arith.constant 0 : i32
      %dma_start3A_27 = tpu.memref_slice %arg5[%mul3A_2, %dma_start3A_26] : memref<10016x32xf32, #tpu.memory_space<hbm>> -> memref<626x32xf32, #tpu.memory_space<hbm>>
      tpu.enqueue_dma source(%dma_start3A_27 : memref<626x32xf32, #tpu.memory_space<hbm>>) target(%dma_start3A_25 : memref<626x32xf32, #tpu.memory_space<vmem_shared>>) target_semaphore(%run_scoped3A : memref<!tpu.dma_semaphore, #tpu.memory_space<semaphore_mem>>)
      %dma_wait3A_28 = arith.constant 0 : i32
      %dma_wait3A_29 = tpu.memref_slice %arg25[%mul3A_2, %dma_wait3A_28] : memref<10016x32xf32, #tpu.memory_space<vmem_shared>> -> memref<626x32xf32, #tpu.memory_space<vmem_shared>>
      %dma_wait3A_30 = arith.constant 0 : i32
      %dma_wait3A_31 = tpu.memref_slice %arg5[%mul3A_2, %dma_wait3A_30] : memref<10016x32xf32, #tpu.memory_space<hbm>> -> memref<626x32xf32, #tpu.memory_space<hbm>>
      tpu.wait_dma2 semaphore(%run_scoped3A : memref<!tpu.dma_semaphore, #tpu.memory_space<semaphore_mem>>) src(%dma_wait3A_31 : memref<626x32xf32, #tpu.memory_space<hbm>>) dst(%dma_wait3A_29 : memref<626x32xf32, #tpu.memory_space<vmem_shared>>)
      tpu.yield
    }) : () -> ()
    %barrier3A = arith.constant 0 : index
    tpu.barrier barrier_id(%barrier3A)
    %scan3A = arith.constant 0 : i32
    %scan3A_10 = arith.constant 0 : i32
    %scan3A_11 = arith.constant 20 : i32
    %scan3A_12 = arith.addi %scan3A_10, %scan3A_11 : i32
    %scan3A_13 = arith.constant 1 : i32
    scf.for %scan3A_24 = %scan3A_10 to %scan3A_12 step %scan3A_13  : i32 {
      %mul3A_25 = arith.constant 4 : i32
      %mul3A_26 = arith.muli %scan3A_24, %mul3A_25 : i32
      %add3A_27 = arith.constant 0 : i32
      %add3A_28 = arith.addi %mul3A_26, %add3A_27 : i32
      %mul3A_29 = arith.constant 32 : i32
      %mul3A_30 = arith.muli %mul3A_29, %add3A_28 : i32
      %add3A_31 = arith.addi %add3A, %mul3A_30 : i32
      %lt3A = arith.constant 2500 : i32
      %lt3A_32 = arith.cmpi slt, %add3A_31, %lt3A : i32
      %convert_element_type3A = arith.extui %lt3A_32 : i1 to i32
      %cond3A = arith.constant 0 : i32
      %cond3A_33 = arith.cmpi ne, %convert_element_type3A, %cond3A : i32
      scf.if %cond3A_33 {
        %ge3A_119 = arith.constant 2 : i32
        %ge3A_120 = arith.cmpi sge, %add3A_28, %ge3A_119 : i32
        %convert_element_type3A_121 = arith.extui %ge3A_120 : i1 to i32
        %cond3A_122 = arith.constant 0 : i32
        %cond3A_123 = arith.cmpi ne, %convert_element_type3A_121, %cond3A_122 : i32
        scf.if %cond3A_123 {
          %dma_wait3A_146 = arith.constant 0 : i32
          %dma_wait3A_147 = arith.constant 0 : i32
          %dma_wait3A_148 = tpu.memref_slice %arg25[%dma_wait3A_146, %dma_wait3A_147] : memref<10016x32xf32, #tpu.memory_space<vmem_shared>> -> memref<10016x32xf32, #tpu.memory_space<vmem_shared>>
          tpu.wait_indirect_dma semaphore(%arg23 : memref<!tpu.dma_semaphore, #tpu.memory_space<semaphore_mem>>) src(%arg15 : memref<128x32xf32, #tpu.memory_space<vmem>>) dst(%dma_wait3A_148 : memref<10016x32xf32, #tpu.memory_space<vmem_shared>>)
        } else {
        }
        %add3A_124 = arith.constant 1 : i32
        %add3A_125 = arith.addi %add3A_28, %add3A_124 : i32
        %mul3A_126 = arith.constant 32 : i32
        %mul3A_127 = arith.muli %mul3A_126, %add3A_125 : i32
        %add3A_128 = arith.addi %add3A, %mul3A_127 : i32
        %lt3A_129 = arith.constant 2500 : i32
        %lt3A_130 = arith.cmpi slt, %add3A_128, %lt3A_129 : i32
        %convert_element_type3A_131 = arith.extui %lt3A_130 : i1 to i32
        %cond3A_132 = arith.constant 0 : i32
        %cond3A_133 = arith.cmpi ne, %convert_element_type3A_131, %cond3A_132 : i32
        scf.if %cond3A_133 {
          %add3A_146 = arith.constant 1 : i32
          %add3A_147 = arith.addi %add3A_28, %add3A_146 : i32
          %mul3A_148 = arith.constant 32 : i32
          %mul3A_149 = arith.muli %mul3A_148, %add3A_147 : i32
          %add3A_150 = arith.addi %add3A, %mul3A_149 : i32
          %mul3A_151 = arith.constant 128 : i32
          %mul3A_152 = arith.muli %add3A_150, %mul3A_151 : i32
          %dma_start3A_153 = tpu.memref_slice %arg3[%mul3A_152] : memref<320000xi32, #tpu.memory_space<hbm>> -> memref<128xi32, #tpu.memory_space<hbm>>
          %dma_start3A_154 = tpu.memref_slice %arg3[%mul3A_152] : memref<320000xi32, #tpu.memory_space<hbm>> -> memref<128xi32, #tpu.memory_space<hbm>>
          tpu.enqueue_dma source(%dma_start3A_154 : memref<128xi32, #tpu.memory_space<hbm>>) target(%arg8 : memref<128xi32, #tpu.memory_space<vmem>>) target_semaphore(%arg18 : memref<!tpu.dma_semaphore, #tpu.memory_space<semaphore_mem>>)
          %dma_start3A_155 = tpu.memref_slice %arg4[%mul3A_152] : memref<320000xi32, #tpu.memory_space<hbm>> -> memref<128xi32, #tpu.memory_space<hbm>>
          %dma_start3A_156 = tpu.memref_slice %arg4[%mul3A_152] : memref<320000xi32, #tpu.memory_space<hbm>> -> memref<128xi32, #tpu.memory_space<hbm>>
          tpu.enqueue_dma source(%dma_start3A_156 : memref<128xi32, #tpu.memory_space<hbm>>) target(%arg12 : memref<128xi32, #tpu.memory_space<vmem>>) target_semaphore(%arg18 : memref<!tpu.dma_semaphore, #tpu.memory_space<semaphore_mem>>)
        } else {
        }
        %mul3A_134 = arith.constant 32 : i32
        %mul3A_135 = arith.muli %mul3A_134, %add3A_28 : i32
        %add3A_136 = arith.addi %add3A, %mul3A_135 : i32
        %mul3A_137 = arith.constant 128 : i32
        %mul3A_138 = arith.muli %add3A_136, %mul3A_137 : i32
        %dma_wait3A_139 = tpu.memref_slice %arg3[%mul3A_138] : memref<320000xi32, #tpu.memory_space<hbm>> -> memref<128xi32, #tpu.memory_space<hbm>>
        %dma_wait3A_140 = tpu.memref_slice %arg3[%mul3A_138] : memref<320000xi32, #tpu.memory_space<hbm>> -> memref<128xi32, #tpu.memory_space<hbm>>
        tpu.wait_dma2 semaphore(%arg17 : memref<!tpu.dma_semaphore, #tpu.memory_space<semaphore_mem>>) src(%dma_wait3A_140 : memref<128xi32, #tpu.memory_space<hbm>>) dst(%arg7 : memref<128xi32, #tpu.memory_space<vmem>>)
        %dma_wait3A_141 = tpu.memref_slice %arg4[%mul3A_138] : memref<320000xi32, #tpu.memory_space<hbm>> -> memref<128xi32, #tpu.memory_space<hbm>>
        %dma_wait3A_142 = tpu.memref_slice %arg4[%mul3A_138] : memref<320000xi32, #tpu.memory_space<hbm>> -> memref<128xi32, #tpu.memory_space<hbm>>
        tpu.wait_dma2 semaphore(%arg17 : memref<!tpu.dma_semaphore, #tpu.memory_space<semaphore_mem>>) src(%dma_wait3A_142 : memref<128xi32, #tpu.memory_space<hbm>>) dst(%arg11 : memref<128xi32, #tpu.memory_space<vmem>>)
        %dma_start3A_143 = arith.constant 0 : i32
        %dma_start3A_144 = arith.constant 0 : i32
        %dma_start3A_145 = tpu.memref_slice %arg2[%dma_start3A_143, %dma_start3A_144] : memref<10000x32xf32, #tpu.memory_space<hbm>> -> memref<10000x32xf32, #tpu.memory_space<hbm>>
        tpu.enqueue_indirect_dma source(%dma_start3A_145 : memref<10000x32xf32, #tpu.memory_space<hbm>>) target(%arg15 : memref<128x32xf32, #tpu.memory_space<vmem>>) offsets(%arg7 : memref<128xi32, #tpu.memory_space<vmem>>) semaphore(%arg21 : memref<!tpu.dma_semaphore, #tpu.memory_space<semaphore_mem>>)
      } else {
      }
      %ge3A = arith.constant 1 : i32
      %ge3A_34 = arith.cmpi sge, %add3A_28, %ge3A : i32
      %sub3A = arith.constant 1 : i32
      %sub3A_35 = arith.subi %add3A_28, %sub3A : i32
      %mul3A_36 = arith.constant 32 : i32
      %mul3A_37 = arith.muli %mul3A_36, %sub3A_35 : i32
      %add3A_38 = arith.addi %add3A, %mul3A_37 : i32
      %lt3A_39 = arith.constant 2500 : i32
      %lt3A_40 = arith.cmpi slt, %add3A_38, %lt3A_39 : i32
      %and3A = arith.andi %ge3A_34, %lt3A_40 : i1
      %convert_element_type3A_41 = arith.extui %and3A : i1 to i32
      %cond3A_42 = arith.constant 0 : i32
      %cond3A_43 = arith.cmpi ne, %convert_element_type3A_41, %cond3A_42 : i32
      scf.if %cond3A_43 {
        %dma_wait3A_119 = arith.constant 0 : i32
        %dma_wait3A_120 = arith.constant 0 : i32
        %dma_wait3A_121 = tpu.memref_slice %arg2[%dma_wait3A_119, %dma_wait3A_120] : memref<10000x32xf32, #tpu.memory_space<hbm>> -> memref<10000x32xf32, #tpu.memory_space<hbm>>
        tpu.wait_indirect_dma semaphore(%arg22 : memref<!tpu.dma_semaphore, #tpu.memory_space<semaphore_mem>>) src(%dma_wait3A_121 : memref<10000x32xf32, #tpu.memory_space<hbm>>) dst(%arg16 : memref<128x32xf32, #tpu.memory_space<vmem>>)
        %dma_start3A_122 = arith.constant 0 : i32
        %dma_start3A_123 = arith.constant 0 : i32
        %dma_start3A_124 = tpu.memref_slice %arg25[%dma_start3A_122, %dma_start3A_123] : memref<10016x32xf32, #tpu.memory_space<vmem_shared>> -> memref<10016x32xf32, #tpu.memory_space<vmem_shared>>
        tpu.enqueue_indirect_dma source(%arg16 : memref<128x32xf32, #tpu.memory_space<vmem>>) target(%dma_start3A_124 : memref<10016x32xf32, #tpu.memory_space<vmem_shared>>) offsets(%arg14 : memref<128xi32, #tpu.memory_space<vmem>>) semaphore(%arg24 : memref<!tpu.dma_semaphore, #tpu.memory_space<semaphore_mem>>) {add = true}
      } else {
      }
      %mul3A_44 = arith.constant 4 : i32
      %mul3A_45 = arith.muli %scan3A_24, %mul3A_44 : i32
      %add3A_46 = arith.constant 1 : i32
      %add3A_47 = arith.addi %mul3A_45, %add3A_46 : i32
      %mul3A_48 = arith.constant 32 : i32
      %mul3A_49 = arith.muli %mul3A_48, %add3A_47 : i32
      %add3A_50 = arith.addi %add3A, %mul3A_49 : i32
      %lt3A_51 = arith.constant 2500 : i32
      %lt3A_52 = arith.cmpi slt, %add3A_50, %lt3A_51 : i32
      %convert_element_type3A_53 = arith.extui %lt3A_52 : i1 to i32
      %cond3A_54 = arith.constant 0 : i32
      %cond3A_55 = arith.cmpi ne, %convert_element_type3A_53, %cond3A_54 : i32
      scf.if %cond3A_55 {
        %ge3A_119 = arith.constant 2 : i32
        %ge3A_120 = arith.cmpi sge, %add3A_47, %ge3A_119 : i32
        %convert_element_type3A_121 = arith.extui %ge3A_120 : i1 to i32
        %cond3A_122 = arith.constant 0 : i32
        %cond3A_123 = arith.cmpi ne, %convert_element_type3A_121, %cond3A_122 : i32
        scf.if %cond3A_123 {
          %dma_wait3A_146 = arith.constant 0 : i32
          %dma_wait3A_147 = arith.constant 0 : i32
          %dma_wait3A_148 = tpu.memref_slice %arg25[%dma_wait3A_146, %dma_wait3A_147] : memref<10016x32xf32, #tpu.memory_space<vmem_shared>> -> memref<10016x32xf32, #tpu.memory_space<vmem_shared>>
          tpu.wait_indirect_dma semaphore(%arg24 : memref<!tpu.dma_semaphore, #tpu.memory_space<semaphore_mem>>) src(%arg16 : memref<128x32xf32, #tpu.memory_space<vmem>>) dst(%dma_wait3A_148 : memref<10016x32xf32, #tpu.memory_space<vmem_shared>>)
        } else {
        }
        %add3A_124 = arith.constant 1 : i32
        %add3A_125 = arith.addi %add3A_47, %add3A_124 : i32
        %mul3A_126 = arith.constant 32 : i32
        %mul3A_127 = arith.muli %mul3A_126, %add3A_125 : i32
        %add3A_128 = arith.addi %add3A, %mul3A_127 : i32
        %lt3A_129 = arith.constant 2500 : i32
        %lt3A_130 = arith.cmpi slt, %add3A_128, %lt3A_129 : i32
        %convert_element_type3A_131 = arith.extui %lt3A_130 : i1 to i32
        %cond3A_132 = arith.constant 0 : i32
        %cond3A_133 = arith.cmpi ne, %convert_element_type3A_131, %cond3A_132 : i32
        scf.if %cond3A_133 {
          %add3A_146 = arith.constant 1 : i32
          %add3A_147 = arith.addi %add3A_47, %add3A_146 : i32
          %mul3A_148 = arith.constant 32 : i32
          %mul3A_149 = arith.muli %mul3A_148, %add3A_147 : i32
          %add3A_150 = arith.addi %add3A, %mul3A_149 : i32
          %mul3A_151 = arith.constant 128 : i32
          %mul3A_152 = arith.muli %add3A_150, %mul3A_151 : i32
          %dma_start3A_153 = tpu.memref_slice %arg3[%mul3A_152] : memref<320000xi32, #tpu.memory_space<hbm>> -> memref<128xi32, #tpu.memory_space<hbm>>
          %dma_start3A_154 = tpu.memref_slice %arg3[%mul3A_152] : memref<320000xi32, #tpu.memory_space<hbm>> -> memref<128xi32, #tpu.memory_space<hbm>>
          tpu.enqueue_dma source(%dma_start3A_154 : memref<128xi32, #tpu.memory_space<hbm>>) target(%arg9 : memref<128xi32, #tpu.memory_space<vmem>>) target_semaphore(%arg19 : memref<!tpu.dma_semaphore, #tpu.memory_space<semaphore_mem>>)
          %dma_start3A_155 = tpu.memref_slice %arg4[%mul3A_152] : memref<320000xi32, #tpu.memory_space<hbm>> -> memref<128xi32, #tpu.memory_space<hbm>>
          %dma_start3A_156 = tpu.memref_slice %arg4[%mul3A_152] : memref<320000xi32, #tpu.memory_space<hbm>> -> memref<128xi32, #tpu.memory_space<hbm>>
          tpu.enqueue_dma source(%dma_start3A_156 : memref<128xi32, #tpu.memory_space<hbm>>) target(%arg13 : memref<128xi32, #tpu.memory_space<vmem>>) target_semaphore(%arg19 : memref<!tpu.dma_semaphore, #tpu.memory_space<semaphore_mem>>)
        } else {
        }
        %mul3A_134 = arith.constant 32 : i32
        %mul3A_135 = arith.muli %mul3A_134, %add3A_47 : i32
        %add3A_136 = arith.addi %add3A, %mul3A_135 : i32
        %mul3A_137 = arith.constant 128 : i32
        %mul3A_138 = arith.muli %add3A_136, %mul3A_137 : i32
        %dma_wait3A_139 = tpu.memref_slice %arg3[%mul3A_138] : memref<320000xi32, #tpu.memory_space<hbm>> -> memref<128xi32, #tpu.memory_space<hbm>>
        %dma_wait3A_140 = tpu.memref_slice %arg3[%mul3A_138] : memref<320000xi32, #tpu.memory_space<hbm>> -> memref<128xi32, #tpu.memory_space<hbm>>
        tpu.wait_dma2 semaphore(%arg18 : memref<!tpu.dma_semaphore, #tpu.memory_space<semaphore_mem>>) src(%dma_wait3A_140 : memref<128xi32, #tpu.memory_space<hbm>>) dst(%arg8 : memref<128xi32, #tpu.memory_space<vmem>>)
        %dma_wait3A_141 = tpu.memref_slice %arg4[%mul3A_138] : memref<320000xi32, #tpu.memory_space<hbm>> -> memref<128xi32, #tpu.memory_space<hbm>>
        %dma_wait3A_142 = tpu.memref_slice %arg4[%mul3A_138] : memref<320000xi32, #tpu.memory_space<hbm>> -> memref<128xi32, #tpu.memory_space<hbm>>
        tpu.wait_dma2 semaphore(%arg18 : memref<!tpu.dma_semaphore, #tpu.memory_space<semaphore_mem>>) src(%dma_wait3A_142 : memref<128xi32, #tpu.memory_space<hbm>>) dst(%arg12 : memref<128xi32, #tpu.memory_space<vmem>>)
        %dma_start3A_143 = arith.constant 0 : i32
        %dma_start3A_144 = arith.constant 0 : i32
        %dma_start3A_145 = tpu.memref_slice %arg2[%dma_start3A_143, %dma_start3A_144] : memref<10000x32xf32, #tpu.memory_space<hbm>> -> memref<10000x32xf32, #tpu.memory_space<hbm>>
        tpu.enqueue_indirect_dma source(%dma_start3A_145 : memref<10000x32xf32, #tpu.memory_space<hbm>>) target(%arg16 : memref<128x32xf32, #tpu.memory_space<vmem>>) offsets(%arg8 : memref<128xi32, #tpu.memory_space<vmem>>) semaphore(%arg22 : memref<!tpu.dma_semaphore, #tpu.memory_space<semaphore_mem>>)
      } else {
      }
      %ge3A_56 = arith.constant 1 : i32
      %ge3A_57 = arith.cmpi sge, %add3A_47, %ge3A_56 : i32
      %sub3A_58 = arith.constant 1 : i32
      %sub3A_59 = arith.subi %add3A_47, %sub3A_58 : i32
      %mul3A_60 = arith.constant 32 : i32
      %mul3A_61 = arith.muli %mul3A_60, %sub3A_59 : i32
      %add3A_62 = arith.addi %add3A, %mul3A_61 : i32
      %lt3A_63 = arith.constant 2500 : i32
      %lt3A_64 = arith.cmpi slt, %add3A_62, %lt3A_63 : i32
      %and3A_65 = arith.andi %ge3A_57, %lt3A_64 : i1
      %convert_element_type3A_66 = arith.extui %and3A_65 : i1 to i32
      %cond3A_67 = arith.constant 0 : i32
      %cond3A_68 = arith.cmpi ne, %convert_element_type3A_66, %cond3A_67 : i32
      scf.if %cond3A_68 {
        %dma_wait3A_119 = arith.constant 0 : i32
        %dma_wait3A_120 = arith.constant 0 : i32
        %dma_wait3A_121 = tpu.memref_slice %arg2[%dma_wait3A_119, %dma_wait3A_120] : memref<10000x32xf32, #tpu.memory_space<hbm>> -> memref<10000x32xf32, #tpu.memory_space<hbm>>
        tpu.wait_indirect_dma semaphore(%arg21 : memref<!tpu.dma_semaphore, #tpu.memory_space<semaphore_mem>>) src(%dma_wait3A_121 : memref<10000x32xf32, #tpu.memory_space<hbm>>) dst(%arg15 : memref<128x32xf32, #tpu.memory_space<vmem>>)
        %dma_start3A_122 = arith.constant 0 : i32
        %dma_start3A_123 = arith.constant 0 : i32
        %dma_start3A_124 = tpu.memref_slice %arg25[%dma_start3A_122, %dma_start3A_123] : memref<10016x32xf32, #tpu.memory_space<vmem_shared>> -> memref<10016x32xf32, #tpu.memory_space<vmem_shared>>
        tpu.enqueue_indirect_dma source(%arg15 : memref<128x32xf32, #tpu.memory_space<vmem>>) target(%dma_start3A_124 : memref<10016x32xf32, #tpu.memory_space<vmem_shared>>) offsets(%arg11 : memref<128xi32, #tpu.memory_space<vmem>>) semaphore(%arg23 : memref<!tpu.dma_semaphore, #tpu.memory_space<semaphore_mem>>) {add = true}
      } else {
      }
      %mul3A_69 = arith.constant 4 : i32
      %mul3A_70 = arith.muli %scan3A_24, %mul3A_69 : i32
      %add3A_71 = arith.constant 2 : i32
      %add3A_72 = arith.addi %mul3A_70, %add3A_71 : i32
      %mul3A_73 = arith.constant 32 : i32
      %mul3A_74 = arith.muli %mul3A_73, %add3A_72 : i32
      %add3A_75 = arith.addi %add3A, %mul3A_74 : i32
      %lt3A_76 = arith.constant 2500 : i32
      %lt3A_77 = arith.cmpi slt, %add3A_75, %lt3A_76 : i32
      %convert_element_type3A_78 = arith.extui %lt3A_77 : i1 to i32
      %cond3A_79 = arith.constant 0 : i32
      %cond3A_80 = arith.cmpi ne, %convert_element_type3A_78, %cond3A_79 : i32
      scf.if %cond3A_80 {
        %ge3A_119 = arith.constant 2 : i32
        %ge3A_120 = arith.cmpi sge, %add3A_72, %ge3A_119 : i32
        %convert_element_type3A_121 = arith.extui %ge3A_120 : i1 to i32
        %cond3A_122 = arith.constant 0 : i32
        %cond3A_123 = arith.cmpi ne, %convert_element_type3A_121, %cond3A_122 : i32
        scf.if %cond3A_123 {
          %dma_wait3A_146 = arith.constant 0 : i32
          %dma_wait3A_147 = arith.constant 0 : i32
          %dma_wait3A_148 = tpu.memref_slice %arg25[%dma_wait3A_146, %dma_wait3A_147] : memref<10016x32xf32, #tpu.memory_space<vmem_shared>> -> memref<10016x32xf32, #tpu.memory_space<vmem_shared>>
          tpu.wait_indirect_dma semaphore(%arg23 : memref<!tpu.dma_semaphore, #tpu.memory_space<semaphore_mem>>) src(%arg15 : memref<128x32xf32, #tpu.memory_space<vmem>>) dst(%dma_wait3A_148 : memref<10016x32xf32, #tpu.memory_space<vmem_shared>>)
        } else {
        }
        %add3A_124 = arith.constant 1 : i32
        %add3A_125 = arith.addi %add3A_72, %add3A_124 : i32
        %mul3A_126 = arith.constant 32 : i32
        %mul3A_127 = arith.muli %mul3A_126, %add3A_125 : i32
        %add3A_128 = arith.addi %add3A, %mul3A_127 : i32
        %lt3A_129 = arith.constant 2500 : i32
        %lt3A_130 = arith.cmpi slt, %add3A_128, %lt3A_129 : i32
        %convert_element_type3A_131 = arith.extui %lt3A_130 : i1 to i32
        %cond3A_132 = arith.constant 0 : i32
        %cond3A_133 = arith.cmpi ne, %convert_element_type3A_131, %cond3A_132 : i32
        scf.if %cond3A_133 {
          %add3A_146 = arith.constant 1 : i32
          %add3A_147 = arith.addi %add3A_72, %add3A_146 : i32
          %mul3A_148 = arith.constant 32 : i32
          %mul3A_149 = arith.muli %mul3A_148, %add3A_147 : i32
          %add3A_150 = arith.addi %add3A, %mul3A_149 : i32
          %mul3A_151 = arith.constant 128 : i32
          %mul3A_152 = arith.muli %add3A_150, %mul3A_151 : i32
          %dma_start3A_153 = tpu.memref_slice %arg3[%mul3A_152] : memref<320000xi32, #tpu.memory_space<hbm>> -> memref<128xi32, #tpu.memory_space<hbm>>
          %dma_start3A_154 = tpu.memref_slice %arg3[%mul3A_152] : memref<320000xi32, #tpu.memory_space<hbm>> -> memref<128xi32, #tpu.memory_space<hbm>>
          tpu.enqueue_dma source(%dma_start3A_154 : memref<128xi32, #tpu.memory_space<hbm>>) target(%arg10 : memref<128xi32, #tpu.memory_space<vmem>>) target_semaphore(%arg20 : memref<!tpu.dma_semaphore, #tpu.memory_space<semaphore_mem>>)
          %dma_start3A_155 = tpu.memref_slice %arg4[%mul3A_152] : memref<320000xi32, #tpu.memory_space<hbm>> -> memref<128xi32, #tpu.memory_space<hbm>>
          %dma_start3A_156 = tpu.memref_slice %arg4[%mul3A_152] : memref<320000xi32, #tpu.memory_space<hbm>> -> memref<128xi32, #tpu.memory_space<hbm>>
          tpu.enqueue_dma source(%dma_start3A_156 : memref<128xi32, #tpu.memory_space<hbm>>) target(%arg14 : memref<128xi32, #tpu.memory_space<vmem>>) target_semaphore(%arg20 : memref<!tpu.dma_semaphore, #tpu.memory_space<semaphore_mem>>)
        } else {
        }
        %mul3A_134 = arith.constant 32 : i32
        %mul3A_135 = arith.muli %mul3A_134, %add3A_72 : i32
        %add3A_136 = arith.addi %add3A, %mul3A_135 : i32
        %mul3A_137 = arith.constant 128 : i32
        %mul3A_138 = arith.muli %add3A_136, %mul3A_137 : i32
        %dma_wait3A_139 = tpu.memref_slice %arg3[%mul3A_138] : memref<320000xi32, #tpu.memory_space<hbm>> -> memref<128xi32, #tpu.memory_space<hbm>>
        %dma_wait3A_140 = tpu.memref_slice %arg3[%mul3A_138] : memref<320000xi32, #tpu.memory_space<hbm>> -> memref<128xi32, #tpu.memory_space<hbm>>
        tpu.wait_dma2 semaphore(%arg19 : memref<!tpu.dma_semaphore, #tpu.memory_space<semaphore_mem>>) src(%dma_wait3A_140 : memref<128xi32, #tpu.memory_space<hbm>>) dst(%arg9 : memref<128xi32, #tpu.memory_space<vmem>>)
        %dma_wait3A_141 = tpu.memref_slice %arg4[%mul3A_138] : memref<320000xi32, #tpu.memory_space<hbm>> -> memref<128xi32, #tpu.memory_space<hbm>>
        %dma_wait3A_142 = tpu.memref_slice %arg4[%mul3A_138] : memref<320000xi32, #tpu.memory_space<hbm>> -> memref<128xi32, #tpu.memory_space<hbm>>
        tpu.wait_dma2 semaphore(%arg19 : memref<!tpu.dma_semaphore, #tpu.memory_space<semaphore_mem>>) src(%dma_wait3A_142 : memref<128xi32, #tpu.memory_space<hbm>>) dst(%arg13 : memref<128xi32, #tpu.memory_space<vmem>>)
        %dma_start3A_143 = arith.constant 0 : i32
        %dma_start3A_144 = arith.constant 0 : i32
        %dma_start3A_145 = tpu.memref_slice %arg2[%dma_start3A_143, %dma_start3A_144] : memref<10000x32xf32, #tpu.memory_space<hbm>> -> memref<10000x32xf32, #tpu.memory_space<hbm>>
        tpu.enqueue_indirect_dma source(%dma_start3A_145 : memref<10000x32xf32, #tpu.memory_space<hbm>>) target(%arg15 : memref<128x32xf32, #tpu.memory_space<vmem>>) offsets(%arg9 : memref<128xi32, #tpu.memory_space<vmem>>) semaphore(%arg21 : memref<!tpu.dma_semaphore, #tpu.memory_space<semaphore_mem>>)
      } else {
      }
      %ge3A_81 = arith.constant 1 : i32
      %ge3A_82 = arith.cmpi sge, %add3A_72, %ge3A_81 : i32
      %sub3A_83 = arith.constant 1 : i32
      %sub3A_84 = arith.subi %add3A_72, %sub3A_83 : i32
      %mul3A_85 = arith.constant 32 : i32
      %mul3A_86 = arith.muli %mul3A_85, %sub3A_84 : i32
      %add3A_87 = arith.addi %add3A, %mul3A_86 : i32
      %lt3A_88 = arith.constant 2500 : i32
      %lt3A_89 = arith.cmpi slt, %add3A_87, %lt3A_88 : i32
      %and3A_90 = arith.andi %ge3A_82, %lt3A_89 : i1
      %convert_element_type3A_91 = arith.extui %and3A_90 : i1 to i32
      %cond3A_92 = arith.constant 0 : i32
      %cond3A_93 = arith.cmpi ne, %convert_element_type3A_91, %cond3A_92 : i32
      scf.if %cond3A_93 {
        %dma_wait3A_119 = arith.constant 0 : i32
        %dma_wait3A_120 = arith.constant 0 : i32
        %dma_wait3A_121 = tpu.memref_slice %arg2[%dma_wait3A_119, %dma_wait3A_120] : memref<10000x32xf32, #tpu.memory_space<hbm>> -> memref<10000x32xf32, #tpu.memory_space<hbm>>
        tpu.wait_indirect_dma semaphore(%arg22 : memref<!tpu.dma_semaphore, #tpu.memory_space<semaphore_mem>>) src(%dma_wait3A_121 : memref<10000x32xf32, #tpu.memory_space<hbm>>) dst(%arg16 : memref<128x32xf32, #tpu.memory_space<vmem>>)
        %dma_start3A_122 = arith.constant 0 : i32
        %dma_start3A_123 = arith.constant 0 : i32
        %dma_start3A_124 = tpu.memref_slice %arg25[%dma_start3A_122, %dma_start3A_123] : memref<10016x32xf32, #tpu.memory_space<vmem_shared>> -> memref<10016x32xf32, #tpu.memory_space<vmem_shared>>
        tpu.enqueue_indirect_dma source(%arg16 : memref<128x32xf32, #tpu.memory_space<vmem>>) target(%dma_start3A_124 : memref<10016x32xf32, #tpu.memory_space<vmem_shared>>) offsets(%arg12 : memref<128xi32, #tpu.memory_space<vmem>>) semaphore(%arg24 : memref<!tpu.dma_semaphore, #tpu.memory_space<semaphore_mem>>) {add = true}
      } else {
      }
      %mul3A_94 = arith.constant 4 : i32
      %mul3A_95 = arith.muli %scan3A_24, %mul3A_94 : i32
      %add3A_96 = arith.constant 3 : i32
      %add3A_97 = arith.addi %mul3A_95, %add3A_96 : i32
      %mul3A_98 = arith.constant 32 : i32
      %mul3A_99 = arith.muli %mul3A_98, %add3A_97 : i32
      %add3A_100 = arith.addi %add3A, %mul3A_99 : i32
      %lt3A_101 = arith.constant 2500 : i32
      %lt3A_102 = arith.cmpi slt, %add3A_100, %lt3A_101 : i32
      %convert_element_type3A_103 = arith.extui %lt3A_102 : i1 to i32
      %cond3A_104 = arith.constant 0 : i32
      %cond3A_105 = arith.cmpi ne, %convert_element_type3A_103, %cond3A_104 : i32
      scf.if %cond3A_105 {
        %ge3A_119 = arith.constant 2 : i32
        %ge3A_120 = arith.cmpi sge, %add3A_97, %ge3A_119 : i32
        %convert_element_type3A_121 = arith.extui %ge3A_120 : i1 to i32
        %cond3A_122 = arith.constant 0 : i32
        %cond3A_123 = arith.cmpi ne, %convert_element_type3A_121, %cond3A_122 : i32
        scf.if %cond3A_123 {
          %dma_wait3A_146 = arith.constant 0 : i32
          %dma_wait3A_147 = arith.constant 0 : i32
          %dma_wait3A_148 = tpu.memref_slice %arg25[%dma_wait3A_146, %dma_wait3A_147] : memref<10016x32xf32, #tpu.memory_space<vmem_shared>> -> memref<10016x32xf32, #tpu.memory_space<vmem_shared>>
          tpu.wait_indirect_dma semaphore(%arg24 : memref<!tpu.dma_semaphore, #tpu.memory_space<semaphore_mem>>) src(%arg16 : memref<128x32xf32, #tpu.memory_space<vmem>>) dst(%dma_wait3A_148 : memref<10016x32xf32, #tpu.memory_space<vmem_shared>>)
        } else {
        }
        %add3A_124 = arith.constant 1 : i32
        %add3A_125 = arith.addi %add3A_97, %add3A_124 : i32
        %mul3A_126 = arith.constant 32 : i32
        %mul3A_127 = arith.muli %mul3A_126, %add3A_125 : i32
        %add3A_128 = arith.addi %add3A, %mul3A_127 : i32
        %lt3A_129 = arith.constant 2500 : i32
        %lt3A_130 = arith.cmpi slt, %add3A_128, %lt3A_129 : i32
        %convert_element_type3A_131 = arith.extui %lt3A_130 : i1 to i32
        %cond3A_132 = arith.constant 0 : i32
        %cond3A_133 = arith.cmpi ne, %convert_element_type3A_131, %cond3A_132 : i32
        scf.if %cond3A_133 {
          %add3A_146 = arith.constant 1 : i32
          %add3A_147 = arith.addi %add3A_97, %add3A_146 : i32
          %mul3A_148 = arith.constant 32 : i32
          %mul3A_149 = arith.muli %mul3A_148, %add3A_147 : i32
          %add3A_150 = arith.addi %add3A, %mul3A_149 : i32
          %mul3A_151 = arith.constant 128 : i32
          %mul3A_152 = arith.muli %add3A_150, %mul3A_151 : i32
          %dma_start3A_153 = tpu.memref_slice %arg3[%mul3A_152] : memref<320000xi32, #tpu.memory_space<hbm>> -> memref<128xi32, #tpu.memory_space<hbm>>
          %dma_start3A_154 = tpu.memref_slice %arg3[%mul3A_152] : memref<320000xi32, #tpu.memory_space<hbm>> -> memref<128xi32, #tpu.memory_space<hbm>>
          tpu.enqueue_dma source(%dma_start3A_154 : memref<128xi32, #tpu.memory_space<hbm>>) target(%arg7 : memref<128xi32, #tpu.memory_space<vmem>>) target_semaphore(%arg17 : memref<!tpu.dma_semaphore, #tpu.memory_space<semaphore_mem>>)
          %dma_start3A_155 = tpu.memref_slice %arg4[%mul3A_152] : memref<320000xi32, #tpu.memory_space<hbm>> -> memref<128xi32, #tpu.memory_space<hbm>>
          %dma_start3A_156 = tpu.memref_slice %arg4[%mul3A_152] : memref<320000xi32, #tpu.memory_space<hbm>> -> memref<128xi32, #tpu.memory_space<hbm>>
          tpu.enqueue_dma source(%dma_start3A_156 : memref<128xi32, #tpu.memory_space<hbm>>) target(%arg11 : memref<128xi32, #tpu.memory_space<vmem>>) target_semaphore(%arg17 : memref<!tpu.dma_semaphore, #tpu.memory_space<semaphore_mem>>)
        } else {
        }
        %mul3A_134 = arith.constant 32 : i32
        %mul3A_135 = arith.muli %mul3A_134, %add3A_97 : i32
        %add3A_136 = arith.addi %add3A, %mul3A_135 : i32
        %mul3A_137 = arith.constant 128 : i32
        %mul3A_138 = arith.muli %add3A_136, %mul3A_137 : i32
        %dma_wait3A_139 = tpu.memref_slice %arg3[%mul3A_138] : memref<320000xi32, #tpu.memory_space<hbm>> -> memref<128xi32, #tpu.memory_space<hbm>>
        %dma_wait3A_140 = tpu.memref_slice %arg3[%mul3A_138] : memref<320000xi32, #tpu.memory_space<hbm>> -> memref<128xi32, #tpu.memory_space<hbm>>
        tpu.wait_dma2 semaphore(%arg20 : memref<!tpu.dma_semaphore, #tpu.memory_space<semaphore_mem>>) src(%dma_wait3A_140 : memref<128xi32, #tpu.memory_space<hbm>>) dst(%arg10 : memref<128xi32, #tpu.memory_space<vmem>>)
        %dma_wait3A_141 = tpu.memref_slice %arg4[%mul3A_138] : memref<320000xi32, #tpu.memory_space<hbm>> -> memref<128xi32, #tpu.memory_space<hbm>>
        %dma_wait3A_142 = tpu.memref_slice %arg4[%mul3A_138] : memref<320000xi32, #tpu.memory_space<hbm>> -> memref<128xi32, #tpu.memory_space<hbm>>
        tpu.wait_dma2 semaphore(%arg20 : memref<!tpu.dma_semaphore, #tpu.memory_space<semaphore_mem>>) src(%dma_wait3A_142 : memref<128xi32, #tpu.memory_space<hbm>>) dst(%arg14 : memref<128xi32, #tpu.memory_space<vmem>>)
        %dma_start3A_143 = arith.constant 0 : i32
        %dma_start3A_144 = arith.constant 0 : i32
        %dma_start3A_145 = tpu.memref_slice %arg2[%dma_start3A_143, %dma_start3A_144] : memref<10000x32xf32, #tpu.memory_space<hbm>> -> memref<10000x32xf32, #tpu.memory_space<hbm>>
        tpu.enqueue_indirect_dma source(%dma_start3A_145 : memref<10000x32xf32, #tpu.memory_space<hbm>>) target(%arg16 : memref<128x32xf32, #tpu.memory_space<vmem>>) offsets(%arg10 : memref<128xi32, #tpu.memory_space<vmem>>) semaphore(%arg22 : memref<!tpu.dma_semaphore, #tpu.memory_space<semaphore_mem>>)
      } else {
      }
      %ge3A_106 = arith.constant 1 : i32
      %ge3A_107 = arith.cmpi sge, %add3A_97, %ge3A_106 : i32
      %sub3A_108 = arith.constant 1 : i32
      %sub3A_109 = arith.subi %add3A_97, %sub3A_108 : i32
      %mul3A_110 = arith.constant 32 : i32
      %mul3A_111 = arith.muli %mul3A_110, %sub3A_109 : i32
      %add3A_112 = arith.addi %add3A, %mul3A_111 : i32
      %lt3A_113 = arith.constant 2500 : i32
      %lt3A_114 = arith.cmpi slt, %add3A_112, %lt3A_113 : i32
      %and3A_115 = arith.andi %ge3A_107, %lt3A_114 : i1
      %convert_element_type3A_116 = arith.extui %and3A_115 : i1 to i32
      %cond3A_117 = arith.constant 0 : i32
      %cond3A_118 = arith.cmpi ne, %convert_element_type3A_116, %cond3A_117 : i32
      scf.if %cond3A_118 {
        %dma_wait3A_119 = arith.constant 0 : i32
        %dma_wait3A_120 = arith.constant 0 : i32
        %dma_wait3A_121 = tpu.memref_slice %arg2[%dma_wait3A_119, %dma_wait3A_120] : memref<10000x32xf32, #tpu.memory_space<hbm>> -> memref<10000x32xf32, #tpu.memory_space<hbm>>
        tpu.wait_indirect_dma semaphore(%arg21 : memref<!tpu.dma_semaphore, #tpu.memory_space<semaphore_mem>>) src(%dma_wait3A_121 : memref<10000x32xf32, #tpu.memory_space<hbm>>) dst(%arg15 : memref<128x32xf32, #tpu.memory_space<vmem>>)
        %dma_start3A_122 = arith.constant 0 : i32
        %dma_start3A_123 = arith.constant 0 : i32
        %dma_start3A_124 = tpu.memref_slice %arg25[%dma_start3A_122, %dma_start3A_123] : memref<10016x32xf32, #tpu.memory_space<vmem_shared>> -> memref<10016x32xf32, #tpu.memory_space<vmem_shared>>
        tpu.enqueue_indirect_dma source(%arg15 : memref<128x32xf32, #tpu.memory_space<vmem>>) target(%dma_start3A_124 : memref<10016x32xf32, #tpu.memory_space<vmem_shared>>) offsets(%arg13 : memref<128xi32, #tpu.memory_space<vmem>>) semaphore(%arg23 : memref<!tpu.dma_semaphore, #tpu.memory_space<semaphore_mem>>) {add = true}
      } else {
      }
    }
    %scan3A_14 = arith.constant 20 : i32
    %dma_wait3A = arith.constant 0 : i32
    %dma_wait3A_15 = arith.constant 0 : i32
    %dma_wait3A_16 = tpu.memref_slice %arg25[%dma_wait3A, %dma_wait3A_15] : memref<10016x32xf32, #tpu.memory_space<vmem_shared>> -> memref<10016x32xf32, #tpu.memory_space<vmem_shared>>
    tpu.wait_indirect_dma semaphore(%arg23 : memref<!tpu.dma_semaphore, #tpu.memory_space<semaphore_mem>>) src(%arg15 : memref<128x32xf32, #tpu.memory_space<vmem>>) dst(%dma_wait3A_16 : memref<10016x32xf32, #tpu.memory_space<vmem_shared>>)
    %dma_wait3A_17 = arith.constant 0 : i32
    %dma_wait3A_18 = arith.constant 0 : i32
    %dma_wait3A_19 = tpu.memref_slice %arg25[%dma_wait3A_17, %dma_wait3A_18] : memref<10016x32xf32, #tpu.memory_space<vmem_shared>> -> memref<10016x32xf32, #tpu.memory_space<vmem_shared>>
    tpu.wait_indirect_dma semaphore(%arg24 : memref<!tpu.dma_semaphore, #tpu.memory_space<semaphore_mem>>) src(%arg16 : memref<128x32xf32, #tpu.memory_space<vmem>>) dst(%dma_wait3A_19 : memref<10016x32xf32, #tpu.memory_space<vmem_shared>>)
    %barrier3A_20 = arith.constant 0 : index
    tpu.barrier barrier_id(%barrier3A_20)
    %mul3A_21 = arith.constant 10016 : i32
    %mul3A_22 = arith.muli %arg0, %mul3A_21 : i32
    %add3A_23 = arith.addi %mul3A_22, %mul3A_2 : i32
    "tpu.region"() ({
      %run_scoped3A = tpu.sem_alloc : memref<!tpu.dma_semaphore, #tpu.memory_space<semaphore_mem>>
      %dma_start3A_24 = arith.constant 0 : i32
      %dma_start3A_25 = tpu.memref_slice %arg6[%add3A_23, %dma_start3A_24] : memref<20032x32xf32, #tpu.memory_space<hbm>> -> memref<626x32xf32, #tpu.memory_space<hbm>>
      %dma_start3A_26 = arith.constant 0 : i32
      %dma_start3A_27 = tpu.memref_slice %arg25[%mul3A_2, %dma_start3A_26] : memref<10016x32xf32, #tpu.memory_space<vmem_shared>> -> memref<626x32xf32, #tpu.memory_space<vmem_shared>>
      tpu.enqueue_dma source(%dma_start3A_27 : memref<626x32xf32, #tpu.memory_space<vmem_shared>>) target(%dma_start3A_25 : memref<626x32xf32, #tpu.memory_space<hbm>>) target_semaphore(%run_scoped3A : memref<!tpu.dma_semaphore, #tpu.memory_space<semaphore_mem>>)
      %dma_wait3A_28 = arith.constant 0 : i32
      %dma_wait3A_29 = tpu.memref_slice %arg6[%add3A_23, %dma_wait3A_28] : memref<20032x32xf32, #tpu.memory_space<hbm>> -> memref<626x32xf32, #tpu.memory_space<hbm>>
      %dma_wait3A_30 = arith.constant 0 : i32
      %dma_wait3A_31 = tpu.memref_slice %arg25[%mul3A_2, %dma_wait3A_30] : memref<10016x32xf32, #tpu.memory_space<vmem_shared>> -> memref<626x32xf32, #tpu.memory_space<vmem_shared>>
      tpu.wait_dma2 semaphore(%run_scoped3A : memref<!tpu.dma_semaphore, #tpu.memory_space<semaphore_mem>>) src(%dma_wait3A_31 : memref<626x32xf32, #tpu.memory_space<vmem_shared>>) dst(%dma_wait3A_29 : memref<626x32xf32, #tpu.memory_space<hbm>>)
      tpu.yield
    }) : () -> ()
    return
  }
}

#map = affine_map<(d0, d1) -> (0, 0)>
#map1 = affine_map<(d0, d1) -> (0)>
module attributes {stable_mosaic.version = 14 : i64} {
  func.func @k(%arg0: i32, %arg1: i32, %arg2: memref<10000x128xf32, #tpu.memory_space<hbm>>, %arg3: memref<320000xi32, #tpu.memory_space<hbm>>, %arg4: memref<320000xi32, #tpu.memory_space<hbm>>, %arg5: memref<10016x128xf32, #tpu.memory_space<hbm>>, %arg6: memref<20032x128xf32, #tpu.memory_space<hbm>>, %arg7: memref<128xi32, #tpu.memory_space<vmem>>, %arg8: memref<128xi32, #tpu.memory_space<vmem>>, %arg9: memref<128xi32, #tpu.memory_space<vmem>>, %arg10: memref<128xi32, #tpu.memory_space<vmem>>, %arg11: memref<128xi32, #tpu.memory_space<vmem>>, %arg12: memref<128xi32, #tpu.memory_space<vmem>>, %arg13: memref<128xi32, #tpu.memory_space<vmem>>, %arg14: memref<128xi32, #tpu.memory_space<vmem>>, %arg15: memref<128x128xf32, #tpu.memory_space<vmem>>, %arg16: memref<128x128xf32, #tpu.memory_space<vmem>>, %arg17: memref<!tpu.dma_semaphore, #tpu.memory_space<semaphore_mem>>, %arg18: memref<!tpu.dma_semaphore, #tpu.memory_space<semaphore_mem>>, %arg19: memref<!tpu.dma_semaphore, #tpu.memory_space<semaphore_mem>>, %arg20: memref<!tpu.dma_semaphore, #tpu.memory_space<semaphore_mem>>, %arg21: memref<!tpu.dma_semaphore, #tpu.memory_space<semaphore_mem>>, %arg22: memref<!tpu.dma_semaphore, #tpu.memory_space<semaphore_mem>>, %arg23: memref<!tpu.dma_semaphore, #tpu.memory_space<semaphore_mem>>, %arg24: memref<!tpu.dma_semaphore, #tpu.memory_space<semaphore_mem>>, %arg25: memref<10016x128xf32, #tpu.memory_space<vmem_shared>>) attributes {dimension_semantics = [#tpu.dimension_semantics<core_parallel>, #tpu.dimension_semantics<subcore_parallel>], iteration_bounds = array<i64: 2, 16>, scalar_prefetch = 0 : i64, scratch_operands = 19 : i64, tpu.core_type = #tpu.core_type<sc_vector_subcore>, window_params = [{transform_indices = #map}, {transform_indices = #map1}, {transform_indices = #map1}, {transform_indices = #map}, {transform_indices = #map}]} {
    %mul3A = arith.constant 2 : i32
    %mul3A_0 = arith.muli %arg1, %mul3A : i32
    %add3A = arith.addi %mul3A_0, %arg0 : i32
    %mul3A_1 = arith.constant 626 : i32
    %mul3A_2 = arith.muli %arg1, %mul3A_1 : i32
    %add3A_3 = arith.constant 0 : i32
    %add3A_4 = arith.addi %add3A, %add3A_3 : i32
    %mul3A_5 = arith.constant 128 : i32
    %mul3A_6 = arith.muli %add3A_4, %mul3A_5 : i32
    %dma_start3A = tpu.memref_slice %arg3[%mul3A_6] : memref<320000xi32, #tpu.memory_space<hbm>> -> memref<128xi32, #tpu.memory_space<hbm>>
    %dma_start3A_7 = tpu.memref_slice %arg3[%mul3A_6] : memref<320000xi32, #tpu.memory_space<hbm>> -> memref<128xi32, #tpu.memory_space<hbm>>
    tpu.enqueue_dma source(%dma_start3A_7 : memref<128xi32, #tpu.memory_space<hbm>>) target(%arg7 : memref<128xi32, #tpu.memory_space<vmem>>) target_semaphore(%arg17 : memref<!tpu.dma_semaphore, #tpu.memory_space<semaphore_mem>>)
    %dma_start3A_8 = tpu.memref_slice %arg4[%mul3A_6] : memref<320000xi32, #tpu.memory_space<hbm>> -> memref<128xi32, #tpu.memory_space<hbm>>
    %dma_start3A_9 = tpu.memref_slice %arg4[%mul3A_6] : memref<320000xi32, #tpu.memory_space<hbm>> -> memref<128xi32, #tpu.memory_space<hbm>>
    tpu.enqueue_dma source(%dma_start3A_9 : memref<128xi32, #tpu.memory_space<hbm>>) target(%arg11 : memref<128xi32, #tpu.memory_space<vmem>>) target_semaphore(%arg17 : memref<!tpu.dma_semaphore, #tpu.memory_space<semaphore_mem>>)
    "tpu.region"() ({
      %run_scoped3A = tpu.sem_alloc : memref<!tpu.dma_semaphore, #tpu.memory_space<semaphore_mem>>
      %dma_start3A_24 = arith.constant 0 : i32
      %dma_start3A_25 = tpu.memref_slice %arg25[%mul3A_2, %dma_start3A_24] : memref<10016x128xf32, #tpu.memory_space<vmem_shared>> -> memref<626x128xf32, #tpu.memory_space<vmem_shared>>
      %dma_start3A_26 = arith.constant 0 : i32
      %dma_start3A_27 = tpu.memref_slice %arg5[%mul3A_2, %dma_start3A_26] : memref<10016x128xf32, #tpu.memory_space<hbm>> -> memref<626x128xf32, #tpu.memory_space<hbm>>
      tpu.enqueue_dma source(%dma_start3A_27 : memref<626x128xf32, #tpu.memory_space<hbm>>) target(%dma_start3A_25 : memref<626x128xf32, #tpu.memory_space<vmem_shared>>) target_semaphore(%run_scoped3A : memref<!tpu.dma_semaphore, #tpu.memory_space<semaphore_mem>>)
      %dma_wait3A_28 = arith.constant 0 : i32
      %dma_wait3A_29 = tpu.memref_slice %arg25[%mul3A_2, %dma_wait3A_28] : memref<10016x128xf32, #tpu.memory_space<vmem_shared>> -> memref<626x128xf32, #tpu.memory_space<vmem_shared>>
      %dma_wait3A_30 = arith.constant 0 : i32
      %dma_wait3A_31 = tpu.memref_slice %arg5[%mul3A_2, %dma_wait3A_30] : memref<10016x128xf32, #tpu.memory_space<hbm>> -> memref<626x128xf32, #tpu.memory_space<hbm>>
      tpu.wait_dma2 semaphore(%run_scoped3A : memref<!tpu.dma_semaphore, #tpu.memory_space<semaphore_mem>>) src(%dma_wait3A_31 : memref<626x128xf32, #tpu.memory_space<hbm>>) dst(%dma_wait3A_29 : memref<626x128xf32, #tpu.memory_space<vmem_shared>>)
      tpu.yield
    }) : () -> ()
    %barrier3A = arith.constant 0 : index
    tpu.barrier barrier_id(%barrier3A)
    %scan3A = arith.constant 0 : i32
    %scan3A_10 = arith.constant 0 : i32
    %scan3A_11 = arith.constant 20 : i32
    %scan3A_12 = arith.addi %scan3A_10, %scan3A_11 : i32
    %scan3A_13 = arith.constant 1 : i32
    scf.for %scan3A_24 = %scan3A_10 to %scan3A_12 step %scan3A_13  : i32 {
      %mul3A_25 = arith.constant 4 : i32
      %mul3A_26 = arith.muli %scan3A_24, %mul3A_25 : i32
      %add3A_27 = arith.constant 0 : i32
      %add3A_28 = arith.addi %mul3A_26, %add3A_27 : i32
      %mul3A_29 = arith.constant 32 : i32
      %mul3A_30 = arith.muli %mul3A_29, %add3A_28 : i32
      %add3A_31 = arith.addi %add3A, %mul3A_30 : i32
      %lt3A = arith.constant 2500 : i32
      %lt3A_32 = arith.cmpi slt, %add3A_31, %lt3A : i32
      %convert_element_type3A = arith.extui %lt3A_32 : i1 to i32
      %cond3A = arith.constant 0 : i32
      %cond3A_33 = arith.cmpi ne, %convert_element_type3A, %cond3A : i32
      scf.if %cond3A_33 {
        %ge3A_119 = arith.constant 2 : i32
        %ge3A_120 = arith.cmpi sge, %add3A_28, %ge3A_119 : i32
        %convert_element_type3A_121 = arith.extui %ge3A_120 : i1 to i32
        %cond3A_122 = arith.constant 0 : i32
        %cond3A_123 = arith.cmpi ne, %convert_element_type3A_121, %cond3A_122 : i32
        scf.if %cond3A_123 {
          %dma_wait3A_146 = arith.constant 0 : i32
          %dma_wait3A_147 = arith.constant 0 : i32
          %dma_wait3A_148 = tpu.memref_slice %arg25[%dma_wait3A_146, %dma_wait3A_147] : memref<10016x128xf32, #tpu.memory_space<vmem_shared>> -> memref<10016x128xf32, #tpu.memory_space<vmem_shared>>
          tpu.wait_indirect_dma semaphore(%arg23 : memref<!tpu.dma_semaphore, #tpu.memory_space<semaphore_mem>>) src(%arg15 : memref<128x128xf32, #tpu.memory_space<vmem>>) dst(%dma_wait3A_148 : memref<10016x128xf32, #tpu.memory_space<vmem_shared>>)
        } else {
        }
        %add3A_124 = arith.constant 1 : i32
        %add3A_125 = arith.addi %add3A_28, %add3A_124 : i32
        %mul3A_126 = arith.constant 32 : i32
        %mul3A_127 = arith.muli %mul3A_126, %add3A_125 : i32
        %add3A_128 = arith.addi %add3A, %mul3A_127 : i32
        %lt3A_129 = arith.constant 2500 : i32
        %lt3A_130 = arith.cmpi slt, %add3A_128, %lt3A_129 : i32
        %convert_element_type3A_131 = arith.extui %lt3A_130 : i1 to i32
        %cond3A_132 = arith.constant 0 : i32
        %cond3A_133 = arith.cmpi ne, %convert_element_type3A_131, %cond3A_132 : i32
        scf.if %cond3A_133 {
          %add3A_146 = arith.constant 1 : i32
          %add3A_147 = arith.addi %add3A_28, %add3A_146 : i32
          %mul3A_148 = arith.constant 32 : i32
          %mul3A_149 = arith.muli %mul3A_148, %add3A_147 : i32
          %add3A_150 = arith.addi %add3A, %mul3A_149 : i32
          %mul3A_151 = arith.constant 128 : i32
          %mul3A_152 = arith.muli %add3A_150, %mul3A_151 : i32
          %dma_start3A_153 = tpu.memref_slice %arg3[%mul3A_152] : memref<320000xi32, #tpu.memory_space<hbm>> -> memref<128xi32, #tpu.memory_space<hbm>>
          %dma_start3A_154 = tpu.memref_slice %arg3[%mul3A_152] : memref<320000xi32, #tpu.memory_space<hbm>> -> memref<128xi32, #tpu.memory_space<hbm>>
          tpu.enqueue_dma source(%dma_start3A_154 : memref<128xi32, #tpu.memory_space<hbm>>) target(%arg8 : memref<128xi32, #tpu.memory_space<vmem>>) target_semaphore(%arg18 : memref<!tpu.dma_semaphore, #tpu.memory_space<semaphore_mem>>)
          %dma_start3A_155 = tpu.memref_slice %arg4[%mul3A_152] : memref<320000xi32, #tpu.memory_space<hbm>> -> memref<128xi32, #tpu.memory_space<hbm>>
          %dma_start3A_156 = tpu.memref_slice %arg4[%mul3A_152] : memref<320000xi32, #tpu.memory_space<hbm>> -> memref<128xi32, #tpu.memory_space<hbm>>
          tpu.enqueue_dma source(%dma_start3A_156 : memref<128xi32, #tpu.memory_space<hbm>>) target(%arg12 : memref<128xi32, #tpu.memory_space<vmem>>) target_semaphore(%arg18 : memref<!tpu.dma_semaphore, #tpu.memory_space<semaphore_mem>>)
        } else {
        }
        %mul3A_134 = arith.constant 32 : i32
        %mul3A_135 = arith.muli %mul3A_134, %add3A_28 : i32
        %add3A_136 = arith.addi %add3A, %mul3A_135 : i32
        %mul3A_137 = arith.constant 128 : i32
        %mul3A_138 = arith.muli %add3A_136, %mul3A_137 : i32
        %dma_wait3A_139 = tpu.memref_slice %arg3[%mul3A_138] : memref<320000xi32, #tpu.memory_space<hbm>> -> memref<128xi32, #tpu.memory_space<hbm>>
        %dma_wait3A_140 = tpu.memref_slice %arg3[%mul3A_138] : memref<320000xi32, #tpu.memory_space<hbm>> -> memref<128xi32, #tpu.memory_space<hbm>>
        tpu.wait_dma2 semaphore(%arg17 : memref<!tpu.dma_semaphore, #tpu.memory_space<semaphore_mem>>) src(%dma_wait3A_140 : memref<128xi32, #tpu.memory_space<hbm>>) dst(%arg7 : memref<128xi32, #tpu.memory_space<vmem>>)
        %dma_wait3A_141 = tpu.memref_slice %arg4[%mul3A_138] : memref<320000xi32, #tpu.memory_space<hbm>> -> memref<128xi32, #tpu.memory_space<hbm>>
        %dma_wait3A_142 = tpu.memref_slice %arg4[%mul3A_138] : memref<320000xi32, #tpu.memory_space<hbm>> -> memref<128xi32, #tpu.memory_space<hbm>>
        tpu.wait_dma2 semaphore(%arg17 : memref<!tpu.dma_semaphore, #tpu.memory_space<semaphore_mem>>) src(%dma_wait3A_142 : memref<128xi32, #tpu.memory_space<hbm>>) dst(%arg11 : memref<128xi32, #tpu.memory_space<vmem>>)
        %dma_start3A_143 = arith.constant 0 : i32
        %dma_start3A_144 = arith.constant 0 : i32
        %dma_start3A_145 = tpu.memref_slice %arg2[%dma_start3A_143, %dma_start3A_144] : memref<10000x128xf32, #tpu.memory_space<hbm>> -> memref<10000x128xf32, #tpu.memory_space<hbm>>
        tpu.enqueue_indirect_dma source(%dma_start3A_145 : memref<10000x128xf32, #tpu.memory_space<hbm>>) target(%arg15 : memref<128x128xf32, #tpu.memory_space<vmem>>) offsets(%arg7 : memref<128xi32, #tpu.memory_space<vmem>>) semaphore(%arg21 : memref<!tpu.dma_semaphore, #tpu.memory_space<semaphore_mem>>)
      } else {
      }
      %ge3A = arith.constant 1 : i32
      %ge3A_34 = arith.cmpi sge, %add3A_28, %ge3A : i32
      %sub3A = arith.constant 1 : i32
      %sub3A_35 = arith.subi %add3A_28, %sub3A : i32
      %mul3A_36 = arith.constant 32 : i32
      %mul3A_37 = arith.muli %mul3A_36, %sub3A_35 : i32
      %add3A_38 = arith.addi %add3A, %mul3A_37 : i32
      %lt3A_39 = arith.constant 2500 : i32
      %lt3A_40 = arith.cmpi slt, %add3A_38, %lt3A_39 : i32
      %and3A = arith.andi %ge3A_34, %lt3A_40 : i1
      %convert_element_type3A_41 = arith.extui %and3A : i1 to i32
      %cond3A_42 = arith.constant 0 : i32
      %cond3A_43 = arith.cmpi ne, %convert_element_type3A_41, %cond3A_42 : i32
      scf.if %cond3A_43 {
        %dma_wait3A_119 = arith.constant 0 : i32
        %dma_wait3A_120 = arith.constant 0 : i32
        %dma_wait3A_121 = tpu.memref_slice %arg2[%dma_wait3A_119, %dma_wait3A_120] : memref<10000x128xf32, #tpu.memory_space<hbm>> -> memref<10000x128xf32, #tpu.memory_space<hbm>>
        tpu.wait_indirect_dma semaphore(%arg22 : memref<!tpu.dma_semaphore, #tpu.memory_space<semaphore_mem>>) src(%dma_wait3A_121 : memref<10000x128xf32, #tpu.memory_space<hbm>>) dst(%arg16 : memref<128x128xf32, #tpu.memory_space<vmem>>)
        %dma_start3A_122 = arith.constant 0 : i32
        %dma_start3A_123 = arith.constant 0 : i32
        %dma_start3A_124 = tpu.memref_slice %arg25[%dma_start3A_122, %dma_start3A_123] : memref<10016x128xf32, #tpu.memory_space<vmem_shared>> -> memref<10016x128xf32, #tpu.memory_space<vmem_shared>>
        tpu.enqueue_indirect_dma source(%arg16 : memref<128x128xf32, #tpu.memory_space<vmem>>) target(%dma_start3A_124 : memref<10016x128xf32, #tpu.memory_space<vmem_shared>>) offsets(%arg14 : memref<128xi32, #tpu.memory_space<vmem>>) semaphore(%arg24 : memref<!tpu.dma_semaphore, #tpu.memory_space<semaphore_mem>>) {add = true}
      } else {
      }
      %mul3A_44 = arith.constant 4 : i32
      %mul3A_45 = arith.muli %scan3A_24, %mul3A_44 : i32
      %add3A_46 = arith.constant 1 : i32
      %add3A_47 = arith.addi %mul3A_45, %add3A_46 : i32
      %mul3A_48 = arith.constant 32 : i32
      %mul3A_49 = arith.muli %mul3A_48, %add3A_47 : i32
      %add3A_50 = arith.addi %add3A, %mul3A_49 : i32
      %lt3A_51 = arith.constant 2500 : i32
      %lt3A_52 = arith.cmpi slt, %add3A_50, %lt3A_51 : i32
      %convert_element_type3A_53 = arith.extui %lt3A_52 : i1 to i32
      %cond3A_54 = arith.constant 0 : i32
      %cond3A_55 = arith.cmpi ne, %convert_element_type3A_53, %cond3A_54 : i32
      scf.if %cond3A_55 {
        %ge3A_119 = arith.constant 2 : i32
        %ge3A_120 = arith.cmpi sge, %add3A_47, %ge3A_119 : i32
        %convert_element_type3A_121 = arith.extui %ge3A_120 : i1 to i32
        %cond3A_122 = arith.constant 0 : i32
        %cond3A_123 = arith.cmpi ne, %convert_element_type3A_121, %cond3A_122 : i32
        scf.if %cond3A_123 {
          %dma_wait3A_146 = arith.constant 0 : i32
          %dma_wait3A_147 = arith.constant 0 : i32
          %dma_wait3A_148 = tpu.memref_slice %arg25[%dma_wait3A_146, %dma_wait3A_147] : memref<10016x128xf32, #tpu.memory_space<vmem_shared>> -> memref<10016x128xf32, #tpu.memory_space<vmem_shared>>
          tpu.wait_indirect_dma semaphore(%arg24 : memref<!tpu.dma_semaphore, #tpu.memory_space<semaphore_mem>>) src(%arg16 : memref<128x128xf32, #tpu.memory_space<vmem>>) dst(%dma_wait3A_148 : memref<10016x128xf32, #tpu.memory_space<vmem_shared>>)
        } else {
        }
        %add3A_124 = arith.constant 1 : i32
        %add3A_125 = arith.addi %add3A_47, %add3A_124 : i32
        %mul3A_126 = arith.constant 32 : i32
        %mul3A_127 = arith.muli %mul3A_126, %add3A_125 : i32
        %add3A_128 = arith.addi %add3A, %mul3A_127 : i32
        %lt3A_129 = arith.constant 2500 : i32
        %lt3A_130 = arith.cmpi slt, %add3A_128, %lt3A_129 : i32
        %convert_element_type3A_131 = arith.extui %lt3A_130 : i1 to i32
        %cond3A_132 = arith.constant 0 : i32
        %cond3A_133 = arith.cmpi ne, %convert_element_type3A_131, %cond3A_132 : i32
        scf.if %cond3A_133 {
          %add3A_146 = arith.constant 1 : i32
          %add3A_147 = arith.addi %add3A_47, %add3A_146 : i32
          %mul3A_148 = arith.constant 32 : i32
          %mul3A_149 = arith.muli %mul3A_148, %add3A_147 : i32
          %add3A_150 = arith.addi %add3A, %mul3A_149 : i32
          %mul3A_151 = arith.constant 128 : i32
          %mul3A_152 = arith.muli %add3A_150, %mul3A_151 : i32
          %dma_start3A_153 = tpu.memref_slice %arg3[%mul3A_152] : memref<320000xi32, #tpu.memory_space<hbm>> -> memref<128xi32, #tpu.memory_space<hbm>>
          %dma_start3A_154 = tpu.memref_slice %arg3[%mul3A_152] : memref<320000xi32, #tpu.memory_space<hbm>> -> memref<128xi32, #tpu.memory_space<hbm>>
          tpu.enqueue_dma source(%dma_start3A_154 : memref<128xi32, #tpu.memory_space<hbm>>) target(%arg9 : memref<128xi32, #tpu.memory_space<vmem>>) target_semaphore(%arg19 : memref<!tpu.dma_semaphore, #tpu.memory_space<semaphore_mem>>)
          %dma_start3A_155 = tpu.memref_slice %arg4[%mul3A_152] : memref<320000xi32, #tpu.memory_space<hbm>> -> memref<128xi32, #tpu.memory_space<hbm>>
          %dma_start3A_156 = tpu.memref_slice %arg4[%mul3A_152] : memref<320000xi32, #tpu.memory_space<hbm>> -> memref<128xi32, #tpu.memory_space<hbm>>
          tpu.enqueue_dma source(%dma_start3A_156 : memref<128xi32, #tpu.memory_space<hbm>>) target(%arg13 : memref<128xi32, #tpu.memory_space<vmem>>) target_semaphore(%arg19 : memref<!tpu.dma_semaphore, #tpu.memory_space<semaphore_mem>>)
        } else {
        }
        %mul3A_134 = arith.constant 32 : i32
        %mul3A_135 = arith.muli %mul3A_134, %add3A_47 : i32
        %add3A_136 = arith.addi %add3A, %mul3A_135 : i32
        %mul3A_137 = arith.constant 128 : i32
        %mul3A_138 = arith.muli %add3A_136, %mul3A_137 : i32
        %dma_wait3A_139 = tpu.memref_slice %arg3[%mul3A_138] : memref<320000xi32, #tpu.memory_space<hbm>> -> memref<128xi32, #tpu.memory_space<hbm>>
        %dma_wait3A_140 = tpu.memref_slice %arg3[%mul3A_138] : memref<320000xi32, #tpu.memory_space<hbm>> -> memref<128xi32, #tpu.memory_space<hbm>>
        tpu.wait_dma2 semaphore(%arg18 : memref<!tpu.dma_semaphore, #tpu.memory_space<semaphore_mem>>) src(%dma_wait3A_140 : memref<128xi32, #tpu.memory_space<hbm>>) dst(%arg8 : memref<128xi32, #tpu.memory_space<vmem>>)
        %dma_wait3A_141 = tpu.memref_slice %arg4[%mul3A_138] : memref<320000xi32, #tpu.memory_space<hbm>> -> memref<128xi32, #tpu.memory_space<hbm>>
        %dma_wait3A_142 = tpu.memref_slice %arg4[%mul3A_138] : memref<320000xi32, #tpu.memory_space<hbm>> -> memref<128xi32, #tpu.memory_space<hbm>>
        tpu.wait_dma2 semaphore(%arg18 : memref<!tpu.dma_semaphore, #tpu.memory_space<semaphore_mem>>) src(%dma_wait3A_142 : memref<128xi32, #tpu.memory_space<hbm>>) dst(%arg12 : memref<128xi32, #tpu.memory_space<vmem>>)
        %dma_start3A_143 = arith.constant 0 : i32
        %dma_start3A_144 = arith.constant 0 : i32
        %dma_start3A_145 = tpu.memref_slice %arg2[%dma_start3A_143, %dma_start3A_144] : memref<10000x128xf32, #tpu.memory_space<hbm>> -> memref<10000x128xf32, #tpu.memory_space<hbm>>
        tpu.enqueue_indirect_dma source(%dma_start3A_145 : memref<10000x128xf32, #tpu.memory_space<hbm>>) target(%arg16 : memref<128x128xf32, #tpu.memory_space<vmem>>) offsets(%arg8 : memref<128xi32, #tpu.memory_space<vmem>>) semaphore(%arg22 : memref<!tpu.dma_semaphore, #tpu.memory_space<semaphore_mem>>)
      } else {
      }
      %ge3A_56 = arith.constant 1 : i32
      %ge3A_57 = arith.cmpi sge, %add3A_47, %ge3A_56 : i32
      %sub3A_58 = arith.constant 1 : i32
      %sub3A_59 = arith.subi %add3A_47, %sub3A_58 : i32
      %mul3A_60 = arith.constant 32 : i32
      %mul3A_61 = arith.muli %mul3A_60, %sub3A_59 : i32
      %add3A_62 = arith.addi %add3A, %mul3A_61 : i32
      %lt3A_63 = arith.constant 2500 : i32
      %lt3A_64 = arith.cmpi slt, %add3A_62, %lt3A_63 : i32
      %and3A_65 = arith.andi %ge3A_57, %lt3A_64 : i1
      %convert_element_type3A_66 = arith.extui %and3A_65 : i1 to i32
      %cond3A_67 = arith.constant 0 : i32
      %cond3A_68 = arith.cmpi ne, %convert_element_type3A_66, %cond3A_67 : i32
      scf.if %cond3A_68 {
        %dma_wait3A_119 = arith.constant 0 : i32
        %dma_wait3A_120 = arith.constant 0 : i32
        %dma_wait3A_121 = tpu.memref_slice %arg2[%dma_wait3A_119, %dma_wait3A_120] : memref<10000x128xf32, #tpu.memory_space<hbm>> -> memref<10000x128xf32, #tpu.memory_space<hbm>>
        tpu.wait_indirect_dma semaphore(%arg21 : memref<!tpu.dma_semaphore, #tpu.memory_space<semaphore_mem>>) src(%dma_wait3A_121 : memref<10000x128xf32, #tpu.memory_space<hbm>>) dst(%arg15 : memref<128x128xf32, #tpu.memory_space<vmem>>)
        %dma_start3A_122 = arith.constant 0 : i32
        %dma_start3A_123 = arith.constant 0 : i32
        %dma_start3A_124 = tpu.memref_slice %arg25[%dma_start3A_122, %dma_start3A_123] : memref<10016x128xf32, #tpu.memory_space<vmem_shared>> -> memref<10016x128xf32, #tpu.memory_space<vmem_shared>>
        tpu.enqueue_indirect_dma source(%arg15 : memref<128x128xf32, #tpu.memory_space<vmem>>) target(%dma_start3A_124 : memref<10016x128xf32, #tpu.memory_space<vmem_shared>>) offsets(%arg11 : memref<128xi32, #tpu.memory_space<vmem>>) semaphore(%arg23 : memref<!tpu.dma_semaphore, #tpu.memory_space<semaphore_mem>>) {add = true}
      } else {
      }
      %mul3A_69 = arith.constant 4 : i32
      %mul3A_70 = arith.muli %scan3A_24, %mul3A_69 : i32
      %add3A_71 = arith.constant 2 : i32
      %add3A_72 = arith.addi %mul3A_70, %add3A_71 : i32
      %mul3A_73 = arith.constant 32 : i32
      %mul3A_74 = arith.muli %mul3A_73, %add3A_72 : i32
      %add3A_75 = arith.addi %add3A, %mul3A_74 : i32
      %lt3A_76 = arith.constant 2500 : i32
      %lt3A_77 = arith.cmpi slt, %add3A_75, %lt3A_76 : i32
      %convert_element_type3A_78 = arith.extui %lt3A_77 : i1 to i32
      %cond3A_79 = arith.constant 0 : i32
      %cond3A_80 = arith.cmpi ne, %convert_element_type3A_78, %cond3A_79 : i32
      scf.if %cond3A_80 {
        %ge3A_119 = arith.constant 2 : i32
        %ge3A_120 = arith.cmpi sge, %add3A_72, %ge3A_119 : i32
        %convert_element_type3A_121 = arith.extui %ge3A_120 : i1 to i32
        %cond3A_122 = arith.constant 0 : i32
        %cond3A_123 = arith.cmpi ne, %convert_element_type3A_121, %cond3A_122 : i32
        scf.if %cond3A_123 {
          %dma_wait3A_146 = arith.constant 0 : i32
          %dma_wait3A_147 = arith.constant 0 : i32
          %dma_wait3A_148 = tpu.memref_slice %arg25[%dma_wait3A_146, %dma_wait3A_147] : memref<10016x128xf32, #tpu.memory_space<vmem_shared>> -> memref<10016x128xf32, #tpu.memory_space<vmem_shared>>
          tpu.wait_indirect_dma semaphore(%arg23 : memref<!tpu.dma_semaphore, #tpu.memory_space<semaphore_mem>>) src(%arg15 : memref<128x128xf32, #tpu.memory_space<vmem>>) dst(%dma_wait3A_148 : memref<10016x128xf32, #tpu.memory_space<vmem_shared>>)
        } else {
        }
        %add3A_124 = arith.constant 1 : i32
        %add3A_125 = arith.addi %add3A_72, %add3A_124 : i32
        %mul3A_126 = arith.constant 32 : i32
        %mul3A_127 = arith.muli %mul3A_126, %add3A_125 : i32
        %add3A_128 = arith.addi %add3A, %mul3A_127 : i32
        %lt3A_129 = arith.constant 2500 : i32
        %lt3A_130 = arith.cmpi slt, %add3A_128, %lt3A_129 : i32
        %convert_element_type3A_131 = arith.extui %lt3A_130 : i1 to i32
        %cond3A_132 = arith.constant 0 : i32
        %cond3A_133 = arith.cmpi ne, %convert_element_type3A_131, %cond3A_132 : i32
        scf.if %cond3A_133 {
          %add3A_146 = arith.constant 1 : i32
          %add3A_147 = arith.addi %add3A_72, %add3A_146 : i32
          %mul3A_148 = arith.constant 32 : i32
          %mul3A_149 = arith.muli %mul3A_148, %add3A_147 : i32
          %add3A_150 = arith.addi %add3A, %mul3A_149 : i32
          %mul3A_151 = arith.constant 128 : i32
          %mul3A_152 = arith.muli %add3A_150, %mul3A_151 : i32
          %dma_start3A_153 = tpu.memref_slice %arg3[%mul3A_152] : memref<320000xi32, #tpu.memory_space<hbm>> -> memref<128xi32, #tpu.memory_space<hbm>>
          %dma_start3A_154 = tpu.memref_slice %arg3[%mul3A_152] : memref<320000xi32, #tpu.memory_space<hbm>> -> memref<128xi32, #tpu.memory_space<hbm>>
          tpu.enqueue_dma source(%dma_start3A_154 : memref<128xi32, #tpu.memory_space<hbm>>) target(%arg10 : memref<128xi32, #tpu.memory_space<vmem>>) target_semaphore(%arg20 : memref<!tpu.dma_semaphore, #tpu.memory_space<semaphore_mem>>)
          %dma_start3A_155 = tpu.memref_slice %arg4[%mul3A_152] : memref<320000xi32, #tpu.memory_space<hbm>> -> memref<128xi32, #tpu.memory_space<hbm>>
          %dma_start3A_156 = tpu.memref_slice %arg4[%mul3A_152] : memref<320000xi32, #tpu.memory_space<hbm>> -> memref<128xi32, #tpu.memory_space<hbm>>
          tpu.enqueue_dma source(%dma_start3A_156 : memref<128xi32, #tpu.memory_space<hbm>>) target(%arg14 : memref<128xi32, #tpu.memory_space<vmem>>) target_semaphore(%arg20 : memref<!tpu.dma_semaphore, #tpu.memory_space<semaphore_mem>>)
        } else {
        }
        %mul3A_134 = arith.constant 32 : i32
        %mul3A_135 = arith.muli %mul3A_134, %add3A_72 : i32
        %add3A_136 = arith.addi %add3A, %mul3A_135 : i32
        %mul3A_137 = arith.constant 128 : i32
        %mul3A_138 = arith.muli %add3A_136, %mul3A_137 : i32
        %dma_wait3A_139 = tpu.memref_slice %arg3[%mul3A_138] : memref<320000xi32, #tpu.memory_space<hbm>> -> memref<128xi32, #tpu.memory_space<hbm>>
        %dma_wait3A_140 = tpu.memref_slice %arg3[%mul3A_138] : memref<320000xi32, #tpu.memory_space<hbm>> -> memref<128xi32, #tpu.memory_space<hbm>>
        tpu.wait_dma2 semaphore(%arg19 : memref<!tpu.dma_semaphore, #tpu.memory_space<semaphore_mem>>) src(%dma_wait3A_140 : memref<128xi32, #tpu.memory_space<hbm>>) dst(%arg9 : memref<128xi32, #tpu.memory_space<vmem>>)
        %dma_wait3A_141 = tpu.memref_slice %arg4[%mul3A_138] : memref<320000xi32, #tpu.memory_space<hbm>> -> memref<128xi32, #tpu.memory_space<hbm>>
        %dma_wait3A_142 = tpu.memref_slice %arg4[%mul3A_138] : memref<320000xi32, #tpu.memory_space<hbm>> -> memref<128xi32, #tpu.memory_space<hbm>>
        tpu.wait_dma2 semaphore(%arg19 : memref<!tpu.dma_semaphore, #tpu.memory_space<semaphore_mem>>) src(%dma_wait3A_142 : memref<128xi32, #tpu.memory_space<hbm>>) dst(%arg13 : memref<128xi32, #tpu.memory_space<vmem>>)
        %dma_start3A_143 = arith.constant 0 : i32
        %dma_start3A_144 = arith.constant 0 : i32
        %dma_start3A_145 = tpu.memref_slice %arg2[%dma_start3A_143, %dma_start3A_144] : memref<10000x128xf32, #tpu.memory_space<hbm>> -> memref<10000x128xf32, #tpu.memory_space<hbm>>
        tpu.enqueue_indirect_dma source(%dma_start3A_145 : memref<10000x128xf32, #tpu.memory_space<hbm>>) target(%arg15 : memref<128x128xf32, #tpu.memory_space<vmem>>) offsets(%arg9 : memref<128xi32, #tpu.memory_space<vmem>>) semaphore(%arg21 : memref<!tpu.dma_semaphore, #tpu.memory_space<semaphore_mem>>)
      } else {
      }
      %ge3A_81 = arith.constant 1 : i32
      %ge3A_82 = arith.cmpi sge, %add3A_72, %ge3A_81 : i32
      %sub3A_83 = arith.constant 1 : i32
      %sub3A_84 = arith.subi %add3A_72, %sub3A_83 : i32
      %mul3A_85 = arith.constant 32 : i32
      %mul3A_86 = arith.muli %mul3A_85, %sub3A_84 : i32
      %add3A_87 = arith.addi %add3A, %mul3A_86 : i32
      %lt3A_88 = arith.constant 2500 : i32
      %lt3A_89 = arith.cmpi slt, %add3A_87, %lt3A_88 : i32
      %and3A_90 = arith.andi %ge3A_82, %lt3A_89 : i1
      %convert_element_type3A_91 = arith.extui %and3A_90 : i1 to i32
      %cond3A_92 = arith.constant 0 : i32
      %cond3A_93 = arith.cmpi ne, %convert_element_type3A_91, %cond3A_92 : i32
      scf.if %cond3A_93 {
        %dma_wait3A_119 = arith.constant 0 : i32
        %dma_wait3A_120 = arith.constant 0 : i32
        %dma_wait3A_121 = tpu.memref_slice %arg2[%dma_wait3A_119, %dma_wait3A_120] : memref<10000x128xf32, #tpu.memory_space<hbm>> -> memref<10000x128xf32, #tpu.memory_space<hbm>>
        tpu.wait_indirect_dma semaphore(%arg22 : memref<!tpu.dma_semaphore, #tpu.memory_space<semaphore_mem>>) src(%dma_wait3A_121 : memref<10000x128xf32, #tpu.memory_space<hbm>>) dst(%arg16 : memref<128x128xf32, #tpu.memory_space<vmem>>)
        %dma_start3A_122 = arith.constant 0 : i32
        %dma_start3A_123 = arith.constant 0 : i32
        %dma_start3A_124 = tpu.memref_slice %arg25[%dma_start3A_122, %dma_start3A_123] : memref<10016x128xf32, #tpu.memory_space<vmem_shared>> -> memref<10016x128xf32, #tpu.memory_space<vmem_shared>>
        tpu.enqueue_indirect_dma source(%arg16 : memref<128x128xf32, #tpu.memory_space<vmem>>) target(%dma_start3A_124 : memref<10016x128xf32, #tpu.memory_space<vmem_shared>>) offsets(%arg12 : memref<128xi32, #tpu.memory_space<vmem>>) semaphore(%arg24 : memref<!tpu.dma_semaphore, #tpu.memory_space<semaphore_mem>>) {add = true}
      } else {
      }
      %mul3A_94 = arith.constant 4 : i32
      %mul3A_95 = arith.muli %scan3A_24, %mul3A_94 : i32
      %add3A_96 = arith.constant 3 : i32
      %add3A_97 = arith.addi %mul3A_95, %add3A_96 : i32
      %mul3A_98 = arith.constant 32 : i32
      %mul3A_99 = arith.muli %mul3A_98, %add3A_97 : i32
      %add3A_100 = arith.addi %add3A, %mul3A_99 : i32
      %lt3A_101 = arith.constant 2500 : i32
      %lt3A_102 = arith.cmpi slt, %add3A_100, %lt3A_101 : i32
      %convert_element_type3A_103 = arith.extui %lt3A_102 : i1 to i32
      %cond3A_104 = arith.constant 0 : i32
      %cond3A_105 = arith.cmpi ne, %convert_element_type3A_103, %cond3A_104 : i32
      scf.if %cond3A_105 {
        %ge3A_119 = arith.constant 2 : i32
        %ge3A_120 = arith.cmpi sge, %add3A_97, %ge3A_119 : i32
        %convert_element_type3A_121 = arith.extui %ge3A_120 : i1 to i32
        %cond3A_122 = arith.constant 0 : i32
        %cond3A_123 = arith.cmpi ne, %convert_element_type3A_121, %cond3A_122 : i32
        scf.if %cond3A_123 {
          %dma_wait3A_146 = arith.constant 0 : i32
          %dma_wait3A_147 = arith.constant 0 : i32
          %dma_wait3A_148 = tpu.memref_slice %arg25[%dma_wait3A_146, %dma_wait3A_147] : memref<10016x128xf32, #tpu.memory_space<vmem_shared>> -> memref<10016x128xf32, #tpu.memory_space<vmem_shared>>
          tpu.wait_indirect_dma semaphore(%arg24 : memref<!tpu.dma_semaphore, #tpu.memory_space<semaphore_mem>>) src(%arg16 : memref<128x128xf32, #tpu.memory_space<vmem>>) dst(%dma_wait3A_148 : memref<10016x128xf32, #tpu.memory_space<vmem_shared>>)
        } else {
        }
        %add3A_124 = arith.constant 1 : i32
        %add3A_125 = arith.addi %add3A_97, %add3A_124 : i32
        %mul3A_126 = arith.constant 32 : i32
        %mul3A_127 = arith.muli %mul3A_126, %add3A_125 : i32
        %add3A_128 = arith.addi %add3A, %mul3A_127 : i32
        %lt3A_129 = arith.constant 2500 : i32
        %lt3A_130 = arith.cmpi slt, %add3A_128, %lt3A_129 : i32
        %convert_element_type3A_131 = arith.extui %lt3A_130 : i1 to i32
        %cond3A_132 = arith.constant 0 : i32
        %cond3A_133 = arith.cmpi ne, %convert_element_type3A_131, %cond3A_132 : i32
        scf.if %cond3A_133 {
          %add3A_146 = arith.constant 1 : i32
          %add3A_147 = arith.addi %add3A_97, %add3A_146 : i32
          %mul3A_148 = arith.constant 32 : i32
          %mul3A_149 = arith.muli %mul3A_148, %add3A_147 : i32
          %add3A_150 = arith.addi %add3A, %mul3A_149 : i32
          %mul3A_151 = arith.constant 128 : i32
          %mul3A_152 = arith.muli %add3A_150, %mul3A_151 : i32
          %dma_start3A_153 = tpu.memref_slice %arg3[%mul3A_152] : memref<320000xi32, #tpu.memory_space<hbm>> -> memref<128xi32, #tpu.memory_space<hbm>>
          %dma_start3A_154 = tpu.memref_slice %arg3[%mul3A_152] : memref<320000xi32, #tpu.memory_space<hbm>> -> memref<128xi32, #tpu.memory_space<hbm>>
          tpu.enqueue_dma source(%dma_start3A_154 : memref<128xi32, #tpu.memory_space<hbm>>) target(%arg7 : memref<128xi32, #tpu.memory_space<vmem>>) target_semaphore(%arg17 : memref<!tpu.dma_semaphore, #tpu.memory_space<semaphore_mem>>)
          %dma_start3A_155 = tpu.memref_slice %arg4[%mul3A_152] : memref<320000xi32, #tpu.memory_space<hbm>> -> memref<128xi32, #tpu.memory_space<hbm>>
          %dma_start3A_156 = tpu.memref_slice %arg4[%mul3A_152] : memref<320000xi32, #tpu.memory_space<hbm>> -> memref<128xi32, #tpu.memory_space<hbm>>
          tpu.enqueue_dma source(%dma_start3A_156 : memref<128xi32, #tpu.memory_space<hbm>>) target(%arg11 : memref<128xi32, #tpu.memory_space<vmem>>) target_semaphore(%arg17 : memref<!tpu.dma_semaphore, #tpu.memory_space<semaphore_mem>>)
        } else {
        }
        %mul3A_134 = arith.constant 32 : i32
        %mul3A_135 = arith.muli %mul3A_134, %add3A_97 : i32
        %add3A_136 = arith.addi %add3A, %mul3A_135 : i32
        %mul3A_137 = arith.constant 128 : i32
        %mul3A_138 = arith.muli %add3A_136, %mul3A_137 : i32
        %dma_wait3A_139 = tpu.memref_slice %arg3[%mul3A_138] : memref<320000xi32, #tpu.memory_space<hbm>> -> memref<128xi32, #tpu.memory_space<hbm>>
        %dma_wait3A_140 = tpu.memref_slice %arg3[%mul3A_138] : memref<320000xi32, #tpu.memory_space<hbm>> -> memref<128xi32, #tpu.memory_space<hbm>>
        tpu.wait_dma2 semaphore(%arg20 : memref<!tpu.dma_semaphore, #tpu.memory_space<semaphore_mem>>) src(%dma_wait3A_140 : memref<128xi32, #tpu.memory_space<hbm>>) dst(%arg10 : memref<128xi32, #tpu.memory_space<vmem>>)
        %dma_wait3A_141 = tpu.memref_slice %arg4[%mul3A_138] : memref<320000xi32, #tpu.memory_space<hbm>> -> memref<128xi32, #tpu.memory_space<hbm>>
        %dma_wait3A_142 = tpu.memref_slice %arg4[%mul3A_138] : memref<320000xi32, #tpu.memory_space<hbm>> -> memref<128xi32, #tpu.memory_space<hbm>>
        tpu.wait_dma2 semaphore(%arg20 : memref<!tpu.dma_semaphore, #tpu.memory_space<semaphore_mem>>) src(%dma_wait3A_142 : memref<128xi32, #tpu.memory_space<hbm>>) dst(%arg14 : memref<128xi32, #tpu.memory_space<vmem>>)
        %dma_start3A_143 = arith.constant 0 : i32
        %dma_start3A_144 = arith.constant 0 : i32
        %dma_start3A_145 = tpu.memref_slice %arg2[%dma_start3A_143, %dma_start3A_144] : memref<10000x128xf32, #tpu.memory_space<hbm>> -> memref<10000x128xf32, #tpu.memory_space<hbm>>
        tpu.enqueue_indirect_dma source(%dma_start3A_145 : memref<10000x128xf32, #tpu.memory_space<hbm>>) target(%arg16 : memref<128x128xf32, #tpu.memory_space<vmem>>) offsets(%arg10 : memref<128xi32, #tpu.memory_space<vmem>>) semaphore(%arg22 : memref<!tpu.dma_semaphore, #tpu.memory_space<semaphore_mem>>)
      } else {
      }
      %ge3A_106 = arith.constant 1 : i32
      %ge3A_107 = arith.cmpi sge, %add3A_97, %ge3A_106 : i32
      %sub3A_108 = arith.constant 1 : i32
      %sub3A_109 = arith.subi %add3A_97, %sub3A_108 : i32
      %mul3A_110 = arith.constant 32 : i32
      %mul3A_111 = arith.muli %mul3A_110, %sub3A_109 : i32
      %add3A_112 = arith.addi %add3A, %mul3A_111 : i32
      %lt3A_113 = arith.constant 2500 : i32
      %lt3A_114 = arith.cmpi slt, %add3A_112, %lt3A_113 : i32
      %and3A_115 = arith.andi %ge3A_107, %lt3A_114 : i1
      %convert_element_type3A_116 = arith.extui %and3A_115 : i1 to i32
      %cond3A_117 = arith.constant 0 : i32
      %cond3A_118 = arith.cmpi ne, %convert_element_type3A_116, %cond3A_117 : i32
      scf.if %cond3A_118 {
        %dma_wait3A_119 = arith.constant 0 : i32
        %dma_wait3A_120 = arith.constant 0 : i32
        %dma_wait3A_121 = tpu.memref_slice %arg2[%dma_wait3A_119, %dma_wait3A_120] : memref<10000x128xf32, #tpu.memory_space<hbm>> -> memref<10000x128xf32, #tpu.memory_space<hbm>>
        tpu.wait_indirect_dma semaphore(%arg21 : memref<!tpu.dma_semaphore, #tpu.memory_space<semaphore_mem>>) src(%dma_wait3A_121 : memref<10000x128xf32, #tpu.memory_space<hbm>>) dst(%arg15 : memref<128x128xf32, #tpu.memory_space<vmem>>)
        %dma_start3A_122 = arith.constant 0 : i32
        %dma_start3A_123 = arith.constant 0 : i32
        %dma_start3A_124 = tpu.memref_slice %arg25[%dma_start3A_122, %dma_start3A_123] : memref<10016x128xf32, #tpu.memory_space<vmem_shared>> -> memref<10016x128xf32, #tpu.memory_space<vmem_shared>>
        tpu.enqueue_indirect_dma source(%arg15 : memref<128x128xf32, #tpu.memory_space<vmem>>) target(%dma_start3A_124 : memref<10016x128xf32, #tpu.memory_space<vmem_shared>>) offsets(%arg13 : memref<128xi32, #tpu.memory_space<vmem>>) semaphore(%arg23 : memref<!tpu.dma_semaphore, #tpu.memory_space<semaphore_mem>>) {add = true}
      } else {
      }
    }
    %scan3A_14 = arith.constant 20 : i32
    %dma_wait3A = arith.constant 0 : i32
    %dma_wait3A_15 = arith.constant 0 : i32
    %dma_wait3A_16 = tpu.memref_slice %arg25[%dma_wait3A, %dma_wait3A_15] : memref<10016x128xf32, #tpu.memory_space<vmem_shared>> -> memref<10016x128xf32, #tpu.memory_space<vmem_shared>>
    tpu.wait_indirect_dma semaphore(%arg23 : memref<!tpu.dma_semaphore, #tpu.memory_space<semaphore_mem>>) src(%arg15 : memref<128x128xf32, #tpu.memory_space<vmem>>) dst(%dma_wait3A_16 : memref<10016x128xf32, #tpu.memory_space<vmem_shared>>)
    %dma_wait3A_17 = arith.constant 0 : i32
    %dma_wait3A_18 = arith.constant 0 : i32
    %dma_wait3A_19 = tpu.memref_slice %arg25[%dma_wait3A_17, %dma_wait3A_18] : memref<10016x128xf32, #tpu.memory_space<vmem_shared>> -> memref<10016x128xf32, #tpu.memory_space<vmem_shared>>
    tpu.wait_indirect_dma semaphore(%arg24 : memref<!tpu.dma_semaphore, #tpu.memory_space<semaphore_mem>>) src(%arg16 : memref<128x128xf32, #tpu.memory_space<vmem>>) dst(%dma_wait3A_19 : memref<10016x128xf32, #tpu.memory_space<vmem_shared>>)
    %barrier3A_20 = arith.constant 0 : index
    tpu.barrier barrier_id(%barrier3A_20)
    %mul3A_21 = arith.constant 10016 : i32
    %mul3A_22 = arith.muli %arg0, %mul3A_21 : i32
    %add3A_23 = arith.addi %mul3A_22, %mul3A_2 : i32
    "tpu.region"() ({
      %run_scoped3A = tpu.sem_alloc : memref<!tpu.dma_semaphore, #tpu.memory_space<semaphore_mem>>
      %dma_start3A_24 = arith.constant 0 : i32
      %dma_start3A_25 = tpu.memref_slice %arg6[%add3A_23, %dma_start3A_24] : memref<20032x128xf32, #tpu.memory_space<hbm>> -> memref<626x128xf32, #tpu.memory_space<hbm>>
      %dma_start3A_26 = arith.constant 0 : i32
      %dma_start3A_27 = tpu.memref_slice %arg25[%mul3A_2, %dma_start3A_26] : memref<10016x128xf32, #tpu.memory_space<vmem_shared>> -> memref<626x128xf32, #tpu.memory_space<vmem_shared>>
      tpu.enqueue_dma source(%dma_start3A_27 : memref<626x128xf32, #tpu.memory_space<vmem_shared>>) target(%dma_start3A_25 : memref<626x128xf32, #tpu.memory_space<hbm>>) target_semaphore(%run_scoped3A : memref<!tpu.dma_semaphore, #tpu.memory_space<semaphore_mem>>)
      %dma_wait3A_28 = arith.constant 0 : i32
      %dma_wait3A_29 = tpu.memref_slice %arg6[%add3A_23, %dma_wait3A_28] : memref<20032x128xf32, #tpu.memory_space<hbm>> -> memref<626x128xf32, #tpu.memory_space<hbm>>
      %dma_wait3A_30 = arith.constant 0 : i32
      %dma_wait3A_31 = tpu.memref_slice %arg25[%mul3A_2, %dma_wait3A_30] : memref<10016x128xf32, #tpu.memory_space<vmem_shared>> -> memref<626x128xf32, #tpu.memory_space<vmem_shared>>
      tpu.wait_dma2 semaphore(%run_scoped3A : memref<!tpu.dma_semaphore, #tpu.memory_space<semaphore_mem>>) src(%dma_wait3A_31 : memref<626x128xf32, #tpu.memory_space<vmem_shared>>) dst(%dma_wait3A_29 : memref<626x128xf32, #tpu.memory_space<hbm>>)
      tpu.yield
    }) : () -> ()
    return
  }
}

#map = affine_map<(d0, d1) -> (0, 0)>
#map1 = affine_map<(d0, d1) -> (0)>
module attributes {stable_mosaic.version = 14 : i64} {
  func.func @k(%arg0: i32, %arg1: i32, %arg2: memref<10000x128xf32, #tpu.memory_space<hbm>>, %arg3: memref<320000xi32, #tpu.memory_space<hbm>>, %arg4: memref<320000xi32, #tpu.memory_space<hbm>>, %arg5: memref<10016x128xf32, #tpu.memory_space<hbm>>, %arg6: memref<20032x128xf32, #tpu.memory_space<hbm>>, %arg7: memref<128xi32, #tpu.memory_space<vmem>>, %arg8: memref<128xi32, #tpu.memory_space<vmem>>, %arg9: memref<128xi32, #tpu.memory_space<vmem>>, %arg10: memref<128xi32, #tpu.memory_space<vmem>>, %arg11: memref<128xi32, #tpu.memory_space<vmem>>, %arg12: memref<128xi32, #tpu.memory_space<vmem>>, %arg13: memref<128xi32, #tpu.memory_space<vmem>>, %arg14: memref<128xi32, #tpu.memory_space<vmem>>, %arg15: memref<128x128xf32, #tpu.memory_space<vmem>>, %arg16: memref<128x128xf32, #tpu.memory_space<vmem>>, %arg17: memref<!tpu.dma_semaphore, #tpu.memory_space<semaphore_mem>>, %arg18: memref<!tpu.dma_semaphore, #tpu.memory_space<semaphore_mem>>, %arg19: memref<!tpu.dma_semaphore, #tpu.memory_space<semaphore_mem>>, %arg20: memref<!tpu.dma_semaphore, #tpu.memory_space<semaphore_mem>>, %arg21: memref<!tpu.dma_semaphore, #tpu.memory_space<semaphore_mem>>, %arg22: memref<!tpu.dma_semaphore, #tpu.memory_space<semaphore_mem>>, %arg23: memref<!tpu.dma_semaphore, #tpu.memory_space<semaphore_mem>>, %arg24: memref<!tpu.dma_semaphore, #tpu.memory_space<semaphore_mem>>, %arg25: memref<10016x128xf32, #tpu.memory_space<vmem_shared>>) attributes {dimension_semantics = [#tpu.dimension_semantics<core_parallel>, #tpu.dimension_semantics<subcore_parallel>], iteration_bounds = array<i64: 2, 16>, scalar_prefetch = 0 : i64, scratch_operands = 19 : i64, tpu.core_type = #tpu.core_type<sc_vector_subcore>, window_params = [{transform_indices = #map}, {transform_indices = #map1}, {transform_indices = #map1}, {transform_indices = #map}, {transform_indices = #map}]} {
    %mul3A = arith.constant 2 : i32
    %mul3A_0 = arith.muli %arg1, %mul3A : i32
    %add3A = arith.addi %mul3A_0, %arg0 : i32
    %mul3A_1 = arith.constant 626 : i32
    %mul3A_2 = arith.muli %arg1, %mul3A_1 : i32
    %add3A_3 = arith.constant 0 : i32
    %add3A_4 = arith.addi %add3A, %add3A_3 : i32
    %mul3A_5 = arith.constant 128 : i32
    %mul3A_6 = arith.muli %add3A_4, %mul3A_5 : i32
    %dma_start3A = tpu.memref_slice %arg3[%mul3A_6] : memref<320000xi32, #tpu.memory_space<hbm>> -> memref<128xi32, #tpu.memory_space<hbm>>
    %dma_start3A_7 = tpu.memref_slice %arg3[%mul3A_6] : memref<320000xi32, #tpu.memory_space<hbm>> -> memref<128xi32, #tpu.memory_space<hbm>>
    tpu.enqueue_dma source(%dma_start3A_7 : memref<128xi32, #tpu.memory_space<hbm>>) target(%arg7 : memref<128xi32, #tpu.memory_space<vmem>>) target_semaphore(%arg17 : memref<!tpu.dma_semaphore, #tpu.memory_space<semaphore_mem>>)
    %dma_start3A_8 = tpu.memref_slice %arg4[%mul3A_6] : memref<320000xi32, #tpu.memory_space<hbm>> -> memref<128xi32, #tpu.memory_space<hbm>>
    %dma_start3A_9 = tpu.memref_slice %arg4[%mul3A_6] : memref<320000xi32, #tpu.memory_space<hbm>> -> memref<128xi32, #tpu.memory_space<hbm>>
    tpu.enqueue_dma source(%dma_start3A_9 : memref<128xi32, #tpu.memory_space<hbm>>) target(%arg11 : memref<128xi32, #tpu.memory_space<vmem>>) target_semaphore(%arg17 : memref<!tpu.dma_semaphore, #tpu.memory_space<semaphore_mem>>)
    "tpu.region"() ({
      %run_scoped3A = tpu.sem_alloc : memref<!tpu.dma_semaphore, #tpu.memory_space<semaphore_mem>>
      %dma_start3A_24 = arith.constant 0 : i32
      %dma_start3A_25 = tpu.memref_slice %arg25[%mul3A_2, %dma_start3A_24] : memref<10016x128xf32, #tpu.memory_space<vmem_shared>> -> memref<626x128xf32, #tpu.memory_space<vmem_shared>>
      %dma_start3A_26 = arith.constant 0 : i32
      %dma_start3A_27 = tpu.memref_slice %arg5[%mul3A_2, %dma_start3A_26] : memref<10016x128xf32, #tpu.memory_space<hbm>> -> memref<626x128xf32, #tpu.memory_space<hbm>>
      tpu.enqueue_dma source(%dma_start3A_27 : memref<626x128xf32, #tpu.memory_space<hbm>>) target(%dma_start3A_25 : memref<626x128xf32, #tpu.memory_space<vmem_shared>>) target_semaphore(%run_scoped3A : memref<!tpu.dma_semaphore, #tpu.memory_space<semaphore_mem>>)
      %dma_wait3A_28 = arith.constant 0 : i32
      %dma_wait3A_29 = tpu.memref_slice %arg25[%mul3A_2, %dma_wait3A_28] : memref<10016x128xf32, #tpu.memory_space<vmem_shared>> -> memref<626x128xf32, #tpu.memory_space<vmem_shared>>
      %dma_wait3A_30 = arith.constant 0 : i32
      %dma_wait3A_31 = tpu.memref_slice %arg5[%mul3A_2, %dma_wait3A_30] : memref<10016x128xf32, #tpu.memory_space<hbm>> -> memref<626x128xf32, #tpu.memory_space<hbm>>
      tpu.wait_dma2 semaphore(%run_scoped3A : memref<!tpu.dma_semaphore, #tpu.memory_space<semaphore_mem>>) src(%dma_wait3A_31 : memref<626x128xf32, #tpu.memory_space<hbm>>) dst(%dma_wait3A_29 : memref<626x128xf32, #tpu.memory_space<vmem_shared>>)
      tpu.yield
    }) : () -> ()
    %barrier3A = arith.constant 0 : index
    tpu.barrier barrier_id(%barrier3A)
    %scan3A = arith.constant 0 : i32
    %scan3A_10 = arith.constant 0 : i32
    %scan3A_11 = arith.constant 20 : i32
    %scan3A_12 = arith.addi %scan3A_10, %scan3A_11 : i32
    %scan3A_13 = arith.constant 1 : i32
    scf.for %scan3A_24 = %scan3A_10 to %scan3A_12 step %scan3A_13  : i32 {
      %mul3A_25 = arith.constant 4 : i32
      %mul3A_26 = arith.muli %scan3A_24, %mul3A_25 : i32
      %add3A_27 = arith.constant 0 : i32
      %add3A_28 = arith.addi %mul3A_26, %add3A_27 : i32
      %mul3A_29 = arith.constant 32 : i32
      %mul3A_30 = arith.muli %mul3A_29, %add3A_28 : i32
      %add3A_31 = arith.addi %add3A, %mul3A_30 : i32
      %lt3A = arith.constant 2500 : i32
      %lt3A_32 = arith.cmpi slt, %add3A_31, %lt3A : i32
      %convert_element_type3A = arith.extui %lt3A_32 : i1 to i32
      %cond3A = arith.constant 0 : i32
      %cond3A_33 = arith.cmpi ne, %convert_element_type3A, %cond3A : i32
      scf.if %cond3A_33 {
        %ge3A_119 = arith.constant 2 : i32
        %ge3A_120 = arith.cmpi sge, %add3A_28, %ge3A_119 : i32
        %convert_element_type3A_121 = arith.extui %ge3A_120 : i1 to i32
        %cond3A_122 = arith.constant 0 : i32
        %cond3A_123 = arith.cmpi ne, %convert_element_type3A_121, %cond3A_122 : i32
        scf.if %cond3A_123 {
          %dma_wait3A_146 = arith.constant 0 : i32
          %dma_wait3A_147 = arith.constant 0 : i32
          %dma_wait3A_148 = tpu.memref_slice %arg25[%dma_wait3A_146, %dma_wait3A_147] : memref<10016x128xf32, #tpu.memory_space<vmem_shared>> -> memref<10016x128xf32, #tpu.memory_space<vmem_shared>>
          tpu.wait_indirect_dma semaphore(%arg23 : memref<!tpu.dma_semaphore, #tpu.memory_space<semaphore_mem>>) src(%arg15 : memref<128x128xf32, #tpu.memory_space<vmem>>) dst(%dma_wait3A_148 : memref<10016x128xf32, #tpu.memory_space<vmem_shared>>)
        } else {
        }
        %add3A_124 = arith.constant 1 : i32
        %add3A_125 = arith.addi %add3A_28, %add3A_124 : i32
        %mul3A_126 = arith.constant 32 : i32
        %mul3A_127 = arith.muli %mul3A_126, %add3A_125 : i32
        %add3A_128 = arith.addi %add3A, %mul3A_127 : i32
        %lt3A_129 = arith.constant 2500 : i32
        %lt3A_130 = arith.cmpi slt, %add3A_128, %lt3A_129 : i32
        %convert_element_type3A_131 = arith.extui %lt3A_130 : i1 to i32
        %cond3A_132 = arith.constant 0 : i32
        %cond3A_133 = arith.cmpi ne, %convert_element_type3A_131, %cond3A_132 : i32
        scf.if %cond3A_133 {
          %add3A_146 = arith.constant 1 : i32
          %add3A_147 = arith.addi %add3A_28, %add3A_146 : i32
          %mul3A_148 = arith.constant 32 : i32
          %mul3A_149 = arith.muli %mul3A_148, %add3A_147 : i32
          %add3A_150 = arith.addi %add3A, %mul3A_149 : i32
          %mul3A_151 = arith.constant 128 : i32
          %mul3A_152 = arith.muli %add3A_150, %mul3A_151 : i32
          %dma_start3A_153 = tpu.memref_slice %arg3[%mul3A_152] : memref<320000xi32, #tpu.memory_space<hbm>> -> memref<128xi32, #tpu.memory_space<hbm>>
          %dma_start3A_154 = tpu.memref_slice %arg3[%mul3A_152] : memref<320000xi32, #tpu.memory_space<hbm>> -> memref<128xi32, #tpu.memory_space<hbm>>
          tpu.enqueue_dma source(%dma_start3A_154 : memref<128xi32, #tpu.memory_space<hbm>>) target(%arg8 : memref<128xi32, #tpu.memory_space<vmem>>) target_semaphore(%arg18 : memref<!tpu.dma_semaphore, #tpu.memory_space<semaphore_mem>>)
          %dma_start3A_155 = tpu.memref_slice %arg4[%mul3A_152] : memref<320000xi32, #tpu.memory_space<hbm>> -> memref<128xi32, #tpu.memory_space<hbm>>
          %dma_start3A_156 = tpu.memref_slice %arg4[%mul3A_152] : memref<320000xi32, #tpu.memory_space<hbm>> -> memref<128xi32, #tpu.memory_space<hbm>>
          tpu.enqueue_dma source(%dma_start3A_156 : memref<128xi32, #tpu.memory_space<hbm>>) target(%arg12 : memref<128xi32, #tpu.memory_space<vmem>>) target_semaphore(%arg18 : memref<!tpu.dma_semaphore, #tpu.memory_space<semaphore_mem>>)
        } else {
        }
        %mul3A_134 = arith.constant 32 : i32
        %mul3A_135 = arith.muli %mul3A_134, %add3A_28 : i32
        %add3A_136 = arith.addi %add3A, %mul3A_135 : i32
        %mul3A_137 = arith.constant 128 : i32
        %mul3A_138 = arith.muli %add3A_136, %mul3A_137 : i32
        %dma_wait3A_139 = tpu.memref_slice %arg3[%mul3A_138] : memref<320000xi32, #tpu.memory_space<hbm>> -> memref<128xi32, #tpu.memory_space<hbm>>
        %dma_wait3A_140 = tpu.memref_slice %arg3[%mul3A_138] : memref<320000xi32, #tpu.memory_space<hbm>> -> memref<128xi32, #tpu.memory_space<hbm>>
        tpu.wait_dma2 semaphore(%arg17 : memref<!tpu.dma_semaphore, #tpu.memory_space<semaphore_mem>>) src(%dma_wait3A_140 : memref<128xi32, #tpu.memory_space<hbm>>) dst(%arg7 : memref<128xi32, #tpu.memory_space<vmem>>)
        %dma_wait3A_141 = tpu.memref_slice %arg4[%mul3A_138] : memref<320000xi32, #tpu.memory_space<hbm>> -> memref<128xi32, #tpu.memory_space<hbm>>
        %dma_wait3A_142 = tpu.memref_slice %arg4[%mul3A_138] : memref<320000xi32, #tpu.memory_space<hbm>> -> memref<128xi32, #tpu.memory_space<hbm>>
        tpu.wait_dma2 semaphore(%arg17 : memref<!tpu.dma_semaphore, #tpu.memory_space<semaphore_mem>>) src(%dma_wait3A_142 : memref<128xi32, #tpu.memory_space<hbm>>) dst(%arg11 : memref<128xi32, #tpu.memory_space<vmem>>)
        %dma_start3A_143 = arith.constant 0 : i32
        %dma_start3A_144 = arith.constant 0 : i32
        %dma_start3A_145 = tpu.memref_slice %arg2[%dma_start3A_143, %dma_start3A_144] : memref<10000x128xf32, #tpu.memory_space<hbm>> -> memref<10000x128xf32, #tpu.memory_space<hbm>>
        tpu.enqueue_indirect_dma source(%dma_start3A_145 : memref<10000x128xf32, #tpu.memory_space<hbm>>) target(%arg15 : memref<128x128xf32, #tpu.memory_space<vmem>>) offsets(%arg7 : memref<128xi32, #tpu.memory_space<vmem>>) semaphore(%arg21 : memref<!tpu.dma_semaphore, #tpu.memory_space<semaphore_mem>>)
      } else {
      }
      %ge3A = arith.constant 1 : i32
      %ge3A_34 = arith.cmpi sge, %add3A_28, %ge3A : i32
      %sub3A = arith.constant 1 : i32
      %sub3A_35 = arith.subi %add3A_28, %sub3A : i32
      %mul3A_36 = arith.constant 32 : i32
      %mul3A_37 = arith.muli %mul3A_36, %sub3A_35 : i32
      %add3A_38 = arith.addi %add3A, %mul3A_37 : i32
      %lt3A_39 = arith.constant 2500 : i32
      %lt3A_40 = arith.cmpi slt, %add3A_38, %lt3A_39 : i32
      %and3A = arith.andi %ge3A_34, %lt3A_40 : i1
      %convert_element_type3A_41 = arith.extui %and3A : i1 to i32
      %cond3A_42 = arith.constant 0 : i32
      %cond3A_43 = arith.cmpi ne, %convert_element_type3A_41, %cond3A_42 : i32
      scf.if %cond3A_43 {
        %dma_wait3A_119 = arith.constant 0 : i32
        %dma_wait3A_120 = arith.constant 0 : i32
        %dma_wait3A_121 = tpu.memref_slice %arg2[%dma_wait3A_119, %dma_wait3A_120] : memref<10000x128xf32, #tpu.memory_space<hbm>> -> memref<10000x128xf32, #tpu.memory_space<hbm>>
        tpu.wait_indirect_dma semaphore(%arg22 : memref<!tpu.dma_semaphore, #tpu.memory_space<semaphore_mem>>) src(%dma_wait3A_121 : memref<10000x128xf32, #tpu.memory_space<hbm>>) dst(%arg16 : memref<128x128xf32, #tpu.memory_space<vmem>>)
        %dma_start3A_122 = arith.constant 0 : i32
        %dma_start3A_123 = arith.constant 0 : i32
        %dma_start3A_124 = tpu.memref_slice %arg25[%dma_start3A_122, %dma_start3A_123] : memref<10016x128xf32, #tpu.memory_space<vmem_shared>> -> memref<10016x128xf32, #tpu.memory_space<vmem_shared>>
        tpu.enqueue_indirect_dma source(%arg16 : memref<128x128xf32, #tpu.memory_space<vmem>>) target(%dma_start3A_124 : memref<10016x128xf32, #tpu.memory_space<vmem_shared>>) offsets(%arg14 : memref<128xi32, #tpu.memory_space<vmem>>) semaphore(%arg24 : memref<!tpu.dma_semaphore, #tpu.memory_space<semaphore_mem>>) {add = true}
      } else {
      }
      %mul3A_44 = arith.constant 4 : i32
      %mul3A_45 = arith.muli %scan3A_24, %mul3A_44 : i32
      %add3A_46 = arith.constant 1 : i32
      %add3A_47 = arith.addi %mul3A_45, %add3A_46 : i32
      %mul3A_48 = arith.constant 32 : i32
      %mul3A_49 = arith.muli %mul3A_48, %add3A_47 : i32
      %add3A_50 = arith.addi %add3A, %mul3A_49 : i32
      %lt3A_51 = arith.constant 2500 : i32
      %lt3A_52 = arith.cmpi slt, %add3A_50, %lt3A_51 : i32
      %convert_element_type3A_53 = arith.extui %lt3A_52 : i1 to i32
      %cond3A_54 = arith.constant 0 : i32
      %cond3A_55 = arith.cmpi ne, %convert_element_type3A_53, %cond3A_54 : i32
      scf.if %cond3A_55 {
        %ge3A_119 = arith.constant 2 : i32
        %ge3A_120 = arith.cmpi sge, %add3A_47, %ge3A_119 : i32
        %convert_element_type3A_121 = arith.extui %ge3A_120 : i1 to i32
        %cond3A_122 = arith.constant 0 : i32
        %cond3A_123 = arith.cmpi ne, %convert_element_type3A_121, %cond3A_122 : i32
        scf.if %cond3A_123 {
          %dma_wait3A_146 = arith.constant 0 : i32
          %dma_wait3A_147 = arith.constant 0 : i32
          %dma_wait3A_148 = tpu.memref_slice %arg25[%dma_wait3A_146, %dma_wait3A_147] : memref<10016x128xf32, #tpu.memory_space<vmem_shared>> -> memref<10016x128xf32, #tpu.memory_space<vmem_shared>>
          tpu.wait_indirect_dma semaphore(%arg24 : memref<!tpu.dma_semaphore, #tpu.memory_space<semaphore_mem>>) src(%arg16 : memref<128x128xf32, #tpu.memory_space<vmem>>) dst(%dma_wait3A_148 : memref<10016x128xf32, #tpu.memory_space<vmem_shared>>)
        } else {
        }
        %add3A_124 = arith.constant 1 : i32
        %add3A_125 = arith.addi %add3A_47, %add3A_124 : i32
        %mul3A_126 = arith.constant 32 : i32
        %mul3A_127 = arith.muli %mul3A_126, %add3A_125 : i32
        %add3A_128 = arith.addi %add3A, %mul3A_127 : i32
        %lt3A_129 = arith.constant 2500 : i32
        %lt3A_130 = arith.cmpi slt, %add3A_128, %lt3A_129 : i32
        %convert_element_type3A_131 = arith.extui %lt3A_130 : i1 to i32
        %cond3A_132 = arith.constant 0 : i32
        %cond3A_133 = arith.cmpi ne, %convert_element_type3A_131, %cond3A_132 : i32
        scf.if %cond3A_133 {
          %add3A_146 = arith.constant 1 : i32
          %add3A_147 = arith.addi %add3A_47, %add3A_146 : i32
          %mul3A_148 = arith.constant 32 : i32
          %mul3A_149 = arith.muli %mul3A_148, %add3A_147 : i32
          %add3A_150 = arith.addi %add3A, %mul3A_149 : i32
          %mul3A_151 = arith.constant 128 : i32
          %mul3A_152 = arith.muli %add3A_150, %mul3A_151 : i32
          %dma_start3A_153 = tpu.memref_slice %arg3[%mul3A_152] : memref<320000xi32, #tpu.memory_space<hbm>> -> memref<128xi32, #tpu.memory_space<hbm>>
          %dma_start3A_154 = tpu.memref_slice %arg3[%mul3A_152] : memref<320000xi32, #tpu.memory_space<hbm>> -> memref<128xi32, #tpu.memory_space<hbm>>
          tpu.enqueue_dma source(%dma_start3A_154 : memref<128xi32, #tpu.memory_space<hbm>>) target(%arg9 : memref<128xi32, #tpu.memory_space<vmem>>) target_semaphore(%arg19 : memref<!tpu.dma_semaphore, #tpu.memory_space<semaphore_mem>>)
          %dma_start3A_155 = tpu.memref_slice %arg4[%mul3A_152] : memref<320000xi32, #tpu.memory_space<hbm>> -> memref<128xi32, #tpu.memory_space<hbm>>
          %dma_start3A_156 = tpu.memref_slice %arg4[%mul3A_152] : memref<320000xi32, #tpu.memory_space<hbm>> -> memref<128xi32, #tpu.memory_space<hbm>>
          tpu.enqueue_dma source(%dma_start3A_156 : memref<128xi32, #tpu.memory_space<hbm>>) target(%arg13 : memref<128xi32, #tpu.memory_space<vmem>>) target_semaphore(%arg19 : memref<!tpu.dma_semaphore, #tpu.memory_space<semaphore_mem>>)
        } else {
        }
        %mul3A_134 = arith.constant 32 : i32
        %mul3A_135 = arith.muli %mul3A_134, %add3A_47 : i32
        %add3A_136 = arith.addi %add3A, %mul3A_135 : i32
        %mul3A_137 = arith.constant 128 : i32
        %mul3A_138 = arith.muli %add3A_136, %mul3A_137 : i32
        %dma_wait3A_139 = tpu.memref_slice %arg3[%mul3A_138] : memref<320000xi32, #tpu.memory_space<hbm>> -> memref<128xi32, #tpu.memory_space<hbm>>
        %dma_wait3A_140 = tpu.memref_slice %arg3[%mul3A_138] : memref<320000xi32, #tpu.memory_space<hbm>> -> memref<128xi32, #tpu.memory_space<hbm>>
        tpu.wait_dma2 semaphore(%arg18 : memref<!tpu.dma_semaphore, #tpu.memory_space<semaphore_mem>>) src(%dma_wait3A_140 : memref<128xi32, #tpu.memory_space<hbm>>) dst(%arg8 : memref<128xi32, #tpu.memory_space<vmem>>)
        %dma_wait3A_141 = tpu.memref_slice %arg4[%mul3A_138] : memref<320000xi32, #tpu.memory_space<hbm>> -> memref<128xi32, #tpu.memory_space<hbm>>
        %dma_wait3A_142 = tpu.memref_slice %arg4[%mul3A_138] : memref<320000xi32, #tpu.memory_space<hbm>> -> memref<128xi32, #tpu.memory_space<hbm>>
        tpu.wait_dma2 semaphore(%arg18 : memref<!tpu.dma_semaphore, #tpu.memory_space<semaphore_mem>>) src(%dma_wait3A_142 : memref<128xi32, #tpu.memory_space<hbm>>) dst(%arg12 : memref<128xi32, #tpu.memory_space<vmem>>)
        %dma_start3A_143 = arith.constant 0 : i32
        %dma_start3A_144 = arith.constant 0 : i32
        %dma_start3A_145 = tpu.memref_slice %arg2[%dma_start3A_143, %dma_start3A_144] : memref<10000x128xf32, #tpu.memory_space<hbm>> -> memref<10000x128xf32, #tpu.memory_space<hbm>>
        tpu.enqueue_indirect_dma source(%dma_start3A_145 : memref<10000x128xf32, #tpu.memory_space<hbm>>) target(%arg16 : memref<128x128xf32, #tpu.memory_space<vmem>>) offsets(%arg8 : memref<128xi32, #tpu.memory_space<vmem>>) semaphore(%arg22 : memref<!tpu.dma_semaphore, #tpu.memory_space<semaphore_mem>>)
      } else {
      }
      %ge3A_56 = arith.constant 1 : i32
      %ge3A_57 = arith.cmpi sge, %add3A_47, %ge3A_56 : i32
      %sub3A_58 = arith.constant 1 : i32
      %sub3A_59 = arith.subi %add3A_47, %sub3A_58 : i32
      %mul3A_60 = arith.constant 32 : i32
      %mul3A_61 = arith.muli %mul3A_60, %sub3A_59 : i32
      %add3A_62 = arith.addi %add3A, %mul3A_61 : i32
      %lt3A_63 = arith.constant 2500 : i32
      %lt3A_64 = arith.cmpi slt, %add3A_62, %lt3A_63 : i32
      %and3A_65 = arith.andi %ge3A_57, %lt3A_64 : i1
      %convert_element_type3A_66 = arith.extui %and3A_65 : i1 to i32
      %cond3A_67 = arith.constant 0 : i32
      %cond3A_68 = arith.cmpi ne, %convert_element_type3A_66, %cond3A_67 : i32
      scf.if %cond3A_68 {
        %dma_wait3A_119 = arith.constant 0 : i32
        %dma_wait3A_120 = arith.constant 0 : i32
        %dma_wait3A_121 = tpu.memref_slice %arg2[%dma_wait3A_119, %dma_wait3A_120] : memref<10000x128xf32, #tpu.memory_space<hbm>> -> memref<10000x128xf32, #tpu.memory_space<hbm>>
        tpu.wait_indirect_dma semaphore(%arg21 : memref<!tpu.dma_semaphore, #tpu.memory_space<semaphore_mem>>) src(%dma_wait3A_121 : memref<10000x128xf32, #tpu.memory_space<hbm>>) dst(%arg15 : memref<128x128xf32, #tpu.memory_space<vmem>>)
        %dma_start3A_122 = arith.constant 0 : i32
        %dma_start3A_123 = arith.constant 0 : i32
        %dma_start3A_124 = tpu.memref_slice %arg25[%dma_start3A_122, %dma_start3A_123] : memref<10016x128xf32, #tpu.memory_space<vmem_shared>> -> memref<10016x128xf32, #tpu.memory_space<vmem_shared>>
        tpu.enqueue_indirect_dma source(%arg15 : memref<128x128xf32, #tpu.memory_space<vmem>>) target(%dma_start3A_124 : memref<10016x128xf32, #tpu.memory_space<vmem_shared>>) offsets(%arg11 : memref<128xi32, #tpu.memory_space<vmem>>) semaphore(%arg23 : memref<!tpu.dma_semaphore, #tpu.memory_space<semaphore_mem>>) {add = true}
      } else {
      }
      %mul3A_69 = arith.constant 4 : i32
      %mul3A_70 = arith.muli %scan3A_24, %mul3A_69 : i32
      %add3A_71 = arith.constant 2 : i32
      %add3A_72 = arith.addi %mul3A_70, %add3A_71 : i32
      %mul3A_73 = arith.constant 32 : i32
      %mul3A_74 = arith.muli %mul3A_73, %add3A_72 : i32
      %add3A_75 = arith.addi %add3A, %mul3A_74 : i32
      %lt3A_76 = arith.constant 2500 : i32
      %lt3A_77 = arith.cmpi slt, %add3A_75, %lt3A_76 : i32
      %convert_element_type3A_78 = arith.extui %lt3A_77 : i1 to i32
      %cond3A_79 = arith.constant 0 : i32
      %cond3A_80 = arith.cmpi ne, %convert_element_type3A_78, %cond3A_79 : i32
      scf.if %cond3A_80 {
        %ge3A_119 = arith.constant 2 : i32
        %ge3A_120 = arith.cmpi sge, %add3A_72, %ge3A_119 : i32
        %convert_element_type3A_121 = arith.extui %ge3A_120 : i1 to i32
        %cond3A_122 = arith.constant 0 : i32
        %cond3A_123 = arith.cmpi ne, %convert_element_type3A_121, %cond3A_122 : i32
        scf.if %cond3A_123 {
          %dma_wait3A_146 = arith.constant 0 : i32
          %dma_wait3A_147 = arith.constant 0 : i32
          %dma_wait3A_148 = tpu.memref_slice %arg25[%dma_wait3A_146, %dma_wait3A_147] : memref<10016x128xf32, #tpu.memory_space<vmem_shared>> -> memref<10016x128xf32, #tpu.memory_space<vmem_shared>>
          tpu.wait_indirect_dma semaphore(%arg23 : memref<!tpu.dma_semaphore, #tpu.memory_space<semaphore_mem>>) src(%arg15 : memref<128x128xf32, #tpu.memory_space<vmem>>) dst(%dma_wait3A_148 : memref<10016x128xf32, #tpu.memory_space<vmem_shared>>)
        } else {
        }
        %add3A_124 = arith.constant 1 : i32
        %add3A_125 = arith.addi %add3A_72, %add3A_124 : i32
        %mul3A_126 = arith.constant 32 : i32
        %mul3A_127 = arith.muli %mul3A_126, %add3A_125 : i32
        %add3A_128 = arith.addi %add3A, %mul3A_127 : i32
        %lt3A_129 = arith.constant 2500 : i32
        %lt3A_130 = arith.cmpi slt, %add3A_128, %lt3A_129 : i32
        %convert_element_type3A_131 = arith.extui %lt3A_130 : i1 to i32
        %cond3A_132 = arith.constant 0 : i32
        %cond3A_133 = arith.cmpi ne, %convert_element_type3A_131, %cond3A_132 : i32
        scf.if %cond3A_133 {
          %add3A_146 = arith.constant 1 : i32
          %add3A_147 = arith.addi %add3A_72, %add3A_146 : i32
          %mul3A_148 = arith.constant 32 : i32
          %mul3A_149 = arith.muli %mul3A_148, %add3A_147 : i32
          %add3A_150 = arith.addi %add3A, %mul3A_149 : i32
          %mul3A_151 = arith.constant 128 : i32
          %mul3A_152 = arith.muli %add3A_150, %mul3A_151 : i32
          %dma_start3A_153 = tpu.memref_slice %arg3[%mul3A_152] : memref<320000xi32, #tpu.memory_space<hbm>> -> memref<128xi32, #tpu.memory_space<hbm>>
          %dma_start3A_154 = tpu.memref_slice %arg3[%mul3A_152] : memref<320000xi32, #tpu.memory_space<hbm>> -> memref<128xi32, #tpu.memory_space<hbm>>
          tpu.enqueue_dma source(%dma_start3A_154 : memref<128xi32, #tpu.memory_space<hbm>>) target(%arg10 : memref<128xi32, #tpu.memory_space<vmem>>) target_semaphore(%arg20 : memref<!tpu.dma_semaphore, #tpu.memory_space<semaphore_mem>>)
          %dma_start3A_155 = tpu.memref_slice %arg4[%mul3A_152] : memref<320000xi32, #tpu.memory_space<hbm>> -> memref<128xi32, #tpu.memory_space<hbm>>
          %dma_start3A_156 = tpu.memref_slice %arg4[%mul3A_152] : memref<320000xi32, #tpu.memory_space<hbm>> -> memref<128xi32, #tpu.memory_space<hbm>>
          tpu.enqueue_dma source(%dma_start3A_156 : memref<128xi32, #tpu.memory_space<hbm>>) target(%arg14 : memref<128xi32, #tpu.memory_space<vmem>>) target_semaphore(%arg20 : memref<!tpu.dma_semaphore, #tpu.memory_space<semaphore_mem>>)
        } else {
        }
        %mul3A_134 = arith.constant 32 : i32
        %mul3A_135 = arith.muli %mul3A_134, %add3A_72 : i32
        %add3A_136 = arith.addi %add3A, %mul3A_135 : i32
        %mul3A_137 = arith.constant 128 : i32
        %mul3A_138 = arith.muli %add3A_136, %mul3A_137 : i32
        %dma_wait3A_139 = tpu.memref_slice %arg3[%mul3A_138] : memref<320000xi32, #tpu.memory_space<hbm>> -> memref<128xi32, #tpu.memory_space<hbm>>
        %dma_wait3A_140 = tpu.memref_slice %arg3[%mul3A_138] : memref<320000xi32, #tpu.memory_space<hbm>> -> memref<128xi32, #tpu.memory_space<hbm>>
        tpu.wait_dma2 semaphore(%arg19 : memref<!tpu.dma_semaphore, #tpu.memory_space<semaphore_mem>>) src(%dma_wait3A_140 : memref<128xi32, #tpu.memory_space<hbm>>) dst(%arg9 : memref<128xi32, #tpu.memory_space<vmem>>)
        %dma_wait3A_141 = tpu.memref_slice %arg4[%mul3A_138] : memref<320000xi32, #tpu.memory_space<hbm>> -> memref<128xi32, #tpu.memory_space<hbm>>
        %dma_wait3A_142 = tpu.memref_slice %arg4[%mul3A_138] : memref<320000xi32, #tpu.memory_space<hbm>> -> memref<128xi32, #tpu.memory_space<hbm>>
        tpu.wait_dma2 semaphore(%arg19 : memref<!tpu.dma_semaphore, #tpu.memory_space<semaphore_mem>>) src(%dma_wait3A_142 : memref<128xi32, #tpu.memory_space<hbm>>) dst(%arg13 : memref<128xi32, #tpu.memory_space<vmem>>)
        %dma_start3A_143 = arith.constant 0 : i32
        %dma_start3A_144 = arith.constant 0 : i32
        %dma_start3A_145 = tpu.memref_slice %arg2[%dma_start3A_143, %dma_start3A_144] : memref<10000x128xf32, #tpu.memory_space<hbm>> -> memref<10000x128xf32, #tpu.memory_space<hbm>>
        tpu.enqueue_indirect_dma source(%dma_start3A_145 : memref<10000x128xf32, #tpu.memory_space<hbm>>) target(%arg15 : memref<128x128xf32, #tpu.memory_space<vmem>>) offsets(%arg9 : memref<128xi32, #tpu.memory_space<vmem>>) semaphore(%arg21 : memref<!tpu.dma_semaphore, #tpu.memory_space<semaphore_mem>>)
      } else {
      }
      %ge3A_81 = arith.constant 1 : i32
      %ge3A_82 = arith.cmpi sge, %add3A_72, %ge3A_81 : i32
      %sub3A_83 = arith.constant 1 : i32
      %sub3A_84 = arith.subi %add3A_72, %sub3A_83 : i32
      %mul3A_85 = arith.constant 32 : i32
      %mul3A_86 = arith.muli %mul3A_85, %sub3A_84 : i32
      %add3A_87 = arith.addi %add3A, %mul3A_86 : i32
      %lt3A_88 = arith.constant 2500 : i32
      %lt3A_89 = arith.cmpi slt, %add3A_87, %lt3A_88 : i32
      %and3A_90 = arith.andi %ge3A_82, %lt3A_89 : i1
      %convert_element_type3A_91 = arith.extui %and3A_90 : i1 to i32
      %cond3A_92 = arith.constant 0 : i32
      %cond3A_93 = arith.cmpi ne, %convert_element_type3A_91, %cond3A_92 : i32
      scf.if %cond3A_93 {
        %dma_wait3A_119 = arith.constant 0 : i32
        %dma_wait3A_120 = arith.constant 0 : i32
        %dma_wait3A_121 = tpu.memref_slice %arg2[%dma_wait3A_119, %dma_wait3A_120] : memref<10000x128xf32, #tpu.memory_space<hbm>> -> memref<10000x128xf32, #tpu.memory_space<hbm>>
        tpu.wait_indirect_dma semaphore(%arg22 : memref<!tpu.dma_semaphore, #tpu.memory_space<semaphore_mem>>) src(%dma_wait3A_121 : memref<10000x128xf32, #tpu.memory_space<hbm>>) dst(%arg16 : memref<128x128xf32, #tpu.memory_space<vmem>>)
        %dma_start3A_122 = arith.constant 0 : i32
        %dma_start3A_123 = arith.constant 0 : i32
        %dma_start3A_124 = tpu.memref_slice %arg25[%dma_start3A_122, %dma_start3A_123] : memref<10016x128xf32, #tpu.memory_space<vmem_shared>> -> memref<10016x128xf32, #tpu.memory_space<vmem_shared>>
        tpu.enqueue_indirect_dma source(%arg16 : memref<128x128xf32, #tpu.memory_space<vmem>>) target(%dma_start3A_124 : memref<10016x128xf32, #tpu.memory_space<vmem_shared>>) offsets(%arg12 : memref<128xi32, #tpu.memory_space<vmem>>) semaphore(%arg24 : memref<!tpu.dma_semaphore, #tpu.memory_space<semaphore_mem>>) {add = true}
      } else {
      }
      %mul3A_94 = arith.constant 4 : i32
      %mul3A_95 = arith.muli %scan3A_24, %mul3A_94 : i32
      %add3A_96 = arith.constant 3 : i32
      %add3A_97 = arith.addi %mul3A_95, %add3A_96 : i32
      %mul3A_98 = arith.constant 32 : i32
      %mul3A_99 = arith.muli %mul3A_98, %add3A_97 : i32
      %add3A_100 = arith.addi %add3A, %mul3A_99 : i32
      %lt3A_101 = arith.constant 2500 : i32
      %lt3A_102 = arith.cmpi slt, %add3A_100, %lt3A_101 : i32
      %convert_element_type3A_103 = arith.extui %lt3A_102 : i1 to i32
      %cond3A_104 = arith.constant 0 : i32
      %cond3A_105 = arith.cmpi ne, %convert_element_type3A_103, %cond3A_104 : i32
      scf.if %cond3A_105 {
        %ge3A_119 = arith.constant 2 : i32
        %ge3A_120 = arith.cmpi sge, %add3A_97, %ge3A_119 : i32
        %convert_element_type3A_121 = arith.extui %ge3A_120 : i1 to i32
        %cond3A_122 = arith.constant 0 : i32
        %cond3A_123 = arith.cmpi ne, %convert_element_type3A_121, %cond3A_122 : i32
        scf.if %cond3A_123 {
          %dma_wait3A_146 = arith.constant 0 : i32
          %dma_wait3A_147 = arith.constant 0 : i32
          %dma_wait3A_148 = tpu.memref_slice %arg25[%dma_wait3A_146, %dma_wait3A_147] : memref<10016x128xf32, #tpu.memory_space<vmem_shared>> -> memref<10016x128xf32, #tpu.memory_space<vmem_shared>>
          tpu.wait_indirect_dma semaphore(%arg24 : memref<!tpu.dma_semaphore, #tpu.memory_space<semaphore_mem>>) src(%arg16 : memref<128x128xf32, #tpu.memory_space<vmem>>) dst(%dma_wait3A_148 : memref<10016x128xf32, #tpu.memory_space<vmem_shared>>)
        } else {
        }
        %add3A_124 = arith.constant 1 : i32
        %add3A_125 = arith.addi %add3A_97, %add3A_124 : i32
        %mul3A_126 = arith.constant 32 : i32
        %mul3A_127 = arith.muli %mul3A_126, %add3A_125 : i32
        %add3A_128 = arith.addi %add3A, %mul3A_127 : i32
        %lt3A_129 = arith.constant 2500 : i32
        %lt3A_130 = arith.cmpi slt, %add3A_128, %lt3A_129 : i32
        %convert_element_type3A_131 = arith.extui %lt3A_130 : i1 to i32
        %cond3A_132 = arith.constant 0 : i32
        %cond3A_133 = arith.cmpi ne, %convert_element_type3A_131, %cond3A_132 : i32
        scf.if %cond3A_133 {
          %add3A_146 = arith.constant 1 : i32
          %add3A_147 = arith.addi %add3A_97, %add3A_146 : i32
          %mul3A_148 = arith.constant 32 : i32
          %mul3A_149 = arith.muli %mul3A_148, %add3A_147 : i32
          %add3A_150 = arith.addi %add3A, %mul3A_149 : i32
          %mul3A_151 = arith.constant 128 : i32
          %mul3A_152 = arith.muli %add3A_150, %mul3A_151 : i32
          %dma_start3A_153 = tpu.memref_slice %arg3[%mul3A_152] : memref<320000xi32, #tpu.memory_space<hbm>> -> memref<128xi32, #tpu.memory_space<hbm>>
          %dma_start3A_154 = tpu.memref_slice %arg3[%mul3A_152] : memref<320000xi32, #tpu.memory_space<hbm>> -> memref<128xi32, #tpu.memory_space<hbm>>
          tpu.enqueue_dma source(%dma_start3A_154 : memref<128xi32, #tpu.memory_space<hbm>>) target(%arg7 : memref<128xi32, #tpu.memory_space<vmem>>) target_semaphore(%arg17 : memref<!tpu.dma_semaphore, #tpu.memory_space<semaphore_mem>>)
          %dma_start3A_155 = tpu.memref_slice %arg4[%mul3A_152] : memref<320000xi32, #tpu.memory_space<hbm>> -> memref<128xi32, #tpu.memory_space<hbm>>
          %dma_start3A_156 = tpu.memref_slice %arg4[%mul3A_152] : memref<320000xi32, #tpu.memory_space<hbm>> -> memref<128xi32, #tpu.memory_space<hbm>>
          tpu.enqueue_dma source(%dma_start3A_156 : memref<128xi32, #tpu.memory_space<hbm>>) target(%arg11 : memref<128xi32, #tpu.memory_space<vmem>>) target_semaphore(%arg17 : memref<!tpu.dma_semaphore, #tpu.memory_space<semaphore_mem>>)
        } else {
        }
        %mul3A_134 = arith.constant 32 : i32
        %mul3A_135 = arith.muli %mul3A_134, %add3A_97 : i32
        %add3A_136 = arith.addi %add3A, %mul3A_135 : i32
        %mul3A_137 = arith.constant 128 : i32
        %mul3A_138 = arith.muli %add3A_136, %mul3A_137 : i32
        %dma_wait3A_139 = tpu.memref_slice %arg3[%mul3A_138] : memref<320000xi32, #tpu.memory_space<hbm>> -> memref<128xi32, #tpu.memory_space<hbm>>
        %dma_wait3A_140 = tpu.memref_slice %arg3[%mul3A_138] : memref<320000xi32, #tpu.memory_space<hbm>> -> memref<128xi32, #tpu.memory_space<hbm>>
        tpu.wait_dma2 semaphore(%arg20 : memref<!tpu.dma_semaphore, #tpu.memory_space<semaphore_mem>>) src(%dma_wait3A_140 : memref<128xi32, #tpu.memory_space<hbm>>) dst(%arg10 : memref<128xi32, #tpu.memory_space<vmem>>)
        %dma_wait3A_141 = tpu.memref_slice %arg4[%mul3A_138] : memref<320000xi32, #tpu.memory_space<hbm>> -> memref<128xi32, #tpu.memory_space<hbm>>
        %dma_wait3A_142 = tpu.memref_slice %arg4[%mul3A_138] : memref<320000xi32, #tpu.memory_space<hbm>> -> memref<128xi32, #tpu.memory_space<hbm>>
        tpu.wait_dma2 semaphore(%arg20 : memref<!tpu.dma_semaphore, #tpu.memory_space<semaphore_mem>>) src(%dma_wait3A_142 : memref<128xi32, #tpu.memory_space<hbm>>) dst(%arg14 : memref<128xi32, #tpu.memory_space<vmem>>)
        %dma_start3A_143 = arith.constant 0 : i32
        %dma_start3A_144 = arith.constant 0 : i32
        %dma_start3A_145 = tpu.memref_slice %arg2[%dma_start3A_143, %dma_start3A_144] : memref<10000x128xf32, #tpu.memory_space<hbm>> -> memref<10000x128xf32, #tpu.memory_space<hbm>>
        tpu.enqueue_indirect_dma source(%dma_start3A_145 : memref<10000x128xf32, #tpu.memory_space<hbm>>) target(%arg16 : memref<128x128xf32, #tpu.memory_space<vmem>>) offsets(%arg10 : memref<128xi32, #tpu.memory_space<vmem>>) semaphore(%arg22 : memref<!tpu.dma_semaphore, #tpu.memory_space<semaphore_mem>>)
      } else {
      }
      %ge3A_106 = arith.constant 1 : i32
      %ge3A_107 = arith.cmpi sge, %add3A_97, %ge3A_106 : i32
      %sub3A_108 = arith.constant 1 : i32
      %sub3A_109 = arith.subi %add3A_97, %sub3A_108 : i32
      %mul3A_110 = arith.constant 32 : i32
      %mul3A_111 = arith.muli %mul3A_110, %sub3A_109 : i32
      %add3A_112 = arith.addi %add3A, %mul3A_111 : i32
      %lt3A_113 = arith.constant 2500 : i32
      %lt3A_114 = arith.cmpi slt, %add3A_112, %lt3A_113 : i32
      %and3A_115 = arith.andi %ge3A_107, %lt3A_114 : i1
      %convert_element_type3A_116 = arith.extui %and3A_115 : i1 to i32
      %cond3A_117 = arith.constant 0 : i32
      %cond3A_118 = arith.cmpi ne, %convert_element_type3A_116, %cond3A_117 : i32
      scf.if %cond3A_118 {
        %dma_wait3A_119 = arith.constant 0 : i32
        %dma_wait3A_120 = arith.constant 0 : i32
        %dma_wait3A_121 = tpu.memref_slice %arg2[%dma_wait3A_119, %dma_wait3A_120] : memref<10000x128xf32, #tpu.memory_space<hbm>> -> memref<10000x128xf32, #tpu.memory_space<hbm>>
        tpu.wait_indirect_dma semaphore(%arg21 : memref<!tpu.dma_semaphore, #tpu.memory_space<semaphore_mem>>) src(%dma_wait3A_121 : memref<10000x128xf32, #tpu.memory_space<hbm>>) dst(%arg15 : memref<128x128xf32, #tpu.memory_space<vmem>>)
        %dma_start3A_122 = arith.constant 0 : i32
        %dma_start3A_123 = arith.constant 0 : i32
        %dma_start3A_124 = tpu.memref_slice %arg25[%dma_start3A_122, %dma_start3A_123] : memref<10016x128xf32, #tpu.memory_space<vmem_shared>> -> memref<10016x128xf32, #tpu.memory_space<vmem_shared>>
        tpu.enqueue_indirect_dma source(%arg15 : memref<128x128xf32, #tpu.memory_space<vmem>>) target(%dma_start3A_124 : memref<10016x128xf32, #tpu.memory_space<vmem_shared>>) offsets(%arg13 : memref<128xi32, #tpu.memory_space<vmem>>) semaphore(%arg23 : memref<!tpu.dma_semaphore, #tpu.memory_space<semaphore_mem>>) {add = true}
      } else {
      }
    }
    %scan3A_14 = arith.constant 20 : i32
    %dma_wait3A = arith.constant 0 : i32
    %dma_wait3A_15 = arith.constant 0 : i32
    %dma_wait3A_16 = tpu.memref_slice %arg25[%dma_wait3A, %dma_wait3A_15] : memref<10016x128xf32, #tpu.memory_space<vmem_shared>> -> memref<10016x128xf32, #tpu.memory_space<vmem_shared>>
    tpu.wait_indirect_dma semaphore(%arg23 : memref<!tpu.dma_semaphore, #tpu.memory_space<semaphore_mem>>) src(%arg15 : memref<128x128xf32, #tpu.memory_space<vmem>>) dst(%dma_wait3A_16 : memref<10016x128xf32, #tpu.memory_space<vmem_shared>>)
    %dma_wait3A_17 = arith.constant 0 : i32
    %dma_wait3A_18 = arith.constant 0 : i32
    %dma_wait3A_19 = tpu.memref_slice %arg25[%dma_wait3A_17, %dma_wait3A_18] : memref<10016x128xf32, #tpu.memory_space<vmem_shared>> -> memref<10016x128xf32, #tpu.memory_space<vmem_shared>>
    tpu.wait_indirect_dma semaphore(%arg24 : memref<!tpu.dma_semaphore, #tpu.memory_space<semaphore_mem>>) src(%arg16 : memref<128x128xf32, #tpu.memory_space<vmem>>) dst(%dma_wait3A_19 : memref<10016x128xf32, #tpu.memory_space<vmem_shared>>)
    %barrier3A_20 = arith.constant 0 : index
    tpu.barrier barrier_id(%barrier3A_20)
    %mul3A_21 = arith.constant 10016 : i32
    %mul3A_22 = arith.muli %arg0, %mul3A_21 : i32
    %add3A_23 = arith.addi %mul3A_22, %mul3A_2 : i32
    "tpu.region"() ({
      %run_scoped3A = tpu.sem_alloc : memref<!tpu.dma_semaphore, #tpu.memory_space<semaphore_mem>>
      %dma_start3A_24 = arith.constant 0 : i32
      %dma_start3A_25 = tpu.memref_slice %arg6[%add3A_23, %dma_start3A_24] : memref<20032x128xf32, #tpu.memory_space<hbm>> -> memref<626x128xf32, #tpu.memory_space<hbm>>
      %dma_start3A_26 = arith.constant 0 : i32
      %dma_start3A_27 = tpu.memref_slice %arg25[%mul3A_2, %dma_start3A_26] : memref<10016x128xf32, #tpu.memory_space<vmem_shared>> -> memref<626x128xf32, #tpu.memory_space<vmem_shared>>
      tpu.enqueue_dma source(%dma_start3A_27 : memref<626x128xf32, #tpu.memory_space<vmem_shared>>) target(%dma_start3A_25 : memref<626x128xf32, #tpu.memory_space<hbm>>) target_semaphore(%run_scoped3A : memref<!tpu.dma_semaphore, #tpu.memory_space<semaphore_mem>>)
      %dma_wait3A_28 = arith.constant 0 : i32
      %dma_wait3A_29 = tpu.memref_slice %arg6[%add3A_23, %dma_wait3A_28] : memref<20032x128xf32, #tpu.memory_space<hbm>> -> memref<626x128xf32, #tpu.memory_space<hbm>>
      %dma_wait3A_30 = arith.constant 0 : i32
      %dma_wait3A_31 = tpu.memref_slice %arg25[%mul3A_2, %dma_wait3A_30] : memref<10016x128xf32, #tpu.memory_space<vmem_shared>> -> memref<626x128xf32, #tpu.memory_space<vmem_shared>>
      tpu.wait_dma2 semaphore(%run_scoped3A : memref<!tpu.dma_semaphore, #tpu.memory_space<semaphore_mem>>) src(%dma_wait3A_31 : memref<626x128xf32, #tpu.memory_space<vmem_shared>>) dst(%dma_wait3A_29 : memref<626x128xf32, #tpu.memory_space<hbm>>)
      tpu.yield
    }) : () -> ()
    return
  }
}

#map = affine_map<(d0, d1) -> (0, 0)>
#map1 = affine_map<(d0, d1) -> (0)>
module attributes {stable_mosaic.version = 14 : i64} {
  func.func @k(%arg0: i32, %arg1: i32, %arg2: memref<10000x128xf32, #tpu.memory_space<hbm>>, %arg3: memref<320000xi32, #tpu.memory_space<hbm>>, %arg4: memref<320000xi32, #tpu.memory_space<hbm>>, %arg5: memref<10016x128xf32, #tpu.memory_space<hbm>>, %arg6: memref<20032x128xf32, #tpu.memory_space<hbm>>, %arg7: memref<128xi32, #tpu.memory_space<vmem>>, %arg8: memref<128xi32, #tpu.memory_space<vmem>>, %arg9: memref<128xi32, #tpu.memory_space<vmem>>, %arg10: memref<128xi32, #tpu.memory_space<vmem>>, %arg11: memref<128xi32, #tpu.memory_space<vmem>>, %arg12: memref<128xi32, #tpu.memory_space<vmem>>, %arg13: memref<128xi32, #tpu.memory_space<vmem>>, %arg14: memref<128xi32, #tpu.memory_space<vmem>>, %arg15: memref<128x128xf32, #tpu.memory_space<vmem>>, %arg16: memref<128x128xf32, #tpu.memory_space<vmem>>, %arg17: memref<!tpu.dma_semaphore, #tpu.memory_space<semaphore_mem>>, %arg18: memref<!tpu.dma_semaphore, #tpu.memory_space<semaphore_mem>>, %arg19: memref<!tpu.dma_semaphore, #tpu.memory_space<semaphore_mem>>, %arg20: memref<!tpu.dma_semaphore, #tpu.memory_space<semaphore_mem>>, %arg21: memref<!tpu.dma_semaphore, #tpu.memory_space<semaphore_mem>>, %arg22: memref<!tpu.dma_semaphore, #tpu.memory_space<semaphore_mem>>, %arg23: memref<!tpu.dma_semaphore, #tpu.memory_space<semaphore_mem>>, %arg24: memref<!tpu.dma_semaphore, #tpu.memory_space<semaphore_mem>>, %arg25: memref<10016x128xf32, #tpu.memory_space<vmem_shared>>) attributes {dimension_semantics = [#tpu.dimension_semantics<core_parallel>, #tpu.dimension_semantics<subcore_parallel>], iteration_bounds = array<i64: 2, 16>, scalar_prefetch = 0 : i64, scratch_operands = 19 : i64, tpu.core_type = #tpu.core_type<sc_vector_subcore>, window_params = [{transform_indices = #map}, {transform_indices = #map1}, {transform_indices = #map1}, {transform_indices = #map}, {transform_indices = #map}]} {
    %mul3A = arith.constant 2 : i32
    %mul3A_0 = arith.muli %arg1, %mul3A : i32
    %add3A = arith.addi %mul3A_0, %arg0 : i32
    %mul3A_1 = arith.constant 626 : i32
    %mul3A_2 = arith.muli %arg1, %mul3A_1 : i32
    %add3A_3 = arith.constant 0 : i32
    %add3A_4 = arith.addi %add3A, %add3A_3 : i32
    %mul3A_5 = arith.constant 128 : i32
    %mul3A_6 = arith.muli %add3A_4, %mul3A_5 : i32
    %dma_start3A = tpu.memref_slice %arg3[%mul3A_6] : memref<320000xi32, #tpu.memory_space<hbm>> -> memref<128xi32, #tpu.memory_space<hbm>>
    %dma_start3A_7 = tpu.memref_slice %arg3[%mul3A_6] : memref<320000xi32, #tpu.memory_space<hbm>> -> memref<128xi32, #tpu.memory_space<hbm>>
    tpu.enqueue_dma source(%dma_start3A_7 : memref<128xi32, #tpu.memory_space<hbm>>) target(%arg7 : memref<128xi32, #tpu.memory_space<vmem>>) target_semaphore(%arg17 : memref<!tpu.dma_semaphore, #tpu.memory_space<semaphore_mem>>)
    %dma_start3A_8 = tpu.memref_slice %arg4[%mul3A_6] : memref<320000xi32, #tpu.memory_space<hbm>> -> memref<128xi32, #tpu.memory_space<hbm>>
    %dma_start3A_9 = tpu.memref_slice %arg4[%mul3A_6] : memref<320000xi32, #tpu.memory_space<hbm>> -> memref<128xi32, #tpu.memory_space<hbm>>
    tpu.enqueue_dma source(%dma_start3A_9 : memref<128xi32, #tpu.memory_space<hbm>>) target(%arg11 : memref<128xi32, #tpu.memory_space<vmem>>) target_semaphore(%arg17 : memref<!tpu.dma_semaphore, #tpu.memory_space<semaphore_mem>>)
    "tpu.region"() ({
      %run_scoped3A = tpu.sem_alloc : memref<!tpu.dma_semaphore, #tpu.memory_space<semaphore_mem>>
      %dma_start3A_24 = arith.constant 0 : i32
      %dma_start3A_25 = tpu.memref_slice %arg25[%mul3A_2, %dma_start3A_24] : memref<10016x128xf32, #tpu.memory_space<vmem_shared>> -> memref<626x128xf32, #tpu.memory_space<vmem_shared>>
      %dma_start3A_26 = arith.constant 0 : i32
      %dma_start3A_27 = tpu.memref_slice %arg5[%mul3A_2, %dma_start3A_26] : memref<10016x128xf32, #tpu.memory_space<hbm>> -> memref<626x128xf32, #tpu.memory_space<hbm>>
      tpu.enqueue_dma source(%dma_start3A_27 : memref<626x128xf32, #tpu.memory_space<hbm>>) target(%dma_start3A_25 : memref<626x128xf32, #tpu.memory_space<vmem_shared>>) target_semaphore(%run_scoped3A : memref<!tpu.dma_semaphore, #tpu.memory_space<semaphore_mem>>)
      %dma_wait3A_28 = arith.constant 0 : i32
      %dma_wait3A_29 = tpu.memref_slice %arg25[%mul3A_2, %dma_wait3A_28] : memref<10016x128xf32, #tpu.memory_space<vmem_shared>> -> memref<626x128xf32, #tpu.memory_space<vmem_shared>>
      %dma_wait3A_30 = arith.constant 0 : i32
      %dma_wait3A_31 = tpu.memref_slice %arg5[%mul3A_2, %dma_wait3A_30] : memref<10016x128xf32, #tpu.memory_space<hbm>> -> memref<626x128xf32, #tpu.memory_space<hbm>>
      tpu.wait_dma2 semaphore(%run_scoped3A : memref<!tpu.dma_semaphore, #tpu.memory_space<semaphore_mem>>) src(%dma_wait3A_31 : memref<626x128xf32, #tpu.memory_space<hbm>>) dst(%dma_wait3A_29 : memref<626x128xf32, #tpu.memory_space<vmem_shared>>)
      tpu.yield
    }) : () -> ()
    %barrier3A = arith.constant 0 : index
    tpu.barrier barrier_id(%barrier3A)
    %scan3A = arith.constant 0 : i32
    %scan3A_10 = arith.constant 0 : i32
    %scan3A_11 = arith.constant 20 : i32
    %scan3A_12 = arith.addi %scan3A_10, %scan3A_11 : i32
    %scan3A_13 = arith.constant 1 : i32
    scf.for %scan3A_24 = %scan3A_10 to %scan3A_12 step %scan3A_13  : i32 {
      %mul3A_25 = arith.constant 4 : i32
      %mul3A_26 = arith.muli %scan3A_24, %mul3A_25 : i32
      %add3A_27 = arith.constant 0 : i32
      %add3A_28 = arith.addi %mul3A_26, %add3A_27 : i32
      %mul3A_29 = arith.constant 32 : i32
      %mul3A_30 = arith.muli %mul3A_29, %add3A_28 : i32
      %add3A_31 = arith.addi %add3A, %mul3A_30 : i32
      %lt3A = arith.constant 2500 : i32
      %lt3A_32 = arith.cmpi slt, %add3A_31, %lt3A : i32
      %convert_element_type3A = arith.extui %lt3A_32 : i1 to i32
      %cond3A = arith.constant 0 : i32
      %cond3A_33 = arith.cmpi ne, %convert_element_type3A, %cond3A : i32
      scf.if %cond3A_33 {
        %ge3A_119 = arith.constant 2 : i32
        %ge3A_120 = arith.cmpi sge, %add3A_28, %ge3A_119 : i32
        %convert_element_type3A_121 = arith.extui %ge3A_120 : i1 to i32
        %cond3A_122 = arith.constant 0 : i32
        %cond3A_123 = arith.cmpi ne, %convert_element_type3A_121, %cond3A_122 : i32
        scf.if %cond3A_123 {
          %dma_wait3A_146 = arith.constant 0 : i32
          %dma_wait3A_147 = arith.constant 0 : i32
          %dma_wait3A_148 = tpu.memref_slice %arg25[%dma_wait3A_146, %dma_wait3A_147] : memref<10016x128xf32, #tpu.memory_space<vmem_shared>> -> memref<10016x128xf32, #tpu.memory_space<vmem_shared>>
          tpu.wait_indirect_dma semaphore(%arg23 : memref<!tpu.dma_semaphore, #tpu.memory_space<semaphore_mem>>) src(%arg15 : memref<128x128xf32, #tpu.memory_space<vmem>>) dst(%dma_wait3A_148 : memref<10016x128xf32, #tpu.memory_space<vmem_shared>>)
        } else {
        }
        %add3A_124 = arith.constant 1 : i32
        %add3A_125 = arith.addi %add3A_28, %add3A_124 : i32
        %mul3A_126 = arith.constant 32 : i32
        %mul3A_127 = arith.muli %mul3A_126, %add3A_125 : i32
        %add3A_128 = arith.addi %add3A, %mul3A_127 : i32
        %lt3A_129 = arith.constant 2500 : i32
        %lt3A_130 = arith.cmpi slt, %add3A_128, %lt3A_129 : i32
        %convert_element_type3A_131 = arith.extui %lt3A_130 : i1 to i32
        %cond3A_132 = arith.constant 0 : i32
        %cond3A_133 = arith.cmpi ne, %convert_element_type3A_131, %cond3A_132 : i32
        scf.if %cond3A_133 {
          %add3A_146 = arith.constant 1 : i32
          %add3A_147 = arith.addi %add3A_28, %add3A_146 : i32
          %mul3A_148 = arith.constant 32 : i32
          %mul3A_149 = arith.muli %mul3A_148, %add3A_147 : i32
          %add3A_150 = arith.addi %add3A, %mul3A_149 : i32
          %mul3A_151 = arith.constant 128 : i32
          %mul3A_152 = arith.muli %add3A_150, %mul3A_151 : i32
          %dma_start3A_153 = tpu.memref_slice %arg3[%mul3A_152] : memref<320000xi32, #tpu.memory_space<hbm>> -> memref<128xi32, #tpu.memory_space<hbm>>
          %dma_start3A_154 = tpu.memref_slice %arg3[%mul3A_152] : memref<320000xi32, #tpu.memory_space<hbm>> -> memref<128xi32, #tpu.memory_space<hbm>>
          tpu.enqueue_dma source(%dma_start3A_154 : memref<128xi32, #tpu.memory_space<hbm>>) target(%arg8 : memref<128xi32, #tpu.memory_space<vmem>>) target_semaphore(%arg18 : memref<!tpu.dma_semaphore, #tpu.memory_space<semaphore_mem>>)
          %dma_start3A_155 = tpu.memref_slice %arg4[%mul3A_152] : memref<320000xi32, #tpu.memory_space<hbm>> -> memref<128xi32, #tpu.memory_space<hbm>>
          %dma_start3A_156 = tpu.memref_slice %arg4[%mul3A_152] : memref<320000xi32, #tpu.memory_space<hbm>> -> memref<128xi32, #tpu.memory_space<hbm>>
          tpu.enqueue_dma source(%dma_start3A_156 : memref<128xi32, #tpu.memory_space<hbm>>) target(%arg12 : memref<128xi32, #tpu.memory_space<vmem>>) target_semaphore(%arg18 : memref<!tpu.dma_semaphore, #tpu.memory_space<semaphore_mem>>)
        } else {
        }
        %mul3A_134 = arith.constant 32 : i32
        %mul3A_135 = arith.muli %mul3A_134, %add3A_28 : i32
        %add3A_136 = arith.addi %add3A, %mul3A_135 : i32
        %mul3A_137 = arith.constant 128 : i32
        %mul3A_138 = arith.muli %add3A_136, %mul3A_137 : i32
        %dma_wait3A_139 = tpu.memref_slice %arg3[%mul3A_138] : memref<320000xi32, #tpu.memory_space<hbm>> -> memref<128xi32, #tpu.memory_space<hbm>>
        %dma_wait3A_140 = tpu.memref_slice %arg3[%mul3A_138] : memref<320000xi32, #tpu.memory_space<hbm>> -> memref<128xi32, #tpu.memory_space<hbm>>
        tpu.wait_dma2 semaphore(%arg17 : memref<!tpu.dma_semaphore, #tpu.memory_space<semaphore_mem>>) src(%dma_wait3A_140 : memref<128xi32, #tpu.memory_space<hbm>>) dst(%arg7 : memref<128xi32, #tpu.memory_space<vmem>>)
        %dma_wait3A_141 = tpu.memref_slice %arg4[%mul3A_138] : memref<320000xi32, #tpu.memory_space<hbm>> -> memref<128xi32, #tpu.memory_space<hbm>>
        %dma_wait3A_142 = tpu.memref_slice %arg4[%mul3A_138] : memref<320000xi32, #tpu.memory_space<hbm>> -> memref<128xi32, #tpu.memory_space<hbm>>
        tpu.wait_dma2 semaphore(%arg17 : memref<!tpu.dma_semaphore, #tpu.memory_space<semaphore_mem>>) src(%dma_wait3A_142 : memref<128xi32, #tpu.memory_space<hbm>>) dst(%arg11 : memref<128xi32, #tpu.memory_space<vmem>>)
        %dma_start3A_143 = arith.constant 0 : i32
        %dma_start3A_144 = arith.constant 0 : i32
        %dma_start3A_145 = tpu.memref_slice %arg2[%dma_start3A_143, %dma_start3A_144] : memref<10000x128xf32, #tpu.memory_space<hbm>> -> memref<10000x128xf32, #tpu.memory_space<hbm>>
        tpu.enqueue_indirect_dma source(%dma_start3A_145 : memref<10000x128xf32, #tpu.memory_space<hbm>>) target(%arg15 : memref<128x128xf32, #tpu.memory_space<vmem>>) offsets(%arg7 : memref<128xi32, #tpu.memory_space<vmem>>) semaphore(%arg21 : memref<!tpu.dma_semaphore, #tpu.memory_space<semaphore_mem>>)
      } else {
      }
      %ge3A = arith.constant 1 : i32
      %ge3A_34 = arith.cmpi sge, %add3A_28, %ge3A : i32
      %sub3A = arith.constant 1 : i32
      %sub3A_35 = arith.subi %add3A_28, %sub3A : i32
      %mul3A_36 = arith.constant 32 : i32
      %mul3A_37 = arith.muli %mul3A_36, %sub3A_35 : i32
      %add3A_38 = arith.addi %add3A, %mul3A_37 : i32
      %lt3A_39 = arith.constant 2500 : i32
      %lt3A_40 = arith.cmpi slt, %add3A_38, %lt3A_39 : i32
      %and3A = arith.andi %ge3A_34, %lt3A_40 : i1
      %convert_element_type3A_41 = arith.extui %and3A : i1 to i32
      %cond3A_42 = arith.constant 0 : i32
      %cond3A_43 = arith.cmpi ne, %convert_element_type3A_41, %cond3A_42 : i32
      scf.if %cond3A_43 {
        %dma_wait3A_119 = arith.constant 0 : i32
        %dma_wait3A_120 = arith.constant 0 : i32
        %dma_wait3A_121 = tpu.memref_slice %arg2[%dma_wait3A_119, %dma_wait3A_120] : memref<10000x128xf32, #tpu.memory_space<hbm>> -> memref<10000x128xf32, #tpu.memory_space<hbm>>
        tpu.wait_indirect_dma semaphore(%arg22 : memref<!tpu.dma_semaphore, #tpu.memory_space<semaphore_mem>>) src(%dma_wait3A_121 : memref<10000x128xf32, #tpu.memory_space<hbm>>) dst(%arg16 : memref<128x128xf32, #tpu.memory_space<vmem>>)
        %dma_start3A_122 = arith.constant 0 : i32
        %dma_start3A_123 = arith.constant 0 : i32
        %dma_start3A_124 = tpu.memref_slice %arg25[%dma_start3A_122, %dma_start3A_123] : memref<10016x128xf32, #tpu.memory_space<vmem_shared>> -> memref<10016x128xf32, #tpu.memory_space<vmem_shared>>
        tpu.enqueue_indirect_dma source(%arg16 : memref<128x128xf32, #tpu.memory_space<vmem>>) target(%dma_start3A_124 : memref<10016x128xf32, #tpu.memory_space<vmem_shared>>) offsets(%arg14 : memref<128xi32, #tpu.memory_space<vmem>>) semaphore(%arg24 : memref<!tpu.dma_semaphore, #tpu.memory_space<semaphore_mem>>) {add = true}
      } else {
      }
      %mul3A_44 = arith.constant 4 : i32
      %mul3A_45 = arith.muli %scan3A_24, %mul3A_44 : i32
      %add3A_46 = arith.constant 1 : i32
      %add3A_47 = arith.addi %mul3A_45, %add3A_46 : i32
      %mul3A_48 = arith.constant 32 : i32
      %mul3A_49 = arith.muli %mul3A_48, %add3A_47 : i32
      %add3A_50 = arith.addi %add3A, %mul3A_49 : i32
      %lt3A_51 = arith.constant 2500 : i32
      %lt3A_52 = arith.cmpi slt, %add3A_50, %lt3A_51 : i32
      %convert_element_type3A_53 = arith.extui %lt3A_52 : i1 to i32
      %cond3A_54 = arith.constant 0 : i32
      %cond3A_55 = arith.cmpi ne, %convert_element_type3A_53, %cond3A_54 : i32
      scf.if %cond3A_55 {
        %ge3A_119 = arith.constant 2 : i32
        %ge3A_120 = arith.cmpi sge, %add3A_47, %ge3A_119 : i32
        %convert_element_type3A_121 = arith.extui %ge3A_120 : i1 to i32
        %cond3A_122 = arith.constant 0 : i32
        %cond3A_123 = arith.cmpi ne, %convert_element_type3A_121, %cond3A_122 : i32
        scf.if %cond3A_123 {
          %dma_wait3A_146 = arith.constant 0 : i32
          %dma_wait3A_147 = arith.constant 0 : i32
          %dma_wait3A_148 = tpu.memref_slice %arg25[%dma_wait3A_146, %dma_wait3A_147] : memref<10016x128xf32, #tpu.memory_space<vmem_shared>> -> memref<10016x128xf32, #tpu.memory_space<vmem_shared>>
          tpu.wait_indirect_dma semaphore(%arg24 : memref<!tpu.dma_semaphore, #tpu.memory_space<semaphore_mem>>) src(%arg16 : memref<128x128xf32, #tpu.memory_space<vmem>>) dst(%dma_wait3A_148 : memref<10016x128xf32, #tpu.memory_space<vmem_shared>>)
        } else {
        }
        %add3A_124 = arith.constant 1 : i32
        %add3A_125 = arith.addi %add3A_47, %add3A_124 : i32
        %mul3A_126 = arith.constant 32 : i32
        %mul3A_127 = arith.muli %mul3A_126, %add3A_125 : i32
        %add3A_128 = arith.addi %add3A, %mul3A_127 : i32
        %lt3A_129 = arith.constant 2500 : i32
        %lt3A_130 = arith.cmpi slt, %add3A_128, %lt3A_129 : i32
        %convert_element_type3A_131 = arith.extui %lt3A_130 : i1 to i32
        %cond3A_132 = arith.constant 0 : i32
        %cond3A_133 = arith.cmpi ne, %convert_element_type3A_131, %cond3A_132 : i32
        scf.if %cond3A_133 {
          %add3A_146 = arith.constant 1 : i32
          %add3A_147 = arith.addi %add3A_47, %add3A_146 : i32
          %mul3A_148 = arith.constant 32 : i32
          %mul3A_149 = arith.muli %mul3A_148, %add3A_147 : i32
          %add3A_150 = arith.addi %add3A, %mul3A_149 : i32
          %mul3A_151 = arith.constant 128 : i32
          %mul3A_152 = arith.muli %add3A_150, %mul3A_151 : i32
          %dma_start3A_153 = tpu.memref_slice %arg3[%mul3A_152] : memref<320000xi32, #tpu.memory_space<hbm>> -> memref<128xi32, #tpu.memory_space<hbm>>
          %dma_start3A_154 = tpu.memref_slice %arg3[%mul3A_152] : memref<320000xi32, #tpu.memory_space<hbm>> -> memref<128xi32, #tpu.memory_space<hbm>>
          tpu.enqueue_dma source(%dma_start3A_154 : memref<128xi32, #tpu.memory_space<hbm>>) target(%arg9 : memref<128xi32, #tpu.memory_space<vmem>>) target_semaphore(%arg19 : memref<!tpu.dma_semaphore, #tpu.memory_space<semaphore_mem>>)
          %dma_start3A_155 = tpu.memref_slice %arg4[%mul3A_152] : memref<320000xi32, #tpu.memory_space<hbm>> -> memref<128xi32, #tpu.memory_space<hbm>>
          %dma_start3A_156 = tpu.memref_slice %arg4[%mul3A_152] : memref<320000xi32, #tpu.memory_space<hbm>> -> memref<128xi32, #tpu.memory_space<hbm>>
          tpu.enqueue_dma source(%dma_start3A_156 : memref<128xi32, #tpu.memory_space<hbm>>) target(%arg13 : memref<128xi32, #tpu.memory_space<vmem>>) target_semaphore(%arg19 : memref<!tpu.dma_semaphore, #tpu.memory_space<semaphore_mem>>)
        } else {
        }
        %mul3A_134 = arith.constant 32 : i32
        %mul3A_135 = arith.muli %mul3A_134, %add3A_47 : i32
        %add3A_136 = arith.addi %add3A, %mul3A_135 : i32
        %mul3A_137 = arith.constant 128 : i32
        %mul3A_138 = arith.muli %add3A_136, %mul3A_137 : i32
        %dma_wait3A_139 = tpu.memref_slice %arg3[%mul3A_138] : memref<320000xi32, #tpu.memory_space<hbm>> -> memref<128xi32, #tpu.memory_space<hbm>>
        %dma_wait3A_140 = tpu.memref_slice %arg3[%mul3A_138] : memref<320000xi32, #tpu.memory_space<hbm>> -> memref<128xi32, #tpu.memory_space<hbm>>
        tpu.wait_dma2 semaphore(%arg18 : memref<!tpu.dma_semaphore, #tpu.memory_space<semaphore_mem>>) src(%dma_wait3A_140 : memref<128xi32, #tpu.memory_space<hbm>>) dst(%arg8 : memref<128xi32, #tpu.memory_space<vmem>>)
        %dma_wait3A_141 = tpu.memref_slice %arg4[%mul3A_138] : memref<320000xi32, #tpu.memory_space<hbm>> -> memref<128xi32, #tpu.memory_space<hbm>>
        %dma_wait3A_142 = tpu.memref_slice %arg4[%mul3A_138] : memref<320000xi32, #tpu.memory_space<hbm>> -> memref<128xi32, #tpu.memory_space<hbm>>
        tpu.wait_dma2 semaphore(%arg18 : memref<!tpu.dma_semaphore, #tpu.memory_space<semaphore_mem>>) src(%dma_wait3A_142 : memref<128xi32, #tpu.memory_space<hbm>>) dst(%arg12 : memref<128xi32, #tpu.memory_space<vmem>>)
        %dma_start3A_143 = arith.constant 0 : i32
        %dma_start3A_144 = arith.constant 0 : i32
        %dma_start3A_145 = tpu.memref_slice %arg2[%dma_start3A_143, %dma_start3A_144] : memref<10000x128xf32, #tpu.memory_space<hbm>> -> memref<10000x128xf32, #tpu.memory_space<hbm>>
        tpu.enqueue_indirect_dma source(%dma_start3A_145 : memref<10000x128xf32, #tpu.memory_space<hbm>>) target(%arg16 : memref<128x128xf32, #tpu.memory_space<vmem>>) offsets(%arg8 : memref<128xi32, #tpu.memory_space<vmem>>) semaphore(%arg22 : memref<!tpu.dma_semaphore, #tpu.memory_space<semaphore_mem>>)
      } else {
      }
      %ge3A_56 = arith.constant 1 : i32
      %ge3A_57 = arith.cmpi sge, %add3A_47, %ge3A_56 : i32
      %sub3A_58 = arith.constant 1 : i32
      %sub3A_59 = arith.subi %add3A_47, %sub3A_58 : i32
      %mul3A_60 = arith.constant 32 : i32
      %mul3A_61 = arith.muli %mul3A_60, %sub3A_59 : i32
      %add3A_62 = arith.addi %add3A, %mul3A_61 : i32
      %lt3A_63 = arith.constant 2500 : i32
      %lt3A_64 = arith.cmpi slt, %add3A_62, %lt3A_63 : i32
      %and3A_65 = arith.andi %ge3A_57, %lt3A_64 : i1
      %convert_element_type3A_66 = arith.extui %and3A_65 : i1 to i32
      %cond3A_67 = arith.constant 0 : i32
      %cond3A_68 = arith.cmpi ne, %convert_element_type3A_66, %cond3A_67 : i32
      scf.if %cond3A_68 {
        %dma_wait3A_119 = arith.constant 0 : i32
        %dma_wait3A_120 = arith.constant 0 : i32
        %dma_wait3A_121 = tpu.memref_slice %arg2[%dma_wait3A_119, %dma_wait3A_120] : memref<10000x128xf32, #tpu.memory_space<hbm>> -> memref<10000x128xf32, #tpu.memory_space<hbm>>
        tpu.wait_indirect_dma semaphore(%arg21 : memref<!tpu.dma_semaphore, #tpu.memory_space<semaphore_mem>>) src(%dma_wait3A_121 : memref<10000x128xf32, #tpu.memory_space<hbm>>) dst(%arg15 : memref<128x128xf32, #tpu.memory_space<vmem>>)
        %dma_start3A_122 = arith.constant 0 : i32
        %dma_start3A_123 = arith.constant 0 : i32
        %dma_start3A_124 = tpu.memref_slice %arg25[%dma_start3A_122, %dma_start3A_123] : memref<10016x128xf32, #tpu.memory_space<vmem_shared>> -> memref<10016x128xf32, #tpu.memory_space<vmem_shared>>
        tpu.enqueue_indirect_dma source(%arg15 : memref<128x128xf32, #tpu.memory_space<vmem>>) target(%dma_start3A_124 : memref<10016x128xf32, #tpu.memory_space<vmem_shared>>) offsets(%arg11 : memref<128xi32, #tpu.memory_space<vmem>>) semaphore(%arg23 : memref<!tpu.dma_semaphore, #tpu.memory_space<semaphore_mem>>) {add = true}
      } else {
      }
      %mul3A_69 = arith.constant 4 : i32
      %mul3A_70 = arith.muli %scan3A_24, %mul3A_69 : i32
      %add3A_71 = arith.constant 2 : i32
      %add3A_72 = arith.addi %mul3A_70, %add3A_71 : i32
      %mul3A_73 = arith.constant 32 : i32
      %mul3A_74 = arith.muli %mul3A_73, %add3A_72 : i32
      %add3A_75 = arith.addi %add3A, %mul3A_74 : i32
      %lt3A_76 = arith.constant 2500 : i32
      %lt3A_77 = arith.cmpi slt, %add3A_75, %lt3A_76 : i32
      %convert_element_type3A_78 = arith.extui %lt3A_77 : i1 to i32
      %cond3A_79 = arith.constant 0 : i32
      %cond3A_80 = arith.cmpi ne, %convert_element_type3A_78, %cond3A_79 : i32
      scf.if %cond3A_80 {
        %ge3A_119 = arith.constant 2 : i32
        %ge3A_120 = arith.cmpi sge, %add3A_72, %ge3A_119 : i32
        %convert_element_type3A_121 = arith.extui %ge3A_120 : i1 to i32
        %cond3A_122 = arith.constant 0 : i32
        %cond3A_123 = arith.cmpi ne, %convert_element_type3A_121, %cond3A_122 : i32
        scf.if %cond3A_123 {
          %dma_wait3A_146 = arith.constant 0 : i32
          %dma_wait3A_147 = arith.constant 0 : i32
          %dma_wait3A_148 = tpu.memref_slice %arg25[%dma_wait3A_146, %dma_wait3A_147] : memref<10016x128xf32, #tpu.memory_space<vmem_shared>> -> memref<10016x128xf32, #tpu.memory_space<vmem_shared>>
          tpu.wait_indirect_dma semaphore(%arg23 : memref<!tpu.dma_semaphore, #tpu.memory_space<semaphore_mem>>) src(%arg15 : memref<128x128xf32, #tpu.memory_space<vmem>>) dst(%dma_wait3A_148 : memref<10016x128xf32, #tpu.memory_space<vmem_shared>>)
        } else {
        }
        %add3A_124 = arith.constant 1 : i32
        %add3A_125 = arith.addi %add3A_72, %add3A_124 : i32
        %mul3A_126 = arith.constant 32 : i32
        %mul3A_127 = arith.muli %mul3A_126, %add3A_125 : i32
        %add3A_128 = arith.addi %add3A, %mul3A_127 : i32
        %lt3A_129 = arith.constant 2500 : i32
        %lt3A_130 = arith.cmpi slt, %add3A_128, %lt3A_129 : i32
        %convert_element_type3A_131 = arith.extui %lt3A_130 : i1 to i32
        %cond3A_132 = arith.constant 0 : i32
        %cond3A_133 = arith.cmpi ne, %convert_element_type3A_131, %cond3A_132 : i32
        scf.if %cond3A_133 {
          %add3A_146 = arith.constant 1 : i32
          %add3A_147 = arith.addi %add3A_72, %add3A_146 : i32
          %mul3A_148 = arith.constant 32 : i32
          %mul3A_149 = arith.muli %mul3A_148, %add3A_147 : i32
          %add3A_150 = arith.addi %add3A, %mul3A_149 : i32
          %mul3A_151 = arith.constant 128 : i32
          %mul3A_152 = arith.muli %add3A_150, %mul3A_151 : i32
          %dma_start3A_153 = tpu.memref_slice %arg3[%mul3A_152] : memref<320000xi32, #tpu.memory_space<hbm>> -> memref<128xi32, #tpu.memory_space<hbm>>
          %dma_start3A_154 = tpu.memref_slice %arg3[%mul3A_152] : memref<320000xi32, #tpu.memory_space<hbm>> -> memref<128xi32, #tpu.memory_space<hbm>>
          tpu.enqueue_dma source(%dma_start3A_154 : memref<128xi32, #tpu.memory_space<hbm>>) target(%arg10 : memref<128xi32, #tpu.memory_space<vmem>>) target_semaphore(%arg20 : memref<!tpu.dma_semaphore, #tpu.memory_space<semaphore_mem>>)
          %dma_start3A_155 = tpu.memref_slice %arg4[%mul3A_152] : memref<320000xi32, #tpu.memory_space<hbm>> -> memref<128xi32, #tpu.memory_space<hbm>>
          %dma_start3A_156 = tpu.memref_slice %arg4[%mul3A_152] : memref<320000xi32, #tpu.memory_space<hbm>> -> memref<128xi32, #tpu.memory_space<hbm>>
          tpu.enqueue_dma source(%dma_start3A_156 : memref<128xi32, #tpu.memory_space<hbm>>) target(%arg14 : memref<128xi32, #tpu.memory_space<vmem>>) target_semaphore(%arg20 : memref<!tpu.dma_semaphore, #tpu.memory_space<semaphore_mem>>)
        } else {
        }
        %mul3A_134 = arith.constant 32 : i32
        %mul3A_135 = arith.muli %mul3A_134, %add3A_72 : i32
        %add3A_136 = arith.addi %add3A, %mul3A_135 : i32
        %mul3A_137 = arith.constant 128 : i32
        %mul3A_138 = arith.muli %add3A_136, %mul3A_137 : i32
        %dma_wait3A_139 = tpu.memref_slice %arg3[%mul3A_138] : memref<320000xi32, #tpu.memory_space<hbm>> -> memref<128xi32, #tpu.memory_space<hbm>>
        %dma_wait3A_140 = tpu.memref_slice %arg3[%mul3A_138] : memref<320000xi32, #tpu.memory_space<hbm>> -> memref<128xi32, #tpu.memory_space<hbm>>
        tpu.wait_dma2 semaphore(%arg19 : memref<!tpu.dma_semaphore, #tpu.memory_space<semaphore_mem>>) src(%dma_wait3A_140 : memref<128xi32, #tpu.memory_space<hbm>>) dst(%arg9 : memref<128xi32, #tpu.memory_space<vmem>>)
        %dma_wait3A_141 = tpu.memref_slice %arg4[%mul3A_138] : memref<320000xi32, #tpu.memory_space<hbm>> -> memref<128xi32, #tpu.memory_space<hbm>>
        %dma_wait3A_142 = tpu.memref_slice %arg4[%mul3A_138] : memref<320000xi32, #tpu.memory_space<hbm>> -> memref<128xi32, #tpu.memory_space<hbm>>
        tpu.wait_dma2 semaphore(%arg19 : memref<!tpu.dma_semaphore, #tpu.memory_space<semaphore_mem>>) src(%dma_wait3A_142 : memref<128xi32, #tpu.memory_space<hbm>>) dst(%arg13 : memref<128xi32, #tpu.memory_space<vmem>>)
        %dma_start3A_143 = arith.constant 0 : i32
        %dma_start3A_144 = arith.constant 0 : i32
        %dma_start3A_145 = tpu.memref_slice %arg2[%dma_start3A_143, %dma_start3A_144] : memref<10000x128xf32, #tpu.memory_space<hbm>> -> memref<10000x128xf32, #tpu.memory_space<hbm>>
        tpu.enqueue_indirect_dma source(%dma_start3A_145 : memref<10000x128xf32, #tpu.memory_space<hbm>>) target(%arg15 : memref<128x128xf32, #tpu.memory_space<vmem>>) offsets(%arg9 : memref<128xi32, #tpu.memory_space<vmem>>) semaphore(%arg21 : memref<!tpu.dma_semaphore, #tpu.memory_space<semaphore_mem>>)
      } else {
      }
      %ge3A_81 = arith.constant 1 : i32
      %ge3A_82 = arith.cmpi sge, %add3A_72, %ge3A_81 : i32
      %sub3A_83 = arith.constant 1 : i32
      %sub3A_84 = arith.subi %add3A_72, %sub3A_83 : i32
      %mul3A_85 = arith.constant 32 : i32
      %mul3A_86 = arith.muli %mul3A_85, %sub3A_84 : i32
      %add3A_87 = arith.addi %add3A, %mul3A_86 : i32
      %lt3A_88 = arith.constant 2500 : i32
      %lt3A_89 = arith.cmpi slt, %add3A_87, %lt3A_88 : i32
      %and3A_90 = arith.andi %ge3A_82, %lt3A_89 : i1
      %convert_element_type3A_91 = arith.extui %and3A_90 : i1 to i32
      %cond3A_92 = arith.constant 0 : i32
      %cond3A_93 = arith.cmpi ne, %convert_element_type3A_91, %cond3A_92 : i32
      scf.if %cond3A_93 {
        %dma_wait3A_119 = arith.constant 0 : i32
        %dma_wait3A_120 = arith.constant 0 : i32
        %dma_wait3A_121 = tpu.memref_slice %arg2[%dma_wait3A_119, %dma_wait3A_120] : memref<10000x128xf32, #tpu.memory_space<hbm>> -> memref<10000x128xf32, #tpu.memory_space<hbm>>
        tpu.wait_indirect_dma semaphore(%arg22 : memref<!tpu.dma_semaphore, #tpu.memory_space<semaphore_mem>>) src(%dma_wait3A_121 : memref<10000x128xf32, #tpu.memory_space<hbm>>) dst(%arg16 : memref<128x128xf32, #tpu.memory_space<vmem>>)
        %dma_start3A_122 = arith.constant 0 : i32
        %dma_start3A_123 = arith.constant 0 : i32
        %dma_start3A_124 = tpu.memref_slice %arg25[%dma_start3A_122, %dma_start3A_123] : memref<10016x128xf32, #tpu.memory_space<vmem_shared>> -> memref<10016x128xf32, #tpu.memory_space<vmem_shared>>
        tpu.enqueue_indirect_dma source(%arg16 : memref<128x128xf32, #tpu.memory_space<vmem>>) target(%dma_start3A_124 : memref<10016x128xf32, #tpu.memory_space<vmem_shared>>) offsets(%arg12 : memref<128xi32, #tpu.memory_space<vmem>>) semaphore(%arg24 : memref<!tpu.dma_semaphore, #tpu.memory_space<semaphore_mem>>) {add = true}
      } else {
      }
      %mul3A_94 = arith.constant 4 : i32
      %mul3A_95 = arith.muli %scan3A_24, %mul3A_94 : i32
      %add3A_96 = arith.constant 3 : i32
      %add3A_97 = arith.addi %mul3A_95, %add3A_96 : i32
      %mul3A_98 = arith.constant 32 : i32
      %mul3A_99 = arith.muli %mul3A_98, %add3A_97 : i32
      %add3A_100 = arith.addi %add3A, %mul3A_99 : i32
      %lt3A_101 = arith.constant 2500 : i32
      %lt3A_102 = arith.cmpi slt, %add3A_100, %lt3A_101 : i32
      %convert_element_type3A_103 = arith.extui %lt3A_102 : i1 to i32
      %cond3A_104 = arith.constant 0 : i32
      %cond3A_105 = arith.cmpi ne, %convert_element_type3A_103, %cond3A_104 : i32
      scf.if %cond3A_105 {
        %ge3A_119 = arith.constant 2 : i32
        %ge3A_120 = arith.cmpi sge, %add3A_97, %ge3A_119 : i32
        %convert_element_type3A_121 = arith.extui %ge3A_120 : i1 to i32
        %cond3A_122 = arith.constant 0 : i32
        %cond3A_123 = arith.cmpi ne, %convert_element_type3A_121, %cond3A_122 : i32
        scf.if %cond3A_123 {
          %dma_wait3A_146 = arith.constant 0 : i32
          %dma_wait3A_147 = arith.constant 0 : i32
          %dma_wait3A_148 = tpu.memref_slice %arg25[%dma_wait3A_146, %dma_wait3A_147] : memref<10016x128xf32, #tpu.memory_space<vmem_shared>> -> memref<10016x128xf32, #tpu.memory_space<vmem_shared>>
          tpu.wait_indirect_dma semaphore(%arg24 : memref<!tpu.dma_semaphore, #tpu.memory_space<semaphore_mem>>) src(%arg16 : memref<128x128xf32, #tpu.memory_space<vmem>>) dst(%dma_wait3A_148 : memref<10016x128xf32, #tpu.memory_space<vmem_shared>>)
        } else {
        }
        %add3A_124 = arith.constant 1 : i32
        %add3A_125 = arith.addi %add3A_97, %add3A_124 : i32
        %mul3A_126 = arith.constant 32 : i32
        %mul3A_127 = arith.muli %mul3A_126, %add3A_125 : i32
        %add3A_128 = arith.addi %add3A, %mul3A_127 : i32
        %lt3A_129 = arith.constant 2500 : i32
        %lt3A_130 = arith.cmpi slt, %add3A_128, %lt3A_129 : i32
        %convert_element_type3A_131 = arith.extui %lt3A_130 : i1 to i32
        %cond3A_132 = arith.constant 0 : i32
        %cond3A_133 = arith.cmpi ne, %convert_element_type3A_131, %cond3A_132 : i32
        scf.if %cond3A_133 {
          %add3A_146 = arith.constant 1 : i32
          %add3A_147 = arith.addi %add3A_97, %add3A_146 : i32
          %mul3A_148 = arith.constant 32 : i32
          %mul3A_149 = arith.muli %mul3A_148, %add3A_147 : i32
          %add3A_150 = arith.addi %add3A, %mul3A_149 : i32
          %mul3A_151 = arith.constant 128 : i32
          %mul3A_152 = arith.muli %add3A_150, %mul3A_151 : i32
          %dma_start3A_153 = tpu.memref_slice %arg3[%mul3A_152] : memref<320000xi32, #tpu.memory_space<hbm>> -> memref<128xi32, #tpu.memory_space<hbm>>
          %dma_start3A_154 = tpu.memref_slice %arg3[%mul3A_152] : memref<320000xi32, #tpu.memory_space<hbm>> -> memref<128xi32, #tpu.memory_space<hbm>>
          tpu.enqueue_dma source(%dma_start3A_154 : memref<128xi32, #tpu.memory_space<hbm>>) target(%arg7 : memref<128xi32, #tpu.memory_space<vmem>>) target_semaphore(%arg17 : memref<!tpu.dma_semaphore, #tpu.memory_space<semaphore_mem>>)
          %dma_start3A_155 = tpu.memref_slice %arg4[%mul3A_152] : memref<320000xi32, #tpu.memory_space<hbm>> -> memref<128xi32, #tpu.memory_space<hbm>>
          %dma_start3A_156 = tpu.memref_slice %arg4[%mul3A_152] : memref<320000xi32, #tpu.memory_space<hbm>> -> memref<128xi32, #tpu.memory_space<hbm>>
          tpu.enqueue_dma source(%dma_start3A_156 : memref<128xi32, #tpu.memory_space<hbm>>) target(%arg11 : memref<128xi32, #tpu.memory_space<vmem>>) target_semaphore(%arg17 : memref<!tpu.dma_semaphore, #tpu.memory_space<semaphore_mem>>)
        } else {
        }
        %mul3A_134 = arith.constant 32 : i32
        %mul3A_135 = arith.muli %mul3A_134, %add3A_97 : i32
        %add3A_136 = arith.addi %add3A, %mul3A_135 : i32
        %mul3A_137 = arith.constant 128 : i32
        %mul3A_138 = arith.muli %add3A_136, %mul3A_137 : i32
        %dma_wait3A_139 = tpu.memref_slice %arg3[%mul3A_138] : memref<320000xi32, #tpu.memory_space<hbm>> -> memref<128xi32, #tpu.memory_space<hbm>>
        %dma_wait3A_140 = tpu.memref_slice %arg3[%mul3A_138] : memref<320000xi32, #tpu.memory_space<hbm>> -> memref<128xi32, #tpu.memory_space<hbm>>
        tpu.wait_dma2 semaphore(%arg20 : memref<!tpu.dma_semaphore, #tpu.memory_space<semaphore_mem>>) src(%dma_wait3A_140 : memref<128xi32, #tpu.memory_space<hbm>>) dst(%arg10 : memref<128xi32, #tpu.memory_space<vmem>>)
        %dma_wait3A_141 = tpu.memref_slice %arg4[%mul3A_138] : memref<320000xi32, #tpu.memory_space<hbm>> -> memref<128xi32, #tpu.memory_space<hbm>>
        %dma_wait3A_142 = tpu.memref_slice %arg4[%mul3A_138] : memref<320000xi32, #tpu.memory_space<hbm>> -> memref<128xi32, #tpu.memory_space<hbm>>
        tpu.wait_dma2 semaphore(%arg20 : memref<!tpu.dma_semaphore, #tpu.memory_space<semaphore_mem>>) src(%dma_wait3A_142 : memref<128xi32, #tpu.memory_space<hbm>>) dst(%arg14 : memref<128xi32, #tpu.memory_space<vmem>>)
        %dma_start3A_143 = arith.constant 0 : i32
        %dma_start3A_144 = arith.constant 0 : i32
        %dma_start3A_145 = tpu.memref_slice %arg2[%dma_start3A_143, %dma_start3A_144] : memref<10000x128xf32, #tpu.memory_space<hbm>> -> memref<10000x128xf32, #tpu.memory_space<hbm>>
        tpu.enqueue_indirect_dma source(%dma_start3A_145 : memref<10000x128xf32, #tpu.memory_space<hbm>>) target(%arg16 : memref<128x128xf32, #tpu.memory_space<vmem>>) offsets(%arg10 : memref<128xi32, #tpu.memory_space<vmem>>) semaphore(%arg22 : memref<!tpu.dma_semaphore, #tpu.memory_space<semaphore_mem>>)
      } else {
      }
      %ge3A_106 = arith.constant 1 : i32
      %ge3A_107 = arith.cmpi sge, %add3A_97, %ge3A_106 : i32
      %sub3A_108 = arith.constant 1 : i32
      %sub3A_109 = arith.subi %add3A_97, %sub3A_108 : i32
      %mul3A_110 = arith.constant 32 : i32
      %mul3A_111 = arith.muli %mul3A_110, %sub3A_109 : i32
      %add3A_112 = arith.addi %add3A, %mul3A_111 : i32
      %lt3A_113 = arith.constant 2500 : i32
      %lt3A_114 = arith.cmpi slt, %add3A_112, %lt3A_113 : i32
      %and3A_115 = arith.andi %ge3A_107, %lt3A_114 : i1
      %convert_element_type3A_116 = arith.extui %and3A_115 : i1 to i32
      %cond3A_117 = arith.constant 0 : i32
      %cond3A_118 = arith.cmpi ne, %convert_element_type3A_116, %cond3A_117 : i32
      scf.if %cond3A_118 {
        %dma_wait3A_119 = arith.constant 0 : i32
        %dma_wait3A_120 = arith.constant 0 : i32
        %dma_wait3A_121 = tpu.memref_slice %arg2[%dma_wait3A_119, %dma_wait3A_120] : memref<10000x128xf32, #tpu.memory_space<hbm>> -> memref<10000x128xf32, #tpu.memory_space<hbm>>
        tpu.wait_indirect_dma semaphore(%arg21 : memref<!tpu.dma_semaphore, #tpu.memory_space<semaphore_mem>>) src(%dma_wait3A_121 : memref<10000x128xf32, #tpu.memory_space<hbm>>) dst(%arg15 : memref<128x128xf32, #tpu.memory_space<vmem>>)
        %dma_start3A_122 = arith.constant 0 : i32
        %dma_start3A_123 = arith.constant 0 : i32
        %dma_start3A_124 = tpu.memref_slice %arg25[%dma_start3A_122, %dma_start3A_123] : memref<10016x128xf32, #tpu.memory_space<vmem_shared>> -> memref<10016x128xf32, #tpu.memory_space<vmem_shared>>
        tpu.enqueue_indirect_dma source(%arg15 : memref<128x128xf32, #tpu.memory_space<vmem>>) target(%dma_start3A_124 : memref<10016x128xf32, #tpu.memory_space<vmem_shared>>) offsets(%arg13 : memref<128xi32, #tpu.memory_space<vmem>>) semaphore(%arg23 : memref<!tpu.dma_semaphore, #tpu.memory_space<semaphore_mem>>) {add = true}
      } else {
      }
    }
    %scan3A_14 = arith.constant 20 : i32
    %dma_wait3A = arith.constant 0 : i32
    %dma_wait3A_15 = arith.constant 0 : i32
    %dma_wait3A_16 = tpu.memref_slice %arg25[%dma_wait3A, %dma_wait3A_15] : memref<10016x128xf32, #tpu.memory_space<vmem_shared>> -> memref<10016x128xf32, #tpu.memory_space<vmem_shared>>
    tpu.wait_indirect_dma semaphore(%arg23 : memref<!tpu.dma_semaphore, #tpu.memory_space<semaphore_mem>>) src(%arg15 : memref<128x128xf32, #tpu.memory_space<vmem>>) dst(%dma_wait3A_16 : memref<10016x128xf32, #tpu.memory_space<vmem_shared>>)
    %dma_wait3A_17 = arith.constant 0 : i32
    %dma_wait3A_18 = arith.constant 0 : i32
    %dma_wait3A_19 = tpu.memref_slice %arg25[%dma_wait3A_17, %dma_wait3A_18] : memref<10016x128xf32, #tpu.memory_space<vmem_shared>> -> memref<10016x128xf32, #tpu.memory_space<vmem_shared>>
    tpu.wait_indirect_dma semaphore(%arg24 : memref<!tpu.dma_semaphore, #tpu.memory_space<semaphore_mem>>) src(%arg16 : memref<128x128xf32, #tpu.memory_space<vmem>>) dst(%dma_wait3A_19 : memref<10016x128xf32, #tpu.memory_space<vmem_shared>>)
    %barrier3A_20 = arith.constant 0 : index
    tpu.barrier barrier_id(%barrier3A_20)
    %mul3A_21 = arith.constant 10016 : i32
    %mul3A_22 = arith.muli %arg0, %mul3A_21 : i32
    %add3A_23 = arith.addi %mul3A_22, %mul3A_2 : i32
    "tpu.region"() ({
      %run_scoped3A = tpu.sem_alloc : memref<!tpu.dma_semaphore, #tpu.memory_space<semaphore_mem>>
      %dma_start3A_24 = arith.constant 0 : i32
      %dma_start3A_25 = tpu.memref_slice %arg6[%add3A_23, %dma_start3A_24] : memref<20032x128xf32, #tpu.memory_space<hbm>> -> memref<626x128xf32, #tpu.memory_space<hbm>>
      %dma_start3A_26 = arith.constant 0 : i32
      %dma_start3A_27 = tpu.memref_slice %arg25[%mul3A_2, %dma_start3A_26] : memref<10016x128xf32, #tpu.memory_space<vmem_shared>> -> memref<626x128xf32, #tpu.memory_space<vmem_shared>>
      tpu.enqueue_dma source(%dma_start3A_27 : memref<626x128xf32, #tpu.memory_space<vmem_shared>>) target(%dma_start3A_25 : memref<626x128xf32, #tpu.memory_space<hbm>>) target_semaphore(%run_scoped3A : memref<!tpu.dma_semaphore, #tpu.memory_space<semaphore_mem>>)
      %dma_wait3A_28 = arith.constant 0 : i32
      %dma_wait3A_29 = tpu.memref_slice %arg6[%add3A_23, %dma_wait3A_28] : memref<20032x128xf32, #tpu.memory_space<hbm>> -> memref<626x128xf32, #tpu.memory_space<hbm>>
      %dma_wait3A_30 = arith.constant 0 : i32
      %dma_wait3A_31 = tpu.memref_slice %arg25[%mul3A_2, %dma_wait3A_30] : memref<10016x128xf32, #tpu.memory_space<vmem_shared>> -> memref<626x128xf32, #tpu.memory_space<vmem_shared>>
      tpu.wait_dma2 semaphore(%run_scoped3A : memref<!tpu.dma_semaphore, #tpu.memory_space<semaphore_mem>>) src(%dma_wait3A_31 : memref<626x128xf32, #tpu.memory_space<vmem_shared>>) dst(%dma_wait3A_29 : memref<626x128xf32, #tpu.memory_space<hbm>>)
      tpu.yield
    }) : () -> ()
    return
  }
}

module attributes {stable_mosaic.version = 14 : i64} {
  func.func @_vis_body(%arg0: i32, %arg1: memref<1000x128xf32, #tpu.memory_space<vmem>>, %arg2: memref<128x128xf32, #tpu.memory_space<vmem>>, %arg3: memref<1x128xf32, #tpu.memory_space<vmem>>, %arg4: memref<1x128xf32, #tpu.memory_space<vmem>>, %arg5: memref<1x128xf32, #tpu.memory_space<vmem>>, %arg6: memref<128x128xf32, #tpu.memory_space<vmem>>, %arg7: memref<1x128xf32, #tpu.memory_space<vmem>>, %arg8: memref<1000x128xf32, #tpu.memory_space<vmem>>) attributes {dimension_semantics = [#tpu.dimension_semantics<arbitrary>], iteration_bounds = array<i64: 10>, scalar_prefetch = 0 : i64, scratch_operands = 0 : i64, tpu.core_type = #tpu.core_type<tc>, window_params = [{transform_indices = @transform_0, window_bounds = array<i64: 1000, 128>}, {pipeline_mode = #tpu.pipeline_mode<synchronous>, transform_indices = @transform_1, window_bounds = array<i64: 128, 128>}, {pipeline_mode = #tpu.pipeline_mode<synchronous>, transform_indices = @transform_2, window_bounds = array<i64: 1, 128>}, {pipeline_mode = #tpu.pipeline_mode<synchronous>, transform_indices = @transform_3, window_bounds = array<i64: 1, 128>}, {pipeline_mode = #tpu.pipeline_mode<synchronous>, transform_indices = @transform_4, window_bounds = array<i64: 1, 128>}, {pipeline_mode = #tpu.pipeline_mode<synchronous>, transform_indices = @transform_5, window_bounds = array<i64: 128, 128>}, {pipeline_mode = #tpu.pipeline_mode<synchronous>, transform_indices = @transform_6, window_bounds = array<i64: 1, 128>}, {transform_indices = @transform_7, window_bounds = array<i64: 1000, 128>}]} {
    %get3A = arith.constant 0 : index
    %get3A_0 = arith.constant 0 : index
    %get3A_1 = vector.load %arg1[%get3A, %get3A_0] : memref<1000x128xf32, #tpu.memory_space<vmem>>, vector<1000x128xf32>
    %get3A_2 = arith.constant 0 : index
    %get3A_3 = arith.constant 0 : index
    %get3A_4 = vector.load %arg2[%get3A_2, %get3A_3] : memref<128x128xf32, #tpu.memory_space<vmem>>, vector<128x128xf32>
    %dot_general3A = arith.constant dense<0.000000e+00> : vector<1000x128xf32>
    %dot_general3A_5 = tpu.matmul %get3A_1, %get3A_4, %dot_general3A {dimension_numbers = #tpu.dot_dimension_numbers<[1], [0], [0], [1], [0, 0, 1, 1], [], []>, transpose_lhs_hint = false} : vector<1000x128xf32>, vector<128x128xf32>, vector<1000x128xf32> -> vector<1000x128xf32>
    %get3A_6 = arith.constant 0 : index
    %get3A_7 = arith.constant 0 : index
    %get3A_8 = vector.load %arg3[%get3A_6, %get3A_7] : memref<1x128xf32, #tpu.memory_space<vmem>>, vector<1x128xf32>
    %add3A = vector.broadcast %get3A_8 : vector<1x128xf32> to vector<1000x128xf32>
    %add3A_9 = arith.addf %dot_general3A_5, %add3A : vector<1000x128xf32>
    %reduce_sum3A = arith.constant dense<0.000000e+00> : vector<1000xf32>
    %reduce_sum3A_10 = vector.multi_reduction <add>, %add3A_9, %reduce_sum3A [1] : vector<1000x128xf32> to vector<1000xf32>
    %broadcast_in_dim3A = vector.shape_cast %reduce_sum3A_10 : vector<1000xf32> to vector<1000x1xf32>
    %div3A = arith.constant 1.280000e+02 : f32
    %div3A_11 = vector.broadcast %div3A : f32 to vector<1000x1xf32>
    %div3A_12 = arith.divf %broadcast_in_dim3A, %div3A_11 : vector<1000x1xf32>
    %sub3A = vector.broadcast %div3A_12 : vector<1000x1xf32> to vector<1000x128xf32>
    %sub3A_13 = arith.subf %add3A_9, %sub3A : vector<1000x128xf32>
    %integer_pow3A = arith.mulf %sub3A_13, %sub3A_13 : vector<1000x128xf32>
    %reduce_sum3A_14 = arith.constant dense<0.000000e+00> : vector<1000xf32>
    %reduce_sum3A_15 = vector.multi_reduction <add>, %integer_pow3A, %reduce_sum3A_14 [1] : vector<1000x128xf32> to vector<1000xf32>
    %broadcast_in_dim3A_16 = vector.shape_cast %reduce_sum3A_15 : vector<1000xf32> to vector<1000x1xf32>
    %div3A_17 = arith.constant 1.280000e+02 : f32
    %div3A_18 = vector.broadcast %div3A_17 : f32 to vector<1000x1xf32>
    %div3A_19 = arith.divf %broadcast_in_dim3A_16, %div3A_18 : vector<1000x1xf32>
    %sub3A_20 = vector.broadcast %div3A_12 : vector<1000x1xf32> to vector<1000x128xf32>
    %sub3A_21 = arith.subf %add3A_9, %sub3A_20 : vector<1000x128xf32>
    %add3A_22 = arith.constant 9.99999974E-6 : f32
    %add3A_23 = vector.broadcast %add3A_22 : f32 to vector<1000x1xf32>
    %add3A_24 = arith.addf %div3A_19, %add3A_23 : vector<1000x1xf32>
    %rsqrt3A = math.rsqrt %add3A_24 : vector<1000x1xf32>
    %mul3A = vector.broadcast %rsqrt3A : vector<1000x1xf32> to vector<1000x128xf32>
    %mul3A_25 = arith.mulf %sub3A_21, %mul3A : vector<1000x128xf32>
    %get3A_26 = arith.constant 0 : index
    %get3A_27 = arith.constant 0 : index
    %get3A_28 = vector.load %arg4[%get3A_26, %get3A_27] : memref<1x128xf32, #tpu.memory_space<vmem>>, vector<1x128xf32>
    %mul3A_29 = vector.broadcast %get3A_28 : vector<1x128xf32> to vector<1000x128xf32>
    %mul3A_30 = arith.mulf %mul3A_25, %mul3A_29 : vector<1000x128xf32>
    %get3A_31 = arith.constant 0 : index
    %get3A_32 = arith.constant 0 : index
    %get3A_33 = vector.load %arg5[%get3A_31, %get3A_32] : memref<1x128xf32, #tpu.memory_space<vmem>>, vector<1x128xf32>
    %add3A_34 = vector.broadcast %get3A_33 : vector<1x128xf32> to vector<1000x128xf32>
    %add3A_35 = arith.addf %mul3A_30, %add3A_34 : vector<1000x128xf32>
    %max3A = arith.constant 0.000000e+00 : f32
    %max3A_36 = vector.broadcast %max3A : f32 to vector<1000x128xf32>
    %max3A_37 = arith.maximumf %add3A_35, %max3A_36 : vector<1000x128xf32>
    %get3A_38 = arith.constant 0 : index
    %get3A_39 = arith.constant 0 : index
    %get3A_40 = vector.load %arg6[%get3A_38, %get3A_39] : memref<128x128xf32, #tpu.memory_space<vmem>>, vector<128x128xf32>
    %dot_general3A_41 = arith.constant dense<0.000000e+00> : vector<1000x128xf32>
    %dot_general3A_42 = tpu.matmul %max3A_37, %get3A_40, %dot_general3A_41 {dimension_numbers = #tpu.dot_dimension_numbers<[1], [0], [0], [1], [0, 0, 1, 1], [], []>, transpose_lhs_hint = false} : vector<1000x128xf32>, vector<128x128xf32>, vector<1000x128xf32> -> vector<1000x128xf32>
    %get3A_43 = arith.constant 0 : index
    %get3A_44 = arith.constant 0 : index
    %get3A_45 = vector.load %arg7[%get3A_43, %get3A_44] : memref<1x128xf32, #tpu.memory_space<vmem>>, vector<1x128xf32>
    %add3A_46 = vector.broadcast %get3A_45 : vector<1x128xf32> to vector<1000x128xf32>
    %add3A_47 = arith.addf %dot_general3A_42, %add3A_46 : vector<1000x128xf32>
    %swap3A = arith.constant 0 : index
    %swap3A_48 = arith.constant 0 : index
    %swap3A_49 = vector.load %arg8[%swap3A, %swap3A_48] : memref<1000x128xf32, #tpu.memory_space<vmem>>, vector<1000x128xf32>
    tpu.vector_store %arg8[%swap3A, %swap3A_48], %add3A_47 {strides = array<i32>} : memref<1000x128xf32, #tpu.memory_space<vmem>>, vector<1000x128xf32>,
    return
  }
  func.func @transform_0(%arg0: i32) -> (i32, i32) {
    %c0_i32 = arith.constant 0 : i32
    %c0_i32_0 = arith.constant 0 : i32
    return %arg0, %c0_i32 : i32, i32
  }
  func.func @transform_1(%arg0: i32) -> (i32, i32) {
    %c0_i32 = arith.constant 0 : i32
    %c0_i32_0 = arith.constant 0 : i32
    %c0_i32_1 = arith.constant 0 : i32
    return %c0_i32, %c0_i32_0 : i32, i32
  }
  func.func @transform_2(%arg0: i32) -> (i32, i32) {
    %c0_i32 = arith.constant 0 : i32
    %c0_i32_0 = arith.constant 0 : i32
    %c0_i32_1 = arith.constant 0 : i32
    return %c0_i32, %c0_i32_0 : i32, i32
  }
  func.func @transform_3(%arg0: i32) -> (i32, i32) {
    %c0_i32 = arith.constant 0 : i32
    %c0_i32_0 = arith.constant 0 : i32
    %c0_i32_1 = arith.constant 0 : i32
    return %c0_i32, %c0_i32_0 : i32, i32
  }
  func.func @transform_4(%arg0: i32) -> (i32, i32) {
    %c0_i32 = arith.constant 0 : i32
    %c0_i32_0 = arith.constant 0 : i32
    %c0_i32_1 = arith.constant 0 : i32
    return %c0_i32, %c0_i32_0 : i32, i32
  }
  func.func @transform_5(%arg0: i32) -> (i32, i32) {
    %c0_i32 = arith.constant 0 : i32
    %c0_i32_0 = arith.constant 0 : i32
    %c0_i32_1 = arith.constant 0 : i32
    return %c0_i32, %c0_i32_0 : i32, i32
  }
  func.func @transform_6(%arg0: i32) -> (i32, i32) {
    %c0_i32 = arith.constant 0 : i32
    %c0_i32_0 = arith.constant 0 : i32
    %c0_i32_1 = arith.constant 0 : i32
    return %c0_i32, %c0_i32_0 : i32, i32
  }
  func.func @transform_7(%arg0: i32) -> (i32, i32) {
    %c0_i32 = arith.constant 0 : i32
    %c0_i32_0 = arith.constant 0 : i32
    return %arg0, %c0_i32 : i32, i32
  }
}

module attributes {stable_mosaic.version = 14 : i64} {
  func.func @_lang_body(%arg0: memref<1024x256xf32, #tpu.memory_space<vmem>>, %arg1: memref<256x128xf32, #tpu.memory_space<vmem>>, %arg2: memref<1x128xf32, #tpu.memory_space<vmem>>, %arg3: memref<1x128xf32, #tpu.memory_space<vmem>>, %arg4: memref<1x128xf32, #tpu.memory_space<vmem>>, %arg5: memref<128x128xf32, #tpu.memory_space<vmem>>, %arg6: memref<1x128xf32, #tpu.memory_space<vmem>>, %arg7: memref<1024x128xf32, #tpu.memory_space<vmem>>) attributes {dimension_semantics = [], scalar_prefetch = 0 : i64, scratch_operands = 0 : i64, tpu.core_type = #tpu.core_type<tc>} {
    %get3A = arith.constant 0 : index
    %get3A_0 = arith.constant 0 : index
    %get3A_1 = vector.load %arg0[%get3A, %get3A_0] : memref<1024x256xf32, #tpu.memory_space<vmem>>, vector<1024x256xf32>
    %get3A_2 = arith.constant 0 : index
    %get3A_3 = arith.constant 0 : index
    %get3A_4 = vector.load %arg1[%get3A_2, %get3A_3] : memref<256x128xf32, #tpu.memory_space<vmem>>, vector<256x128xf32>
    %dot_general3A = arith.constant dense<0.000000e+00> : vector<1024x128xf32>
    %dot_general3A_5 = tpu.matmul %get3A_1, %get3A_4, %dot_general3A {dimension_numbers = #tpu.dot_dimension_numbers<[1], [0], [0], [1], [0, 0, 1, 1], [], []>, transpose_lhs_hint = false} : vector<1024x256xf32>, vector<256x128xf32>, vector<1024x128xf32> -> vector<1024x128xf32>
    %get3A_6 = arith.constant 0 : index
    %get3A_7 = arith.constant 0 : index
    %get3A_8 = vector.load %arg2[%get3A_6, %get3A_7] : memref<1x128xf32, #tpu.memory_space<vmem>>, vector<1x128xf32>
    %add3A = vector.broadcast %get3A_8 : vector<1x128xf32> to vector<1024x128xf32>
    %add3A_9 = arith.addf %dot_general3A_5, %add3A : vector<1024x128xf32>
    %reduce_sum3A = arith.constant dense<0.000000e+00> : vector<128xf32>
    %reduce_sum3A_10 = vector.multi_reduction <add>, %add3A_9, %reduce_sum3A [0] : vector<1024x128xf32> to vector<128xf32>
    %broadcast_in_dim3A = vector.shape_cast %reduce_sum3A_10 : vector<128xf32> to vector<1x128xf32>
    %div3A = arith.constant 1.024000e+03 : f32
    %div3A_11 = vector.broadcast %div3A : f32 to vector<1x128xf32>
    %div3A_12 = arith.divf %broadcast_in_dim3A, %div3A_11 : vector<1x128xf32>
    %sub3A = vector.broadcast %div3A_12 : vector<1x128xf32> to vector<1024x128xf32>
    %sub3A_13 = arith.subf %add3A_9, %sub3A : vector<1024x128xf32>
    %integer_pow3A = arith.mulf %sub3A_13, %sub3A_13 : vector<1024x128xf32>
    %reduce_sum3A_14 = arith.constant dense<0.000000e+00> : vector<128xf32>
    %reduce_sum3A_15 = vector.multi_reduction <add>, %integer_pow3A, %reduce_sum3A_14 [0] : vector<1024x128xf32> to vector<128xf32>
    %broadcast_in_dim3A_16 = vector.shape_cast %reduce_sum3A_15 : vector<128xf32> to vector<1x128xf32>
    %div3A_17 = arith.constant 1.024000e+03 : f32
    %div3A_18 = vector.broadcast %div3A_17 : f32 to vector<1x128xf32>
    %div3A_19 = arith.divf %broadcast_in_dim3A_16, %div3A_18 : vector<1x128xf32>
    %sub3A_20 = vector.broadcast %div3A_12 : vector<1x128xf32> to vector<1024x128xf32>
    %sub3A_21 = arith.subf %add3A_9, %sub3A_20 : vector<1024x128xf32>
    %add3A_22 = arith.constant 9.99999974E-6 : f32
    %add3A_23 = vector.broadcast %add3A_22 : f32 to vector<1x128xf32>
    %add3A_24 = arith.addf %div3A_19, %add3A_23 : vector<1x128xf32>
    %rsqrt3A = math.rsqrt %add3A_24 : vector<1x128xf32>
    %mul3A = vector.broadcast %rsqrt3A : vector<1x128xf32> to vector<1024x128xf32>
    %mul3A_25 = arith.mulf %sub3A_21, %mul3A : vector<1024x128xf32>
    %get3A_26 = arith.constant 0 : index
    %get3A_27 = arith.constant 0 : index
    %get3A_28 = vector.load %arg3[%get3A_26, %get3A_27] : memref<1x128xf32, #tpu.memory_space<vmem>>, vector<1x128xf32>
    %mul3A_29 = vector.broadcast %get3A_28 : vector<1x128xf32> to vector<1024x128xf32>
    %mul3A_30 = arith.mulf %mul3A_25, %mul3A_29 : vector<1024x128xf32>
    %get3A_31 = arith.constant 0 : index
    %get3A_32 = arith.constant 0 : index
    %get3A_33 = vector.load %arg4[%get3A_31, %get3A_32] : memref<1x128xf32, #tpu.memory_space<vmem>>, vector<1x128xf32>
    %add3A_34 = vector.broadcast %get3A_33 : vector<1x128xf32> to vector<1024x128xf32>
    %add3A_35 = arith.addf %mul3A_30, %add3A_34 : vector<1024x128xf32>
    %max3A = arith.constant 0.000000e+00 : f32
    %max3A_36 = vector.broadcast %max3A : f32 to vector<1024x128xf32>
    %max3A_37 = arith.maximumf %add3A_35, %max3A_36 : vector<1024x128xf32>
    %get3A_38 = arith.constant 0 : index
    %get3A_39 = arith.constant 0 : index
    %get3A_40 = vector.load %arg5[%get3A_38, %get3A_39] : memref<128x128xf32, #tpu.memory_space<vmem>>, vector<128x128xf32>
    %dot_general3A_41 = arith.constant dense<0.000000e+00> : vector<1024x128xf32>
    %dot_general3A_42 = tpu.matmul %max3A_37, %get3A_40, %dot_general3A_41 {dimension_numbers = #tpu.dot_dimension_numbers<[1], [0], [0], [1], [0, 0, 1, 1], [], []>, transpose_lhs_hint = false} : vector<1024x128xf32>, vector<128x128xf32>, vector<1024x128xf32> -> vector<1024x128xf32>
    %get3A_43 = arith.constant 0 : index
    %get3A_44 = arith.constant 0 : index
    %get3A_45 = vector.load %arg6[%get3A_43, %get3A_44] : memref<1x128xf32, #tpu.memory_space<vmem>>, vector<1x128xf32>
    %add3A_46 = vector.broadcast %get3A_45 : vector<1x128xf32> to vector<1024x128xf32>
    %add3A_47 = arith.addf %dot_general3A_42, %add3A_46 : vector<1024x128xf32>
    %swap3A = arith.constant 0 : index
    %swap3A_48 = arith.constant 0 : index
    %swap3A_49 = vector.load %arg7[%swap3A, %swap3A_48] : memref<1024x128xf32, #tpu.memory_space<vmem>>, vector<1024x128xf32>
    tpu.vector_store %arg7[%swap3A, %swap3A_48], %add3A_47 {strides = array<i32>} : memref<1024x128xf32, #tpu.memory_space<vmem>>, vector<1024x128xf32>,
    return
  }
}

module attributes {stable_mosaic.version = 14 : i64} {
  func.func @_attn_body(%arg0: i32, %arg1: memref<1000x128xf32, #tpu.memory_space<vmem>>, %arg2: memref<1000x21xf32, #tpu.memory_space<vmem>>, %arg3: memref<1000x1xi32, #tpu.memory_space<vmem>>, %arg4: memref<1024x128xf32, #tpu.memory_space<vmem>>, %arg5: memref<1x1024xf32, #tpu.memory_space<vmem>>, %arg6: memref<128x128xf32, #tpu.memory_space<vmem>>, %arg7: memref<21x128xf32, #tpu.memory_space<vmem>>, %arg8: memref<128x128xf32, #tpu.memory_space<vmem>>, %arg9: memref<1x128xf32, #tpu.memory_space<vmem>>, %arg10: memref<1000x128xf32, #tpu.memory_space<vmem>>) attributes {dimension_semantics = [#tpu.dimension_semantics<arbitrary>], iteration_bounds = array<i64: 10>, scalar_prefetch = 0 : i64, scratch_operands = 0 : i64, tpu.core_type = #tpu.core_type<tc>, window_params = [{transform_indices = @transform_0, window_bounds = array<i64: 1000, 128>}, {transform_indices = @transform_1, window_bounds = array<i64: 1000, 21>}, {transform_indices = @transform_2, window_bounds = array<i64: 1000, 1>}, {pipeline_mode = #tpu.pipeline_mode<synchronous>, transform_indices = @transform_3, window_bounds = array<i64: 1024, 128>}, {pipeline_mode = #tpu.pipeline_mode<synchronous>, transform_indices = @transform_4, window_bounds = array<i64: 1, 1024>}, {pipeline_mode = #tpu.pipeline_mode<synchronous>, transform_indices = @transform_5, window_bounds = array<i64: 128, 128>}, {pipeline_mode = #tpu.pipeline_mode<synchronous>, transform_indices = @transform_6, window_bounds = array<i64: 21, 128>}, {pipeline_mode = #tpu.pipeline_mode<synchronous>, transform_indices = @transform_7, window_bounds = array<i64: 128, 128>}, {pipeline_mode = #tpu.pipeline_mode<synchronous>, transform_indices = @transform_8, window_bounds = array<i64: 1, 128>}, {transform_indices = @transform_9, window_bounds = array<i64: 1000, 128>}]} {
    %get3A = arith.constant 0 : index
    %get3A_0 = arith.constant 0 : index
    %get3A_1 = vector.load %arg1[%get3A, %get3A_0] : memref<1000x128xf32, #tpu.memory_space<vmem>>, vector<1000x128xf32>
    %get3A_2 = arith.constant 0 : index
    %get3A_3 = arith.constant 0 : index
    %get3A_4 = vector.load %arg6[%get3A_2, %get3A_3] : memref<128x128xf32, #tpu.memory_space<vmem>>, vector<128x128xf32>
    %dot_general3A = arith.constant dense<0.000000e+00> : vector<1000x128xf32>
    %dot_general3A_5 = tpu.matmul %get3A_1, %get3A_4, %dot_general3A {dimension_numbers = #tpu.dot_dimension_numbers<[1], [0], [0], [1], [0, 0, 1, 1], [], []>, transpose_lhs_hint = false} : vector<1000x128xf32>, vector<128x128xf32>, vector<1000x128xf32> -> vector<1000x128xf32>
    %get3A_6 = arith.constant 0 : index
    %get3A_7 = arith.constant 0 : index
    %get3A_8 = vector.load %arg2[%get3A_6, %get3A_7] : memref<1000x21xf32, #tpu.memory_space<vmem>>, vector<1000x21xf32>
    %get3A_9 = arith.constant 0 : index
    %get3A_10 = arith.constant 0 : index
    %get3A_11 = vector.load %arg7[%get3A_9, %get3A_10] : memref<21x128xf32, #tpu.memory_space<vmem>>, vector<21x128xf32>
    %dot_general3A_12 = arith.constant dense<0.000000e+00> : vector<1000x128xf32>
    %dot_general3A_13 = tpu.matmul %get3A_8, %get3A_11, %dot_general3A_12 {dimension_numbers = #tpu.dot_dimension_numbers<[1], [0], [0], [1], [0, 0, 1, 1], [], []>, transpose_lhs_hint = false} : vector<1000x21xf32>, vector<21x128xf32>, vector<1000x128xf32> -> vector<1000x128xf32>
    %add3A = arith.addf %dot_general3A_5, %dot_general3A_13 : vector<1000x128xf32>
    %get3A_14 = arith.constant 0 : index
    %get3A_15 = arith.constant 0 : index
    %get3A_16 = vector.load %arg4[%get3A_14, %get3A_15] : memref<1024x128xf32, #tpu.memory_space<vmem>>, vector<1024x128xf32>
    %dot_general3A_17 = arith.constant dense<0.000000e+00> : vector<1000x1024xf32>
    %dot_general3A_18 = tpu.matmul %add3A, %get3A_16, %dot_general3A_17 {dimension_numbers = #tpu.dot_dimension_numbers<[1], [1], [0], [0], [0, 0, 1, 0], [], []>, transpose_lhs_hint = false} : vector<1000x128xf32>, vector<1024x128xf32>, vector<1000x1024xf32> -> vector<1000x1024xf32>
    %mul3A = arith.constant 0.0883883461 : f32
    %mul3A_19 = vector.broadcast %mul3A : f32 to vector<1000x1024xf32>
    %mul3A_20 = arith.mulf %dot_general3A_18, %mul3A_19 : vector<1000x1024xf32>
    %iota3A = tpu.iota {dimensions = array<i32: 1>} : vector<1000x1024xi32>
    %jit3A = arith.constant 32 : i32
    %div3A = vector.broadcast %jit3A : i32 to vector<1000x1024xi32>
    %div3A_21 = arith.divsi %iota3A, %div3A : vector<1000x1024xi32>
    %sign3A = arith.constant 0 : i32
    %sign3A_22 = vector.broadcast %sign3A : i32 to vector<1000x1024xi32>
    %sign3A_23 = arith.cmpi sgt, %iota3A, %sign3A_22 : vector<1000x1024xi32>
    %sign3A_24 = arith.extui %sign3A_23 : vector<1000x1024xi1> to vector<1000x1024xi32>
    %sign3A_25 = arith.constant 0 : i32
    %sign3A_26 = vector.broadcast %sign3A_25 : i32 to vector<1000x1024xi32>
    %sign3A_27 = arith.cmpi slt, %iota3A, %sign3A_26 : vector<1000x1024xi32>
    %sign3A_28 = arith.extui %sign3A_27 : vector<1000x1024xi1> to vector<1000x1024xi32>
    %sign3A_29 = arith.subi %sign3A_24, %sign3A_28 : vector<1000x1024xi32>
    %sign3A_30 = arith.constant 0 : i32
    %sign3A_31 = arith.cmpi sgt, %jit3A, %sign3A_30 : i32
    %sign3A_32 = arith.extui %sign3A_31 : i1 to i32
    %sign3A_33 = arith.constant 0 : i32
    %sign3A_34 = arith.cmpi slt, %jit3A, %sign3A_33 : i32
    %sign3A_35 = arith.extui %sign3A_34 : i1 to i32
    %sign3A_36 = arith.subi %sign3A_32, %sign3A_35 : i32
    %ne3A = vector.broadcast %sign3A_36 : i32 to vector<1000x1024xi32>
    %ne3A_37 = arith.cmpi ne, %sign3A_29, %ne3A : vector<1000x1024xi32>
    %rem3A = vector.broadcast %jit3A : i32 to vector<1000x1024xi32>
    %rem3A_38 = arith.remsi %iota3A, %rem3A : vector<1000x1024xi32>
    %ne3A_39 = arith.constant 0 : i32
    %ne3A_40 = vector.broadcast %ne3A_39 : i32 to vector<1000x1024xi32>
    %ne3A_41 = arith.cmpi ne, %rem3A_38, %ne3A_40 : vector<1000x1024xi32>
    %and3A = arith.andi %ne3A_37, %ne3A_41 : vector<1000x1024xi1>
    %sub3A = arith.constant 1 : i32
    %sub3A_42 = vector.broadcast %sub3A : i32 to vector<1000x1024xi32>
    %sub3A_43 = arith.subi %div3A_21, %sub3A_42 : vector<1000x1024xi32>
    %select_n3A = arith.select %and3A, %sub3A_43, %div3A_21 : vector<1000x1024xi1>, vector<1000x1024xi32>
    %get3A_44 = arith.constant 0 : index
    %get3A_45 = arith.constant 0 : index
    %get3A_46 = vector.load %arg3[%get3A_44, %get3A_45] : memref<1000x1xi32, #tpu.memory_space<vmem>>, vector<1000x1xi32>
    %eq3A = vector.broadcast %get3A_46 : vector<1000x1xi32> to vector<1000x1024xi32>
    %eq3A_47 = arith.cmpi eq, %select_n3A, %eq3A : vector<1000x1024xi32>
    %get3A_48 = arith.constant 0 : index
    %get3A_49 = arith.constant 0 : index
    %get3A_50 = vector.load %arg5[%get3A_48, %get3A_49] : memref<1x1024xf32, #tpu.memory_space<vmem>>, vector<1x1024xf32>
    %add3A_51 = vector.broadcast %get3A_50 : vector<1x1024xf32> to vector<1000x1024xf32>
    %add3A_52 = arith.addf %mul3A_20, %add3A_51 : vector<1000x1024xf32>
    %jit3A_53 = arith.constant -3.000000e+09 : f32
    %broadcast_in_dim3A = vector.broadcast %jit3A_53 : f32 to vector<1000x1024xf32>
    %select_n3A_54 = arith.select %eq3A_47, %add3A_52, %broadcast_in_dim3A : vector<1000x1024xi1>, vector<1000x1024xf32>
    %reduce_max3A = arith.constant dense<0xFF800000> : vector<1000xf32>
    %reduce_max3A_55 = vector.multi_reduction <maximumf>, %select_n3A_54, %reduce_max3A [1] : vector<1000x1024xf32> to vector<1000xf32>
    %broadcast_in_dim3A_56 = vector.shape_cast %reduce_max3A_55 : vector<1000xf32> to vector<1000x1xf32>
    %sub3A_57 = vector.broadcast %broadcast_in_dim3A_56 : vector<1000x1xf32> to vector<1000x1024xf32>
    %sub3A_58 = arith.subf %select_n3A_54, %sub3A_57 : vector<1000x1024xf32>
    %exp3A = math.exp %sub3A_58 : vector<1000x1024xf32>
    %reduce_sum3A = arith.constant dense<0.000000e+00> : vector<1000xf32>
    %reduce_sum3A_59 = vector.multi_reduction <add>, %exp3A, %reduce_sum3A [1] : vector<1000x1024xf32> to vector<1000xf32>
    %broadcast_in_dim3A_60 = vector.shape_cast %reduce_sum3A_59 : vector<1000xf32> to vector<1000x1xf32>
    %div3A_61 = vector.broadcast %broadcast_in_dim3A_60 : vector<1000x1xf32> to vector<1000x1024xf32>
    %div3A_62 = arith.divf %exp3A, %div3A_61 : vector<1000x1024xf32>
    %get3A_63 = arith.constant 0 : index
    %get3A_64 = arith.constant 0 : index
    %get3A_65 = vector.load %arg4[%get3A_63, %get3A_64] : memref<1024x128xf32, #tpu.memory_space<vmem>>, vector<1024x128xf32>
    %dot_general3A_66 = arith.constant dense<0.000000e+00> : vector<1000x128xf32>
    %dot_general3A_67 = tpu.matmul %div3A_62, %get3A_65, %dot_general3A_66 {dimension_numbers = #tpu.dot_dimension_numbers<[1], [0], [0], [1], [0, 0, 1, 1], [], []>, transpose_lhs_hint = false} : vector<1000x1024xf32>, vector<1024x128xf32>, vector<1000x128xf32> -> vector<1000x128xf32>
    %get3A_68 = arith.constant 0 : index
    %get3A_69 = arith.constant 0 : index
    %get3A_70 = vector.load %arg8[%get3A_68, %get3A_69] : memref<128x128xf32, #tpu.memory_space<vmem>>, vector<128x128xf32>
    %dot_general3A_71 = arith.constant dense<0.000000e+00> : vector<1000x128xf32>
    %dot_general3A_72 = tpu.matmul %dot_general3A_67, %get3A_70, %dot_general3A_71 {dimension_numbers = #tpu.dot_dimension_numbers<[1], [0], [0], [1], [0, 0, 1, 1], [], []>, transpose_lhs_hint = false} : vector<1000x128xf32>, vector<128x128xf32>, vector<1000x128xf32> -> vector<1000x128xf32>
    %get3A_73 = arith.constant 0 : index
    %get3A_74 = arith.constant 0 : index
    %get3A_75 = vector.load %arg9[%get3A_73, %get3A_74] : memref<1x128xf32, #tpu.memory_space<vmem>>, vector<1x128xf32>
    %add3A_76 = vector.broadcast %get3A_75 : vector<1x128xf32> to vector<1000x128xf32>
    %add3A_77 = arith.addf %dot_general3A_72, %add3A_76 : vector<1000x128xf32>
    %swap3A = arith.constant 0 : index
    %swap3A_78 = arith.constant 0 : index
    %swap3A_79 = vector.load %arg10[%swap3A, %swap3A_78] : memref<1000x128xf32, #tpu.memory_space<vmem>>, vector<1000x128xf32>
    tpu.vector_store %arg10[%swap3A, %swap3A_78], %add3A_77 {strides = array<i32>} : memref<1000x128xf32, #tpu.memory_space<vmem>>, vector<1000x128xf32>,
    return
  }
  func.func @transform_0(%arg0: i32) -> (i32, i32) {
    %c0_i32 = arith.constant 0 : i32
    %c0_i32_0 = arith.constant 0 : i32
    return %arg0, %c0_i32 : i32, i32
  }
  func.func @transform_1(%arg0: i32) -> (i32, i32) {
    %c0_i32 = arith.constant 0 : i32
    %c0_i32_0 = arith.constant 0 : i32
    return %arg0, %c0_i32 : i32, i32
  }
  func.func @transform_2(%arg0: i32) -> (i32, i32) {
    %c0_i32 = arith.constant 0 : i32
    %c0_i32_0 = arith.constant 0 : i32
    return %arg0, %c0_i32 : i32, i32
  }
  func.func @transform_3(%arg0: i32) -> (i32, i32) {
    %c0_i32 = arith.constant 0 : i32
    %c0_i32_0 = arith.constant 0 : i32
    %c0_i32_1 = arith.constant 0 : i32
    return %c0_i32, %c0_i32_0 : i32, i32
  }
  func.func @transform_4(%arg0: i32) -> (i32, i32) {
    %c0_i32 = arith.constant 0 : i32
    %c0_i32_0 = arith.constant 0 : i32
    %c0_i32_1 = arith.constant 0 : i32
    return %c0_i32, %c0_i32_0 : i32, i32
  }
  func.func @transform_5(%arg0: i32) -> (i32, i32) {
    %c0_i32 = arith.constant 0 : i32
    %c0_i32_0 = arith.constant 0 : i32
    %c0_i32_1 = arith.constant 0 : i32
    return %c0_i32, %c0_i32_0 : i32, i32
  }
  func.func @transform_6(%arg0: i32) -> (i32, i32) {
    %c0_i32 = arith.constant 0 : i32
    %c0_i32_0 = arith.constant 0 : i32
    %c0_i32_1 = arith.constant 0 : i32
    return %c0_i32, %c0_i32_0 : i32, i32
  }
  func.func @transform_7(%arg0: i32) -> (i32, i32) {
    %c0_i32 = arith.constant 0 : i32
    %c0_i32_0 = arith.constant 0 : i32
    %c0_i32_1 = arith.constant 0 : i32
    return %c0_i32, %c0_i32_0 : i32, i32
  }
  func.func @transform_8(%arg0: i32) -> (i32, i32) {
    %c0_i32 = arith.constant 0 : i32
    %c0_i32_0 = arith.constant 0 : i32
    %c0_i32_1 = arith.constant 0 : i32
    return %c0_i32, %c0_i32_0 : i32, i32
  }
  func.func @transform_9(%arg0: i32) -> (i32, i32) {
    %c0_i32 = arith.constant 0 : i32
    %c0_i32_0 = arith.constant 0 : i32
    return %arg0, %c0_i32 : i32, i32
  }
}

module attributes {stable_mosaic.version = 14 : i64} {
  func.func @_comb_body(%arg0: i32, %arg1: memref<1000x128xf32, #tpu.memory_space<vmem>>, %arg2: memref<1000x128xf32, #tpu.memory_space<vmem>>, %arg3: memref<1000x128xf32, #tpu.memory_space<vmem>>, %arg4: memref<1000x32xf32, #tpu.memory_space<vmem>>, %arg5: memref<1000x32xf32, #tpu.memory_space<vmem>>, %arg6: memref<1000x3xf32, #tpu.memory_space<vmem>>, %arg7: memref<128x128xf32, #tpu.memory_space<vmem>>, %arg8: memref<21x128xf32, #tpu.memory_space<vmem>>, %arg9: memref<3x128xf32, #tpu.memory_space<vmem>>, %arg10: memref<1x128xf32, #tpu.memory_space<vmem>>, %arg11: memref<128x64xf32, #tpu.memory_space<vmem>>, %arg12: memref<1x64xf32, #tpu.memory_space<vmem>>, %arg13: memref<64x1xf32, #tpu.memory_space<vmem>>, %arg14: memref<1x1xf32, #tpu.memory_space<vmem>>, %arg15: memref<1000x128xf32, #tpu.memory_space<vmem>>) attributes {dimension_semantics = [#tpu.dimension_semantics<arbitrary>], iteration_bounds = array<i64: 10>, scalar_prefetch = 0 : i64, scratch_operands = 0 : i64, tpu.core_type = #tpu.core_type<tc>, window_params = [{transform_indices = @transform_0, window_bounds = array<i64: 1000, 128>}, {transform_indices = @transform_1, window_bounds = array<i64: 1000, 128>}, {transform_indices = @transform_2, window_bounds = array<i64: 1000, 128>}, {transform_indices = @transform_3, window_bounds = array<i64: 1000, 32>}, {transform_indices = @transform_4, window_bounds = array<i64: 1000, 32>}, {transform_indices = @transform_5, window_bounds = array<i64: 1000, 3>}, {pipeline_mode = #tpu.pipeline_mode<synchronous>, transform_indices = @transform_6, window_bounds = array<i64: 128, 128>}, {pipeline_mode = #tpu.pipeline_mode<synchronous>, transform_indices = @transform_7, window_bounds = array<i64: 21, 128>}, {pipeline_mode = #tpu.pipeline_mode<synchronous>, transform_indices = @transform_8, window_bounds = array<i64: 3, 128>}, {pipeline_mode = #tpu.pipeline_mode<synchronous>, transform_indices = @transform_9, window_bounds = array<i64: 1, 128>}, {pipeline_mode = #tpu.pipeline_mode<synchronous>, transform_indices = @transform_10, window_bounds = array<i64: 128, 64>}, {pipeline_mode = #tpu.pipeline_mode<synchronous>, transform_indices = @transform_11, window_bounds = array<i64: 1, 64>}, {pipeline_mode = #tpu.pipeline_mode<synchronous>, transform_indices = @transform_12, window_bounds = array<i64: 64, 1>}, {pipeline_mode = #tpu.pipeline_mode<synchronous>, transform_indices = @transform_13, window_bounds = array<i64: 1, 1>}, {transform_indices = @transform_14, window_bounds = array<i64: 1000, 128>}]} {
    %get3A = arith.constant 0 : index
    %get3A_0 = arith.constant 0 : index
    %get3A_1 = vector.load %arg4[%get3A, %get3A_0] : memref<1000x32xf32, #tpu.memory_space<vmem>>, vector<1000x32xf32>
    %get3A_2 = arith.constant 0 : index
    %get3A_3 = arith.constant 0 : index
    %get3A_4 = vector.load %arg5[%get3A_2, %get3A_3] : memref<1000x32xf32, #tpu.memory_space<vmem>>, vector<1000x32xf32>
    %add3A = arith.addf %get3A_1, %get3A_4 : vector<1000x32xf32>
    %slice3A = vector.extract_strided_slice %add3A {offsets = [0, 0], sizes = [1000, 21], strides = [1, 1]} : vector<1000x32xf32> to vector<1000x21xf32>
    %slice3A_5 = vector.extract_strided_slice %add3A {offsets = [0, 21], sizes = [1000, 3], strides = [1, 1]} : vector<1000x32xf32> to vector<1000x3xf32>
    %slice3A_6 = vector.extract_strided_slice %add3A {offsets = [0, 24], sizes = [1000, 1], strides = [1, 1]} : vector<1000x32xf32> to vector<1000x1xf32>
    %get3A_7 = arith.constant 0 : index
    %get3A_8 = arith.constant 0 : index
    %get3A_9 = vector.load %arg6[%get3A_7, %get3A_8] : memref<1000x3xf32, #tpu.memory_space<vmem>>, vector<1000x3xf32>
    %mul3A = vector.broadcast %slice3A_6 : vector<1000x1xf32> to vector<1000x3xf32>
    %mul3A_10 = arith.mulf %mul3A, %get3A_9 : vector<1000x3xf32>
    %sub3A = arith.subf %mul3A_10, %slice3A_5 : vector<1000x3xf32>
    %max3A = arith.constant 1.000000e+00 : f32
    %max3A_11 = vector.broadcast %max3A : f32 to vector<1000x1xf32>
    %max3A_12 = arith.maximumf %slice3A_6, %max3A_11 : vector<1000x1xf32>
    %get3A_13 = arith.constant 0 : index
    %get3A_14 = arith.constant 0 : index
    %get3A_15 = vector.load %arg2[%get3A_13, %get3A_14] : memref<1000x128xf32, #tpu.memory_space<vmem>>, vector<1000x128xf32>
    %get3A_16 = arith.constant 0 : index
    %get3A_17 = arith.constant 0 : index
    %get3A_18 = vector.load %arg3[%get3A_16, %get3A_17] : memref<1000x128xf32, #tpu.memory_space<vmem>>, vector<1000x128xf32>
    %add3A_19 = arith.addf %get3A_15, %get3A_18 : vector<1000x128xf32>
    %get3A_20 = arith.constant 0 : index
    %get3A_21 = arith.constant 0 : index
    %get3A_22 = vector.load %arg7[%get3A_20, %get3A_21] : memref<128x128xf32, #tpu.memory_space<vmem>>, vector<128x128xf32>
    %dot_general3A = arith.constant dense<0.000000e+00> : vector<1000x128xf32>
    %dot_general3A_23 = tpu.matmul %add3A_19, %get3A_22, %dot_general3A {dimension_numbers = #tpu.dot_dimension_numbers<[1], [0], [0], [1], [0, 0, 1, 1], [], []>, transpose_lhs_hint = false} : vector<1000x128xf32>, vector<128x128xf32>, vector<1000x128xf32> -> vector<1000x128xf32>
    %get3A_24 = arith.constant 0 : index
    %get3A_25 = arith.constant 0 : index
    %get3A_26 = vector.load %arg8[%get3A_24, %get3A_25] : memref<21x128xf32, #tpu.memory_space<vmem>>, vector<21x128xf32>
    %dot_general3A_27 = arith.constant dense<0.000000e+00> : vector<1000x128xf32>
    %dot_general3A_28 = tpu.matmul %slice3A, %get3A_26, %dot_general3A_27 {dimension_numbers = #tpu.dot_dimension_numbers<[1], [0], [0], [1], [0, 0, 1, 1], [], []>, transpose_lhs_hint = false} : vector<1000x21xf32>, vector<21x128xf32>, vector<1000x128xf32> -> vector<1000x128xf32>
    %add3A_29 = arith.addf %dot_general3A_23, %dot_general3A_28 : vector<1000x128xf32>
    %get3A_30 = arith.constant 0 : index
    %get3A_31 = arith.constant 0 : index
    %get3A_32 = vector.load %arg9[%get3A_30, %get3A_31] : memref<3x128xf32, #tpu.memory_space<vmem>>, vector<3x128xf32>
    %dot_general3A_33 = arith.constant dense<0.000000e+00> : vector<1000x128xf32>
    %dot_general3A_34 = tpu.matmul %sub3A, %get3A_32, %dot_general3A_33 {dimension_numbers = #tpu.dot_dimension_numbers<[1], [0], [0], [1], [0, 0, 1, 1], [], []>, transpose_lhs_hint = false} : vector<1000x3xf32>, vector<3x128xf32>, vector<1000x128xf32> -> vector<1000x128xf32>
    %add3A_35 = arith.addf %add3A_29, %dot_general3A_34 : vector<1000x128xf32>
    %get3A_36 = arith.constant 0 : index
    %get3A_37 = arith.constant 0 : index
    %get3A_38 = vector.load %arg10[%get3A_36, %get3A_37] : memref<1x128xf32, #tpu.memory_space<vmem>>, vector<1x128xf32>
    %mul3A_39 = vector.broadcast %slice3A_6 : vector<1000x1xf32> to vector<1000x128xf32>
    %mul3A_40 = vector.broadcast %get3A_38 : vector<1x128xf32> to vector<1000x128xf32>
    %mul3A_41 = arith.mulf %mul3A_39, %mul3A_40 : vector<1000x128xf32>
    %add3A_42 = arith.addf %add3A_35, %mul3A_41 : vector<1000x128xf32>
    %div3A = vector.broadcast %max3A_12 : vector<1000x1xf32> to vector<1000x128xf32>
    %div3A_43 = arith.divf %add3A_42, %div3A : vector<1000x128xf32>
    %get3A_44 = arith.constant 0 : index
    %get3A_45 = arith.constant 0 : index
    %get3A_46 = vector.load %arg1[%get3A_44, %get3A_45] : memref<1000x128xf32, #tpu.memory_space<vmem>>, vector<1000x128xf32>
    %add3A_47 = arith.addf %div3A_43, %get3A_46 : vector<1000x128xf32>
    %max3A_48 = arith.constant 0.000000e+00 : f32
    %max3A_49 = vector.broadcast %max3A_48 : f32 to vector<1000x128xf32>
    %max3A_50 = arith.maximumf %add3A_47, %max3A_49 : vector<1000x128xf32>
    %swap3A = arith.constant 0 : index
    %swap3A_51 = arith.constant 0 : index
    %swap3A_52 = vector.load %arg15[%swap3A, %swap3A_51] : memref<1000x128xf32, #tpu.memory_space<vmem>>, vector<1000x128xf32>
    tpu.vector_store %arg15[%swap3A, %swap3A_51], %max3A_50 {strides = array<i32>} : memref<1000x128xf32, #tpu.memory_space<vmem>>, vector<1000x128xf32>,
    return
  }
  func.func @transform_0(%arg0: i32) -> (i32, i32) {
    %c0_i32 = arith.constant 0 : i32
    %c0_i32_0 = arith.constant 0 : i32
    return %arg0, %c0_i32 : i32, i32
  }
  func.func @transform_1(%arg0: i32) -> (i32, i32) {
    %c0_i32 = arith.constant 0 : i32
    %c0_i32_0 = arith.constant 0 : i32
    return %arg0, %c0_i32 : i32, i32
  }
  func.func @transform_2(%arg0: i32) -> (i32, i32) {
    %c0_i32 = arith.constant 0 : i32
    %c0_i32_0 = arith.constant 0 : i32
    return %arg0, %c0_i32 : i32, i32
  }
  func.func @transform_3(%arg0: i32) -> (i32, i32) {
    %c0_i32 = arith.constant 0 : i32
    %c0_i32_0 = arith.constant 0 : i32
    return %arg0, %c0_i32 : i32, i32
  }
  func.func @transform_4(%arg0: i32) -> (i32, i32) {
    %c0_i32 = arith.constant 0 : i32
    %c0_i32_0 = arith.constant 0 : i32
    return %arg0, %c0_i32 : i32, i32
  }
  func.func @transform_5(%arg0: i32) -> (i32, i32) {
    %c0_i32 = arith.constant 0 : i32
    %c0_i32_0 = arith.constant 0 : i32
    return %arg0, %c0_i32 : i32, i32
  }
  func.func @transform_6(%arg0: i32) -> (i32, i32) {
    %c0_i32 = arith.constant 0 : i32
    %c0_i32_0 = arith.constant 0 : i32
    %c0_i32_1 = arith.constant 0 : i32
    return %c0_i32, %c0_i32_0 : i32, i32
  }
  func.func @transform_7(%arg0: i32) -> (i32, i32) {
    %c0_i32 = arith.constant 0 : i32
    %c0_i32_0 = arith.constant 0 : i32
    %c0_i32_1 = arith.constant 0 : i32
    return %c0_i32, %c0_i32_0 : i32, i32
  }
  func.func @transform_8(%arg0: i32) -> (i32, i32) {
    %c0_i32 = arith.constant 0 : i32
    %c0_i32_0 = arith.constant 0 : i32
    %c0_i32_1 = arith.constant 0 : i32
    return %c0_i32, %c0_i32_0 : i32, i32
  }
  func.func @transform_9(%arg0: i32) -> (i32, i32) {
    %c0_i32 = arith.constant 0 : i32
    %c0_i32_0 = arith.constant 0 : i32
    %c0_i32_1 = arith.constant 0 : i32
    return %c0_i32, %c0_i32_0 : i32, i32
  }
  func.func @transform_10(%arg0: i32) -> (i32, i32) {
    %c0_i32 = arith.constant 0 : i32
    %c0_i32_0 = arith.constant 0 : i32
    %c0_i32_1 = arith.constant 0 : i32
    return %c0_i32, %c0_i32_0 : i32, i32
  }
  func.func @transform_11(%arg0: i32) -> (i32, i32) {
    %c0_i32 = arith.constant 0 : i32
    %c0_i32_0 = arith.constant 0 : i32
    %c0_i32_1 = arith.constant 0 : i32
    return %c0_i32, %c0_i32_0 : i32, i32
  }
  func.func @transform_12(%arg0: i32) -> (i32, i32) {
    %c0_i32 = arith.constant 0 : i32
    %c0_i32_0 = arith.constant 0 : i32
    %c0_i32_1 = arith.constant 0 : i32
    return %c0_i32, %c0_i32_0 : i32, i32
  }
  func.func @transform_13(%arg0: i32) -> (i32, i32) {
    %c0_i32 = arith.constant 0 : i32
    %c0_i32_0 = arith.constant 0 : i32
    %c0_i32_1 = arith.constant 0 : i32
    return %c0_i32, %c0_i32_0 : i32, i32
  }
  func.func @transform_14(%arg0: i32) -> (i32, i32) {
    %c0_i32 = arith.constant 0 : i32
    %c0_i32_0 = arith.constant 0 : i32
    return %arg0, %c0_i32 : i32, i32
  }
}

module attributes {stable_mosaic.version = 14 : i64} {
  func.func @_comb_body(%arg0: i32, %arg1: memref<1000x128xf32, #tpu.memory_space<vmem>>, %arg2: memref<1000x128xf32, #tpu.memory_space<vmem>>, %arg3: memref<1000x128xf32, #tpu.memory_space<vmem>>, %arg4: memref<1000x32xf32, #tpu.memory_space<vmem>>, %arg5: memref<1000x32xf32, #tpu.memory_space<vmem>>, %arg6: memref<1000x3xf32, #tpu.memory_space<vmem>>, %arg7: memref<128x128xf32, #tpu.memory_space<vmem>>, %arg8: memref<21x128xf32, #tpu.memory_space<vmem>>, %arg9: memref<3x128xf32, #tpu.memory_space<vmem>>, %arg10: memref<1x128xf32, #tpu.memory_space<vmem>>, %arg11: memref<128x64xf32, #tpu.memory_space<vmem>>, %arg12: memref<1x64xf32, #tpu.memory_space<vmem>>, %arg13: memref<64x1xf32, #tpu.memory_space<vmem>>, %arg14: memref<1x1xf32, #tpu.memory_space<vmem>>, %arg15: memref<1000x1xf32, #tpu.memory_space<vmem>>) attributes {dimension_semantics = [#tpu.dimension_semantics<arbitrary>], iteration_bounds = array<i64: 10>, scalar_prefetch = 0 : i64, scratch_operands = 0 : i64, tpu.core_type = #tpu.core_type<tc>, window_params = [{transform_indices = @transform_0, window_bounds = array<i64: 1000, 128>}, {transform_indices = @transform_1, window_bounds = array<i64: 1000, 128>}, {transform_indices = @transform_2, window_bounds = array<i64: 1000, 128>}, {transform_indices = @transform_3, window_bounds = array<i64: 1000, 32>}, {transform_indices = @transform_4, window_bounds = array<i64: 1000, 32>}, {transform_indices = @transform_5, window_bounds = array<i64: 1000, 3>}, {pipeline_mode = #tpu.pipeline_mode<synchronous>, transform_indices = @transform_6, window_bounds = array<i64: 128, 128>}, {pipeline_mode = #tpu.pipeline_mode<synchronous>, transform_indices = @transform_7, window_bounds = array<i64: 21, 128>}, {pipeline_mode = #tpu.pipeline_mode<synchronous>, transform_indices = @transform_8, window_bounds = array<i64: 3, 128>}, {pipeline_mode = #tpu.pipeline_mode<synchronous>, transform_indices = @transform_9, window_bounds = array<i64: 1, 128>}, {pipeline_mode = #tpu.pipeline_mode<synchronous>, transform_indices = @transform_10, window_bounds = array<i64: 128, 64>}, {pipeline_mode = #tpu.pipeline_mode<synchronous>, transform_indices = @transform_11, window_bounds = array<i64: 1, 64>}, {pipeline_mode = #tpu.pipeline_mode<synchronous>, transform_indices = @transform_12, window_bounds = array<i64: 64, 1>}, {pipeline_mode = #tpu.pipeline_mode<synchronous>, transform_indices = @transform_13, window_bounds = array<i64: 1, 1>}, {transform_indices = @transform_14, window_bounds = array<i64: 1000, 1>}]} {
    %get3A = arith.constant 0 : index
    %get3A_0 = arith.constant 0 : index
    %get3A_1 = vector.load %arg4[%get3A, %get3A_0] : memref<1000x32xf32, #tpu.memory_space<vmem>>, vector<1000x32xf32>
    %get3A_2 = arith.constant 0 : index
    %get3A_3 = arith.constant 0 : index
    %get3A_4 = vector.load %arg5[%get3A_2, %get3A_3] : memref<1000x32xf32, #tpu.memory_space<vmem>>, vector<1000x32xf32>
    %add3A = arith.addf %get3A_1, %get3A_4 : vector<1000x32xf32>
    %slice3A = vector.extract_strided_slice %add3A {offsets = [0, 0], sizes = [1000, 21], strides = [1, 1]} : vector<1000x32xf32> to vector<1000x21xf32>
    %slice3A_5 = vector.extract_strided_slice %add3A {offsets = [0, 21], sizes = [1000, 3], strides = [1, 1]} : vector<1000x32xf32> to vector<1000x3xf32>
    %slice3A_6 = vector.extract_strided_slice %add3A {offsets = [0, 24], sizes = [1000, 1], strides = [1, 1]} : vector<1000x32xf32> to vector<1000x1xf32>
    %get3A_7 = arith.constant 0 : index
    %get3A_8 = arith.constant 0 : index
    %get3A_9 = vector.load %arg6[%get3A_7, %get3A_8] : memref<1000x3xf32, #tpu.memory_space<vmem>>, vector<1000x3xf32>
    %mul3A = vector.broadcast %slice3A_6 : vector<1000x1xf32> to vector<1000x3xf32>
    %mul3A_10 = arith.mulf %mul3A, %get3A_9 : vector<1000x3xf32>
    %sub3A = arith.subf %mul3A_10, %slice3A_5 : vector<1000x3xf32>
    %max3A = arith.constant 1.000000e+00 : f32
    %max3A_11 = vector.broadcast %max3A : f32 to vector<1000x1xf32>
    %max3A_12 = arith.maximumf %slice3A_6, %max3A_11 : vector<1000x1xf32>
    %get3A_13 = arith.constant 0 : index
    %get3A_14 = arith.constant 0 : index
    %get3A_15 = vector.load %arg2[%get3A_13, %get3A_14] : memref<1000x128xf32, #tpu.memory_space<vmem>>, vector<1000x128xf32>
    %get3A_16 = arith.constant 0 : index
    %get3A_17 = arith.constant 0 : index
    %get3A_18 = vector.load %arg3[%get3A_16, %get3A_17] : memref<1000x128xf32, #tpu.memory_space<vmem>>, vector<1000x128xf32>
    %add3A_19 = arith.addf %get3A_15, %get3A_18 : vector<1000x128xf32>
    %get3A_20 = arith.constant 0 : index
    %get3A_21 = arith.constant 0 : index
    %get3A_22 = vector.load %arg7[%get3A_20, %get3A_21] : memref<128x128xf32, #tpu.memory_space<vmem>>, vector<128x128xf32>
    %dot_general3A = arith.constant dense<0.000000e+00> : vector<1000x128xf32>
    %dot_general3A_23 = tpu.matmul %add3A_19, %get3A_22, %dot_general3A {dimension_numbers = #tpu.dot_dimension_numbers<[1], [0], [0], [1], [0, 0, 1, 1], [], []>, transpose_lhs_hint = false} : vector<1000x128xf32>, vector<128x128xf32>, vector<1000x128xf32> -> vector<1000x128xf32>
    %get3A_24 = arith.constant 0 : index
    %get3A_25 = arith.constant 0 : index
    %get3A_26 = vector.load %arg8[%get3A_24, %get3A_25] : memref<21x128xf32, #tpu.memory_space<vmem>>, vector<21x128xf32>
    %dot_general3A_27 = arith.constant dense<0.000000e+00> : vector<1000x128xf32>
    %dot_general3A_28 = tpu.matmul %slice3A, %get3A_26, %dot_general3A_27 {dimension_numbers = #tpu.dot_dimension_numbers<[1], [0], [0], [1], [0, 0, 1, 1], [], []>, transpose_lhs_hint = false} : vector<1000x21xf32>, vector<21x128xf32>, vector<1000x128xf32> -> vector<1000x128xf32>
    %add3A_29 = arith.addf %dot_general3A_23, %dot_general3A_28 : vector<1000x128xf32>
    %get3A_30 = arith.constant 0 : index
    %get3A_31 = arith.constant 0 : index
    %get3A_32 = vector.load %arg9[%get3A_30, %get3A_31] : memref<3x128xf32, #tpu.memory_space<vmem>>, vector<3x128xf32>
    %dot_general3A_33 = arith.constant dense<0.000000e+00> : vector<1000x128xf32>
    %dot_general3A_34 = tpu.matmul %sub3A, %get3A_32, %dot_general3A_33 {dimension_numbers = #tpu.dot_dimension_numbers<[1], [0], [0], [1], [0, 0, 1, 1], [], []>, transpose_lhs_hint = false} : vector<1000x3xf32>, vector<3x128xf32>, vector<1000x128xf32> -> vector<1000x128xf32>
    %add3A_35 = arith.addf %add3A_29, %dot_general3A_34 : vector<1000x128xf32>
    %get3A_36 = arith.constant 0 : index
    %get3A_37 = arith.constant 0 : index
    %get3A_38 = vector.load %arg10[%get3A_36, %get3A_37] : memref<1x128xf32, #tpu.memory_space<vmem>>, vector<1x128xf32>
    %mul3A_39 = vector.broadcast %slice3A_6 : vector<1000x1xf32> to vector<1000x128xf32>
    %mul3A_40 = vector.broadcast %get3A_38 : vector<1x128xf32> to vector<1000x128xf32>
    %mul3A_41 = arith.mulf %mul3A_39, %mul3A_40 : vector<1000x128xf32>
    %add3A_42 = arith.addf %add3A_35, %mul3A_41 : vector<1000x128xf32>
    %div3A = vector.broadcast %max3A_12 : vector<1000x1xf32> to vector<1000x128xf32>
    %div3A_43 = arith.divf %add3A_42, %div3A : vector<1000x128xf32>
    %get3A_44 = arith.constant 0 : index
    %get3A_45 = arith.constant 0 : index
    %get3A_46 = vector.load %arg1[%get3A_44, %get3A_45] : memref<1000x128xf32, #tpu.memory_space<vmem>>, vector<1000x128xf32>
    %add3A_47 = arith.addf %div3A_43, %get3A_46 : vector<1000x128xf32>
    %max3A_48 = arith.constant 0.000000e+00 : f32
    %max3A_49 = vector.broadcast %max3A_48 : f32 to vector<1000x128xf32>
    %max3A_50 = arith.maximumf %add3A_47, %max3A_49 : vector<1000x128xf32>
    %get3A_51 = arith.constant 0 : index
    %get3A_52 = arith.constant 0 : index
    %get3A_53 = vector.load %arg11[%get3A_51, %get3A_52] : memref<128x64xf32, #tpu.memory_space<vmem>>, vector<128x64xf32>
    %dot_general3A_54 = arith.constant dense<0.000000e+00> : vector<1000x64xf32>
    %dot_general3A_55 = tpu.matmul %max3A_50, %get3A_53, %dot_general3A_54 {dimension_numbers = #tpu.dot_dimension_numbers<[1], [0], [0], [1], [0, 0, 1, 1], [], []>, transpose_lhs_hint = false} : vector<1000x128xf32>, vector<128x64xf32>, vector<1000x64xf32> -> vector<1000x64xf32>
    %get3A_56 = arith.constant 0 : index
    %get3A_57 = arith.constant 0 : index
    %get3A_58 = vector.load %arg12[%get3A_56, %get3A_57] : memref<1x64xf32, #tpu.memory_space<vmem>>, vector<1x64xf32>
    %add3A_59 = vector.broadcast %get3A_58 : vector<1x64xf32> to vector<1000x64xf32>
    %add3A_60 = arith.addf %dot_general3A_55, %add3A_59 : vector<1000x64xf32>
    %max3A_61 = arith.constant 0.000000e+00 : f32
    %max3A_62 = vector.broadcast %max3A_61 : f32 to vector<1000x64xf32>
    %max3A_63 = arith.maximumf %add3A_60, %max3A_62 : vector<1000x64xf32>
    %get3A_64 = arith.constant 0 : index
    %get3A_65 = arith.constant 0 : index
    %get3A_66 = vector.load %arg13[%get3A_64, %get3A_65] : memref<64x1xf32, #tpu.memory_space<vmem>>, vector<64x1xf32>
    %dot_general3A_67 = arith.constant dense<0.000000e+00> : vector<1000x1xf32>
    %dot_general3A_68 = tpu.matmul %max3A_63, %get3A_66, %dot_general3A_67 {dimension_numbers = #tpu.dot_dimension_numbers<[1], [0], [0], [1], [0, 0, 1, 1], [], []>, transpose_lhs_hint = false} : vector<1000x64xf32>, vector<64x1xf32>, vector<1000x1xf32> -> vector<1000x1xf32>
    %get3A_69 = arith.constant 0 : index
    %get3A_70 = arith.constant 0 : index
    %get3A_71 = vector.load %arg14[%get3A_69, %get3A_70] : memref<1x1xf32, #tpu.memory_space<vmem>>, vector<1x1xf32>
    %add3A_72 = vector.broadcast %get3A_71 : vector<1x1xf32> to vector<1000x1xf32>
    %add3A_73 = arith.addf %dot_general3A_68, %add3A_72 : vector<1000x1xf32>
    %logistic3A = arith.negf %add3A_73 : vector<1000x1xf32>
    %logistic3A_74 = math.exp %logistic3A : vector<1000x1xf32>
    %logistic3A_75 = arith.constant 1.000000e+00 : f32
    %logistic3A_76 = vector.broadcast %logistic3A_75 : f32 to vector<1000x1xf32>
    %logistic3A_77 = arith.addf %logistic3A_76, %logistic3A_74 : vector<1000x1xf32>
    %logistic3A_78 = arith.divf %logistic3A_76, %logistic3A_77 : vector<1000x1xf32>
    %swap3A = arith.constant 0 : index
    %swap3A_79 = arith.constant 0 : index
    %swap3A_80 = vector.load %arg15[%swap3A, %swap3A_79] : memref<1000x1xf32, #tpu.memory_space<vmem>>, vector<1000x1xf32>
    tpu.vector_store %arg15[%swap3A, %swap3A_79], %logistic3A_78 {strides = array<i32>} : memref<1000x1xf32, #tpu.memory_space<vmem>>, vector<1000x1xf32>,
    return
  }
  func.func @transform_0(%arg0: i32) -> (i32, i32) {
    %c0_i32 = arith.constant 0 : i32
    %c0_i32_0 = arith.constant 0 : i32
    return %arg0, %c0_i32 : i32, i32
  }
  func.func @transform_1(%arg0: i32) -> (i32, i32) {
    %c0_i32 = arith.constant 0 : i32
    %c0_i32_0 = arith.constant 0 : i32
    return %arg0, %c0_i32 : i32, i32
  }
  func.func @transform_2(%arg0: i32) -> (i32, i32) {
    %c0_i32 = arith.constant 0 : i32
    %c0_i32_0 = arith.constant 0 : i32
    return %arg0, %c0_i32 : i32, i32
  }
  func.func @transform_3(%arg0: i32) -> (i32, i32) {
    %c0_i32 = arith.constant 0 : i32
    %c0_i32_0 = arith.constant 0 : i32
    return %arg0, %c0_i32 : i32, i32
  }
  func.func @transform_4(%arg0: i32) -> (i32, i32) {
    %c0_i32 = arith.constant 0 : i32
    %c0_i32_0 = arith.constant 0 : i32
    return %arg0, %c0_i32 : i32, i32
  }
  func.func @transform_5(%arg0: i32) -> (i32, i32) {
    %c0_i32 = arith.constant 0 : i32
    %c0_i32_0 = arith.constant 0 : i32
    return %arg0, %c0_i32 : i32, i32
  }
  func.func @transform_6(%arg0: i32) -> (i32, i32) {
    %c0_i32 = arith.constant 0 : i32
    %c0_i32_0 = arith.constant 0 : i32
    %c0_i32_1 = arith.constant 0 : i32
    return %c0_i32, %c0_i32_0 : i32, i32
  }
  func.func @transform_7(%arg0: i32) -> (i32, i32) {
    %c0_i32 = arith.constant 0 : i32
    %c0_i32_0 = arith.constant 0 : i32
    %c0_i32_1 = arith.constant 0 : i32
    return %c0_i32, %c0_i32_0 : i32, i32
  }
  func.func @transform_8(%arg0: i32) -> (i32, i32) {
    %c0_i32 = arith.constant 0 : i32
    %c0_i32_0 = arith.constant 0 : i32
    %c0_i32_1 = arith.constant 0 : i32
    return %c0_i32, %c0_i32_0 : i32, i32
  }
  func.func @transform_9(%arg0: i32) -> (i32, i32) {
    %c0_i32 = arith.constant 0 : i32
    %c0_i32_0 = arith.constant 0 : i32
    %c0_i32_1 = arith.constant 0 : i32
    return %c0_i32, %c0_i32_0 : i32, i32
  }
  func.func @transform_10(%arg0: i32) -> (i32, i32) {
    %c0_i32 = arith.constant 0 : i32
    %c0_i32_0 = arith.constant 0 : i32
    %c0_i32_1 = arith.constant 0 : i32
    return %c0_i32, %c0_i32_0 : i32, i32
  }
  func.func @transform_11(%arg0: i32) -> (i32, i32) {
    %c0_i32 = arith.constant 0 : i32
    %c0_i32_0 = arith.constant 0 : i32
    %c0_i32_1 = arith.constant 0 : i32
    return %c0_i32, %c0_i32_0 : i32, i32
  }
  func.func @transform_12(%arg0: i32) -> (i32, i32) {
    %c0_i32 = arith.constant 0 : i32
    %c0_i32_0 = arith.constant 0 : i32
    %c0_i32_1 = arith.constant 0 : i32
    return %c0_i32, %c0_i32_0 : i32, i32
  }
  func.func @transform_13(%arg0: i32) -> (i32, i32) {
    %c0_i32 = arith.constant 0 : i32
    %c0_i32_0 = arith.constant 0 : i32
    %c0_i32_1 = arith.constant 0 : i32
    return %c0_i32, %c0_i32_0 : i32, i32
  }
  func.func @transform_14(%arg0: i32) -> (i32, i32) {
    %c0_i32 = arith.constant 0 : i32
    %c0_i32_0 = arith.constant 0 : i32
    return %arg0, %c0_i32 : i32, i32
  }
}

</mosaic_0001>

<sc_bundles>
// kernel: kernel.14.cloned.1.call-start
scs
__scs_entry_jumppad:
0x0: {  	(pc) =	sbr.rel $0x88, $3  }
0x1: {  	(tag) =	ssettag $0x0;
	lr =	simm.s32 $0x1  }
0x2: {  	[smem:$0x3F7B] =	sst lr;
	_ =	strace $0xD0000000  }
0x3: {  	_ = 	snop  }
0x4: {  	_ = 	snop  }
0x5: {  	_ = 	snop  }
0x6: {  	_ = 	snop  }
0x7: {  	_ = 	snop  }
__scs_overlays_trampoline_lowered:
0x8: {  	[smem:$0x3F8A] =	sst s0  }
0x9: {  	[smem:$0x3F8B] =	sst s1  }
0xa: {  	[smem:$0x3F8C] =	sst s2  }
0xb: {  	[smem:$0x3F8D] =	sst s3  }
0xc: {  	[smem:$0x3F8E] =	sst s4  }
0xd: {  	[smem:$0x3F8F] =	sst s5  }
0xe: {  	[smem:$0x3F90] =	sst s6  }
0xf: {  	[smem:$0x3F91] =	sst s7  }
0x10: {  	[smem:$0x3F92] =	sst s8  }
0x11: {  	[smem:$0x3F93] =	sst s9;
	s0 =	simm.s32 @!p0 $0x0  }
0x12: {  	s1 =	sld [smem:$0x3F79];
	s0 =	simm.s32 @p0 $0x1  }
0x13: {  	[smem:$0x3F94] =	sst s0;
	s0 =	simm.s32 @!p1 $0x0  }
0x14: {  	s2 =	sld [smem:$0x3F78];
	s0 =	simm.s32 @p1 $0x1  }
0x15: {  	[smem:$0x3F95] =	sst s0;
	s0 =	simm.s32 @!p2 $0x0  }
0x16: {  	s3 =	sld [smem:$0x3FDB];
	s0 =	simm.s32 @p2 $0x1  }
0x17: {  	s4 =	simm.s32 $0x1BF5;
	[smem:$0x3F97] =	sst s0  }
0x18: {  	s0 =	sld [smem:$0x3F7A];
	_ =	swait.ge [sflag:s4], $0x0  }
0x19: {  	s7 =	sld [smem:$0x3F7B]  }
0x1a: {  	s8 =	sadd.s32 $0xFFFFE003, lr  }
0x1b: {  	s9 =	sadd.s32 $0xFFFFFEF7, lr;
	s5 =	simm.s32 $0xFFFFFFFF;
	p2 =	slt.u32 s8, $0xFFFFF086  }
0x1c: {  	p1 =	slt.u32 s9, $0xF7A;
	s5 =	simm.s32 @!p2 $0x0  }
0x1d: {  	s5 =	simm.s32 @p1 $0x1;
	p0 =	seq.s32 s7, s2  }
0x1e: {  	s7 =	smul.u32 @!p0 $0xF7A, s2;
	p2 =	seq.s32 @!p0 s5, $0x0  }
0x1f: {  	s9 =	smul.u32 $0xF7A, s1;
	s8 =	simm.s32 @!p0 $0x1BF5;
	p2 =	por !p2, p0  }
0x20: {  	[sflag:s8] =	ssyncset.s32 @!p0 $0xFFFFF086;
	s6 =	sadd.s32 @!p0 s3, s7;
	s7 =	simm.s32 @!p0 $0x108  }
0x21: {  	s3 =	sadd.s32 s3, s9;
	s6 =	sadd.s32 @!p0 $0x88, s6;
	s7 =	simm.s32 @p2 $0x1082  }
0x22: {  	[simem:s7], [sflag:s8] =	dma.local @!p0 [hbm:s6], $0xF7A  }
0x23: {  	s9 =	sor.u32 $0xD0000000, s2;
	s6 =	simm.s32 $0x108;
	_ =	swait.ge @!p0 [sflag:s8], $0x0  }
0x24: {  	s3 =	sadd.s32 $0x88, s3;
	s6 =	simm.s32 @!p1 $0x1082;
	[sflag:s4] =	ssyncset.s32 $0xFFFFF086  }
0x25: {  	[simem:s6], [sflag:s4] =	dma.local [hbm:s3], $0xF7A  }
0x26: {  	[smem:$0x3F7B] =	sst s1;
	(tag) =	ssettag s2;
	_ =	strace s9  }
0x27: {  	s1 =	sld [smem:$0x3F8B]  }
0x28: {  	s2 =	sld [smem:$0x3F8C]  }
0x29: {  	s4 =	sld [smem:$0x3F8E]  }
0x2a: {  	p0 =	seq.s32 s5, $0x0;
	s5 =	sld [smem:$0x3F8F]  }
0x2b: {  	s6 =	sld [smem:$0x3F90]  }
0x2c: {  	s7 =	sld [smem:$0x3F91]  }
0x2d: {  	s3 =	simm.s32 $0x108;
	s8 =	sld [smem:$0x3F92]  }
0x2e: {  	s3 =	simm.s32 @!p0 $0x1082;
	s9 =	sld [smem:$0x3F93]  }
0x2f: {  	lr =	sadd.s32 s0, s3;
	s0 =	sld [smem:$0x3F8A]  }
0x30: {  	s3 =	sld [smem:$0x3F8D]  }
0x31: {  	[smem:$0x3F96] =	sst s10  }
0x32: {  	s10 =	sld [smem:$0x3F94];
	_ =	sdelay $0x3  }
0x33: {  	p0 =	seq.s32 s10, $0x1;
	s10 =	sld [smem:$0x3F96];
	_ =	sdelay $0x3  }
0x34: {  	[smem:$0x3F96] =	sst s10  }
0x35: {  	s10 =	sld [smem:$0x3F95];
	_ =	sdelay $0x3  }
0x36: {  	p1 =	seq.s32 s10, $0x1;
	s10 =	sld [smem:$0x3F96];
	_ =	sdelay $0x3  }
0x37: {  	[smem:$0x3F96] =	sst s10  }
0x38: {  	s10 =	sld [smem:$0x3F97]  }
0x39: {  	_ = 	snop;
	(pc) =	sbr.ind lr, $3  }
0x3a: {  	_ = 	snop  }
0x3b: {  	_ = 	snop  }
0x3c: {  	p2 =	seq.s32 s10, $0x1;
	s10 =	sld [smem:$0x3F96]  }
0x3d: {  	_ =	shalt  }
0x3e: {  	_ =	shalt  }
0x3f: {  	_ =	shalt  }
0x40: {  	_ =	shalt  }
0x41: {  	_ =	shalt  }
0x42: {  	_ =	shalt  }
0x43: {  	_ =	shalt  }
0x44: {  	_ =	shalt  }
0x45: {  	_ =	shalt  }
0x46: {  	_ =	shalt  }
0x47: {  	_ =	shalt  }
0x48: {  	_ =	shalt  }
0x49: {  	_ =	shalt  }
0x4a: {  	_ =	shalt  }
0x4b: {  	_ =	shalt  }
0x4c: {  	_ =	shalt  }
0x4d: {  	_ =	shalt  }
0x4e: {  	_ =	shalt  }
0x4f: {  	_ =	shalt  }
0x50: {  	_ =	shalt  }
0x51: {  	_ =	shalt  }
0x52: {  	_ =	shalt  }
0x53: {  	_ =	shalt  }
0x54: {  	_ =	shalt  }
0x55: {  	_ =	shalt  }
0x56: {  	_ =	shalt  }
0x57: {  	_ =	shalt  }
0x58: {  	_ =	shalt  }
0x59: {  	_ =	shalt  }
0x5a: {  	_ =	shalt  }
0x5b: {  	_ =	shalt  }
0x5c: {  	_ =	shalt  }
0x5d: {  	_ =	shalt  }
0x5e: {  	_ =	shalt  }
0x5f: {  	_ =	shalt  }
0x60: {  	_ =	shalt  }
0x61: {  	_ =	shalt  }
0x62: {  	_ =	shalt  }
0x63: {  	_ =	shalt  }
0x64: {  	_ =	shalt  }
0x65: {  	_ =	shalt  }
0x66: {  	_ =	shalt  }
0x67: {  	_ =	shalt  }
0x68: {  	_ =	shalt  }
0x69: {  	_ =	shalt  }
0x6a: {  	_ =	shalt  }
0x6b: {  	_ =	shalt  }
0x6c: {  	_ =	shalt  }
0x6d: {  	_ =	shalt  }
0x6e: {  	_ =	shalt  }
0x6f: {  	_ =	shalt  }
0x70: {  	_ =	shalt  }
0x71: {  	_ =	shalt  }
0x72: {  	_ =	shalt  }
0x73: {  	_ =	shalt  }
0x74: {  	_ =	shalt  }
0x75: {  	_ =	shalt  }
0x76: {  	_ =	shalt  }
0x77: {  	_ =	shalt  }
0x78: {  	_ =	shalt  }
0x79: {  	_ =	shalt  }
0x7a: {  	_ =	shalt  }
0x7b: {  	_ =	shalt  }
0x7c: {  	_ =	shalt  }
0x7d: {  	_ =	shalt  }
0x7e: {  	_ =	shalt  }
0x7f: {  	_ =	shalt  }
0x80: {  	_ =	shalt  }
0x81: {  	_ =	shalt  }
0x82: {  	_ =	shalt  }
0x83: {  	_ =	shalt  }
0x84: {  	_ =	shalt  }
0x85: {  	_ =	shalt  }
0x86: {  	_ =	shalt  }
0x87: {  	_ =	shalt  }
.Lfunc_end0:
.L_simem_size_0:
called_computation_lowered:
.L_overlay_start_0:
0x88: {  	s2 =	sld [smem:$0x3FD9]  }
0x89: {  	s3 =	sld [smem:$0x3FFE];
	_ =	sdelay $0x1  }
0x8a: {  	s1 =	srdreg.scid  }
0x8b: {  	s0 =	sand.u32 $0x1, s1  }
0x8c: {  	s16 =	sshll.u32 s0, $0xA;
	s2 =	sadd.s32 s3, s2  }
0x8d: {  	s2 =	sadd.s32 s2, s16  }
0x8e: {  	[smem:$0x3FA2] =	sst s2  }
0x8f: {  	_ = 	snop  }
0x90: {  	(tm) =	ssettm $0x1  }
0x91: {  	s17 =	sld [smem:$0x3FFB];
	_ =	sdelay $0x3  }
0x92: {  	_ =	strace s17  }
0x93: {  	s2 =	sld [smem:$0x3FFC];
	_ =	sdelay $0x3  }
0x94: {  	_ =	strace s2  }
0x95: {  	s2 =	sld [smem:$0x3FFD];
	_ =	sdelay $0x3  }
0x96: {  	_ =	strace s2  }
0x97: {  	_ =	strace $0x8FFFFFFF  }
0x98: {  	s18 =	sld [smem:$0x3FDB];
	_ =	sdelay $0x1  }
0x99: {  	s19 =	simm.s32 $_scs_section_size  }
0x9a: {  	s4 =	simm.s32 $_size__tile_overlayer_lowered;
	s5 =	simm.s32 $_tile_overlayer_lowered  }
0x9b: {  	s22 =	simm.s32 $0x1BFF;
	s21 =	sshll.u32 s5, $0x1;
	s2 =	sadd.s32 s19, s18  }
0x9c: {  	s6 =	simm.s32 $0x0;
	s20 =	sshll.u32 s4, $0x1;
	s4 =	sadd.s32 s21, s2  }
0x9d: {  	[timem:s6], [sflag:s22] =	dma.local [hbm:s4], s20  }
0x9e: {  	_ =	swait.ge [sflag:s22], s20  }
0x9f: {  	s3 =	ssub.s32 $0x0, s20;
	[sflag:s22] =	ssyncset.done $0x0  }
0xa0: {  	[sflag:s22] =	ssyncadd.s32 s3;
	_ =	sdelay $0x1  }
0xa1: {  	s23 =	simm.s32 $0x1B8B  }
0xa2: {  	_ =	swait.ge [sflag:s23], $0x1  }
0xa3: {  	[sflag:s23] =	ssyncset.done $0x0  }
0xa4: {  	s25 =	simm.s32 $0x1B8E;
	s24 =	sld [smem:$0x3FFE];
	[sflag:s23] =	ssyncadd.s32 $0xFFFFFFFF  }
0xa5: {  	s26 =	simm.s32 $execute0_lowered;
	[smem:$0x3FD2] =	sst s25  }
0xa6: {  	s4 =	sshll.u32 s26, $0x1;
	_ =	strace $0x80000046;
	[dreg:$0x1] =	wrdreg $0xFFFFFFFF  }
0xa7: {  	s28 =	simm.s32 $_size_execute0_lowered;
	s2 =	sadd.s32 s2, s4;
	[dreg:$0x0] =	wrdreg $0x0  }
0xa8: {  	s4 =	sshll.u32 s28, $0x1;
	[dreg:$0x2] =	wrdreg s2  }
0xa9: {  	[dreg:$0x3] =	wrdreg s4  }
0xaa: {  	[dreg:$0x4] =	wrdreg $0xC0  }
0xab: {  	_ =	task [dreg:s6], $0x5FFFF  }
0xac: {  	[dreg:$0x1] =	wrdreg $0xFFFFFFFF  }
0xad: {  	[dreg:$0x0] =	wrdreg $0x60  }
0xae: {  	[dreg:$0x2] =	wrdreg s24  }
0xaf: {  	[dreg:$0x3] =	wrdreg $0x84000  }
0xb0: {  	[dreg:$0x4] =	wrdreg $0x9  }
0xb1: {  	_ =	task.clear_ibuf [dreg:s6], $0x5FFFF;
	_ =	strace $0x90000046  }
0xb2: {  	s29 =	simm.s32 $0x9;
	_ =	strace $0x80000048  }
0xb3: {  	_ =	swait.ge [sflag:s29], $0x1  }
0xb4: {  	[sflag:s29] =	ssyncadd.s32 $0xFFFFFFFF  }
0xb5: {  	_ =	strace $0x90000048  }
0xb6: {  	_ =	sfence  }
0xb7: {  	s30 =	sld [smem:$0x0];
	_ =	sdelay $0x2  }
0xb8: {  	s31 =	sshll.u32 s1, $0xD;
	s1 =	sshrl.u32 s1, $0x2  }
0xb9: {  	s3 =	sand.u32 $0x4000, s31;
	s1 =	sadd.s32 s1, s30  }
0xba: {  	s0 =	sor.u32 s3, s0;
	s1 =	sshll.u32 s1, $0x11  }
0xbb: {  	s0 =	sor.u32 s1, s0  }
0xbc: {  	s0 =	sadd.s32 $0x8F2B, s0  }
0xbd: {  	[sflag:s0] =	ssyncadd.remote.s32 $0x1  }
0xbe: {  	_ =	sfence.sel $0xFFFF  }
0xbf: {  	[dreg:$0x0] =	wrdreg $0xFFFFFFFF;
	(pc) =	sbr.abs _section_cstart, $3  }
0xc0: {  	[dreg:$0x1] =	wrdreg $0xFFFFFFFF  }
0xc1: {  	_ =	task.clear_ibuf [dreg:s6], $0x2FFFF;
	_ =	strace $0x9FFFFFFF  }
0xc2: {  	(tm) =	ssettm $0x7FFFFFFF  }
0xc3: {  	_ =	shalt  }
tec
execute0_lowered:
.L_overlay_start_1:
0x0: {  	(tag) =	ssettag $0x1  }
0x1: {  	s0 =	rddreg [dreg:$0x0]  }
0x2: {  	s2 =	rddreg [dreg:$0x1];
	s3 =	simm.s32 $0x0  }
0x3: {  	s14 =	stileid.u32;
	s5 =	srdreg.scid;
	s16 =	simm.s32 $0x9  }
0x4: {  	s17 =	simm.s32 $0x80;
	s18 =	simm.s32 $0x280;
	s28 =	simm.s32 $0x0  }
0x5: {  	[smem:$0x7FF] =	sst s3;
	s1 =	smul.u32 $0x13900, s14;
	s4 =	sadd.s32 $0x1BC00, s0  }
0x6: {  	s6 =	sand.u32 $0x1, s5;
	s19 =	smul.u32 $0x2720, s14;
	s7 =	sadd.s32 $0x11E00, s0  }
0x7: {  	s10 =	sadd.s32 $0x8000, s0;
	s11 =	sshll.u32 s14, $0x1;
	s24 =	sshll.u32 s14, $0x6  }
0x8: {  	s26 =	sshll.u32 s14, $0x5;
	s14 =	simm.s32 $0x200;
	_ =	strace $0x80000047  }
0x9: {  	s9 =	smul.u32 $0x27200, s6;
	s12 =	ssub.s32 $0x2, s6;
	s5 =	sor.u32 s6, s11  }
0xa: {  	s23 =	ssub.s32 $0x984, s11;
	s25 =	ssub.s32 $0x964, s11;
	s29 =	sadd.s32 s26, s10  }
0xb: {  	s6 =	sshll.u32 s6, $0x4;
	s31 =	sadd.s32 s26, s7;
	s26 =	simm.s32 $0x8  }
0xc: {  	s8 =	sshrl.u32 s1, $0x3;
	s20 =	sshrl.u32 s12, $0x1;
	[dreg:$0x3] =	wrdreg s23  }
0xd: {  	s13 =	sshll.u32 s5, $0x4;
	s1 =	sadd.s32 s1, s2;
	[dreg:$0x4] =	wrdreg s25  }
0xe: {  	s23 =	simm.s32 $0x5;
	s8 =	sadd.s32 s8, s0;
	s9 =	sadd.s32 s19, s9  }
0xf: {  	s12 =	ssub.s32 s12, s20;
	s21 =	sadd.s32 s7, s13;
	s22 =	sadd.s32 s10, s13  }
0x10: {  	s13 =	sadd.s32 s6, s31;
	s15 =	sshrl.u32 s1, $0x3;
	s19 =	simm.s32 $0x1  }
0x11: {  	s20 =	simm.s32 $0x400;
	s0 =	sadd.s32 s9, s0;
	[dreg:$0x5] =	wrdreg s21  }
0x12: {  	[dreg:$0x6] =	wrdreg s22;
	s8 =	sadd.s32 $0x42E00, s8;
	s9 =	sor.u32 $0x1C09, s24  }
0x13: {  	s30 =	smax.u32 s12, $0x1;
	s12 =	sadd.s32 s6, s29;
	[dreg:$0x7] =	wrdreg s8  }
0x14: {  	s21 =	simm.s32 $0x2;
	s0 =	sadd.s32 $0x6A000, s0;
	[dreg:$0x9] =	wrdreg s30  }
0x15: {  	s22 =	simm.s32 $0x4400;
	s24 =	simm.s32 $0x6;
	[dreg:$0x8] =	wrdreg s0  }
.LBB2_1:
0x16: {  	s0 =	rddreg [dreg:$0x5]  }
0x17: {  	s6 =	rddreg [dreg:$0x6]  }
0x18: {  	[tilespmem:s3], [sflag:$0x1] =	stream.linear.gather [hbm4b:s0+s3], $0x80, $0x38;
	[tilespmem:$0x1BD00] =	vst v63  }
0x19: {  	s7 =	rddreg [dreg:$0x7]  }
0x1a: {  	[tilespmem:s14], [sflag:$0x1] =	stream.linear.gather [hbm4b:s6+s3], $0x80, $0x38;
	[tilespmem:$0x1BD00] =	vst v63  }
0x1b: {  	[spmem:s15], [sflag:s9] =	dma.local [hbm:s7], $0x2720  }
0x1c: {  	_ =	swait.ge [sflag:s16], $0x2720  }
0x1d: {  	[sflag:s16] =	ssyncset.done $0x0  }
0x1e: {  	p0 =	por $0x1, $0x1;
	[sflag:s16] =	ssyncadd.s32 $0xFFFFD8E0  }
0x1f: {  	s0 =	simm.s32 @!p0 $0x7;
	[bflag:$0x0] =	sbarrier.arrive $0xFFFF  }
0x20: {  	_ =	swait.ge @!p0 [sflag:s0], $0x4000  }
0x21: {  	s1 =	sadd.s32 $0x0, s13;
	[sflag:s0] =	ssyncset.done @!p0 $0x0  }
0x22: {  	s1 =	sadd.s32 $0x200, s1;
	s6 =	sadd.s32 $0x0, s12;
	[sflag:s0] =	ssyncadd.s32 @!p0 $0xFFFFC000  }
0x23: {  	[tilespmem:s17], [sflag:$0x2] =	stream.linear.gather [hbm4b:s1+s3], $0x80, $0x38;
	[tilespmem:$0x1BD00] =	vst v63  }
0x24: {  	s8 =	sadd.s32 $0x200, s6  }
0x25: {  	[tilespmem:s18], [sflag:$0x2] =	stream.linear.gather [hbm4b:s8+s3], $0x80, $0x38;
	[tilespmem:$0x1BD00] =	vst v63  }
0x26: {  	_ =	swait.ge [sflag:s19], $0x80  }
0x27: {  	[sflag:s19] =	ssyncset.done $0x0  }
0x28: {  	[sflag:s19] =	ssyncadd.s32 $0xFFFFFF80  }
0x29: {  	_ =	swait.ge [sflag:s19], $0x80  }
0x2a: {  	[sflag:s19] =	ssyncset.done $0x0  }
0x2b: {  	s10 =	sadd.s32 $0x0, s5;
	s0 =	simm.s32 @!p0 $0x6;
	[sflag:s19] =	ssyncadd.s32 $0xFFFFFF80  }
0x2c: {  	[tilespmem:s20], [sflag:$0x5] =	stream.indirect.gather [hbm4b:s4+s17], $0x80, s3, s17, $0xb8;
	[tilespmem:$0x1BD00] =	vst v63  }
0x2d: {  	s6 =	simm.s32 @!p0 $0x4400;
	s1 =	sadd.s32 $0x40, s10;
	_ =	swait.ge @!p0 [sflag:s0], $0x4000  }
0x2e: {  	s7 =	simm.s32 @!p0 $0x80;
	p1 =	sgt.u32 s1, $0x9C3;
	[sflag:s0] =	ssyncset.done @!p0 $0x0  }
0x2f: {  	s8 =	simm.s32 @!p0 $0x380;
	[sflag:s0] =	ssyncadd.s32 @!p0 $0xFFFFC000;
	s0 =	simm.s32 @!p0 $0x8  }
0x30: {  	[spmem:s2] =	stream.indirect.scatter.add.f32 @!p0 [tilespmem:s6], [sflag:$0x8], $0x80, s8, s7, $0xb8;
	[tilespmem:$0x1BD00] =	vst v63  }
0x31: {  	s1 =	sadd.s32 @!p1 $0x0, s13;
	_ =	swait.ge @!p0 [sflag:s0], $0x4000  }
0x32: {  	s1 =	sadd.s32 @!p1 $0x400, s1;
	s6 =	simm.s32 @!p1 $0x0;
	[sflag:s0] =	ssyncset.done @!p0 $0x0  }
0x33: {  	s7 =	simm.s32 @!p1 $0x100;
	[sflag:s0] =	ssyncadd.s32 @!p0 $0xFFFFC000;
	s0 =	sadd.s32 @!p1 $0x0, s12  }
0x34: {  	[tilespmem:s7], [sflag:$0x3] =	stream.linear.gather @!p1 [hbm4b:s1+s6], $0x80, $0x38;
	[tilespmem:$0x1BD00] =	vst v63  }
0x35: {  	s1 =	simm.s32 @!p1 $0x300;
	s0 =	sadd.s32 @!p1 $0x400, s0  }
0x36: {  	[tilespmem:s1], [sflag:$0x3] =	stream.linear.gather @!p1 [hbm4b:s0+s6], $0x80, $0x38;
	[tilespmem:$0x1BD00] =	vst v63  }
0x37: {  	_ =	swait.ge [sflag:s21], $0x80  }
0x38: {  	[sflag:s21] =	ssyncset.done $0x0  }
0x39: {  	[sflag:s21] =	ssyncadd.s32 $0xFFFFFF80  }
0x3a: {  	_ =	swait.ge [sflag:s21], $0x80  }
0x3b: {  	[sflag:s21] =	ssyncset.done $0x0  }
0x3c: {  	[sflag:s21] =	ssyncadd.s32 $0xFFFFFF80  }
0x3d: {  	[tilespmem:s22], [sflag:$0x6] =	stream.indirect.gather [hbm4b:s4+s17], $0x80, s17, s17, $0xb8;
	[tilespmem:$0x1BD00] =	vst v63  }
0x3e: {  	_ =	swait.ge [sflag:s23], $0x4000  }
0x3f: {  	[sflag:s23] =	ssyncset.done $0x0;
	s11 =	rddreg [dreg:$0x3]  }
0x40: {  	[sflag:s23] =	ssyncadd.s32 $0xFFFFC000;
	p1 =	sle.u32 s11, $0x0  }
0x41: {  	[spmem:s2] =	stream.indirect.scatter.add.f32 [tilespmem:s20], [sflag:$0x7], $0x80, s14, s17, $0xb8;
	[tilespmem:$0x1BD00] =	vst v63  }
0x42: {  	s0 =	sadd.s32 @!p1 $0x0, s5  }
0x43: {  	s1 =	simm.s32 @!p1 $0x7;
	s0 =	sadd.s32 @!p1 $0x60, s0  }
0x44: {  	_ =	swait.ge @!p1 [sflag:s1], $0x4000;
	p0 =	sgt.u32 @!p1 s0, $0x9C3  }
0x45: {  	[sflag:s1] =	ssyncset.done @!p1 $0x0;
	p0 =	por p0, p1  }
0x46: {  	[sflag:s1] =	ssyncadd.s32 @!p1 $0xFFFFC000;
	s0 =	sadd.s32 @!p0 $0x0, s13;
	s6 =	simm.s32 @!p0 $0x0  }
0x47: {  	s7 =	sadd.s32 @!p0 $0x0, s12;
	s1 =	simm.s32 @!p0 $0x180;
	s0 =	sadd.s32 @!p0 $0x600, s0  }
0x48: {  	[tilespmem:s1], [sflag:$0x4] =	stream.linear.gather @!p0 [hbm4b:s0+s6], $0x80, $0x38;
	[tilespmem:$0x1BD00] =	vst v63  }
0x49: {  	s0 =	sadd.s32 @!p0 $0x600, s7;
	s1 =	simm.s32 @!p0 $0x380;
	s7 =	simm.s32 @!p1 $0x3  }
0x4a: {  	[tilespmem:s1], [sflag:$0x4] =	stream.linear.gather @!p0 [hbm4b:s0+s6], $0x80, $0x38;
	[tilespmem:$0x1BD00] =	vst v63  }
0x4b: {  	_ =	swait.ge @!p1 [sflag:s7], $0x80  }
0x4c: {  	[sflag:s7] =	ssyncset.done @!p1 $0x0  }
0x4d: {  	[sflag:s7] =	ssyncadd.s32 @!p1 $0xFFFFFF80  }
0x4e: {  	_ =	swait.ge @!p1 [sflag:s7], $0x80  }
0x4f: {  	s1 =	simm.s32 @!p1 $0x400;
	[sflag:s7] =	ssyncset.done @!p1 $0x0  }
0x50: {  	s6 =	simm.s32 @!p1 $0x80;
	s0 =	simm.s32 @!p1 $0x100;
	[sflag:s7] =	ssyncadd.s32 @!p1 $0xFFFFFF80  }
0x51: {  	[tilespmem:s1], [sflag:$0x5] =	stream.indirect.gather @!p1 [hbm4b:s4+s6], $0x80, s0, s6, $0xb8;
	[tilespmem:$0x1BD00] =	vst v63  }
0x52: {  	_ =	swait.ge [sflag:s24], $0x4000  }
0x53: {  	[sflag:s24] =	ssyncset.done $0x0;
	s25 =	rddreg [dreg:$0x4]  }
0x54: {  	[sflag:s24] =	ssyncadd.s32 $0xFFFFC000;
	p3 =	sle.u32 s25, $0x0  }
0x55: {  	[spmem:s2] =	stream.indirect.scatter.add.f32 [tilespmem:s22], [sflag:$0x8], $0x80, s18, s17, $0xb8;
	[tilespmem:$0x1BD00] =	vst v63  }
0x56: {  	s0 =	sadd.s32 @!p3 $0x0, s5  }
0x57: {  	s7 =	simm.s32 @!p3 $0x8;
	s0 =	sadd.s32 @!p3 $0x80, s0  }
0x58: {  	_ =	swait.ge @!p3 [sflag:s7], $0x4000;
	p0 =	sgt.u32 @!p3 s0, $0x9C3  }
0x59: {  	[sflag:s7] =	ssyncset.done @!p3 $0x0;
	p0 =	por p0, p3  }
0x5a: {  	[sflag:s7] =	ssyncadd.s32 @!p3 $0xFFFFC000;
	s0 =	sadd.s32 @!p0 $0x0, s13  }
0x5b: {  	s7 =	simm.s32 @!p0 $0x0;
	s8 =	sadd.s32 @!p0 $0x0, s12;
	s0 =	sadd.s32 @!p0 $0x800, s0  }
0x5c: {  	[tilespmem:s7], [sflag:$0x1] =	stream.linear.gather @!p0 [hbm4b:s0+s7], $0x80, $0x38;
	[tilespmem:$0x1BD00] =	vst v63  }
0x5d: {  	s30 =	simm.s32 @!p3 $0x4;
	s8 =	sadd.s32 @!p0 $0x800, s8;
	s0 =	simm.s32 @!p0 $0x200  }
0x5e: {  	[tilespmem:s0], [sflag:$0x1] =	stream.linear.gather @!p0 [hbm4b:s8+s7], $0x80, $0x38;
	[tilespmem:$0x1BD00] =	vst v63  }
0x5f: {  	_ =	swait.ge @!p3 [sflag:s30], $0x80  }
0x60: {  	[sflag:s30] =	ssyncset.done @!p3 $0x0  }
0x61: {  	s29 =	simm.s32 $0x800;
	s31 =	simm.s32 $0x1000;
	[sflag:s30] =	ssyncadd.s32 @!p3 $0xFFFFFF80  }
0x62: {  	p2 =	por $0x0, $0x0;
	s10 =	simm.s32 @!p3 $0x80;
	_ =	swait.ge @!p3 [sflag:s30], $0x80  }
0x63: {  	s0 =	simm.s32 @!p3 $0x180;
	s8 =	simm.s32 @!p3 $0x4400;
	[sflag:s30] =	ssyncset.done @!p3 $0x0  }
0x64: {  	s7 =	simm.s32 @!p1 $0x5;
	[sflag:s30] =	ssyncadd.s32 @!p3 $0xFFFFFF80;
	s30 =	simm.s32 $0x80  }
.LBB2_2:
0x65: {  	[tilespmem:s8], [sflag:$0x6] =	stream.indirect.gather @!p3 [hbm4b:s4+s10], $0x80, s0, s10, $0xb8;
	[tilespmem:$0x1BD00] =	vst v63  }
0x66: {  	_ =	swait.ge @!p1 [sflag:s7], $0x4000  }
0x67: {  	[sflag:s7] =	ssyncset.done @!p1 $0x0  }
0x68: {  	s8 =	simm.s32 @!p1 $0x300;
	s10 =	simm.s32 @!p2 $0x7;
	[sflag:s7] =	ssyncadd.s32 @!p1 $0xFFFFC000  }
0x69: {  	[spmem:s2] =	stream.indirect.scatter.add.f32 @!p1 [tilespmem:s1], [sflag:$0x7], $0x80, s8, s6, $0xb8;
	[tilespmem:$0x1BD00] =	vst v63  }
0x6a: {  	_ =	swait.ge @!p2 [sflag:s10], $0x4000  }
0x6b: {  	s6 =	sadd.s32 s29, s13;
	[sflag:s10] =	ssyncset.done @!p2 $0x0  }
0x6c: {  	s7 =	sadd.s32 s29, s12;
	s1 =	sadd.s32 $0x200, s6;
	[sflag:s10] =	ssyncadd.s32 @!p2 $0xFFFFC000  }
0x6d: {  	[tilespmem:s17], [sflag:$0x2] =	stream.linear.gather [hbm4b:s1+s3], $0x80, $0x38;
	[tilespmem:$0x1BD00] =	vst v63  }
0x6e: {  	s8 =	sadd.s32 $0x200, s7  }
0x6f: {  	[tilespmem:s18], [sflag:$0x2] =	stream.linear.gather [hbm4b:s8+s3], $0x80, $0x38;
	[tilespmem:$0x1BD00] =	vst v63  }
0x70: {  	_ =	swait.ge [sflag:s19], $0x80  }
0x71: {  	[sflag:s19] =	ssyncset.done $0x0  }
0x72: {  	[sflag:s19] =	ssyncadd.s32 $0xFFFFFF80  }
0x73: {  	_ =	swait.ge [sflag:s19], $0x80  }
0x74: {  	[sflag:s19] =	ssyncset.done $0x0  }
0x75: {  	s10 =	sadd.s32 s30, s5;
	s1 =	simm.s32 @!p2 $0x6;
	[sflag:s19] =	ssyncadd.s32 $0xFFFFFF80  }
0x76: {  	[tilespmem:s20], [sflag:$0x5] =	stream.indirect.gather [hbm4b:s4+s17], $0x80, s3, s17, $0xb8;
	[tilespmem:$0x1BD00] =	vst v63  }
0x77: {  	s7 =	simm.s32 @!p2 $0x4400;
	s6 =	sadd.s32 $0x40, s10;
	_ =	swait.ge @!p2 [sflag:s1], $0x4000  }
0x78: {  	s10 =	simm.s32 @!p2 $0x380;
	p1 =	sgt.u32 s6, $0x9C3;
	[sflag:s1] =	ssyncset.done @!p2 $0x0  }
0x79: {  	s8 =	simm.s32 @!p2 $0x80;
	[sflag:s1] =	ssyncadd.s32 @!p2 $0xFFFFC000;
	s1 =	simm.s32 @!p2 $0x8  }
0x7a: {  	[spmem:s2] =	stream.indirect.scatter.add.f32 @!p2 [tilespmem:s7], [sflag:$0x8], $0x80, s10, s8, $0xb8;
	[tilespmem:$0x1BD00] =	vst v63  }
0x7b: {  	s6 =	sadd.s32 @!p1 s29, s13;
	_ =	swait.ge @!p2 [sflag:s1], $0x4000  }
0x7c: {  	s6 =	sadd.s32 @!p1 $0x400, s6;
	s7 =	simm.s32 @!p1 $0x0;
	[sflag:s1] =	ssyncset.done @!p2 $0x0  }
0x7d: {  	s8 =	simm.s32 @!p1 $0x100;
	[sflag:s1] =	ssyncadd.s32 @!p2 $0xFFFFC000;
	s1 =	sadd.s32 @!p1 s29, s12  }
0x7e: {  	[tilespmem:s8], [sflag:$0x3] =	stream.linear.gather @!p1 [hbm4b:s6+s7], $0x80, $0x38;
	[tilespmem:$0x1BD00] =	vst v63  }
0x7f: {  	s10 =	simm.s32 @!p1 $0x300;
	s1 =	sadd.s32 @!p1 $0x400, s1  }
0x80: {  	[tilespmem:s10], [sflag:$0x3] =	stream.linear.gather @!p1 [hbm4b:s1+s7], $0x80, $0x38;
	[tilespmem:$0x1BD00] =	vst v63  }
0x81: {  	_ =	swait.ge [sflag:s21], $0x80  }
0x82: {  	[sflag:s21] =	ssyncset.done $0x0  }
0x83: {  	[sflag:s21] =	ssyncadd.s32 $0xFFFFFF80  }
0x84: {  	_ =	swait.ge [sflag:s21], $0x80  }
0x85: {  	[sflag:s21] =	ssyncset.done $0x0  }
0x86: {  	[sflag:s21] =	ssyncadd.s32 $0xFFFFFF80  }
0x87: {  	[tilespmem:s22], [sflag:$0x6] =	stream.indirect.gather [hbm4b:s4+s17], $0x80, s17, s17, $0xb8;
	[tilespmem:$0x1BD00] =	vst v63  }
0x88: {  	_ =	swait.ge [sflag:s23], $0x4000  }
0x89: {  	[sflag:s23] =	ssyncset.done $0x0;
	s11 =	rddreg [dreg:$0x3]  }
0x8a: {  	[sflag:s23] =	ssyncadd.s32 $0xFFFFC000;
	p1 =	sge.u32 s30, s11  }
0x8b: {  	[spmem:s2] =	stream.indirect.scatter.add.f32 [tilespmem:s20], [sflag:$0x7], $0x80, s14, s17, $0xb8;
	[tilespmem:$0x1BD00] =	vst v63  }
0x8c: {  	s6 =	sadd.s32 @!p1 s30, s5  }
0x8d: {  	s1 =	simm.s32 @!p1 $0x7;
	s6 =	sadd.s32 @!p1 $0x60, s6  }
0x8e: {  	_ =	swait.ge @!p1 [sflag:s1], $0x4000;
	p2 =	sgt.u32 @!p1 s6, $0x9C3  }
0x8f: {  	[sflag:s1] =	ssyncset.done @!p1 $0x0;
	p2 =	por p2, p1  }
0x90: {  	[sflag:s1] =	ssyncadd.s32 @!p1 $0xFFFFC000;
	s6 =	sadd.s32 @!p2 s29, s13;
	s7 =	simm.s32 @!p2 $0x0  }
0x91: {  	s8 =	sadd.s32 @!p2 s29, s12;
	s1 =	sadd.s32 @!p2 $0x600, s6;
	s6 =	simm.s32 @!p2 $0x180  }
0x92: {  	[tilespmem:s6], [sflag:$0x4] =	stream.linear.gather @!p2 [hbm4b:s1+s7], $0x80, $0x38;
	[tilespmem:$0x1BD00] =	vst v63  }
0x93: {  	s1 =	sadd.s32 @!p2 $0x600, s8;
	s6 =	simm.s32 @!p2 $0x380;
	s8 =	simm.s32 @!p1 $0x3  }
0x94: {  	[tilespmem:s6], [sflag:$0x4] =	stream.linear.gather @!p2 [hbm4b:s1+s7], $0x80, $0x38;
	[tilespmem:$0x1BD00] =	vst v63  }
0x95: {  	_ =	swait.ge @!p1 [sflag:s8], $0x80  }
0x96: {  	[sflag:s8] =	ssyncset.done @!p1 $0x0  }
0x97: {  	[sflag:s8] =	ssyncadd.s32 @!p1 $0xFFFFFF80  }
0x98: {  	_ =	swait.ge @!p1 [sflag:s8], $0x80  }
0x99: {  	s1 =	simm.s32 @!p1 $0x400;
	[sflag:s8] =	ssyncset.done @!p1 $0x0  }
0x9a: {  	s6 =	simm.s32 @!p1 $0x80;
	s7 =	simm.s32 @!p1 $0x100;
	[sflag:s8] =	ssyncadd.s32 @!p1 $0xFFFFFF80  }
0x9b: {  	[tilespmem:s1], [sflag:$0x5] =	stream.indirect.gather @!p1 [hbm4b:s4+s6], $0x80, s7, s6, $0xb8;
	[tilespmem:$0x1BD00] =	vst v63  }
0x9c: {  	_ =	swait.ge [sflag:s24], $0x4000  }
0x9d: {  	[sflag:s24] =	ssyncset.done $0x0;
	s25 =	rddreg [dreg:$0x4]  }
0x9e: {  	[sflag:s24] =	ssyncadd.s32 $0xFFFFC000;
	p3 =	sge.u32 s30, s25  }
0x9f: {  	[spmem:s2] =	stream.indirect.scatter.add.f32 [tilespmem:s22], [sflag:$0x8], $0x80, s18, s17, $0xb8;
	[tilespmem:$0x1BD00] =	vst v63  }
0xa0: {  	s8 =	sadd.s32 @!p3 s30, s5  }
0xa1: {  	s7 =	simm.s32 @!p3 $0x8;
	s8 =	sadd.s32 @!p3 $0x80, s8  }
0xa2: {  	_ =	swait.ge @!p3 [sflag:s7], $0x4000;
	p2 =	sgt.u32 @!p3 s8, $0x9C3  }
0xa3: {  	s0 =	smov.u32 s31;
	[sflag:s7] =	ssyncset.done @!p3 $0x0;
	p2 =	por p2, p3  }
0xa4: {  	s31 =	sadd.s32 $0x800, s31;
	[sflag:s7] =	ssyncadd.s32 @!p3 $0xFFFFC000;
	s7 =	sadd.s32 @!p2 s29, s13  }
0xa5: {  	s8 =	simm.s32 @!p2 $0x0;
	s10 =	sadd.s32 @!p2 s29, s12;
	s7 =	sadd.s32 @!p2 $0x800, s7  }
0xa6: {  	[tilespmem:s8], [sflag:$0x1] =	stream.linear.gather @!p2 [hbm4b:s7+s8], $0x80, $0x38;
	[tilespmem:$0x1BD00] =	vst v63  }
0xa7: {  	s25 =	simm.s32 @!p3 $0x4;
	s11 =	simm.s32 @!p2 $0x200;
	s7 =	sadd.s32 @!p2 $0x800, s10  }
0xa8: {  	[tilespmem:s11], [sflag:$0x1] =	stream.linear.gather @!p2 [hbm4b:s7+s8], $0x80, $0x38;
	[tilespmem:$0x1BD00] =	vst v63  }
0xa9: {  	p0 =	sne.s32 s31, $0xA000;
	_ =	swait.ge @!p3 [sflag:s25], $0x80  }
.Ltmp0:
0xaa: {  	[sflag:s25] =	ssyncset.done @!p3 $0x0;
	(pc) =	sbr.rel @p0 .LBB2_2-.Ltmp0, $4  }
0xab: {  	s30 =	sadd.s32 $0x80, s30;
	[sflag:s25] =	ssyncadd.s32 @!p3 $0xFFFFFF80  }
0xac: {  	s29 =	smov.u32 s0;
	s0 =	simm.s32 @!p3 $0x180;
	_ =	swait.ge @!p3 [sflag:s25], $0x80  }
0xad: {  	s10 =	simm.s32 @!p3 $0x80;
	s8 =	simm.s32 @!p3 $0x4400;
	[sflag:s25] =	ssyncset.done @!p3 $0x0  }
0xae: {  	p2 =	seq.s32 s29, $0x0;
	s7 =	simm.s32 @!p1 $0x5;
	[sflag:s25] =	ssyncadd.s32 @!p3 $0xFFFFFF80  }
0xaf: {  	[tilespmem:s8], [sflag:$0x6] =	stream.indirect.gather @!p3 [hbm4b:s4+s10], $0x80, s0, s10, $0xb8;
	[tilespmem:$0x1BD00] =	vst v63  }
0xb0: {  	_ =	swait.ge @!p1 [sflag:s7], $0x4000  }
0xb1: {  	[sflag:s7] =	ssyncset.done @!p1 $0x0  }
0xb2: {  	s0 =	simm.s32 @!p1 $0x300;
	[sflag:s7] =	ssyncadd.s32 @!p1 $0xFFFFC000  }
0xb3: {  	[spmem:s2] =	stream.indirect.scatter.add.f32 @!p1 [tilespmem:s1], [sflag:$0x7], $0x80, s0, s6, $0xb8;
	[tilespmem:$0x1BD00] =	vst v63  }
0xb4: {  	s0 =	simm.s32 @!p2 $0x7  }
0xb5: {  	_ =	swait.ge @!p2 [sflag:s0], $0x4000  }
0xb6: {  	s6 =	sadd.s32 s29, s13;
	[sflag:s0] =	ssyncset.done @!p2 $0x0  }
0xb7: {  	s7 =	sadd.s32 s29, s12;
	s1 =	sadd.s32 $0x200, s6;
	[sflag:s0] =	ssyncadd.s32 @!p2 $0xFFFFC000  }
0xb8: {  	[tilespmem:s17], [sflag:$0x2] =	stream.linear.gather [hbm4b:s1+s3], $0x80, $0x38;
	[tilespmem:$0x1BD00] =	vst v63  }
0xb9: {  	s8 =	sadd.s32 $0x200, s7  }
0xba: {  	[tilespmem:s18], [sflag:$0x2] =	stream.linear.gather [hbm4b:s8+s3], $0x80, $0x38;
	[tilespmem:$0x1BD00] =	vst v63  }
0xbb: {  	_ =	swait.ge [sflag:s19], $0x80  }
0xbc: {  	[sflag:s19] =	ssyncset.done $0x0  }
0xbd: {  	[sflag:s19] =	ssyncadd.s32 $0xFFFFFF80  }
0xbe: {  	_ =	swait.ge [sflag:s19], $0x80  }
0xbf: {  	[sflag:s19] =	ssyncset.done $0x0  }
0xc0: {  	s0 =	simm.s32 @!p2 $0x6;
	[sflag:s19] =	ssyncadd.s32 $0xFFFFFF80  }
0xc1: {  	[tilespmem:s20], [sflag:$0x5] =	stream.indirect.gather [hbm4b:s4+s17], $0x80, s3, s17, $0xb8;
	[tilespmem:$0x1BD00] =	vst v63  }
0xc2: {  	_ =	swait.ge @!p2 [sflag:s0], $0x4000  }
0xc3: {  	s10 =	sadd.s32 s30, s5;
	s6 =	simm.s32 @!p2 $0x80;
	[sflag:s0] =	ssyncset.done @!p2 $0x0  }
0xc4: {  	s1 =	simm.s32 @!p2 $0x4400;
	[sflag:s0] =	ssyncadd.s32 @!p2 $0xFFFFC000;
	s0 =	simm.s32 @!p2 $0x380  }
0xc5: {  	[spmem:s2] =	stream.indirect.scatter.add.f32 @!p2 [tilespmem:s1], [sflag:$0x8], $0x80, s0, s6, $0xb8;
	[tilespmem:$0x1BD00] =	vst v63  }
0xc6: {  	s0 =	sadd.s32 $0x40, s10;
	s1 =	simm.s32 @!p2 $0x8  }
0xc7: {  	p0 =	sgt.u32 s0, $0x9C3;
	_ =	swait.ge @!p2 [sflag:s1], $0x4000  }
0xc8: {  	s0 =	sadd.s32 @!p0 s29, s13;
	s6 =	simm.s32 @!p0 $0x0;
	[sflag:s1] =	ssyncset.done @!p2 $0x0  }
0xc9: {  	s0 =	sadd.s32 @!p0 $0x400, s0;
	[sflag:s1] =	ssyncadd.s32 @!p2 $0xFFFFC000;
	s1 =	simm.s32 @!p0 $0x100  }
0xca: {  	[tilespmem:s1], [sflag:$0x3] =	stream.linear.gather @!p0 [hbm4b:s0+s6], $0x80, $0x38;
	[tilespmem:$0x1BD00] =	vst v63  }
0xcb: {  	s0 =	sadd.s32 @!p0 s29, s12  }
0xcc: {  	s1 =	simm.s32 @!p0 $0x300;
	s0 =	sadd.s32 @!p0 $0x400, s0  }
0xcd: {  	[tilespmem:s1], [sflag:$0x3] =	stream.linear.gather @!p0 [hbm4b:s0+s6], $0x80, $0x38;
	[tilespmem:$0x1BD00] =	vst v63  }
0xce: {  	_ =	swait.ge [sflag:s21], $0x80  }
0xcf: {  	[sflag:s21] =	ssyncset.done $0x0  }
0xd0: {  	[sflag:s21] =	ssyncadd.s32 $0xFFFFFF80  }
0xd1: {  	_ =	swait.ge [sflag:s21], $0x80  }
0xd2: {  	[sflag:s21] =	ssyncset.done $0x0  }
0xd3: {  	[sflag:s21] =	ssyncadd.s32 $0xFFFFFF80  }
0xd4: {  	[tilespmem:s22], [sflag:$0x6] =	stream.indirect.gather [hbm4b:s4+s17], $0x80, s17, s17, $0xb8;
	[tilespmem:$0x1BD00] =	vst v63  }
0xd5: {  	_ =	swait.ge [sflag:s23], $0x4000  }
0xd6: {  	[sflag:s23] =	ssyncset.done $0x0;
	s11 =	rddreg [dreg:$0x3]  }
0xd7: {  	[sflag:s23] =	ssyncadd.s32 $0xFFFFC000;
	p0 =	sge.u32 s30, s11  }
0xd8: {  	[spmem:s2] =	stream.indirect.scatter.add.f32 [tilespmem:s20], [sflag:$0x7], $0x80, s14, s17, $0xb8;
	[tilespmem:$0x1BD00] =	vst v63  }
0xd9: {  	s0 =	sadd.s32 @!p0 s30, s5  }
0xda: {  	s1 =	simm.s32 @!p0 $0x7;
	s0 =	sadd.s32 @!p0 $0x60, s0  }
0xdb: {  	_ =	swait.ge @!p0 [sflag:s1], $0x4000;
	p1 =	sgt.u32 @!p0 s0, $0x9C3  }
0xdc: {  	[sflag:s1] =	ssyncset.done @!p0 $0x0;
	p1 =	por p1, p0  }
0xdd: {  	[sflag:s1] =	ssyncadd.s32 @!p0 $0xFFFFC000;
	s0 =	sadd.s32 @!p1 s29, s13  }
0xde: {  	s6 =	simm.s32 @!p1 $0x0;
	s1 =	simm.s32 @!p1 $0x180;
	s0 =	sadd.s32 @!p1 $0x600, s0  }
0xdf: {  	[tilespmem:s1], [sflag:$0x4] =	stream.linear.gather @!p1 [hbm4b:s0+s6], $0x80, $0x38;
	[tilespmem:$0x1BD00] =	vst v63  }
0xe0: {  	s0 =	sadd.s32 @!p1 s29, s12  }
0xe1: {  	s1 =	simm.s32 @!p1 $0x380;
	s0 =	sadd.s32 @!p1 $0x600, s0  }
0xe2: {  	[tilespmem:s1], [sflag:$0x4] =	stream.linear.gather @!p1 [hbm4b:s0+s6], $0x80, $0x38;
	[tilespmem:$0x1BD00] =	vst v63  }
0xe3: {  	s0 =	simm.s32 @!p0 $0x3  }
0xe4: {  	_ =	swait.ge @!p0 [sflag:s0], $0x80  }
0xe5: {  	[sflag:s0] =	ssyncset.done @!p0 $0x0  }
0xe6: {  	[sflag:s0] =	ssyncadd.s32 @!p0 $0xFFFFFF80  }
0xe7: {  	_ =	swait.ge @!p0 [sflag:s0], $0x80  }
0xe8: {  	s1 =	simm.s32 @!p0 $0x400;
	[sflag:s0] =	ssyncset.done @!p0 $0x0  }
0xe9: {  	s6 =	simm.s32 @!p0 $0x80;
	[sflag:s0] =	ssyncadd.s32 @!p0 $0xFFFFFF80;
	s0 =	simm.s32 @!p0 $0x100  }
0xea: {  	[tilespmem:s1], [sflag:$0x5] =	stream.indirect.gather @!p0 [hbm4b:s4+s6], $0x80, s0, s6, $0xb8;
	[tilespmem:$0x1BD00] =	vst v63  }
0xeb: {  	_ =	swait.ge [sflag:s24], $0x4000  }
0xec: {  	[sflag:s24] =	ssyncset.done $0x0;
	s25 =	rddreg [dreg:$0x4]  }
0xed: {  	[sflag:s24] =	ssyncadd.s32 $0xFFFFC000;
	p1 =	sge.u32 s30, s25  }
0xee: {  	[spmem:s2] =	stream.indirect.scatter.add.f32 [tilespmem:s22], [sflag:$0x8], $0x80, s18, s17, $0xb8;
	[tilespmem:$0x1BD00] =	vst v63  }
0xef: {  	s0 =	sadd.s32 @!p1 s30, s5  }
0xf0: {  	s7 =	simm.s32 @!p1 $0x8;
	s0 =	sadd.s32 @!p1 $0x80, s0  }
0xf1: {  	_ =	swait.ge @!p1 [sflag:s7], $0x4000;
	p2 =	sgt.u32 @!p1 s0, $0x9C3  }
0xf2: {  	[sflag:s7] =	ssyncset.done @!p1 $0x0;
	p2 =	por p2, p1  }
0xf3: {  	[sflag:s7] =	ssyncadd.s32 @!p1 $0xFFFFC000;
	s0 =	sadd.s32 @!p2 s29, s13  }
0xf4: {  	s7 =	simm.s32 @!p2 $0x0;
	s8 =	sadd.s32 @!p2 s29, s12;
	s0 =	sadd.s32 @!p2 $0x800, s0  }
0xf5: {  	[tilespmem:s7], [sflag:$0x1] =	stream.linear.gather @!p2 [hbm4b:s0+s7], $0x80, $0x38;
	[tilespmem:$0x1BD00] =	vst v63  }
0xf6: {  	s8 =	sadd.s32 @!p2 $0x800, s8;
	s0 =	simm.s32 @!p2 $0x200  }
0xf7: {  	[tilespmem:s0], [sflag:$0x1] =	stream.linear.gather @!p2 [hbm4b:s8+s7], $0x80, $0x38;
	[tilespmem:$0x1BD00] =	vst v63  }
0xf8: {  	s0 =	simm.s32 @!p1 $0x4  }
0xf9: {  	_ =	swait.ge @!p1 [sflag:s0], $0x80  }
0xfa: {  	[sflag:s0] =	ssyncset.done @!p1 $0x0  }
0xfb: {  	[sflag:s0] =	ssyncadd.s32 @!p1 $0xFFFFFF80  }
0xfc: {  	_ =	swait.ge @!p1 [sflag:s0], $0x80  }
0xfd: {  	s7 =	simm.s32 @!p1 $0x180;
	[sflag:s0] =	ssyncset.done @!p1 $0x0  }
0xfe: {  	s8 =	simm.s32 @!p1 $0x4400;
	[sflag:s0] =	ssyncadd.s32 @!p1 $0xFFFFFF80;
	s0 =	simm.s32 @!p1 $0x80  }
0xff: {  	[tilespmem:s8], [sflag:$0x6] =	stream.indirect.gather @!p1 [hbm4b:s4+s0], $0x80, s7, s0, $0xb8;
	[tilespmem:$0x1BD00] =	vst v63  }
0x100: {  	s0 =	simm.s32 @!p0 $0x5  }
0x101: {  	_ =	swait.ge @!p0 [sflag:s0], $0x4000  }
0x102: {  	[sflag:s0] =	ssyncset.done @!p0 $0x0  }
0x103: {  	s29 =	simm.s32 $0x7;
	[sflag:s0] =	ssyncadd.s32 @!p0 $0xFFFFC000;
	s0 =	simm.s32 @!p0 $0x300  }
0x104: {  	[spmem:s2] =	stream.indirect.scatter.add.f32 @!p0 [tilespmem:s1], [sflag:$0x7], $0x80, s0, s6, $0xb8;
	[tilespmem:$0x1BD00] =	vst v63  }
0x105: {  	_ =	swait.ge [sflag:s29], $0x4000  }
0x106: {  	[sflag:s29] =	ssyncset.done $0x0  }
0x107: {  	[sflag:s29] =	ssyncadd.s32 $0xFFFFC000  }
0x108: {  	_ =	swait.ge [sflag:s26], $0x4000  }
0x109: {  	[sflag:s26] =	ssyncset.done $0x0  }
0x10a: {  	[sflag:s26] =	ssyncadd.s32 $0xFFFFC000  }
0x10b: {  	[bflag:$0x0] =	sbarrier.arrive $0xFFFF  }
0x10c: {  	s30 =	rddreg [dreg:$0x8]  }
0x10d: {  	[hbm:s30], [sflag:s9] =	dma.local [spmem:s15], $0x2720  }
0x10e: {  	_ =	swait.ge [sflag:s16], $0x2720  }
0x10f: {  	s28 =	sadd.s32 $0x1, s28;
	s31 =	rddreg [dreg:$0x9]  }
0x110: {  	p0 =	sne.s32 s28, s31  }
.Ltmp1:
0x111: {  	_ = 	snop;
	(pc) =	sbr.rel @p0 .LBB2_1-.Ltmp1, $3  }
0x112: {  	_ =	sdelay $0x1  }
0x113: {  	[sflag:s16] =	ssyncset.done $0x0  }
0x114: {  	[sflag:s16] =	ssyncadd.s32 $0xFFFFD8E0  }
0x115: {  	_ =	sfence.sel $0x180000  }
0x116: {  	[bflag:$0x0] =	sbarrier.arrive $0xFFFF  }
0x117: {  	_ =	strace $0x90000047  }
0x118: {  	s0 =	stileid.u32;
	[bflag:$0x2] =	sbarrier.arrive $0xFFFF  }
0x119: {  	p0 =	sne.s32 s0, $0x0;
	s0 =	rddreg [dreg:$0x2]  }
0x11a: {  	s0 =	sadd.s32 @!p0 $0x100000, s0  }
0x11b: {  	[sflag:s0] =	ssyncadd.tile.s32 @!p0 $0x1;
	_ =	shalt  }
.Lfunc_end2:
_tile_overlayer_lowered:
.L_overlay_start_2:
0x11c: {  	(tag) =	ssettag $0x2  }
0x11d: {  	s0 =	rddreg [dreg:$0x0];
	s2 =	stileid.u32  }
0x11e: {  	s1 =	rddreg [dreg:$0x1];
	p0 =	sne.s32 s2, $0x0  }
0x11f: {  	s3 =	rddreg [dreg:$0x2];
	[bflag:$0x3] =	sbarrier.arrive $0xFFFF;
	s2 =	simm.s32 @!p0 $0x1C09  }
0x120: {  	[timem:s3], [sflag:s2] =	dma.local @!p0 [hbm:s0], s1  }
0x121: {  	s0 =	simm.s32 @!p0 $0x9  }
0x122: {  	_ =	swait.ge @!p0 [sflag:s0], s1  }
0x123: {  	s1 =	ssub.s32 @!p0 $0x0, s1;
	[sflag:s0] =	ssyncset.done @!p0 $0x0  }
0x124: {  	[sflag:s0] =	ssyncadd.s32 @!p0 s1  }
0x125: {  	[bflag:$0x3] =	sbarrier.arrive $0xFFFF  }
0x126: {  	_ =	shalt  }

// kernel: kernel.17.cloned.1.call-start
scs
__scs_entry_jumppad:
0x0: {  	(pc) =	sbr.rel $0x88, $3  }
0x1: {  	(tag) =	ssettag $0x0;
	lr =	simm.s32 $0x1  }
0x2: {  	[smem:$0x3F7B] =	sst lr;
	_ =	strace $0xD0000000  }
0x3: {  	_ = 	snop  }
0x4: {  	_ = 	snop  }
0x5: {  	_ = 	snop  }
0x6: {  	_ = 	snop  }
0x7: {  	_ = 	snop  }
__scs_overlays_trampoline_lowered:
0x8: {  	[smem:$0x3F8A] =	sst s0  }
0x9: {  	[smem:$0x3F8B] =	sst s1  }
0xa: {  	[smem:$0x3F8C] =	sst s2  }
0xb: {  	[smem:$0x3F8D] =	sst s3  }
0xc: {  	[smem:$0x3F8E] =	sst s4  }
0xd: {  	[smem:$0x3F8F] =	sst s5  }
0xe: {  	[smem:$0x3F90] =	sst s6  }
0xf: {  	[smem:$0x3F91] =	sst s7  }
0x10: {  	[smem:$0x3F92] =	sst s8  }
0x11: {  	[smem:$0x3F93] =	sst s9;
	s0 =	simm.s32 @!p0 $0x0  }
0x12: {  	s1 =	sld [smem:$0x3F79];
	s0 =	simm.s32 @p0 $0x1  }
0x13: {  	[smem:$0x3F94] =	sst s0;
	s0 =	simm.s32 @!p1 $0x0  }
0x14: {  	s2 =	sld [smem:$0x3F78];
	s0 =	simm.s32 @p1 $0x1  }
0x15: {  	[smem:$0x3F95] =	sst s0;
	s0 =	simm.s32 @!p2 $0x0  }
0x16: {  	s3 =	sld [smem:$0x3FDB];
	s0 =	simm.s32 @p2 $0x1  }
0x17: {  	s4 =	simm.s32 $0x1BF5;
	[smem:$0x3F97] =	sst s0  }
0x18: {  	s0 =	sld [smem:$0x3F7A];
	_ =	swait.ge [sflag:s4], $0x0  }
0x19: {  	s7 =	sld [smem:$0x3F7B]  }
0x1a: {  	s8 =	sadd.s32 $0xFFFFE003, lr  }
0x1b: {  	s9 =	sadd.s32 $0xFFFFFEF7, lr;
	s5 =	simm.s32 $0xFFFFFFFF;
	p2 =	slt.u32 s8, $0xFFFFF086  }
0x1c: {  	p1 =	slt.u32 s9, $0xF7A;
	s5 =	simm.s32 @!p2 $0x0  }
0x1d: {  	s5 =	simm.s32 @p1 $0x1;
	p0 =	seq.s32 s7, s2  }
0x1e: {  	s7 =	smul.u32 @!p0 $0xF7A, s2;
	p2 =	seq.s32 @!p0 s5, $0x0  }
0x1f: {  	s9 =	smul.u32 $0xF7A, s1;
	s8 =	simm.s32 @!p0 $0x1BF5;
	p2 =	por !p2, p0  }
0x20: {  	[sflag:s8] =	ssyncset.s32 @!p0 $0xFFFFF086;
	s6 =	sadd.s32 @!p0 s3, s7;
	s7 =	simm.s32 @!p0 $0x108  }
0x21: {  	s3 =	sadd.s32 s3, s9;
	s6 =	sadd.s32 @!p0 $0x88, s6;
	s7 =	simm.s32 @p2 $0x1082  }
0x22: {  	[simem:s7], [sflag:s8] =	dma.local @!p0 [hbm:s6], $0xF7A  }
0x23: {  	s9 =	sor.u32 $0xD0000000, s2;
	s6 =	simm.s32 $0x108;
	_ =	swait.ge @!p0 [sflag:s8], $0x0  }
0x24: {  	s3 =	sadd.s32 $0x88, s3;
	s6 =	simm.s32 @!p1 $0x1082;
	[sflag:s4] =	ssyncset.s32 $0xFFFFF086  }
0x25: {  	[simem:s6], [sflag:s4] =	dma.local [hbm:s3], $0xF7A  }
0x26: {  	[smem:$0x3F7B] =	sst s1;
	(tag) =	ssettag s2;
	_ =	strace s9  }
0x27: {  	s1 =	sld [smem:$0x3F8B]  }
0x28: {  	s2 =	sld [smem:$0x3F8C]  }
0x29: {  	s4 =	sld [smem:$0x3F8E]  }
0x2a: {  	p0 =	seq.s32 s5, $0x0;
	s5 =	sld [smem:$0x3F8F]  }
0x2b: {  	s6 =	sld [smem:$0x3F90]  }
0x2c: {  	s7 =	sld [smem:$0x3F91]  }
0x2d: {  	s3 =	simm.s32 $0x108;
	s8 =	sld [smem:$0x3F92]  }
0x2e: {  	s3 =	simm.s32 @!p0 $0x1082;
	s9 =	sld [smem:$0x3F93]  }
0x2f: {  	lr =	sadd.s32 s0, s3;
	s0 =	sld [smem:$0x3F8A]  }
0x30: {  	s3 =	sld [smem:$0x3F8D]  }
0x31: {  	[smem:$0x3F96] =	sst s10  }
0x32: {  	s10 =	sld [smem:$0x3F94];
	_ =	sdelay $0x3  }
0x33: {  	p0 =	seq.s32 s10, $0x1;
	s10 =	sld [smem:$0x3F96];
	_ =	sdelay $0x3  }
0x34: {  	[smem:$0x3F96] =	sst s10  }
0x35: {  	s10 =	sld [smem:$0x3F95];
	_ =	sdelay $0x3  }
0x36: {  	p1 =	seq.s32 s10, $0x1;
	s10 =	sld [smem:$0x3F96];
	_ =	sdelay $0x3  }
0x37: {  	[smem:$0x3F96] =	sst s10  }
0x38: {  	s10 =	sld [smem:$0x3F97]  }
0x39: {  	_ = 	snop;
	(pc) =	sbr.ind lr, $3  }
0x3a: {  	_ = 	snop  }
0x3b: {  	_ = 	snop  }
0x3c: {  	p2 =	seq.s32 s10, $0x1;
	s10 =	sld [smem:$0x3F96]  }
0x3d: {  	_ =	shalt  }
0x3e: {  	_ =	shalt  }
0x3f: {  	_ =	shalt  }
0x40: {  	_ =	shalt  }
0x41: {  	_ =	shalt  }
0x42: {  	_ =	shalt  }
0x43: {  	_ =	shalt  }
0x44: {  	_ =	shalt  }
0x45: {  	_ =	shalt  }
0x46: {  	_ =	shalt  }
0x47: {  	_ =	shalt  }
0x48: {  	_ =	shalt  }
0x49: {  	_ =	shalt  }
0x4a: {  	_ =	shalt  }
0x4b: {  	_ =	shalt  }
0x4c: {  	_ =	shalt  }
0x4d: {  	_ =	shalt  }
0x4e: {  	_ =	shalt  }
0x4f: {  	_ =	shalt  }
0x50: {  	_ =	shalt  }
0x51: {  	_ =	shalt  }
0x52: {  	_ =	shalt  }
0x53: {  	_ =	shalt  }
0x54: {  	_ =	shalt  }
0x55: {  	_ =	shalt  }
0x56: {  	_ =	shalt  }
0x57: {  	_ =	shalt  }
0x58: {  	_ =	shalt  }
0x59: {  	_ =	shalt  }
0x5a: {  	_ =	shalt  }
0x5b: {  	_ =	shalt  }
0x5c: {  	_ =	shalt  }
0x5d: {  	_ =	shalt  }
0x5e: {  	_ =	shalt  }
0x5f: {  	_ =	shalt  }
0x60: {  	_ =	shalt  }
0x61: {  	_ =	shalt  }
0x62: {  	_ =	shalt  }
0x63: {  	_ =	shalt  }
0x64: {  	_ =	shalt  }
0x65: {  	_ =	shalt  }
0x66: {  	_ =	shalt  }
0x67: {  	_ =	shalt  }
0x68: {  	_ =	shalt  }
0x69: {  	_ =	shalt  }
0x6a: {  	_ =	shalt  }
0x6b: {  	_ =	shalt  }
0x6c: {  	_ =	shalt  }
0x6d: {  	_ =	shalt  }
0x6e: {  	_ =	shalt  }
0x6f: {  	_ =	shalt  }
0x70: {  	_ =	shalt  }
0x71: {  	_ =	shalt  }
0x72: {  	_ =	shalt  }
0x73: {  	_ =	shalt  }
0x74: {  	_ =	shalt  }
0x75: {  	_ =	shalt  }
0x76: {  	_ =	shalt  }
0x77: {  	_ =	shalt  }
0x78: {  	_ =	shalt  }
0x79: {  	_ =	shalt  }
0x7a: {  	_ =	shalt  }
0x7b: {  	_ =	shalt  }
0x7c: {  	_ =	shalt  }
0x7d: {  	_ =	shalt  }
0x7e: {  	_ =	shalt  }
0x7f: {  	_ =	shalt  }
0x80: {  	_ =	shalt  }
0x81: {  	_ =	shalt  }
0x82: {  	_ =	shalt  }
0x83: {  	_ =	shalt  }
0x84: {  	_ =	shalt  }
0x85: {  	_ =	shalt  }
0x86: {  	_ =	shalt  }
0x87: {  	_ =	shalt  }
.Lfunc_end0:
.L_simem_size_0:
called_computation.1_lowered:
.L_overlay_start_0:
0x88: {  	s2 =	sld [smem:$0x3FD9]  }
0x89: {  	s3 =	sld [smem:$0x3FFE];
	_ =	sdelay $0x1  }
0x8a: {  	s1 =	srdreg.scid  }
0x8b: {  	s0 =	sand.u32 $0x1, s1  }
0x8c: {  	s17 =	sshll.u32 s0, $0xA;
	s2 =	sadd.s32 s3, s2  }
0x8d: {  	s2 =	sadd.s32 s2, s17  }
0x8e: {  	[smem:$0x3FA2] =	sst s2  }
0x8f: {  	_ = 	snop  }
0x90: {  	(tm) =	ssettm $0x1  }
0x91: {  	s18 =	sld [smem:$0x3FFB];
	_ =	sdelay $0x3  }
0x92: {  	_ =	strace s18  }
0x93: {  	s2 =	sld [smem:$0x3FFC];
	_ =	sdelay $0x3  }
0x94: {  	_ =	strace s2  }
0x95: {  	s2 =	sld [smem:$0x3FFD];
	_ =	sdelay $0x3  }
0x96: {  	_ =	strace s2  }
0x97: {  	_ =	strace $0x8FFFFFFF  }
0x98: {  	s19 =	sld [smem:$0x3FDB];
	_ =	sdelay $0x1  }
0x99: {  	s20 =	simm.s32 $_scs_section_size  }
0x9a: {  	s4 =	simm.s32 $_size__tile_overlayer_lowered;
	s5 =	simm.s32 $_tile_overlayer_lowered  }
0x9b: {  	s6 =	simm.s32 $0x1BFF;
	s21 =	sshll.u32 s5, $0x1;
	s3 =	sadd.s32 s20, s19  }
0x9c: {  	s22 =	simm.s32 $0x0;
	s4 =	sshll.u32 s4, $0x1;
	s5 =	sadd.s32 s21, s3  }
0x9d: {  	[timem:s22], [sflag:s6] =	dma.local [hbm:s5], s4  }
0x9e: {  	_ =	swait.ge [sflag:s6], s4  }
0x9f: {  	s4 =	ssub.s32 $0x0, s4;
	[sflag:s6] =	ssyncset.done $0x0  }
0xa0: {  	[sflag:s6] =	ssyncadd.s32 s4;
	_ =	sdelay $0x1  }
0xa1: {  	s23 =	simm.s32 $0x1B8B  }
0xa2: {  	_ =	swait.ge [sflag:s23], $0x1  }
0xa3: {  	[sflag:s23] =	ssyncset.done $0x0  }
0xa4: {  	[sflag:s23] =	ssyncadd.s32 $0xFFFFFFFF  }
0xa5: {  	s4 =	sld [smem:$0x0]  }
0xa6: {  	s5 =	sand.u32 $0xFFFFFFFE, s1  }
0xa7: {  	p0 =	sne.s32 s1, s5  }
0xa8: {  	s5 =	sshll.u32 @p0 s5, $0xE  }
0xa9: {  	s5 =	sadd.s32 @p0 $0x11B8D, s5;
	s6 =	sshll.u32 @p0 s4, $0x11  }
0xaa: {  	s5 =	sor.u32 @p0 s6, s5  }
0xab: {  	[sflag:s5] =	ssyncadd.remote.s32 @p0 $0x1;
	_ =	sdelay $0x1  }
0xac: {  	s5 =	simm.s32 @p0 $0x1B8D  }
0xad: {  	_ =	swait.eq @p0 [sflag:s5], $0x1  }
0xae: {  	[sflag:s5] =	ssyncadd.s32 @p0 $0xFFFFFFFF  }
0xaf: {  	s6 =	sshll.u32 @!p0 s1, $0xE  }
0xb0: {  	s6 =	sor.u32 @!p0 $0x4000, s6;
	s5 =	simm.s32 @!p0 $0x1B8D  }
0xb1: {  	s4 =	sshll.u32 @!p0 s4, $0x11;
	s6 =	sadd.s32 @!p0 $0x11B8D, s6;
	_ =	swait.eq @!p0 [sflag:s5], $0x1  }
0xb2: {  	s4 =	sor.u32 @!p0 s4, s6;
	[sflag:s5] =	ssyncadd.s32 @!p0 $0xFFFFFFFF  }
0xb3: {  	s25 =	simm.s32 $0x1B8E;
	s24 =	sld [smem:$0x3FFE];
	[sflag:s4] =	ssyncadd.remote.s32 @!p0 $0x1  }
0xb4: {  	s26 =	simm.s32 $execute0_lowered;
	[smem:$0x3FD2] =	sst s25  }
0xb5: {  	s5 =	sshll.u32 s26, $0x1;
	_ =	strace $0x80000049;
	[dreg:$0x1] =	wrdreg $0xFFFFFFFF  }
0xb6: {  	s28 =	simm.s32 $_size_execute0_lowered;
	s3 =	sadd.s32 s3, s5;
	[dreg:$0x0] =	wrdreg $0x0  }
0xb7: {  	s5 =	sshll.u32 s28, $0x1;
	[dreg:$0x2] =	wrdreg s3  }
0xb8: {  	[dreg:$0x3] =	wrdreg s5  }
0xb9: {  	[dreg:$0x4] =	wrdreg $0xC0  }
0xba: {  	_ =	task [dreg:s22], $0x5FFFF  }
0xbb: {  	[dreg:$0x1] =	wrdreg $0xFFFFFFFF  }
0xbc: {  	[dreg:$0x0] =	wrdreg $0x60  }
0xbd: {  	[dreg:$0x2] =	wrdreg s24  }
0xbe: {  	[dreg:$0x3] =	wrdreg $0x24000  }
0xbf: {  	[dreg:$0x4] =	wrdreg $0xA  }
0xc0: {  	_ =	task.clear_ibuf [dreg:s22], $0x5FFFF;
	_ =	strace $0x90000049  }
0xc1: {  	s29 =	simm.s32 $0xA;
	_ =	strace $0x8000004B  }
0xc2: {  	_ =	swait.ge [sflag:s29], $0x1  }
0xc3: {  	[sflag:s29] =	ssyncadd.s32 $0xFFFFFFFF  }
0xc4: {  	_ =	strace $0x9000004B  }
0xc5: {  	_ =	sfence  }
0xc6: {  	s30 =	sld [smem:$0x0];
	_ =	sdelay $0x2  }
0xc7: {  	s31 =	sshll.u32 s1, $0xD;
	s1 =	sshrl.u32 s1, $0x2  }
0xc8: {  	s4 =	sand.u32 $0x4000, s31;
	s1 =	sadd.s32 s1, s30  }
0xc9: {  	s0 =	sor.u32 s4, s0;
	s1 =	sshll.u32 s1, $0x11  }
0xca: {  	s0 =	sor.u32 s1, s0  }
0xcb: {  	s0 =	sadd.s32 $0x8F2B, s0  }
0xcc: {  	[sflag:s0] =	ssyncadd.remote.s32 $0x1  }
0xcd: {  	_ =	sfence.sel $0xFFFF  }
0xce: {  	[dreg:$0x0] =	wrdreg $0xFFFFFFFF;
	(pc) =	sbr.abs _section_cstart, $3  }
0xcf: {  	[dreg:$0x1] =	wrdreg $0xFFFFFFFF  }
0xd0: {  	_ =	task.clear_ibuf [dreg:s22], $0x2FFFF;
	_ =	strace $0x9FFFFFFF  }
0xd1: {  	(tm) =	ssettm $0x7FFFFFFF  }
tec
execute0_lowered:
.L_overlay_start_1:
0x0: {  	(tag) =	ssettag $0x1  }
0x1: {  	s0 =	rddreg [dreg:$0x0]  }
0x2: {  	s2 =	rddreg [dreg:$0x1];
	s3 =	simm.s32 $0x0  }
0x3: {  	s14 =	stileid.u32;
	s5 =	srdreg.scid;
	s16 =	simm.s32 $0x9  }
0x4: {  	s17 =	simm.s32 $0x80;
	s18 =	simm.s32 $0x280;
	s28 =	simm.s32 $0x0  }
0x5: {  	[smem:$0x7FF] =	sst s3;
	s1 =	smul.u32 $0x4E40, s14;
	s4 =	sadd.s32 $0xB8400, s0  }
0x6: {  	s6 =	sand.u32 $0x1, s5;
	s19 =	smul.u32 $0x9C8, s14;
	s7 =	sadd.s32 $0x11E00, s0  }
0x7: {  	s10 =	sadd.s32 $0x8000, s0;
	s11 =	sshll.u32 s14, $0x1;
	s24 =	sshll.u32 s14, $0x6  }
0x8: {  	s26 =	sshll.u32 s14, $0x5;
	s14 =	simm.s32 $0x200;
	_ =	strace $0x8000004A  }
0x9: {  	s9 =	smul.u32 $0x9C80, s6;
	s12 =	ssub.s32 $0x2, s6;
	s5 =	sor.u32 s6, s11  }
0xa: {  	s23 =	ssub.s32 $0x984, s11;
	s25 =	ssub.s32 $0x964, s11;
	s29 =	sadd.s32 s26, s10  }
0xb: {  	s6 =	sshll.u32 s6, $0x4;
	s31 =	sadd.s32 s26, s7;
	s26 =	simm.s32 $0x8  }
0xc: {  	s8 =	sshrl.u32 s1, $0x3;
	s20 =	sshrl.u32 s12, $0x1;
	[dreg:$0x3] =	wrdreg s23  }
0xd: {  	s13 =	sshll.u32 s5, $0x4;
	s1 =	sadd.s32 s1, s2;
	[dreg:$0x4] =	wrdreg s25  }
0xe: {  	s23 =	simm.s32 $0x5;
	s8 =	sadd.s32 s8, s0;
	s9 =	sadd.s32 s19, s9  }
0xf: {  	s12 =	ssub.s32 s12, s20;
	s21 =	sadd.s32 s7, s13;
	s22 =	sadd.s32 s10, s13  }
0x10: {  	s13 =	sadd.s32 s6, s31;
	s15 =	sshrl.u32 s1, $0x3;
	s19 =	simm.s32 $0x1  }
0x11: {  	s20 =	simm.s32 $0x400;
	s0 =	sadd.s32 s9, s0;
	[dreg:$0x5] =	wrdreg s21  }
0x12: {  	[dreg:$0x6] =	wrdreg s22;
	s8 =	sadd.s32 $0xC2200, s8;
	s9 =	sor.u32 $0x1C09, s24  }
0x13: {  	s30 =	smax.u32 s12, $0x1;
	s12 =	sadd.s32 s6, s29;
	[dreg:$0x7] =	wrdreg s8  }
0x14: {  	s21 =	simm.s32 $0x2;
	s0 =	sadd.s32 $0xCC000, s0;
	[dreg:$0x9] =	wrdreg s30  }
0x15: {  	s22 =	simm.s32 $0x1400;
	s24 =	simm.s32 $0x6;
	[dreg:$0x8] =	wrdreg s0  }
.LBB2_1:
0x16: {  	s0 =	rddreg [dreg:$0x5]  }
0x17: {  	s6 =	rddreg [dreg:$0x6]  }
0x18: {  	[tilespmem:s3], [sflag:$0x1] =	stream.linear.gather [hbm4b:s0+s3], $0x80, $0x38;
	[tilespmem:$0x7240] =	vst v63  }
0x19: {  	s7 =	rddreg [dreg:$0x7]  }
0x1a: {  	[tilespmem:s14], [sflag:$0x1] =	stream.linear.gather [hbm4b:s6+s3], $0x80, $0x38;
	[tilespmem:$0x7240] =	vst v63  }
0x1b: {  	[spmem:s15], [sflag:s9] =	dma.local [hbm:s7], $0x9C8  }
0x1c: {  	_ =	swait.ge [sflag:s16], $0x9C8  }
0x1d: {  	[sflag:s16] =	ssyncset.done $0x0  }
0x1e: {  	p0 =	por $0x1, $0x1;
	[sflag:s16] =	ssyncadd.s32 $0xFFFFF638  }
0x1f: {  	s0 =	simm.s32 @!p0 $0x7;
	[bflag:$0x0] =	sbarrier.arrive $0xFFFF  }
0x20: {  	_ =	swait.ge @!p0 [sflag:s0], $0x1000  }
0x21: {  	s1 =	sadd.s32 $0x0, s13;
	[sflag:s0] =	ssyncset.done @!p0 $0x0  }
0x22: {  	s1 =	sadd.s32 $0x200, s1;
	s6 =	sadd.s32 $0x0, s12;
	[sflag:s0] =	ssyncadd.s32 @!p0 $0xFFFFF000  }
0x23: {  	[tilespmem:s17], [sflag:$0x2] =	stream.linear.gather [hbm4b:s1+s3], $0x80, $0x38;
	[tilespmem:$0x7240] =	vst v63  }
0x24: {  	s8 =	sadd.s32 $0x200, s6  }
0x25: {  	[tilespmem:s18], [sflag:$0x2] =	stream.linear.gather [hbm4b:s8+s3], $0x80, $0x38;
	[tilespmem:$0x7240] =	vst v63  }
0x26: {  	_ =	swait.ge [sflag:s19], $0x80  }
0x27: {  	[sflag:s19] =	ssyncset.done $0x0  }
0x28: {  	[sflag:s19] =	ssyncadd.s32 $0xFFFFFF80  }
0x29: {  	_ =	swait.ge [sflag:s19], $0x80  }
0x2a: {  	[sflag:s19] =	ssyncset.done $0x0  }
0x2b: {  	s10 =	sadd.s32 $0x0, s5;
	s0 =	simm.s32 @!p0 $0x6;
	[sflag:s19] =	ssyncadd.s32 $0xFFFFFF80  }
0x2c: {  	[tilespmem:s20], [sflag:$0x5] =	stream.indirect.gather [hbm4b:s4+s17], $0x20, s3, s17, $0xb8;
	[tilespmem:$0x7240] =	vst v63  }
0x2d: {  	s6 =	simm.s32 @!p0 $0x1400;
	s1 =	sadd.s32 $0x40, s10;
	_ =	swait.ge @!p0 [sflag:s0], $0x1000  }
0x2e: {  	s7 =	simm.s32 @!p0 $0x80;
	p1 =	sgt.u32 s1, $0x9C3;
	[sflag:s0] =	ssyncset.done @!p0 $0x0  }
0x2f: {  	s8 =	simm.s32 @!p0 $0x380;
	[sflag:s0] =	ssyncadd.s32 @!p0 $0xFFFFF000;
	s0 =	simm.s32 @!p0 $0x8  }
0x30: {  	[spmem:s2] =	stream.indirect.scatter.add.f32 @!p0 [tilespmem:s6], [sflag:$0x8], $0x20, s8, s7, $0xb8;
	[tilespmem:$0x7240] =	vst v63  }
0x31: {  	s1 =	sadd.s32 @!p1 $0x0, s13;
	_ =	swait.ge @!p0 [sflag:s0], $0x1000  }
0x32: {  	s1 =	sadd.s32 @!p1 $0x400, s1;
	s6 =	simm.s32 @!p1 $0x0;
	[sflag:s0] =	ssyncset.done @!p0 $0x0  }
0x33: {  	s7 =	simm.s32 @!p1 $0x100;
	[sflag:s0] =	ssyncadd.s32 @!p0 $0xFFFFF000;
	s0 =	sadd.s32 @!p1 $0x0, s12  }
0x34: {  	[tilespmem:s7], [sflag:$0x3] =	stream.linear.gather @!p1 [hbm4b:s1+s6], $0x80, $0x38;
	[tilespmem:$0x7240] =	vst v63  }
0x35: {  	s1 =	simm.s32 @!p1 $0x300;
	s0 =	sadd.s32 @!p1 $0x400, s0  }
0x36: {  	[tilespmem:s1], [sflag:$0x3] =	stream.linear.gather @!p1 [hbm4b:s0+s6], $0x80, $0x38;
	[tilespmem:$0x7240] =	vst v63  }
0x37: {  	_ =	swait.ge [sflag:s21], $0x80  }
0x38: {  	[sflag:s21] =	ssyncset.done $0x0  }
0x39: {  	[sflag:s21] =	ssyncadd.s32 $0xFFFFFF80  }
0x3a: {  	_ =	swait.ge [sflag:s21], $0x80  }
0x3b: {  	[sflag:s21] =	ssyncset.done $0x0  }
0x3c: {  	[sflag:s21] =	ssyncadd.s32 $0xFFFFFF80  }
0x3d: {  	[tilespmem:s22], [sflag:$0x6] =	stream.indirect.gather [hbm4b:s4+s17], $0x20, s17, s17, $0xb8;
	[tilespmem:$0x7240] =	vst v63  }
0x3e: {  	_ =	swait.ge [sflag:s23], $0x1000  }
0x3f: {  	[sflag:s23] =	ssyncset.done $0x0;
	s11 =	rddreg [dreg:$0x3]  }
0x40: {  	[sflag:s23] =	ssyncadd.s32 $0xFFFFF000;
	p1 =	sle.u32 s11, $0x0  }
0x41: {  	[spmem:s2] =	stream.indirect.scatter.add.f32 [tilespmem:s20], [sflag:$0x7], $0x20, s14, s17, $0xb8;
	[tilespmem:$0x7240] =	vst v63  }
0x42: {  	s0 =	sadd.s32 @!p1 $0x0, s5  }
0x43: {  	s1 =	simm.s32 @!p1 $0x7;
	s0 =	sadd.s32 @!p1 $0x60, s0  }
0x44: {  	_ =	swait.ge @!p1 [sflag:s1], $0x1000;
	p0 =	sgt.u32 @!p1 s0, $0x9C3  }
0x45: {  	[sflag:s1] =	ssyncset.done @!p1 $0x0;
	p0 =	por p0, p1  }
0x46: {  	[sflag:s1] =	ssyncadd.s32 @!p1 $0xFFFFF000;
	s0 =	sadd.s32 @!p0 $0x0, s13;
	s6 =	simm.s32 @!p0 $0x0  }
0x47: {  	s7 =	sadd.s32 @!p0 $0x0, s12;
	s1 =	simm.s32 @!p0 $0x180;
	s0 =	sadd.s32 @!p0 $0x600, s0  }
0x48: {  	[tilespmem:s1], [sflag:$0x4] =	stream.linear.gather @!p0 [hbm4b:s0+s6], $0x80, $0x38;
	[tilespmem:$0x7240] =	vst v63  }
0x49: {  	s0 =	sadd.s32 @!p0 $0x600, s7;
	s1 =	simm.s32 @!p0 $0x380;
	s7 =	simm.s32 @!p1 $0x3  }
0x4a: {  	[tilespmem:s1], [sflag:$0x4] =	stream.linear.gather @!p0 [hbm4b:s0+s6], $0x80, $0x38;
	[tilespmem:$0x7240] =	vst v63  }
0x4b: {  	_ =	swait.ge @!p1 [sflag:s7], $0x80  }
0x4c: {  	[sflag:s7] =	ssyncset.done @!p1 $0x0  }
0x4d: {  	[sflag:s7] =	ssyncadd.s32 @!p1 $0xFFFFFF80  }
0x4e: {  	_ =	swait.ge @!p1 [sflag:s7], $0x80  }
0x4f: {  	s1 =	simm.s32 @!p1 $0x400;
	[sflag:s7] =	ssyncset.done @!p1 $0x0  }
0x50: {  	s6 =	simm.s32 @!p1 $0x80;
	s0 =	simm.s32 @!p1 $0x100;
	[sflag:s7] =	ssyncadd.s32 @!p1 $0xFFFFFF80  }
0x51: {  	[tilespmem:s1], [sflag:$0x5] =	stream.indirect.gather @!p1 [hbm4b:s4+s6], $0x20, s0, s6, $0xb8;
	[tilespmem:$0x7240] =	vst v63  }
0x52: {  	_ =	swait.ge [sflag:s24], $0x1000  }
0x53: {  	[sflag:s24] =	ssyncset.done $0x0;
	s25 =	rddreg [dreg:$0x4]  }
0x54: {  	[sflag:s24] =	ssyncadd.s32 $0xFFFFF000;
	p3 =	sle.u32 s25, $0x0  }
0x55: {  	[spmem:s2] =	stream.indirect.scatter.add.f32 [tilespmem:s22], [sflag:$0x8], $0x20, s18, s17, $0xb8;
	[tilespmem:$0x7240] =	vst v63  }
0x56: {  	s0 =	sadd.s32 @!p3 $0x0, s5  }
0x57: {  	s7 =	simm.s32 @!p3 $0x8;
	s0 =	sadd.s32 @!p3 $0x80, s0  }
0x58: {  	_ =	swait.ge @!p3 [sflag:s7], $0x1000;
	p0 =	sgt.u32 @!p3 s0, $0x9C3  }
0x59: {  	[sflag:s7] =	ssyncset.done @!p3 $0x0;
	p0 =	por p0, p3  }
0x5a: {  	[sflag:s7] =	ssyncadd.s32 @!p3 $0xFFFFF000;
	s0 =	sadd.s32 @!p0 $0x0, s13  }
0x5b: {  	s7 =	simm.s32 @!p0 $0x0;
	s8 =	sadd.s32 @!p0 $0x0, s12;
	s0 =	sadd.s32 @!p0 $0x800, s0  }
0x5c: {  	[tilespmem:s7], [sflag:$0x1] =	stream.linear.gather @!p0 [hbm4b:s0+s7], $0x80, $0x38;
	[tilespmem:$0x7240] =	vst v63  }
0x5d: {  	s30 =	simm.s32 @!p3 $0x4;
	s8 =	sadd.s32 @!p0 $0x800, s8;
	s0 =	simm.s32 @!p0 $0x200  }
0x5e: {  	[tilespmem:s0], [sflag:$0x1] =	stream.linear.gather @!p0 [hbm4b:s8+s7], $0x80, $0x38;
	[tilespmem:$0x7240] =	vst v63  }
0x5f: {  	_ =	swait.ge @!p3 [sflag:s30], $0x80  }
0x60: {  	[sflag:s30] =	ssyncset.done @!p3 $0x0  }
0x61: {  	s29 =	simm.s32 $0x800;
	s31 =	simm.s32 $0x1000;
	[sflag:s30] =	ssyncadd.s32 @!p3 $0xFFFFFF80  }
0x62: {  	p2 =	por $0x0, $0x0;
	s10 =	simm.s32 @!p3 $0x80;
	_ =	swait.ge @!p3 [sflag:s30], $0x80  }
0x63: {  	s0 =	simm.s32 @!p3 $0x180;
	s8 =	simm.s32 @!p3 $0x1400;
	[sflag:s30] =	ssyncset.done @!p3 $0x0  }
0x64: {  	s7 =	simm.s32 @!p1 $0x5;
	[sflag:s30] =	ssyncadd.s32 @!p3 $0xFFFFFF80;
	s30 =	simm.s32 $0x80  }
.LBB2_2:
0x65: {  	[tilespmem:s8], [sflag:$0x6] =	stream.indirect.gather @!p3 [hbm4b:s4+s10], $0x20, s0, s10, $0xb8;
	[tilespmem:$0x7240] =	vst v63  }
0x66: {  	_ =	swait.ge @!p1 [sflag:s7], $0x1000  }
0x67: {  	[sflag:s7] =	ssyncset.done @!p1 $0x0  }
0x68: {  	s8 =	simm.s32 @!p1 $0x300;
	s10 =	simm.s32 @!p2 $0x7;
	[sflag:s7] =	ssyncadd.s32 @!p1 $0xFFFFF000  }
0x69: {  	[spmem:s2] =	stream.indirect.scatter.add.f32 @!p1 [tilespmem:s1], [sflag:$0x7], $0x20, s8, s6, $0xb8;
	[tilespmem:$0x7240] =	vst v63  }
0x6a: {  	_ =	swait.ge @!p2 [sflag:s10], $0x1000  }
0x6b: {  	s6 =	sadd.s32 s29, s13;
	[sflag:s10] =	ssyncset.done @!p2 $0x0  }
0x6c: {  	s7 =	sadd.s32 s29, s12;
	s1 =	sadd.s32 $0x200, s6;
	[sflag:s10] =	ssyncadd.s32 @!p2 $0xFFFFF000  }
0x6d: {  	[tilespmem:s17], [sflag:$0x2] =	stream.linear.gather [hbm4b:s1+s3], $0x80, $0x38;
	[tilespmem:$0x7240] =	vst v63  }
0x6e: {  	s8 =	sadd.s32 $0x200, s7  }
0x6f: {  	[tilespmem:s18], [sflag:$0x2] =	stream.linear.gather [hbm4b:s8+s3], $0x80, $0x38;
	[tilespmem:$0x7240] =	vst v63  }
0x70: {  	_ =	swait.ge [sflag:s19], $0x80  }
0x71: {  	[sflag:s19] =	ssyncset.done $0x0  }
0x72: {  	[sflag:s19] =	ssyncadd.s32 $0xFFFFFF80  }
0x73: {  	_ =	swait.ge [sflag:s19], $0x80  }
0x74: {  	[sflag:s19] =	ssyncset.done $0x0  }
0x75: {  	s10 =	sadd.s32 s30, s5;
	s1 =	simm.s32 @!p2 $0x6;
	[sflag:s19] =	ssyncadd.s32 $0xFFFFFF80  }
0x76: {  	[tilespmem:s20], [sflag:$0x5] =	stream.indirect.gather [hbm4b:s4+s17], $0x20, s3, s17, $0xb8;
	[tilespmem:$0x7240] =	vst v63  }
0x77: {  	s7 =	simm.s32 @!p2 $0x1400;
	s6 =	sadd.s32 $0x40, s10;
	_ =	swait.ge @!p2 [sflag:s1], $0x1000  }
0x78: {  	s10 =	simm.s32 @!p2 $0x380;
	p1 =	sgt.u32 s6, $0x9C3;
	[sflag:s1] =	ssyncset.done @!p2 $0x0  }
0x79: {  	s8 =	simm.s32 @!p2 $0x80;
	[sflag:s1] =	ssyncadd.s32 @!p2 $0xFFFFF000;
	s1 =	simm.s32 @!p2 $0x8  }
0x7a: {  	[spmem:s2] =	stream.indirect.scatter.add.f32 @!p2 [tilespmem:s7], [sflag:$0x8], $0x20, s10, s8, $0xb8;
	[tilespmem:$0x7240] =	vst v63  }
0x7b: {  	s6 =	sadd.s32 @!p1 s29, s13;
	_ =	swait.ge @!p2 [sflag:s1], $0x1000  }
0x7c: {  	s6 =	sadd.s32 @!p1 $0x400, s6;
	s7 =	simm.s32 @!p1 $0x0;
	[sflag:s1] =	ssyncset.done @!p2 $0x0  }
0x7d: {  	s8 =	simm.s32 @!p1 $0x100;
	[sflag:s1] =	ssyncadd.s32 @!p2 $0xFFFFF000;
	s1 =	sadd.s32 @!p1 s29, s12  }
0x7e: {  	[tilespmem:s8], [sflag:$0x3] =	stream.linear.gather @!p1 [hbm4b:s6+s7], $0x80, $0x38;
	[tilespmem:$0x7240] =	vst v63  }
0x7f: {  	s10 =	simm.s32 @!p1 $0x300;
	s1 =	sadd.s32 @!p1 $0x400, s1  }
0x80: {  	[tilespmem:s10], [sflag:$0x3] =	stream.linear.gather @!p1 [hbm4b:s1+s7], $0x80, $0x38;
	[tilespmem:$0x7240] =	vst v63  }
0x81: {  	_ =	swait.ge [sflag:s21], $0x80  }
0x82: {  	[sflag:s21] =	ssyncset.done $0x0  }
0x83: {  	[sflag:s21] =	ssyncadd.s32 $0xFFFFFF80  }
0x84: {  	_ =	swait.ge [sflag:s21], $0x80  }
0x85: {  	[sflag:s21] =	ssyncset.done $0x0  }
0x86: {  	[sflag:s21] =	ssyncadd.s32 $0xFFFFFF80  }
0x87: {  	[tilespmem:s22], [sflag:$0x6] =	stream.indirect.gather [hbm4b:s4+s17], $0x20, s17, s17, $0xb8;
	[tilespmem:$0x7240] =	vst v63  }
0x88: {  	_ =	swait.ge [sflag:s23], $0x1000  }
0x89: {  	[sflag:s23] =	ssyncset.done $0x0;
	s11 =	rddreg [dreg:$0x3]  }
0x8a: {  	[sflag:s23] =	ssyncadd.s32 $0xFFFFF000;
	p1 =	sge.u32 s30, s11  }
0x8b: {  	[spmem:s2] =	stream.indirect.scatter.add.f32 [tilespmem:s20], [sflag:$0x7], $0x20, s14, s17, $0xb8;
	[tilespmem:$0x7240] =	vst v63  }
0x8c: {  	s6 =	sadd.s32 @!p1 s30, s5  }
0x8d: {  	s1 =	simm.s32 @!p1 $0x7;
	s6 =	sadd.s32 @!p1 $0x60, s6  }
0x8e: {  	_ =	swait.ge @!p1 [sflag:s1], $0x1000;
	p2 =	sgt.u32 @!p1 s6, $0x9C3  }
0x8f: {  	[sflag:s1] =	ssyncset.done @!p1 $0x0;
	p2 =	por p2, p1  }
0x90: {  	[sflag:s1] =	ssyncadd.s32 @!p1 $0xFFFFF000;
	s6 =	sadd.s32 @!p2 s29, s13;
	s7 =	simm.s32 @!p2 $0x0  }
0x91: {  	s8 =	sadd.s32 @!p2 s29, s12;
	s1 =	sadd.s32 @!p2 $0x600, s6;
	s6 =	simm.s32 @!p2 $0x180  }
0x92: {  	[tilespmem:s6], [sflag:$0x4] =	stream.linear.gather @!p2 [hbm4b:s1+s7], $0x80, $0x38;
	[tilespmem:$0x7240] =	vst v63  }
0x93: {  	s1 =	sadd.s32 @!p2 $0x600, s8;
	s6 =	simm.s32 @!p2 $0x380;
	s8 =	simm.s32 @!p1 $0x3  }
0x94: {  	[tilespmem:s6], [sflag:$0x4] =	stream.linear.gather @!p2 [hbm4b:s1+s7], $0x80, $0x38;
	[tilespmem:$0x7240] =	vst v63  }
0x95: {  	_ =	swait.ge @!p1 [sflag:s8], $0x80  }
0x96: {  	[sflag:s8] =	ssyncset.done @!p1 $0x0  }
0x97: {  	[sflag:s8] =	ssyncadd.s32 @!p1 $0xFFFFFF80  }
0x98: {  	_ =	swait.ge @!p1 [sflag:s8], $0x80  }
0x99: {  	s1 =	simm.s32 @!p1 $0x400;
	[sflag:s8] =	ssyncset.done @!p1 $0x0  }
0x9a: {  	s6 =	simm.s32 @!p1 $0x80;
	s7 =	simm.s32 @!p1 $0x100;
	[sflag:s8] =	ssyncadd.s32 @!p1 $0xFFFFFF80  }
0x9b: {  	[tilespmem:s1], [sflag:$0x5] =	stream.indirect.gather @!p1 [hbm4b:s4+s6], $0x20, s7, s6, $0xb8;
	[tilespmem:$0x7240] =	vst v63  }
0x9c: {  	_ =	swait.ge [sflag:s24], $0x1000  }
0x9d: {  	[sflag:s24] =	ssyncset.done $0x0;
	s25 =	rddreg [dreg:$0x4]  }
0x9e: {  	[sflag:s24] =	ssyncadd.s32 $0xFFFFF000;
	p3 =	sge.u32 s30, s25  }
0x9f: {  	[spmem:s2] =	stream.indirect.scatter.add.f32 [tilespmem:s22], [sflag:$0x8], $0x20, s18, s17, $0xb8;
	[tilespmem:$0x7240] =	vst v63  }
0xa0: {  	s8 =	sadd.s32 @!p3 s30, s5  }
0xa1: {  	s7 =	simm.s32 @!p3 $0x8;
	s8 =	sadd.s32 @!p3 $0x80, s8  }
0xa2: {  	_ =	swait.ge @!p3 [sflag:s7], $0x1000;
	p2 =	sgt.u32 @!p3 s8, $0x9C3  }
0xa3: {  	s0 =	smov.u32 s31;
	[sflag:s7] =	ssyncset.done @!p3 $0x0;
	p2 =	por p2, p3  }
0xa4: {  	s31 =	sadd.s32 $0x800, s31;
	[sflag:s7] =	ssyncadd.s32 @!p3 $0xFFFFF000;
	s7 =	sadd.s32 @!p2 s29, s13  }
0xa5: {  	s8 =	simm.s32 @!p2 $0x0;
	s10 =	sadd.s32 @!p2 s29, s12;
	s7 =	sadd.s32 @!p2 $0x800, s7  }
0xa6: {  	[tilespmem:s8], [sflag:$0x1] =	stream.linear.gather @!p2 [hbm4b:s7+s8], $0x80, $0x38;
	[tilespmem:$0x7240] =	vst v63  }
0xa7: {  	s25 =	simm.s32 @!p3 $0x4;
	s11 =	simm.s32 @!p2 $0x200;
	s7 =	sadd.s32 @!p2 $0x800, s10  }
0xa8: {  	[tilespmem:s11], [sflag:$0x1] =	stream.linear.gather @!p2 [hbm4b:s7+s8], $0x80, $0x38;
	[tilespmem:$0x7240] =	vst v63  }
0xa9: {  	p0 =	sne.s32 s31, $0xA000;
	_ =	swait.ge @!p3 [sflag:s25], $0x80  }
.Ltmp0:
0xaa: {  	[sflag:s25] =	ssyncset.done @!p3 $0x0;
	(pc) =	sbr.rel @p0 .LBB2_2-.Ltmp0, $4  }
0xab: {  	s30 =	sadd.s32 $0x80, s30;
	[sflag:s25] =	ssyncadd.s32 @!p3 $0xFFFFFF80  }
0xac: {  	s29 =	smov.u32 s0;
	s0 =	simm.s32 @!p3 $0x180;
	_ =	swait.ge @!p3 [sflag:s25], $0x80  }
0xad: {  	s10 =	simm.s32 @!p3 $0x80;
	s8 =	simm.s32 @!p3 $0x1400;
	[sflag:s25] =	ssyncset.done @!p3 $0x0  }
0xae: {  	p2 =	seq.s32 s29, $0x0;
	s7 =	simm.s32 @!p1 $0x5;
	[sflag:s25] =	ssyncadd.s32 @!p3 $0xFFFFFF80  }
0xaf: {  	[tilespmem:s8], [sflag:$0x6] =	stream.indirect.gather @!p3 [hbm4b:s4+s10], $0x20, s0, s10, $0xb8;
	[tilespmem:$0x7240] =	vst v63  }
0xb0: {  	_ =	swait.ge @!p1 [sflag:s7], $0x1000  }
0xb1: {  	[sflag:s7] =	ssyncset.done @!p1 $0x0  }
0xb2: {  	s0 =	simm.s32 @!p1 $0x300;
	[sflag:s7] =	ssyncadd.s32 @!p1 $0xFFFFF000  }
0xb3: {  	[spmem:s2] =	stream.indirect.scatter.add.f32 @!p1 [tilespmem:s1], [sflag:$0x7], $0x20, s0, s6, $0xb8;
	[tilespmem:$0x7240] =	vst v63  }
0xb4: {  	s0 =	simm.s32 @!p2 $0x7  }
0xb5: {  	_ =	swait.ge @!p2 [sflag:s0], $0x1000  }
0xb6: {  	s6 =	sadd.s32 s29, s13;
	[sflag:s0] =	ssyncset.done @!p2 $0x0  }
0xb7: {  	s7 =	sadd.s32 s29, s12;
	s1 =	sadd.s32 $0x200, s6;
	[sflag:s0] =	ssyncadd.s32 @!p2 $0xFFFFF000  }
0xb8: {  	[tilespmem:s17], [sflag:$0x2] =	stream.linear.gather [hbm4b:s1+s3], $0x80, $0x38;
	[tilespmem:$0x7240] =	vst v63  }
0xb9: {  	s8 =	sadd.s32 $0x200, s7  }
0xba: {  	[tilespmem:s18], [sflag:$0x2] =	stream.linear.gather [hbm4b:s8+s3], $0x80, $0x38;
	[tilespmem:$0x7240] =	vst v63  }
0xbb: {  	_ =	swait.ge [sflag:s19], $0x80  }
0xbc: {  	[sflag:s19] =	ssyncset.done $0x0  }
0xbd: {  	[sflag:s19] =	ssyncadd.s32 $0xFFFFFF80  }
0xbe: {  	_ =	swait.ge [sflag:s19], $0x80  }
0xbf: {  	[sflag:s19] =	ssyncset.done $0x0  }
0xc0: {  	s0 =	simm.s32 @!p2 $0x6;
	[sflag:s19] =	ssyncadd.s32 $0xFFFFFF80  }
0xc1: {  	[tilespmem:s20], [sflag:$0x5] =	stream.indirect.gather [hbm4b:s4+s17], $0x20, s3, s17, $0xb8;
	[tilespmem:$0x7240] =	vst v63  }
0xc2: {  	_ =	swait.ge @!p2 [sflag:s0], $0x1000  }
0xc3: {  	s10 =	sadd.s32 s30, s5;
	s6 =	simm.s32 @!p2 $0x80;
	[sflag:s0] =	ssyncset.done @!p2 $0x0  }
0xc4: {  	s1 =	simm.s32 @!p2 $0x1400;
	[sflag:s0] =	ssyncadd.s32 @!p2 $0xFFFFF000;
	s0 =	simm.s32 @!p2 $0x380  }
0xc5: {  	[spmem:s2] =	stream.indirect.scatter.add.f32 @!p2 [tilespmem:s1], [sflag:$0x8], $0x20, s0, s6, $0xb8;
	[tilespmem:$0x7240] =	vst v63  }
0xc6: {  	s0 =	sadd.s32 $0x40, s10;
	s1 =	simm.s32 @!p2 $0x8  }
0xc7: {  	p0 =	sgt.u32 s0, $0x9C3;
	_ =	swait.ge @!p2 [sflag:s1], $0x1000  }
0xc8: {  	s0 =	sadd.s32 @!p0 s29, s13;
	s6 =	simm.s32 @!p0 $0x0;
	[sflag:s1] =	ssyncset.done @!p2 $0x0  }
0xc9: {  	s0 =	sadd.s32 @!p0 $0x400, s0;
	[sflag:s1] =	ssyncadd.s32 @!p2 $0xFFFFF000;
	s1 =	simm.s32 @!p0 $0x100  }
0xca: {  	[tilespmem:s1], [sflag:$0x3] =	stream.linear.gather @!p0 [hbm4b:s0+s6], $0x80, $0x38;
	[tilespmem:$0x7240] =	vst v63  }
0xcb: {  	s0 =	sadd.s32 @!p0 s29, s12  }
0xcc: {  	s1 =	simm.s32 @!p0 $0x300;
	s0 =	sadd.s32 @!p0 $0x400, s0  }
0xcd: {  	[tilespmem:s1], [sflag:$0x3] =	stream.linear.gather @!p0 [hbm4b:s0+s6], $0x80, $0x38;
	[tilespmem:$0x7240] =	vst v63  }
0xce: {  	_ =	swait.ge [sflag:s21], $0x80  }
0xcf: {  	[sflag:s21] =	ssyncset.done $0x0  }
0xd0: {  	[sflag:s21] =	ssyncadd.s32 $0xFFFFFF80  }
0xd1: {  	_ =	swait.ge [sflag:s21], $0x80  }
0xd2: {  	[sflag:s21] =	ssyncset.done $0x0  }
0xd3: {  	[sflag:s21] =	ssyncadd.s32 $0xFFFFFF80  }
0xd4: {  	[tilespmem:s22], [sflag:$0x6] =	stream.indirect.gather [hbm4b:s4+s17], $0x20, s17, s17, $0xb8;
	[tilespmem:$0x7240] =	vst v63  }
0xd5: {  	_ =	swait.ge [sflag:s23], $0x1000  }
0xd6: {  	[sflag:s23] =	ssyncset.done $0x0;
	s11 =	rddreg [dreg:$0x3]  }
0xd7: {  	[sflag:s23] =	ssyncadd.s32 $0xFFFFF000;
	p0 =	sge.u32 s30, s11  }
0xd8: {  	[spmem:s2] =	stream.indirect.scatter.add.f32 [tilespmem:s20], [sflag:$0x7], $0x20, s14, s17, $0xb8;
	[tilespmem:$0x7240] =	vst v63  }
0xd9: {  	s0 =	sadd.s32 @!p0 s30, s5  }
0xda: {  	s1 =	simm.s32 @!p0 $0x7;
	s0 =	sadd.s32 @!p0 $0x60, s0  }
0xdb: {  	_ =	swait.ge @!p0 [sflag:s1], $0x1000;
	p1 =	sgt.u32 @!p0 s0, $0x9C3  }
0xdc: {  	[sflag:s1] =	ssyncset.done @!p0 $0x0;
	p1 =	por p1, p0  }
0xdd: {  	[sflag:s1] =	ssyncadd.s32 @!p0 $0xFFFFF000;
	s0 =	sadd.s32 @!p1 s29, s13  }
0xde: {  	s6 =	simm.s32 @!p1 $0x0;
	s1 =	simm.s32 @!p1 $0x180;
	s0 =	sadd.s32 @!p1 $0x600, s0  }
0xdf: {  	[tilespmem:s1], [sflag:$0x4] =	stream.linear.gather @!p1 [hbm4b:s0+s6], $0x80, $0x38;
	[tilespmem:$0x7240] =	vst v63  }
0xe0: {  	s0 =	sadd.s32 @!p1 s29, s12  }
0xe1: {  	s1 =	simm.s32 @!p1 $0x380;
	s0 =	sadd.s32 @!p1 $0x600, s0  }
0xe2: {  	[tilespmem:s1], [sflag:$0x4] =	stream.linear.gather @!p1 [hbm4b:s0+s6], $0x80, $0x38;
	[tilespmem:$0x7240] =	vst v63  }
0xe3: {  	s0 =	simm.s32 @!p0 $0x3  }
0xe4: {  	_ =	swait.ge @!p0 [sflag:s0], $0x80  }
0xe5: {  	[sflag:s0] =	ssyncset.done @!p0 $0x0  }
0xe6: {  	[sflag:s0] =	ssyncadd.s32 @!p0 $0xFFFFFF80  }
0xe7: {  	_ =	swait.ge @!p0 [sflag:s0], $0x80  }
0xe8: {  	s1 =	simm.s32 @!p0 $0x400;
	[sflag:s0] =	ssyncset.done @!p0 $0x0  }
0xe9: {  	s6 =	simm.s32 @!p0 $0x80;
	[sflag:s0] =	ssyncadd.s32 @!p0 $0xFFFFFF80;
	s0 =	simm.s32 @!p0 $0x100  }
0xea: {  	[tilespmem:s1], [sflag:$0x5] =	stream.indirect.gather @!p0 [hbm4b:s4+s6], $0x20, s0, s6, $0xb8;
	[tilespmem:$0x7240] =	vst v63  }
0xeb: {  	_ =	swait.ge [sflag:s24], $0x1000  }
0xec: {  	[sflag:s24] =	ssyncset.done $0x0;
	s25 =	rddreg [dreg:$0x4]  }
0xed: {  	[sflag:s24] =	ssyncadd.s32 $0xFFFFF000;
	p1 =	sge.u32 s30, s25  }
0xee: {  	[spmem:s2] =	stream.indirect.scatter.add.f32 [tilespmem:s22], [sflag:$0x8], $0x20, s18, s17, $0xb8;
	[tilespmem:$0x7240] =	vst v63  }
0xef: {  	s0 =	sadd.s32 @!p1 s30, s5  }
0xf0: {  	s7 =	simm.s32 @!p1 $0x8;
	s0 =	sadd.s32 @!p1 $0x80, s0  }
0xf1: {  	_ =	swait.ge @!p1 [sflag:s7], $0x1000;
	p2 =	sgt.u32 @!p1 s0, $0x9C3  }
0xf2: {  	[sflag:s7] =	ssyncset.done @!p1 $0x0;
	p2 =	por p2, p1  }
0xf3: {  	[sflag:s7] =	ssyncadd.s32 @!p1 $0xFFFFF000;
	s0 =	sadd.s32 @!p2 s29, s13  }
0xf4: {  	s7 =	simm.s32 @!p2 $0x0;
	s8 =	sadd.s32 @!p2 s29, s12;
	s0 =	sadd.s32 @!p2 $0x800, s0  }
0xf5: {  	[tilespmem:s7], [sflag:$0x1] =	stream.linear.gather @!p2 [hbm4b:s0+s7], $0x80, $0x38;
	[tilespmem:$0x7240] =	vst v63  }
0xf6: {  	s8 =	sadd.s32 @!p2 $0x800, s8;
	s0 =	simm.s32 @!p2 $0x200  }
0xf7: {  	[tilespmem:s0], [sflag:$0x1] =	stream.linear.gather @!p2 [hbm4b:s8+s7], $0x80, $0x38;
	[tilespmem:$0x7240] =	vst v63  }
0xf8: {  	s0 =	simm.s32 @!p1 $0x4  }
0xf9: {  	_ =	swait.ge @!p1 [sflag:s0], $0x80  }
0xfa: {  	[sflag:s0] =	ssyncset.done @!p1 $0x0  }
0xfb: {  	[sflag:s0] =	ssyncadd.s32 @!p1 $0xFFFFFF80  }
0xfc: {  	_ =	swait.ge @!p1 [sflag:s0], $0x80  }
0xfd: {  	s7 =	simm.s32 @!p1 $0x180;
	[sflag:s0] =	ssyncset.done @!p1 $0x0  }
0xfe: {  	s8 =	simm.s32 @!p1 $0x1400;
	[sflag:s0] =	ssyncadd.s32 @!p1 $0xFFFFFF80;
	s0 =	simm.s32 @!p1 $0x80  }
0xff: {  	[tilespmem:s8], [sflag:$0x6] =	stream.indirect.gather @!p1 [hbm4b:s4+s0], $0x20, s7, s0, $0xb8;
	[tilespmem:$0x7240] =	vst v63  }
0x100: {  	s0 =	simm.s32 @!p0 $0x5  }
0x101: {  	_ =	swait.ge @!p0 [sflag:s0], $0x1000  }
0x102: {  	[sflag:s0] =	ssyncset.done @!p0 $0x0  }
0x103: {  	s29 =	simm.s32 $0x7;
	[sflag:s0] =	ssyncadd.s32 @!p0 $0xFFFFF000;
	s0 =	simm.s32 @!p0 $0x300  }
0x104: {  	[spmem:s2] =	stream.indirect.scatter.add.f32 @!p0 [tilespmem:s1], [sflag:$0x7], $0x20, s0, s6, $0xb8;
	[tilespmem:$0x7240] =	vst v63  }
0x105: {  	_ =	swait.ge [sflag:s29], $0x1000  }
0x106: {  	[sflag:s29] =	ssyncset.done $0x0  }
0x107: {  	[sflag:s29] =	ssyncadd.s32 $0xFFFFF000  }
0x108: {  	_ =	swait.ge [sflag:s26], $0x1000  }
0x109: {  	[sflag:s26] =	ssyncset.done $0x0  }
0x10a: {  	[sflag:s26] =	ssyncadd.s32 $0xFFFFF000  }
0x10b: {  	[bflag:$0x0] =	sbarrier.arrive $0xFFFF  }
0x10c: {  	s30 =	rddreg [dreg:$0x8]  }
0x10d: {  	[hbm:s30], [sflag:s9] =	dma.local [spmem:s15], $0x9C8  }
0x10e: {  	_ =	swait.ge [sflag:s16], $0x9C8  }
0x10f: {  	s28 =	sadd.s32 $0x1, s28;
	s31 =	rddreg [dreg:$0x9]  }
0x110: {  	p0 =	sne.s32 s28, s31  }
.Ltmp1:
0x111: {  	_ = 	snop;
	(pc) =	sbr.rel @p0 .LBB2_1-.Ltmp1, $3  }
0x112: {  	_ =	sdelay $0x1  }
0x113: {  	[sflag:s16] =	ssyncset.done $0x0  }
0x114: {  	[sflag:s16] =	ssyncadd.s32 $0xFFFFF638  }
0x115: {  	_ =	sfence.sel $0x180000  }
0x116: {  	[bflag:$0x0] =	sbarrier.arrive $0xFFFF  }
0x117: {  	_ =	strace $0x9000004A  }
0x118: {  	s0 =	stileid.u32;
	[bflag:$0x2] =	sbarrier.arrive $0xFFFF  }
0x119: {  	p0 =	sne.s32 s0, $0x0;
	s0 =	rddreg [dreg:$0x2]  }
0x11a: {  	s0 =	sadd.s32 @!p0 $0x100000, s0  }
0x11b: {  	[sflag:s0] =	ssyncadd.tile.s32 @!p0 $0x1;
	_ =	shalt  }
.Lfunc_end2:
_tile_overlayer_lowered:
.L_overlay_start_2:
0x11c: {  	(tag) =	ssettag $0x2  }
0x11d: {  	s0 =	rddreg [dreg:$0x0];
	s2 =	stileid.u32  }
0x11e: {  	s1 =	rddreg [dreg:$0x1];
	p0 =	sne.s32 s2, $0x0  }
0x11f: {  	s3 =	rddreg [dreg:$0x2];
	[bflag:$0x3] =	sbarrier.arrive $0xFFFF;
	s2 =	simm.s32 @!p0 $0x1C09  }
0x120: {  	[timem:s3], [sflag:s2] =	dma.local @!p0 [hbm:s0], s1  }
0x121: {  	s0 =	simm.s32 @!p0 $0x9  }
0x122: {  	_ =	swait.ge @!p0 [sflag:s0], s1  }
0x123: {  	s1 =	ssub.s32 @!p0 $0x0, s1;
	[sflag:s0] =	ssyncset.done @!p0 $0x0  }
0x124: {  	[sflag:s0] =	ssyncadd.s32 @!p0 s1  }
0x125: {  	[bflag:$0x3] =	sbarrier.arrive $0xFFFF  }
0x126: {  	_ =	shalt  }

// kernel: kernel.20.cloned.1.call-start
scs
__scs_entry_jumppad:
0x0: {  	(pc) =	sbr.rel $0x88, $3  }
0x1: {  	(tag) =	ssettag $0x0;
	lr =	simm.s32 $0x1  }
0x2: {  	[smem:$0x3F7B] =	sst lr;
	_ =	strace $0xD0000000  }
0x3: {  	_ = 	snop  }
0x4: {  	_ = 	snop  }
0x5: {  	_ = 	snop  }
0x6: {  	_ = 	snop  }
0x7: {  	_ = 	snop  }
__scs_overlays_trampoline_lowered:
0x8: {  	[smem:$0x3F8A] =	sst s0  }
0x9: {  	[smem:$0x3F8B] =	sst s1  }
0xa: {  	[smem:$0x3F8C] =	sst s2  }
0xb: {  	[smem:$0x3F8D] =	sst s3  }
0xc: {  	[smem:$0x3F8E] =	sst s4  }
0xd: {  	[smem:$0x3F8F] =	sst s5  }
0xe: {  	[smem:$0x3F90] =	sst s6  }
0xf: {  	[smem:$0x3F91] =	sst s7  }
0x10: {  	[smem:$0x3F92] =	sst s8  }
0x11: {  	[smem:$0x3F93] =	sst s9;
	s0 =	simm.s32 @!p0 $0x0  }
0x12: {  	s1 =	sld [smem:$0x3F79];
	s0 =	simm.s32 @p0 $0x1  }
0x13: {  	[smem:$0x3F94] =	sst s0;
	s0 =	simm.s32 @!p1 $0x0  }
0x14: {  	s2 =	sld [smem:$0x3F78];
	s0 =	simm.s32 @p1 $0x1  }
0x15: {  	[smem:$0x3F95] =	sst s0;
	s0 =	simm.s32 @!p2 $0x0  }
0x16: {  	s3 =	sld [smem:$0x3FDB];
	s0 =	simm.s32 @p2 $0x1  }
0x17: {  	s4 =	simm.s32 $0x1BF5;
	[smem:$0x3F97] =	sst s0  }
0x18: {  	s0 =	sld [smem:$0x3F7A];
	_ =	swait.ge [sflag:s4], $0x0  }
0x19: {  	s7 =	sld [smem:$0x3F7B]  }
0x1a: {  	s8 =	sadd.s32 $0xFFFFE003, lr  }
0x1b: {  	s9 =	sadd.s32 $0xFFFFFEF7, lr;
	s5 =	simm.s32 $0xFFFFFFFF;
	p2 =	slt.u32 s8, $0xFFFFF086  }
0x1c: {  	p1 =	slt.u32 s9, $0xF7A;
	s5 =	simm.s32 @!p2 $0x0  }
0x1d: {  	s5 =	simm.s32 @p1 $0x1;
	p0 =	seq.s32 s7, s2  }
0x1e: {  	s7 =	smul.u32 @!p0 $0xF7A, s2;
	p2 =	seq.s32 @!p0 s5, $0x0  }
0x1f: {  	s9 =	smul.u32 $0xF7A, s1;
	s8 =	simm.s32 @!p0 $0x1BF5;
	p2 =	por !p2, p0  }
0x20: {  	[sflag:s8] =	ssyncset.s32 @!p0 $0xFFFFF086;
	s6 =	sadd.s32 @!p0 s3, s7;
	s7 =	simm.s32 @!p0 $0x108  }
0x21: {  	s3 =	sadd.s32 s3, s9;
	s6 =	sadd.s32 @!p0 $0x88, s6;
	s7 =	simm.s32 @p2 $0x1082  }
0x22: {  	[simem:s7], [sflag:s8] =	dma.local @!p0 [hbm:s6], $0xF7A  }
0x23: {  	s9 =	sor.u32 $0xD0000000, s2;
	s6 =	simm.s32 $0x108;
	_ =	swait.ge @!p0 [sflag:s8], $0x0  }
0x24: {  	s3 =	sadd.s32 $0x88, s3;
	s6 =	simm.s32 @!p1 $0x1082;
	[sflag:s4] =	ssyncset.s32 $0xFFFFF086  }
0x25: {  	[simem:s6], [sflag:s4] =	dma.local [hbm:s3], $0xF7A  }
0x26: {  	[smem:$0x3F7B] =	sst s1;
	(tag) =	ssettag s2;
	_ =	strace s9  }
0x27: {  	s1 =	sld [smem:$0x3F8B]  }
0x28: {  	s2 =	sld [smem:$0x3F8C]  }
0x29: {  	s4 =	sld [smem:$0x3F8E]  }
0x2a: {  	p0 =	seq.s32 s5, $0x0;
	s5 =	sld [smem:$0x3F8F]  }
0x2b: {  	s6 =	sld [smem:$0x3F90]  }
0x2c: {  	s7 =	sld [smem:$0x3F91]  }
0x2d: {  	s3 =	simm.s32 $0x108;
	s8 =	sld [smem:$0x3F92]  }
0x2e: {  	s3 =	simm.s32 @!p0 $0x1082;
	s9 =	sld [smem:$0x3F93]  }
0x2f: {  	lr =	sadd.s32 s0, s3;
	s0 =	sld [smem:$0x3F8A]  }
0x30: {  	s3 =	sld [smem:$0x3F8D]  }
0x31: {  	[smem:$0x3F96] =	sst s10  }
0x32: {  	s10 =	sld [smem:$0x3F94];
	_ =	sdelay $0x3  }
0x33: {  	p0 =	seq.s32 s10, $0x1;
	s10 =	sld [smem:$0x3F96];
	_ =	sdelay $0x3  }
0x34: {  	[smem:$0x3F96] =	sst s10  }
0x35: {  	s10 =	sld [smem:$0x3F95];
	_ =	sdelay $0x3  }
0x36: {  	p1 =	seq.s32 s10, $0x1;
	s10 =	sld [smem:$0x3F96];
	_ =	sdelay $0x3  }
0x37: {  	[smem:$0x3F96] =	sst s10  }
0x38: {  	s10 =	sld [smem:$0x3F97]  }
0x39: {  	_ = 	snop;
	(pc) =	sbr.ind lr, $3  }
0x3a: {  	_ = 	snop  }
0x3b: {  	_ = 	snop  }
0x3c: {  	p2 =	seq.s32 s10, $0x1;
	s10 =	sld [smem:$0x3F96]  }
0x3d: {  	_ =	shalt  }
0x3e: {  	_ =	shalt  }
0x3f: {  	_ =	shalt  }
0x40: {  	_ =	shalt  }
0x41: {  	_ =	shalt  }
0x42: {  	_ =	shalt  }
0x43: {  	_ =	shalt  }
0x44: {  	_ =	shalt  }
0x45: {  	_ =	shalt  }
0x46: {  	_ =	shalt  }
0x47: {  	_ =	shalt  }
0x48: {  	_ =	shalt  }
0x49: {  	_ =	shalt  }
0x4a: {  	_ =	shalt  }
0x4b: {  	_ =	shalt  }
0x4c: {  	_ =	shalt  }
0x4d: {  	_ =	shalt  }
0x4e: {  	_ =	shalt  }
0x4f: {  	_ =	shalt  }
0x50: {  	_ =	shalt  }
0x51: {  	_ =	shalt  }
0x52: {  	_ =	shalt  }
0x53: {  	_ =	shalt  }
0x54: {  	_ =	shalt  }
0x55: {  	_ =	shalt  }
0x56: {  	_ =	shalt  }
0x57: {  	_ =	shalt  }
0x58: {  	_ =	shalt  }
0x59: {  	_ =	shalt  }
0x5a: {  	_ =	shalt  }
0x5b: {  	_ =	shalt  }
0x5c: {  	_ =	shalt  }
0x5d: {  	_ =	shalt  }
0x5e: {  	_ =	shalt  }
0x5f: {  	_ =	shalt  }
0x60: {  	_ =	shalt  }
0x61: {  	_ =	shalt  }
0x62: {  	_ =	shalt  }
0x63: {  	_ =	shalt  }
0x64: {  	_ =	shalt  }
0x65: {  	_ =	shalt  }
0x66: {  	_ =	shalt  }
0x67: {  	_ =	shalt  }
0x68: {  	_ =	shalt  }
0x69: {  	_ =	shalt  }
0x6a: {  	_ =	shalt  }
0x6b: {  	_ =	shalt  }
0x6c: {  	_ =	shalt  }
0x6d: {  	_ =	shalt  }
0x6e: {  	_ =	shalt  }
0x6f: {  	_ =	shalt  }
0x70: {  	_ =	shalt  }
0x71: {  	_ =	shalt  }
0x72: {  	_ =	shalt  }
0x73: {  	_ =	shalt  }
0x74: {  	_ =	shalt  }
0x75: {  	_ =	shalt  }
0x76: {  	_ =	shalt  }
0x77: {  	_ =	shalt  }
0x78: {  	_ =	shalt  }
0x79: {  	_ =	shalt  }
0x7a: {  	_ =	shalt  }
0x7b: {  	_ =	shalt  }
0x7c: {  	_ =	shalt  }
0x7d: {  	_ =	shalt  }
0x7e: {  	_ =	shalt  }
0x7f: {  	_ =	shalt  }
0x80: {  	_ =	shalt  }
0x81: {  	_ =	shalt  }
0x82: {  	_ =	shalt  }
0x83: {  	_ =	shalt  }
0x84: {  	_ =	shalt  }
0x85: {  	_ =	shalt  }
0x86: {  	_ =	shalt  }
0x87: {  	_ =	shalt  }
.Lfunc_end0:
.L_simem_size_0:
called_computation.2_lowered:
.L_overlay_start_0:
0x88: {  	s2 =	sld [smem:$0x3FD9]  }
0x89: {  	s3 =	sld [smem:$0x3FFE];
	_ =	sdelay $0x1  }
0x8a: {  	s1 =	srdreg.scid  }
0x8b: {  	s0 =	sand.u32 $0x1, s1  }
0x8c: {  	s16 =	sshll.u32 s0, $0xA;
	s2 =	sadd.s32 s3, s2  }
0x8d: {  	s2 =	sadd.s32 s2, s16  }
0x8e: {  	[smem:$0x3FA2] =	sst s2  }
0x8f: {  	_ = 	snop  }
0x90: {  	(tm) =	ssettm $0x1  }
0x91: {  	s17 =	sld [smem:$0x3FFB];
	_ =	sdelay $0x3  }
0x92: {  	_ =	strace s17  }
0x93: {  	s2 =	sld [smem:$0x3FFC];
	_ =	sdelay $0x3  }
0x94: {  	_ =	strace s2  }
0x95: {  	s2 =	sld [smem:$0x3FFD];
	_ =	sdelay $0x3  }
0x96: {  	_ =	strace s2  }
0x97: {  	_ =	strace $0x8FFFFFFF  }
0x98: {  	s18 =	sld [smem:$0x3FDB];
	_ =	sdelay $0x1  }
0x99: {  	s19 =	simm.s32 $_scs_section_size  }
0x9a: {  	s4 =	simm.s32 $_size__tile_overlayer_lowered;
	s5 =	simm.s32 $_tile_overlayer_lowered  }
0x9b: {  	s22 =	simm.s32 $0x1BFF;
	s21 =	sshll.u32 s5, $0x1;
	s2 =	sadd.s32 s19, s18  }
0x9c: {  	s6 =	simm.s32 $0x0;
	s20 =	sshll.u32 s4, $0x1;
	s4 =	sadd.s32 s21, s2  }
0x9d: {  	[timem:s6], [sflag:s22] =	dma.local [hbm:s4], s20  }
0x9e: {  	_ =	swait.ge [sflag:s22], s20  }
0x9f: {  	s3 =	ssub.s32 $0x0, s20;
	[sflag:s22] =	ssyncset.done $0x0  }
0xa0: {  	[sflag:s22] =	ssyncadd.s32 s3;
	_ =	sdelay $0x1  }
0xa1: {  	s23 =	simm.s32 $0x1B8B  }
0xa2: {  	_ =	swait.ge [sflag:s23], $0x1  }
0xa3: {  	[sflag:s23] =	ssyncset.done $0x0  }
0xa4: {  	s25 =	simm.s32 $0x1B8E;
	s24 =	sld [smem:$0x3FFE];
	[sflag:s23] =	ssyncadd.s32 $0xFFFFFFFF  }
0xa5: {  	s26 =	simm.s32 $execute0_lowered;
	[smem:$0x3FD2] =	sst s25  }
0xa6: {  	s4 =	sshll.u32 s26, $0x1;
	_ =	strace $0x8000004C;
	[dreg:$0x1] =	wrdreg $0xFFFFFFFF  }
0xa7: {  	s28 =	simm.s32 $_size_execute0_lowered;
	s2 =	sadd.s32 s2, s4;
	[dreg:$0x0] =	wrdreg $0x0  }
0xa8: {  	s4 =	sshll.u32 s28, $0x1;
	[dreg:$0x2] =	wrdreg s2  }
0xa9: {  	[dreg:$0x3] =	wrdreg s4  }
0xaa: {  	[dreg:$0x4] =	wrdreg $0xC0  }
0xab: {  	_ =	task [dreg:s6], $0x5FFFF  }
0xac: {  	[dreg:$0x1] =	wrdreg $0xFFFFFFFF  }
0xad: {  	[dreg:$0x0] =	wrdreg $0x60  }
0xae: {  	[dreg:$0x2] =	wrdreg s24  }
0xaf: {  	[dreg:$0x3] =	wrdreg $0x84000  }
0xb0: {  	[dreg:$0x4] =	wrdreg $0x9  }
0xb1: {  	_ =	task.clear_ibuf [dreg:s6], $0x5FFFF;
	_ =	strace $0x9000004C  }
0xb2: {  	s29 =	simm.s32 $0x9;
	_ =	strace $0x8000004E  }
0xb3: {  	_ =	swait.ge [sflag:s29], $0x1  }
0xb4: {  	[sflag:s29] =	ssyncadd.s32 $0xFFFFFFFF  }
0xb5: {  	_ =	strace $0x9000004E  }
0xb6: {  	_ =	sfence  }
0xb7: {  	s30 =	sld [smem:$0x0];
	_ =	sdelay $0x2  }
0xb8: {  	s31 =	sshll.u32 s1, $0xD;
	s1 =	sshrl.u32 s1, $0x2  }
0xb9: {  	s3 =	sand.u32 $0x4000, s31;
	s1 =	sadd.s32 s1, s30  }
0xba: {  	s0 =	sor.u32 s3, s0;
	s1 =	sshll.u32 s1, $0x11  }
0xbb: {  	s0 =	sor.u32 s1, s0  }
0xbc: {  	s0 =	sadd.s32 $0x8F2B, s0  }
0xbd: {  	[sflag:s0] =	ssyncadd.remote.s32 $0x1  }
0xbe: {  	_ =	sfence.sel $0xFFFF  }
0xbf: {  	[dreg:$0x0] =	wrdreg $0xFFFFFFFF;
	(pc) =	sbr.abs _section_cstart, $3  }
0xc0: {  	[dreg:$0x1] =	wrdreg $0xFFFFFFFF  }
0xc1: {  	_ =	task.clear_ibuf [dreg:s6], $0x2FFFF;
	_ =	strace $0x9FFFFFFF  }
0xc2: {  	(tm) =	ssettm $0x7FFFFFFF  }
0xc3: {  	_ =	shalt  }
tec
execute0_lowered:
.L_overlay_start_1:
0x0: {  	(tag) =	ssettag $0x1  }
0x1: {  	s0 =	rddreg [dreg:$0x0]  }
0x2: {  	s2 =	rddreg [dreg:$0x1];
	s3 =	simm.s32 $0x0  }
0x3: {  	s14 =	stileid.u32;
	s5 =	srdreg.scid;
	s16 =	simm.s32 $0x9  }
0x4: {  	s17 =	simm.s32 $0x80;
	s18 =	simm.s32 $0x280;
	s28 =	simm.s32 $0x0  }
0x5: {  	[smem:$0x7FF] =	sst s3;
	s1 =	smul.u32 $0x13900, s14;
	s4 =	sadd.s32 $0x6A000, s0  }
0x6: {  	s6 =	sand.u32 $0x1, s5;
	s19 =	smul.u32 $0x2720, s14;
	s7 =	sadd.s32 $0x11E00, s0  }
0x7: {  	s10 =	sadd.s32 $0x8000, s0;
	s11 =	sshll.u32 s14, $0x1;
	s24 =	sshll.u32 s14, $0x6  }
0x8: {  	s26 =	sshll.u32 s14, $0x5;
	s14 =	simm.s32 $0x200;
	_ =	strace $0x8000004D  }
0x9: {  	s9 =	smul.u32 $0x27200, s6;
	s12 =	ssub.s32 $0x2, s6;
	s5 =	sor.u32 s6, s11  }
0xa: {  	s23 =	ssub.s32 $0x984, s11;
	s25 =	ssub.s32 $0x964, s11;
	s29 =	sadd.s32 s26, s10  }
0xb: {  	s6 =	sshll.u32 s6, $0x4;
	s31 =	sadd.s32 s26, s7;
	s26 =	simm.s32 $0x8  }
0xc: {  	s8 =	sshrl.u32 s1, $0x3;
	s20 =	sshrl.u32 s12, $0x1;
	[dreg:$0x3] =	wrdreg s23  }
0xd: {  	s13 =	sshll.u32 s5, $0x4;
	s1 =	sadd.s32 s1, s2;
	[dreg:$0x4] =	wrdreg s25  }
0xe: {  	s23 =	simm.s32 $0x5;
	s8 =	sadd.s32 s8, s0;
	s9 =	sadd.s32 s19, s9  }
0xf: {  	s12 =	ssub.s32 s12, s20;
	s21 =	sadd.s32 s7, s13;
	s22 =	sadd.s32 s10, s13  }
0x10: {  	s13 =	sadd.s32 s6, s31;
	s15 =	sshrl.u32 s1, $0x3;
	s19 =	simm.s32 $0x1  }
0x11: {  	s20 =	simm.s32 $0x400;
	s0 =	sadd.s32 s9, s0;
	[dreg:$0x5] =	wrdreg s21  }
0x12: {  	[dreg:$0x6] =	wrdreg s22;
	s8 =	sadd.s32 $0x42E00, s8;
	s9 =	sor.u32 $0x1C09, s24  }
0x13: {  	s30 =	smax.u32 s12, $0x1;
	s12 =	sadd.s32 s6, s29;
	[dreg:$0x7] =	wrdreg s8  }
0x14: {  	s21 =	simm.s32 $0x2;
	s0 =	sadd.s32 $0x12DE00, s0;
	[dreg:$0x9] =	wrdreg s30  }
0x15: {  	s22 =	simm.s32 $0x4400;
	s24 =	simm.s32 $0x6;
	[dreg:$0x8] =	wrdreg s0  }
.LBB2_1:
0x16: {  	s0 =	rddreg [dreg:$0x5]  }
0x17: {  	s6 =	rddreg [dreg:$0x6]  }
0x18: {  	[tilespmem:s3], [sflag:$0x1] =	stream.linear.gather [hbm4b:s0+s3], $0x80, $0x38;
	[tilespmem:$0x1BD00] =	vst v63  }
0x19: {  	s7 =	rddreg [dreg:$0x7]  }
0x1a: {  	[tilespmem:s14], [sflag:$0x1] =	stream.linear.gather [hbm4b:s6+s3], $0x80, $0x38;
	[tilespmem:$0x1BD00] =	vst v63  }
0x1b: {  	[spmem:s15], [sflag:s9] =	dma.local [hbm:s7], $0x2720  }
0x1c: {  	_ =	swait.ge [sflag:s16], $0x2720  }
0x1d: {  	[sflag:s16] =	ssyncset.done $0x0  }
0x1e: {  	p0 =	por $0x1, $0x1;
	[sflag:s16] =	ssyncadd.s32 $0xFFFFD8E0  }
0x1f: {  	s0 =	simm.s32 @!p0 $0x7;
	[bflag:$0x0] =	sbarrier.arrive $0xFFFF  }
0x20: {  	_ =	swait.ge @!p0 [sflag:s0], $0x4000  }
0x21: {  	s1 =	sadd.s32 $0x0, s13;
	[sflag:s0] =	ssyncset.done @!p0 $0x0  }
0x22: {  	s1 =	sadd.s32 $0x200, s1;
	s6 =	sadd.s32 $0x0, s12;
	[sflag:s0] =	ssyncadd.s32 @!p0 $0xFFFFC000  }
0x23: {  	[tilespmem:s17], [sflag:$0x2] =	stream.linear.gather [hbm4b:s1+s3], $0x80, $0x38;
	[tilespmem:$0x1BD00] =	vst v63  }
0x24: {  	s8 =	sadd.s32 $0x200, s6  }
0x25: {  	[tilespmem:s18], [sflag:$0x2] =	stream.linear.gather [hbm4b:s8+s3], $0x80, $0x38;
	[tilespmem:$0x1BD00] =	vst v63  }
0x26: {  	_ =	swait.ge [sflag:s19], $0x80  }
0x27: {  	[sflag:s19] =	ssyncset.done $0x0  }
0x28: {  	[sflag:s19] =	ssyncadd.s32 $0xFFFFFF80  }
0x29: {  	_ =	swait.ge [sflag:s19], $0x80  }
0x2a: {  	[sflag:s19] =	ssyncset.done $0x0  }
0x2b: {  	s10 =	sadd.s32 $0x0, s5;
	s0 =	simm.s32 @!p0 $0x6;
	[sflag:s19] =	ssyncadd.s32 $0xFFFFFF80  }
0x2c: {  	[tilespmem:s20], [sflag:$0x5] =	stream.indirect.gather [hbm4b:s4+s17], $0x80, s3, s17, $0xb8;
	[tilespmem:$0x1BD00] =	vst v63  }
0x2d: {  	s6 =	simm.s32 @!p0 $0x4400;
	s1 =	sadd.s32 $0x40, s10;
	_ =	swait.ge @!p0 [sflag:s0], $0x4000  }
0x2e: {  	s7 =	simm.s32 @!p0 $0x80;
	p1 =	sgt.u32 s1, $0x9C3;
	[sflag:s0] =	ssyncset.done @!p0 $0x0  }
0x2f: {  	s8 =	simm.s32 @!p0 $0x380;
	[sflag:s0] =	ssyncadd.s32 @!p0 $0xFFFFC000;
	s0 =	simm.s32 @!p0 $0x8  }
0x30: {  	[spmem:s2] =	stream.indirect.scatter.add.f32 @!p0 [tilespmem:s6], [sflag:$0x8], $0x80, s8, s7, $0xb8;
	[tilespmem:$0x1BD00] =	vst v63  }
0x31: {  	s1 =	sadd.s32 @!p1 $0x0, s13;
	_ =	swait.ge @!p0 [sflag:s0], $0x4000  }
0x32: {  	s1 =	sadd.s32 @!p1 $0x400, s1;
	s6 =	simm.s32 @!p1 $0x0;
	[sflag:s0] =	ssyncset.done @!p0 $0x0  }
0x33: {  	s7 =	simm.s32 @!p1 $0x100;
	[sflag:s0] =	ssyncadd.s32 @!p0 $0xFFFFC000;
	s0 =	sadd.s32 @!p1 $0x0, s12  }
0x34: {  	[tilespmem:s7], [sflag:$0x3] =	stream.linear.gather @!p1 [hbm4b:s1+s6], $0x80, $0x38;
	[tilespmem:$0x1BD00] =	vst v63  }
0x35: {  	s1 =	simm.s32 @!p1 $0x300;
	s0 =	sadd.s32 @!p1 $0x400, s0  }
0x36: {  	[tilespmem:s1], [sflag:$0x3] =	stream.linear.gather @!p1 [hbm4b:s0+s6], $0x80, $0x38;
	[tilespmem:$0x1BD00] =	vst v63  }
0x37: {  	_ =	swait.ge [sflag:s21], $0x80  }
0x38: {  	[sflag:s21] =	ssyncset.done $0x0  }
0x39: {  	[sflag:s21] =	ssyncadd.s32 $0xFFFFFF80  }
0x3a: {  	_ =	swait.ge [sflag:s21], $0x80  }
0x3b: {  	[sflag:s21] =	ssyncset.done $0x0  }
0x3c: {  	[sflag:s21] =	ssyncadd.s32 $0xFFFFFF80  }
0x3d: {  	[tilespmem:s22], [sflag:$0x6] =	stream.indirect.gather [hbm4b:s4+s17], $0x80, s17, s17, $0xb8;
	[tilespmem:$0x1BD00] =	vst v63  }
0x3e: {  	_ =	swait.ge [sflag:s23], $0x4000  }
0x3f: {  	[sflag:s23] =	ssyncset.done $0x0;
	s11 =	rddreg [dreg:$0x3]  }
0x40: {  	[sflag:s23] =	ssyncadd.s32 $0xFFFFC000;
	p1 =	sle.u32 s11, $0x0  }
0x41: {  	[spmem:s2] =	stream.indirect.scatter.add.f32 [tilespmem:s20], [sflag:$0x7], $0x80, s14, s17, $0xb8;
	[tilespmem:$0x1BD00] =	vst v63  }
0x42: {  	s0 =	sadd.s32 @!p1 $0x0, s5  }
0x43: {  	s1 =	simm.s32 @!p1 $0x7;
	s0 =	sadd.s32 @!p1 $0x60, s0  }
0x44: {  	_ =	swait.ge @!p1 [sflag:s1], $0x4000;
	p0 =	sgt.u32 @!p1 s0, $0x9C3  }
0x45: {  	[sflag:s1] =	ssyncset.done @!p1 $0x0;
	p0 =	por p0, p1  }
0x46: {  	[sflag:s1] =	ssyncadd.s32 @!p1 $0xFFFFC000;
	s0 =	sadd.s32 @!p0 $0x0, s13;
	s6 =	simm.s32 @!p0 $0x0  }
0x47: {  	s7 =	sadd.s32 @!p0 $0x0, s12;
	s1 =	simm.s32 @!p0 $0x180;
	s0 =	sadd.s32 @!p0 $0x600, s0  }
0x48: {  	[tilespmem:s1], [sflag:$0x4] =	stream.linear.gather @!p0 [hbm4b:s0+s6], $0x80, $0x38;
	[tilespmem:$0x1BD00] =	vst v63  }
0x49: {  	s0 =	sadd.s32 @!p0 $0x600, s7;
	s1 =	simm.s32 @!p0 $0x380;
	s7 =	simm.s32 @!p1 $0x3  }
0x4a: {  	[tilespmem:s1], [sflag:$0x4] =	stream.linear.gather @!p0 [hbm4b:s0+s6], $0x80, $0x38;
	[tilespmem:$0x1BD00] =	vst v63  }
0x4b: {  	_ =	swait.ge @!p1 [sflag:s7], $0x80  }
0x4c: {  	[sflag:s7] =	ssyncset.done @!p1 $0x0  }
0x4d: {  	[sflag:s7] =	ssyncadd.s32 @!p1 $0xFFFFFF80  }
0x4e: {  	_ =	swait.ge @!p1 [sflag:s7], $0x80  }
0x4f: {  	s1 =	simm.s32 @!p1 $0x400;
	[sflag:s7] =	ssyncset.done @!p1 $0x0  }
0x50: {  	s6 =	simm.s32 @!p1 $0x80;
	s0 =	simm.s32 @!p1 $0x100;
	[sflag:s7] =	ssyncadd.s32 @!p1 $0xFFFFFF80  }
0x51: {  	[tilespmem:s1], [sflag:$0x5] =	stream.indirect.gather @!p1 [hbm4b:s4+s6], $0x80, s0, s6, $0xb8;
	[tilespmem:$0x1BD00] =	vst v63  }
0x52: {  	_ =	swait.ge [sflag:s24], $0x4000  }
0x53: {  	[sflag:s24] =	ssyncset.done $0x0;
	s25 =	rddreg [dreg:$0x4]  }
0x54: {  	[sflag:s24] =	ssyncadd.s32 $0xFFFFC000;
	p3 =	sle.u32 s25, $0x0  }
0x55: {  	[spmem:s2] =	stream.indirect.scatter.add.f32 [tilespmem:s22], [sflag:$0x8], $0x80, s18, s17, $0xb8;
	[tilespmem:$0x1BD00] =	vst v63  }
0x56: {  	s0 =	sadd.s32 @!p3 $0x0, s5  }
0x57: {  	s7 =	simm.s32 @!p3 $0x8;
	s0 =	sadd.s32 @!p3 $0x80, s0  }
0x58: {  	_ =	swait.ge @!p3 [sflag:s7], $0x4000;
	p0 =	sgt.u32 @!p3 s0, $0x9C3  }
0x59: {  	[sflag:s7] =	ssyncset.done @!p3 $0x0;
	p0 =	por p0, p3  }
0x5a: {  	[sflag:s7] =	ssyncadd.s32 @!p3 $0xFFFFC000;
	s0 =	sadd.s32 @!p0 $0x0, s13  }
0x5b: {  	s7 =	simm.s32 @!p0 $0x0;
	s8 =	sadd.s32 @!p0 $0x0, s12;
	s0 =	sadd.s32 @!p0 $0x800, s0  }
0x5c: {  	[tilespmem:s7], [sflag:$0x1] =	stream.linear.gather @!p0 [hbm4b:s0+s7], $0x80, $0x38;
	[tilespmem:$0x1BD00] =	vst v63  }
0x5d: {  	s30 =	simm.s32 @!p3 $0x4;
	s8 =	sadd.s32 @!p0 $0x800, s8;
	s0 =	simm.s32 @!p0 $0x200  }
0x5e: {  	[tilespmem:s0], [sflag:$0x1] =	stream.linear.gather @!p0 [hbm4b:s8+s7], $0x80, $0x38;
	[tilespmem:$0x1BD00] =	vst v63  }
0x5f: {  	_ =	swait.ge @!p3 [sflag:s30], $0x80  }
0x60: {  	[sflag:s30] =	ssyncset.done @!p3 $0x0  }
0x61: {  	s29 =	simm.s32 $0x800;
	s31 =	simm.s32 $0x1000;
	[sflag:s30] =	ssyncadd.s32 @!p3 $0xFFFFFF80  }
0x62: {  	p2 =	por $0x0, $0x0;
	s10 =	simm.s32 @!p3 $0x80;
	_ =	swait.ge @!p3 [sflag:s30], $0x80  }
0x63: {  	s0 =	simm.s32 @!p3 $0x180;
	s8 =	simm.s32 @!p3 $0x4400;
	[sflag:s30] =	ssyncset.done @!p3 $0x0  }
0x64: {  	s7 =	simm.s32 @!p1 $0x5;
	[sflag:s30] =	ssyncadd.s32 @!p3 $0xFFFFFF80;
	s30 =	simm.s32 $0x80  }
.LBB2_2:
0x65: {  	[tilespmem:s8], [sflag:$0x6] =	stream.indirect.gather @!p3 [hbm4b:s4+s10], $0x80, s0, s10, $0xb8;
	[tilespmem:$0x1BD00] =	vst v63  }
0x66: {  	_ =	swait.ge @!p1 [sflag:s7], $0x4000  }
0x67: {  	[sflag:s7] =	ssyncset.done @!p1 $0x0  }
0x68: {  	s8 =	simm.s32 @!p1 $0x300;
	s10 =	simm.s32 @!p2 $0x7;
	[sflag:s7] =	ssyncadd.s32 @!p1 $0xFFFFC000  }
0x69: {  	[spmem:s2] =	stream.indirect.scatter.add.f32 @!p1 [tilespmem:s1], [sflag:$0x7], $0x80, s8, s6, $0xb8;
	[tilespmem:$0x1BD00] =	vst v63  }
0x6a: {  	_ =	swait.ge @!p2 [sflag:s10], $0x4000  }
0x6b: {  	s6 =	sadd.s32 s29, s13;
	[sflag:s10] =	ssyncset.done @!p2 $0x0  }
0x6c: {  	s7 =	sadd.s32 s29, s12;
	s1 =	sadd.s32 $0x200, s6;
	[sflag:s10] =	ssyncadd.s32 @!p2 $0xFFFFC000  }
0x6d: {  	[tilespmem:s17], [sflag:$0x2] =	stream.linear.gather [hbm4b:s1+s3], $0x80, $0x38;
	[tilespmem:$0x1BD00] =	vst v63  }
0x6e: {  	s8 =	sadd.s32 $0x200, s7  }
0x6f: {  	[tilespmem:s18], [sflag:$0x2] =	stream.linear.gather [hbm4b:s8+s3], $0x80, $0x38;
	[tilespmem:$0x1BD00] =	vst v63  }
0x70: {  	_ =	swait.ge [sflag:s19], $0x80  }
0x71: {  	[sflag:s19] =	ssyncset.done $0x0  }
0x72: {  	[sflag:s19] =	ssyncadd.s32 $0xFFFFFF80  }
0x73: {  	_ =	swait.ge [sflag:s19], $0x80  }
0x74: {  	[sflag:s19] =	ssyncset.done $0x0  }
0x75: {  	s10 =	sadd.s32 s30, s5;
	s1 =	simm.s32 @!p2 $0x6;
	[sflag:s19] =	ssyncadd.s32 $0xFFFFFF80  }
0x76: {  	[tilespmem:s20], [sflag:$0x5] =	stream.indirect.gather [hbm4b:s4+s17], $0x80, s3, s17, $0xb8;
	[tilespmem:$0x1BD00] =	vst v63  }
0x77: {  	s7 =	simm.s32 @!p2 $0x4400;
	s6 =	sadd.s32 $0x40, s10;
	_ =	swait.ge @!p2 [sflag:s1], $0x4000  }
0x78: {  	s10 =	simm.s32 @!p2 $0x380;
	p1 =	sgt.u32 s6, $0x9C3;
	[sflag:s1] =	ssyncset.done @!p2 $0x0  }
0x79: {  	s8 =	simm.s32 @!p2 $0x80;
	[sflag:s1] =	ssyncadd.s32 @!p2 $0xFFFFC000;
	s1 =	simm.s32 @!p2 $0x8  }
0x7a: {  	[spmem:s2] =	stream.indirect.scatter.add.f32 @!p2 [tilespmem:s7], [sflag:$0x8], $0x80, s10, s8, $0xb8;
	[tilespmem:$0x1BD00] =	vst v63  }
0x7b: {  	s6 =	sadd.s32 @!p1 s29, s13;
	_ =	swait.ge @!p2 [sflag:s1], $0x4000  }
0x7c: {  	s6 =	sadd.s32 @!p1 $0x400, s6;
	s7 =	simm.s32 @!p1 $0x0;
	[sflag:s1] =	ssyncset.done @!p2 $0x0  }
0x7d: {  	s8 =	simm.s32 @!p1 $0x100;
	[sflag:s1] =	ssyncadd.s32 @!p2 $0xFFFFC000;
	s1 =	sadd.s32 @!p1 s29, s12  }
0x7e: {  	[tilespmem:s8], [sflag:$0x3] =	stream.linear.gather @!p1 [hbm4b:s6+s7], $0x80, $0x38;
	[tilespmem:$0x1BD00] =	vst v63  }
0x7f: {  	s10 =	simm.s32 @!p1 $0x300;
	s1 =	sadd.s32 @!p1 $0x400, s1  }
0x80: {  	[tilespmem:s10], [sflag:$0x3] =	stream.linear.gather @!p1 [hbm4b:s1+s7], $0x80, $0x38;
	[tilespmem:$0x1BD00] =	vst v63  }
0x81: {  	_ =	swait.ge [sflag:s21], $0x80  }
0x82: {  	[sflag:s21] =	ssyncset.done $0x0  }
0x83: {  	[sflag:s21] =	ssyncadd.s32 $0xFFFFFF80  }
0x84: {  	_ =	swait.ge [sflag:s21], $0x80  }
0x85: {  	[sflag:s21] =	ssyncset.done $0x0  }
0x86: {  	[sflag:s21] =	ssyncadd.s32 $0xFFFFFF80  }
0x87: {  	[tilespmem:s22], [sflag:$0x6] =	stream.indirect.gather [hbm4b:s4+s17], $0x80, s17, s17, $0xb8;
	[tilespmem:$0x1BD00] =	vst v63  }
0x88: {  	_ =	swait.ge [sflag:s23], $0x4000  }
0x89: {  	[sflag:s23] =	ssyncset.done $0x0;
	s11 =	rddreg [dreg:$0x3]  }
0x8a: {  	[sflag:s23] =	ssyncadd.s32 $0xFFFFC000;
	p1 =	sge.u32 s30, s11  }
0x8b: {  	[spmem:s2] =	stream.indirect.scatter.add.f32 [tilespmem:s20], [sflag:$0x7], $0x80, s14, s17, $0xb8;
	[tilespmem:$0x1BD00] =	vst v63  }
0x8c: {  	s6 =	sadd.s32 @!p1 s30, s5  }
0x8d: {  	s1 =	simm.s32 @!p1 $0x7;
	s6 =	sadd.s32 @!p1 $0x60, s6  }
0x8e: {  	_ =	swait.ge @!p1 [sflag:s1], $0x4000;
	p2 =	sgt.u32 @!p1 s6, $0x9C3  }
0x8f: {  	[sflag:s1] =	ssyncset.done @!p1 $0x0;
	p2 =	por p2, p1  }
0x90: {  	[sflag:s1] =	ssyncadd.s32 @!p1 $0xFFFFC000;
	s6 =	sadd.s32 @!p2 s29, s13;
	s7 =	simm.s32 @!p2 $0x0  }
0x91: {  	s8 =	sadd.s32 @!p2 s29, s12;
	s1 =	sadd.s32 @!p2 $0x600, s6;
	s6 =	simm.s32 @!p2 $0x180  }
0x92: {  	[tilespmem:s6], [sflag:$0x4] =	stream.linear.gather @!p2 [hbm4b:s1+s7], $0x80, $0x38;
	[tilespmem:$0x1BD00] =	vst v63  }
0x93: {  	s1 =	sadd.s32 @!p2 $0x600, s8;
	s6 =	simm.s32 @!p2 $0x380;
	s8 =	simm.s32 @!p1 $0x3  }
0x94: {  	[tilespmem:s6], [sflag:$0x4] =	stream.linear.gather @!p2 [hbm4b:s1+s7], $0x80, $0x38;
	[tilespmem:$0x1BD00] =	vst v63  }
0x95: {  	_ =	swait.ge @!p1 [sflag:s8], $0x80  }
0x96: {  	[sflag:s8] =	ssyncset.done @!p1 $0x0  }
0x97: {  	[sflag:s8] =	ssyncadd.s32 @!p1 $0xFFFFFF80  }
0x98: {  	_ =	swait.ge @!p1 [sflag:s8], $0x80  }
0x99: {  	s1 =	simm.s32 @!p1 $0x400;
	[sflag:s8] =	ssyncset.done @!p1 $0x0  }
0x9a: {  	s6 =	simm.s32 @!p1 $0x80;
	s7 =	simm.s32 @!p1 $0x100;
	[sflag:s8] =	ssyncadd.s32 @!p1 $0xFFFFFF80  }
0x9b: {  	[tilespmem:s1], [sflag:$0x5] =	stream.indirect.gather @!p1 [hbm4b:s4+s6], $0x80, s7, s6, $0xb8;
	[tilespmem:$0x1BD00] =	vst v63  }
0x9c: {  	_ =	swait.ge [sflag:s24], $0x4000  }
0x9d: {  	[sflag:s24] =	ssyncset.done $0x0;
	s25 =	rddreg [dreg:$0x4]  }
0x9e: {  	[sflag:s24] =	ssyncadd.s32 $0xFFFFC000;
	p3 =	sge.u32 s30, s25  }
0x9f: {  	[spmem:s2] =	stream.indirect.scatter.add.f32 [tilespmem:s22], [sflag:$0x8], $0x80, s18, s17, $0xb8;
	[tilespmem:$0x1BD00] =	vst v63  }
0xa0: {  	s8 =	sadd.s32 @!p3 s30, s5  }
0xa1: {  	s7 =	simm.s32 @!p3 $0x8;
	s8 =	sadd.s32 @!p3 $0x80, s8  }
0xa2: {  	_ =	swait.ge @!p3 [sflag:s7], $0x4000;
	p2 =	sgt.u32 @!p3 s8, $0x9C3  }
0xa3: {  	s0 =	smov.u32 s31;
	[sflag:s7] =	ssyncset.done @!p3 $0x0;
	p2 =	por p2, p3  }
0xa4: {  	s31 =	sadd.s32 $0x800, s31;
	[sflag:s7] =	ssyncadd.s32 @!p3 $0xFFFFC000;
	s7 =	sadd.s32 @!p2 s29, s13  }
0xa5: {  	s8 =	simm.s32 @!p2 $0x0;
	s10 =	sadd.s32 @!p2 s29, s12;
	s7 =	sadd.s32 @!p2 $0x800, s7  }
0xa6: {  	[tilespmem:s8], [sflag:$0x1] =	stream.linear.gather @!p2 [hbm4b:s7+s8], $0x80, $0x38;
	[tilespmem:$0x1BD00] =	vst v63  }
0xa7: {  	s25 =	simm.s32 @!p3 $0x4;
	s11 =	simm.s32 @!p2 $0x200;
	s7 =	sadd.s32 @!p2 $0x800, s10  }
0xa8: {  	[tilespmem:s11], [sflag:$0x1] =	stream.linear.gather @!p2 [hbm4b:s7+s8], $0x80, $0x38;
	[tilespmem:$0x1BD00] =	vst v63  }
0xa9: {  	p0 =	sne.s32 s31, $0xA000;
	_ =	swait.ge @!p3 [sflag:s25], $0x80  }
.Ltmp0:
0xaa: {  	[sflag:s25] =	ssyncset.done @!p3 $0x0;
	(pc) =	sbr.rel @p0 .LBB2_2-.Ltmp0, $4  }
0xab: {  	s30 =	sadd.s32 $0x80, s30;
	[sflag:s25] =	ssyncadd.s32 @!p3 $0xFFFFFF80  }
0xac: {  	s29 =	smov.u32 s0;
	s0 =	simm.s32 @!p3 $0x180;
	_ =	swait.ge @!p3 [sflag:s25], $0x80  }
0xad: {  	s10 =	simm.s32 @!p3 $0x80;
	s8 =	simm.s32 @!p3 $0x4400;
	[sflag:s25] =	ssyncset.done @!p3 $0x0  }
0xae: {  	p2 =	seq.s32 s29, $0x0;
	s7 =	simm.s32 @!p1 $0x5;
	[sflag:s25] =	ssyncadd.s32 @!p3 $0xFFFFFF80  }
0xaf: {  	[tilespmem:s8], [sflag:$0x6] =	stream.indirect.gather @!p3 [hbm4b:s4+s10], $0x80, s0, s10, $0xb8;
	[tilespmem:$0x1BD00] =	vst v63  }
0xb0: {  	_ =	swait.ge @!p1 [sflag:s7], $0x4000  }
0xb1: {  	[sflag:s7] =	ssyncset.done @!p1 $0x0  }
0xb2: {  	s0 =	simm.s32 @!p1 $0x300;
	[sflag:s7] =	ssyncadd.s32 @!p1 $0xFFFFC000  }
0xb3: {  	[spmem:s2] =	stream.indirect.scatter.add.f32 @!p1 [tilespmem:s1], [sflag:$0x7], $0x80, s0, s6, $0xb8;
	[tilespmem:$0x1BD00] =	vst v63  }
0xb4: {  	s0 =	simm.s32 @!p2 $0x7  }
0xb5: {  	_ =	swait.ge @!p2 [sflag:s0], $0x4000  }
0xb6: {  	s6 =	sadd.s32 s29, s13;
	[sflag:s0] =	ssyncset.done @!p2 $0x0  }
0xb7: {  	s7 =	sadd.s32 s29, s12;
	s1 =	sadd.s32 $0x200, s6;
	[sflag:s0] =	ssyncadd.s32 @!p2 $0xFFFFC000  }
0xb8: {  	[tilespmem:s17], [sflag:$0x2] =	stream.linear.gather [hbm4b:s1+s3], $0x80, $0x38;
	[tilespmem:$0x1BD00] =	vst v63  }
0xb9: {  	s8 =	sadd.s32 $0x200, s7  }
0xba: {  	[tilespmem:s18], [sflag:$0x2] =	stream.linear.gather [hbm4b:s8+s3], $0x80, $0x38;
	[tilespmem:$0x1BD00] =	vst v63  }
0xbb: {  	_ =	swait.ge [sflag:s19], $0x80  }
0xbc: {  	[sflag:s19] =	ssyncset.done $0x0  }
0xbd: {  	[sflag:s19] =	ssyncadd.s32 $0xFFFFFF80  }
0xbe: {  	_ =	swait.ge [sflag:s19], $0x80  }
0xbf: {  	[sflag:s19] =	ssyncset.done $0x0  }
0xc0: {  	s0 =	simm.s32 @!p2 $0x6;
	[sflag:s19] =	ssyncadd.s32 $0xFFFFFF80  }
0xc1: {  	[tilespmem:s20], [sflag:$0x5] =	stream.indirect.gather [hbm4b:s4+s17], $0x80, s3, s17, $0xb8;
	[tilespmem:$0x1BD00] =	vst v63  }
0xc2: {  	_ =	swait.ge @!p2 [sflag:s0], $0x4000  }
0xc3: {  	s10 =	sadd.s32 s30, s5;
	s6 =	simm.s32 @!p2 $0x80;
	[sflag:s0] =	ssyncset.done @!p2 $0x0  }
0xc4: {  	s1 =	simm.s32 @!p2 $0x4400;
	[sflag:s0] =	ssyncadd.s32 @!p2 $0xFFFFC000;
	s0 =	simm.s32 @!p2 $0x380  }
0xc5: {  	[spmem:s2] =	stream.indirect.scatter.add.f32 @!p2 [tilespmem:s1], [sflag:$0x8], $0x80, s0, s6, $0xb8;
	[tilespmem:$0x1BD00] =	vst v63  }
0xc6: {  	s0 =	sadd.s32 $0x40, s10;
	s1 =	simm.s32 @!p2 $0x8  }
0xc7: {  	p0 =	sgt.u32 s0, $0x9C3;
	_ =	swait.ge @!p2 [sflag:s1], $0x4000  }
0xc8: {  	s0 =	sadd.s32 @!p0 s29, s13;
	s6 =	simm.s32 @!p0 $0x0;
	[sflag:s1] =	ssyncset.done @!p2 $0x0  }
0xc9: {  	s0 =	sadd.s32 @!p0 $0x400, s0;
	[sflag:s1] =	ssyncadd.s32 @!p2 $0xFFFFC000;
	s1 =	simm.s32 @!p0 $0x100  }
0xca: {  	[tilespmem:s1], [sflag:$0x3] =	stream.linear.gather @!p0 [hbm4b:s0+s6], $0x80, $0x38;
	[tilespmem:$0x1BD00] =	vst v63  }
0xcb: {  	s0 =	sadd.s32 @!p0 s29, s12  }
0xcc: {  	s1 =	simm.s32 @!p0 $0x300;
	s0 =	sadd.s32 @!p0 $0x400, s0  }
0xcd: {  	[tilespmem:s1], [sflag:$0x3] =	stream.linear.gather @!p0 [hbm4b:s0+s6], $0x80, $0x38;
	[tilespmem:$0x1BD00] =	vst v63  }
0xce: {  	_ =	swait.ge [sflag:s21], $0x80  }
0xcf: {  	[sflag:s21] =	ssyncset.done $0x0  }
0xd0: {  	[sflag:s21] =	ssyncadd.s32 $0xFFFFFF80  }
0xd1: {  	_ =	swait.ge [sflag:s21], $0x80  }
0xd2: {  	[sflag:s21] =	ssyncset.done $0x0  }
0xd3: {  	[sflag:s21] =	ssyncadd.s32 $0xFFFFFF80  }
0xd4: {  	[tilespmem:s22], [sflag:$0x6] =	stream.indirect.gather [hbm4b:s4+s17], $0x80, s17, s17, $0xb8;
	[tilespmem:$0x1BD00] =	vst v63  }
0xd5: {  	_ =	swait.ge [sflag:s23], $0x4000  }
0xd6: {  	[sflag:s23] =	ssyncset.done $0x0;
	s11 =	rddreg [dreg:$0x3]  }
0xd7: {  	[sflag:s23] =	ssyncadd.s32 $0xFFFFC000;
	p0 =	sge.u32 s30, s11  }
0xd8: {  	[spmem:s2] =	stream.indirect.scatter.add.f32 [tilespmem:s20], [sflag:$0x7], $0x80, s14, s17, $0xb8;
	[tilespmem:$0x1BD00] =	vst v63  }
0xd9: {  	s0 =	sadd.s32 @!p0 s30, s5  }
0xda: {  	s1 =	simm.s32 @!p0 $0x7;
	s0 =	sadd.s32 @!p0 $0x60, s0  }
0xdb: {  	_ =	swait.ge @!p0 [sflag:s1], $0x4000;
	p1 =	sgt.u32 @!p0 s0, $0x9C3  }
0xdc: {  	[sflag:s1] =	ssyncset.done @!p0 $0x0;
	p1 =	por p1, p0  }
0xdd: {  	[sflag:s1] =	ssyncadd.s32 @!p0 $0xFFFFC000;
	s0 =	sadd.s32 @!p1 s29, s13  }
0xde: {  	s6 =	simm.s32 @!p1 $0x0;
	s1 =	simm.s32 @!p1 $0x180;
	s0 =	sadd.s32 @!p1 $0x600, s0  }
0xdf: {  	[tilespmem:s1], [sflag:$0x4] =	stream.linear.gather @!p1 [hbm4b:s0+s6], $0x80, $0x38;
	[tilespmem:$0x1BD00] =	vst v63  }
0xe0: {  	s0 =	sadd.s32 @!p1 s29, s12  }
0xe1: {  	s1 =	simm.s32 @!p1 $0x380;
	s0 =	sadd.s32 @!p1 $0x600, s0  }
0xe2: {  	[tilespmem:s1], [sflag:$0x4] =	stream.linear.gather @!p1 [hbm4b:s0+s6], $0x80, $0x38;
	[tilespmem:$0x1BD00] =	vst v63  }
0xe3: {  	s0 =	simm.s32 @!p0 $0x3  }
0xe4: {  	_ =	swait.ge @!p0 [sflag:s0], $0x80  }
0xe5: {  	[sflag:s0] =	ssyncset.done @!p0 $0x0  }
0xe6: {  	[sflag:s0] =	ssyncadd.s32 @!p0 $0xFFFFFF80  }
0xe7: {  	_ =	swait.ge @!p0 [sflag:s0], $0x80  }
0xe8: {  	s1 =	simm.s32 @!p0 $0x400;
	[sflag:s0] =	ssyncset.done @!p0 $0x0  }
0xe9: {  	s6 =	simm.s32 @!p0 $0x80;
	[sflag:s0] =	ssyncadd.s32 @!p0 $0xFFFFFF80;
	s0 =	simm.s32 @!p0 $0x100  }
0xea: {  	[tilespmem:s1], [sflag:$0x5] =	stream.indirect.gather @!p0 [hbm4b:s4+s6], $0x80, s0, s6, $0xb8;
	[tilespmem:$0x1BD00] =	vst v63  }
0xeb: {  	_ =	swait.ge [sflag:s24], $0x4000  }
0xec: {  	[sflag:s24] =	ssyncset.done $0x0;
	s25 =	rddreg [dreg:$0x4]  }
0xed: {  	[sflag:s24] =	ssyncadd.s32 $0xFFFFC000;
	p1 =	sge.u32 s30, s25  }
0xee: {  	[spmem:s2] =	stream.indirect.scatter.add.f32 [tilespmem:s22], [sflag:$0x8], $0x80, s18, s17, $0xb8;
	[tilespmem:$0x1BD00] =	vst v63  }
0xef: {  	s0 =	sadd.s32 @!p1 s30, s5  }
0xf0: {  	s7 =	simm.s32 @!p1 $0x8;
	s0 =	sadd.s32 @!p1 $0x80, s0  }
0xf1: {  	_ =	swait.ge @!p1 [sflag:s7], $0x4000;
	p2 =	sgt.u32 @!p1 s0, $0x9C3  }
0xf2: {  	[sflag:s7] =	ssyncset.done @!p1 $0x0;
	p2 =	por p2, p1  }
0xf3: {  	[sflag:s7] =	ssyncadd.s32 @!p1 $0xFFFFC000;
	s0 =	sadd.s32 @!p2 s29, s13  }
0xf4: {  	s7 =	simm.s32 @!p2 $0x0;
	s8 =	sadd.s32 @!p2 s29, s12;
	s0 =	sadd.s32 @!p2 $0x800, s0  }
0xf5: {  	[tilespmem:s7], [sflag:$0x1] =	stream.linear.gather @!p2 [hbm4b:s0+s7], $0x80, $0x38;
	[tilespmem:$0x1BD00] =	vst v63  }
0xf6: {  	s8 =	sadd.s32 @!p2 $0x800, s8;
	s0 =	simm.s32 @!p2 $0x200  }
0xf7: {  	[tilespmem:s0], [sflag:$0x1] =	stream.linear.gather @!p2 [hbm4b:s8+s7], $0x80, $0x38;
	[tilespmem:$0x1BD00] =	vst v63  }
0xf8: {  	s0 =	simm.s32 @!p1 $0x4  }
0xf9: {  	_ =	swait.ge @!p1 [sflag:s0], $0x80  }
0xfa: {  	[sflag:s0] =	ssyncset.done @!p1 $0x0  }
0xfb: {  	[sflag:s0] =	ssyncadd.s32 @!p1 $0xFFFFFF80  }
0xfc: {  	_ =	swait.ge @!p1 [sflag:s0], $0x80  }
0xfd: {  	s7 =	simm.s32 @!p1 $0x180;
	[sflag:s0] =	ssyncset.done @!p1 $0x0  }
0xfe: {  	s8 =	simm.s32 @!p1 $0x4400;
	[sflag:s0] =	ssyncadd.s32 @!p1 $0xFFFFFF80;
	s0 =	simm.s32 @!p1 $0x80  }
0xff: {  	[tilespmem:s8], [sflag:$0x6] =	stream.indirect.gather @!p1 [hbm4b:s4+s0], $0x80, s7, s0, $0xb8;
	[tilespmem:$0x1BD00] =	vst v63  }
0x100: {  	s0 =	simm.s32 @!p0 $0x5  }
0x101: {  	_ =	swait.ge @!p0 [sflag:s0], $0x4000  }
0x102: {  	[sflag:s0] =	ssyncset.done @!p0 $0x0  }
0x103: {  	s29 =	simm.s32 $0x7;
	[sflag:s0] =	ssyncadd.s32 @!p0 $0xFFFFC000;
	s0 =	simm.s32 @!p0 $0x300  }
0x104: {  	[spmem:s2] =	stream.indirect.scatter.add.f32 @!p0 [tilespmem:s1], [sflag:$0x7], $0x80, s0, s6, $0xb8;
	[tilespmem:$0x1BD00] =	vst v63  }
0x105: {  	_ =	swait.ge [sflag:s29], $0x4000  }
0x106: {  	[sflag:s29] =	ssyncset.done $0x0  }
0x107: {  	[sflag:s29] =	ssyncadd.s32 $0xFFFFC000  }
0x108: {  	_ =	swait.ge [sflag:s26], $0x4000  }
0x109: {  	[sflag:s26] =	ssyncset.done $0x0  }
0x10a: {  	[sflag:s26] =	ssyncadd.s32 $0xFFFFC000  }
0x10b: {  	[bflag:$0x0] =	sbarrier.arrive $0xFFFF  }
0x10c: {  	s30 =	rddreg [dreg:$0x8]  }
0x10d: {  	[hbm:s30], [sflag:s9] =	dma.local [spmem:s15], $0x2720  }
0x10e: {  	_ =	swait.ge [sflag:s16], $0x2720  }
0x10f: {  	s28 =	sadd.s32 $0x1, s28;
	s31 =	rddreg [dreg:$0x9]  }
0x110: {  	p0 =	sne.s32 s28, s31  }
.Ltmp1:
0x111: {  	_ = 	snop;
	(pc) =	sbr.rel @p0 .LBB2_1-.Ltmp1, $3  }
0x112: {  	_ =	sdelay $0x1  }
0x113: {  	[sflag:s16] =	ssyncset.done $0x0  }
0x114: {  	[sflag:s16] =	ssyncadd.s32 $0xFFFFD8E0  }
0x115: {  	_ =	sfence.sel $0x180000  }
0x116: {  	[bflag:$0x0] =	sbarrier.arrive $0xFFFF  }
0x117: {  	_ =	strace $0x9000004D  }
0x118: {  	s0 =	stileid.u32;
	[bflag:$0x2] =	sbarrier.arrive $0xFFFF  }
0x119: {  	p0 =	sne.s32 s0, $0x0;
	s0 =	rddreg [dreg:$0x2]  }
0x11a: {  	s0 =	sadd.s32 @!p0 $0x100000, s0  }
0x11b: {  	[sflag:s0] =	ssyncadd.tile.s32 @!p0 $0x1;
	_ =	shalt  }
.Lfunc_end2:
_tile_overlayer_lowered:
.L_overlay_start_2:
0x11c: {  	(tag) =	ssettag $0x2  }
0x11d: {  	s0 =	rddreg [dreg:$0x0];
	s2 =	stileid.u32  }
0x11e: {  	s1 =	rddreg [dreg:$0x1];
	p0 =	sne.s32 s2, $0x0  }
0x11f: {  	s3 =	rddreg [dreg:$0x2];
	[bflag:$0x3] =	sbarrier.arrive $0xFFFF;
	s2 =	simm.s32 @!p0 $0x1C09  }
0x120: {  	[timem:s3], [sflag:s2] =	dma.local @!p0 [hbm:s0], s1  }
0x121: {  	s0 =	simm.s32 @!p0 $0x9  }
0x122: {  	_ =	swait.ge @!p0 [sflag:s0], s1  }
0x123: {  	s1 =	ssub.s32 @!p0 $0x0, s1;
	[sflag:s0] =	ssyncset.done @!p0 $0x0  }
0x124: {  	[sflag:s0] =	ssyncadd.s32 @!p0 s1  }
0x125: {  	[bflag:$0x3] =	sbarrier.arrive $0xFFFF  }
0x126: {  	_ =	shalt  }

// kernel: kernel.23.cloned.1.call-start
scs
__scs_entry_jumppad:
0x0: {  	(pc) =	sbr.rel $0x88, $3  }
0x1: {  	(tag) =	ssettag $0x0;
	lr =	simm.s32 $0x1  }
0x2: {  	[smem:$0x3F7B] =	sst lr;
	_ =	strace $0xD0000000  }
0x3: {  	_ = 	snop  }
0x4: {  	_ = 	snop  }
0x5: {  	_ = 	snop  }
0x6: {  	_ = 	snop  }
0x7: {  	_ = 	snop  }
__scs_overlays_trampoline_lowered:
0x8: {  	[smem:$0x3F8A] =	sst s0  }
0x9: {  	[smem:$0x3F8B] =	sst s1  }
0xa: {  	[smem:$0x3F8C] =	sst s2  }
0xb: {  	[smem:$0x3F8D] =	sst s3  }
0xc: {  	[smem:$0x3F8E] =	sst s4  }
0xd: {  	[smem:$0x3F8F] =	sst s5  }
0xe: {  	[smem:$0x3F90] =	sst s6  }
0xf: {  	[smem:$0x3F91] =	sst s7  }
0x10: {  	[smem:$0x3F92] =	sst s8  }
0x11: {  	[smem:$0x3F93] =	sst s9;
	s0 =	simm.s32 @!p0 $0x0  }
0x12: {  	s1 =	sld [smem:$0x3F79];
	s0 =	simm.s32 @p0 $0x1  }
0x13: {  	[smem:$0x3F94] =	sst s0;
	s0 =	simm.s32 @!p1 $0x0  }
0x14: {  	s2 =	sld [smem:$0x3F78];
	s0 =	simm.s32 @p1 $0x1  }
0x15: {  	[smem:$0x3F95] =	sst s0;
	s0 =	simm.s32 @!p2 $0x0  }
0x16: {  	s3 =	sld [smem:$0x3FDB];
	s0 =	simm.s32 @p2 $0x1  }
0x17: {  	s4 =	simm.s32 $0x1BF5;
	[smem:$0x3F97] =	sst s0  }
0x18: {  	s0 =	sld [smem:$0x3F7A];
	_ =	swait.ge [sflag:s4], $0x0  }
0x19: {  	s7 =	sld [smem:$0x3F7B]  }
0x1a: {  	s8 =	sadd.s32 $0xFFFFE003, lr  }
0x1b: {  	s9 =	sadd.s32 $0xFFFFFEF7, lr;
	s5 =	simm.s32 $0xFFFFFFFF;
	p2 =	slt.u32 s8, $0xFFFFF086  }
0x1c: {  	p1 =	slt.u32 s9, $0xF7A;
	s5 =	simm.s32 @!p2 $0x0  }
0x1d: {  	s5 =	simm.s32 @p1 $0x1;
	p0 =	seq.s32 s7, s2  }
0x1e: {  	s7 =	smul.u32 @!p0 $0xF7A, s2;
	p2 =	seq.s32 @!p0 s5, $0x0  }
0x1f: {  	s9 =	smul.u32 $0xF7A, s1;
	s8 =	simm.s32 @!p0 $0x1BF5;
	p2 =	por !p2, p0  }
0x20: {  	[sflag:s8] =	ssyncset.s32 @!p0 $0xFFFFF086;
	s6 =	sadd.s32 @!p0 s3, s7;
	s7 =	simm.s32 @!p0 $0x108  }
0x21: {  	s3 =	sadd.s32 s3, s9;
	s6 =	sadd.s32 @!p0 $0x88, s6;
	s7 =	simm.s32 @p2 $0x1082  }
0x22: {  	[simem:s7], [sflag:s8] =	dma.local @!p0 [hbm:s6], $0xF7A  }
0x23: {  	s9 =	sor.u32 $0xD0000000, s2;
	s6 =	simm.s32 $0x108;
	_ =	swait.ge @!p0 [sflag:s8], $0x0  }
0x24: {  	s3 =	sadd.s32 $0x88, s3;
	s6 =	simm.s32 @!p1 $0x1082;
	[sflag:s4] =	ssyncset.s32 $0xFFFFF086  }
0x25: {  	[simem:s6], [sflag:s4] =	dma.local [hbm:s3], $0xF7A  }
0x26: {  	[smem:$0x3F7B] =	sst s1;
	(tag) =	ssettag s2;
	_ =	strace s9  }
0x27: {  	s1 =	sld [smem:$0x3F8B]  }
0x28: {  	s2 =	sld [smem:$0x3F8C]  }
0x29: {  	s4 =	sld [smem:$0x3F8E]  }
0x2a: {  	p0 =	seq.s32 s5, $0x0;
	s5 =	sld [smem:$0x3F8F]  }
0x2b: {  	s6 =	sld [smem:$0x3F90]  }
0x2c: {  	s7 =	sld [smem:$0x3F91]  }
0x2d: {  	s3 =	simm.s32 $0x108;
	s8 =	sld [smem:$0x3F92]  }
0x2e: {  	s3 =	simm.s32 @!p0 $0x1082;
	s9 =	sld [smem:$0x3F93]  }
0x2f: {  	lr =	sadd.s32 s0, s3;
	s0 =	sld [smem:$0x3F8A]  }
0x30: {  	s3 =	sld [smem:$0x3F8D]  }
0x31: {  	[smem:$0x3F96] =	sst s10  }
0x32: {  	s10 =	sld [smem:$0x3F94];
	_ =	sdelay $0x3  }
0x33: {  	p0 =	seq.s32 s10, $0x1;
	s10 =	sld [smem:$0x3F96];
	_ =	sdelay $0x3  }
0x34: {  	[smem:$0x3F96] =	sst s10  }
0x35: {  	s10 =	sld [smem:$0x3F95];
	_ =	sdelay $0x3  }
0x36: {  	p1 =	seq.s32 s10, $0x1;
	s10 =	sld [smem:$0x3F96];
	_ =	sdelay $0x3  }
0x37: {  	[smem:$0x3F96] =	sst s10  }
0x38: {  	s10 =	sld [smem:$0x3F97]  }
0x39: {  	_ = 	snop;
	(pc) =	sbr.ind lr, $3  }
0x3a: {  	_ = 	snop  }
0x3b: {  	_ = 	snop  }
0x3c: {  	p2 =	seq.s32 s10, $0x1;
	s10 =	sld [smem:$0x3F96]  }
0x3d: {  	_ =	shalt  }
0x3e: {  	_ =	shalt  }
0x3f: {  	_ =	shalt  }
0x40: {  	_ =	shalt  }
0x41: {  	_ =	shalt  }
0x42: {  	_ =	shalt  }
0x43: {  	_ =	shalt  }
0x44: {  	_ =	shalt  }
0x45: {  	_ =	shalt  }
0x46: {  	_ =	shalt  }
0x47: {  	_ =	shalt  }
0x48: {  	_ =	shalt  }
0x49: {  	_ =	shalt  }
0x4a: {  	_ =	shalt  }
0x4b: {  	_ =	shalt  }
0x4c: {  	_ =	shalt  }
0x4d: {  	_ =	shalt  }
0x4e: {  	_ =	shalt  }
0x4f: {  	_ =	shalt  }
0x50: {  	_ =	shalt  }
0x51: {  	_ =	shalt  }
0x52: {  	_ =	shalt  }
0x53: {  	_ =	shalt  }
0x54: {  	_ =	shalt  }
0x55: {  	_ =	shalt  }
0x56: {  	_ =	shalt  }
0x57: {  	_ =	shalt  }
0x58: {  	_ =	shalt  }
0x59: {  	_ =	shalt  }
0x5a: {  	_ =	shalt  }
0x5b: {  	_ =	shalt  }
0x5c: {  	_ =	shalt  }
0x5d: {  	_ =	shalt  }
0x5e: {  	_ =	shalt  }
0x5f: {  	_ =	shalt  }
0x60: {  	_ =	shalt  }
0x61: {  	_ =	shalt  }
0x62: {  	_ =	shalt  }
0x63: {  	_ =	shalt  }
0x64: {  	_ =	shalt  }
0x65: {  	_ =	shalt  }
0x66: {  	_ =	shalt  }
0x67: {  	_ =	shalt  }
0x68: {  	_ =	shalt  }
0x69: {  	_ =	shalt  }
0x6a: {  	_ =	shalt  }
0x6b: {  	_ =	shalt  }
0x6c: {  	_ =	shalt  }
0x6d: {  	_ =	shalt  }
0x6e: {  	_ =	shalt  }
0x6f: {  	_ =	shalt  }
0x70: {  	_ =	shalt  }
0x71: {  	_ =	shalt  }
0x72: {  	_ =	shalt  }
0x73: {  	_ =	shalt  }
0x74: {  	_ =	shalt  }
0x75: {  	_ =	shalt  }
0x76: {  	_ =	shalt  }
0x77: {  	_ =	shalt  }
0x78: {  	_ =	shalt  }
0x79: {  	_ =	shalt  }
0x7a: {  	_ =	shalt  }
0x7b: {  	_ =	shalt  }
0x7c: {  	_ =	shalt  }
0x7d: {  	_ =	shalt  }
0x7e: {  	_ =	shalt  }
0x7f: {  	_ =	shalt  }
0x80: {  	_ =	shalt  }
0x81: {  	_ =	shalt  }
0x82: {  	_ =	shalt  }
0x83: {  	_ =	shalt  }
0x84: {  	_ =	shalt  }
0x85: {  	_ =	shalt  }
0x86: {  	_ =	shalt  }
0x87: {  	_ =	shalt  }
.Lfunc_end0:
.L_simem_size_0:
called_computation.3_lowered:
.L_overlay_start_0:
0x88: {  	s2 =	sld [smem:$0x3FD9]  }
0x89: {  	s3 =	sld [smem:$0x3FFE];
	_ =	sdelay $0x1  }
0x8a: {  	s1 =	srdreg.scid  }
0x8b: {  	s0 =	sand.u32 $0x1, s1  }
0x8c: {  	s16 =	sshll.u32 s0, $0xA;
	s2 =	sadd.s32 s3, s2  }
0x8d: {  	s2 =	sadd.s32 s2, s16  }
0x8e: {  	[smem:$0x3FA2] =	sst s2  }
0x8f: {  	_ = 	snop  }
0x90: {  	(tm) =	ssettm $0x1  }
0x91: {  	s17 =	sld [smem:$0x3FFB];
	_ =	sdelay $0x3  }
0x92: {  	_ =	strace s17  }
0x93: {  	s2 =	sld [smem:$0x3FFC];
	_ =	sdelay $0x3  }
0x94: {  	_ =	strace s2  }
0x95: {  	s2 =	sld [smem:$0x3FFD];
	_ =	sdelay $0x3  }
0x96: {  	_ =	strace s2  }
0x97: {  	_ =	strace $0x8FFFFFFF  }
0x98: {  	s18 =	sld [smem:$0x3FDB];
	_ =	sdelay $0x1  }
0x99: {  	s19 =	simm.s32 $_scs_section_size  }
0x9a: {  	s4 =	simm.s32 $_size__tile_overlayer_lowered;
	s5 =	simm.s32 $_tile_overlayer_lowered  }
0x9b: {  	s22 =	simm.s32 $0x1BFF;
	s21 =	sshll.u32 s5, $0x1;
	s2 =	sadd.s32 s19, s18  }
0x9c: {  	s6 =	simm.s32 $0x0;
	s20 =	sshll.u32 s4, $0x1;
	s4 =	sadd.s32 s21, s2  }
0x9d: {  	[timem:s6], [sflag:s22] =	dma.local [hbm:s4], s20  }
0x9e: {  	_ =	swait.ge [sflag:s22], s20  }
0x9f: {  	s3 =	ssub.s32 $0x0, s20;
	[sflag:s22] =	ssyncset.done $0x0  }
0xa0: {  	[sflag:s22] =	ssyncadd.s32 s3;
	_ =	sdelay $0x1  }
0xa1: {  	s23 =	simm.s32 $0x1B8B  }
0xa2: {  	_ =	swait.ge [sflag:s23], $0x1  }
0xa3: {  	[sflag:s23] =	ssyncset.done $0x0  }
0xa4: {  	s25 =	simm.s32 $0x1B8E;
	s24 =	sld [smem:$0x3FFE];
	[sflag:s23] =	ssyncadd.s32 $0xFFFFFFFF  }
0xa5: {  	s26 =	simm.s32 $execute0_lowered;
	[smem:$0x3FD2] =	sst s25  }
0xa6: {  	s4 =	sshll.u32 s26, $0x1;
	_ =	strace $0x8000004F;
	[dreg:$0x1] =	wrdreg $0xFFFFFFFF  }
0xa7: {  	s28 =	simm.s32 $_size_execute0_lowered;
	s2 =	sadd.s32 s2, s4;
	[dreg:$0x0] =	wrdreg $0x0  }
0xa8: {  	s4 =	sshll.u32 s28, $0x1;
	[dreg:$0x2] =	wrdreg s2  }
0xa9: {  	[dreg:$0x3] =	wrdreg s4  }
0xaa: {  	[dreg:$0x4] =	wrdreg $0xC0  }
0xab: {  	_ =	task [dreg:s6], $0x5FFFF  }
0xac: {  	[dreg:$0x1] =	wrdreg $0xFFFFFFFF  }
0xad: {  	[dreg:$0x0] =	wrdreg $0x60  }
0xae: {  	[dreg:$0x2] =	wrdreg s24  }
0xaf: {  	[dreg:$0x3] =	wrdreg $0x84000  }
0xb0: {  	[dreg:$0x4] =	wrdreg $0x9  }
0xb1: {  	_ =	task.clear_ibuf [dreg:s6], $0x5FFFF;
	_ =	strace $0x9000004F  }
0xb2: {  	s29 =	simm.s32 $0x9;
	_ =	strace $0x80000051  }
0xb3: {  	_ =	swait.ge [sflag:s29], $0x1  }
0xb4: {  	[sflag:s29] =	ssyncadd.s32 $0xFFFFFFFF  }
0xb5: {  	_ =	strace $0x90000051  }
0xb6: {  	_ =	sfence  }
0xb7: {  	s30 =	sld [smem:$0x0];
	_ =	sdelay $0x2  }
0xb8: {  	s31 =	sshll.u32 s1, $0xD;
	s1 =	sshrl.u32 s1, $0x2  }
0xb9: {  	s3 =	sand.u32 $0x4000, s31;
	s1 =	sadd.s32 s1, s30  }
0xba: {  	s0 =	sor.u32 s3, s0;
	s1 =	sshll.u32 s1, $0x11  }
0xbb: {  	s0 =	sor.u32 s1, s0  }
0xbc: {  	s0 =	sadd.s32 $0x8F2B, s0  }
0xbd: {  	[sflag:s0] =	ssyncadd.remote.s32 $0x1  }
0xbe: {  	_ =	sfence.sel $0xFFFF  }
0xbf: {  	[dreg:$0x0] =	wrdreg $0xFFFFFFFF;
	(pc) =	sbr.abs _section_cstart, $3  }
0xc0: {  	[dreg:$0x1] =	wrdreg $0xFFFFFFFF  }
0xc1: {  	_ =	task.clear_ibuf [dreg:s6], $0x2FFFF;
	_ =	strace $0x9FFFFFFF  }
0xc2: {  	(tm) =	ssettm $0x7FFFFFFF  }
0xc3: {  	_ =	shalt  }
tec
execute0_lowered:
.L_overlay_start_1:
0x0: {  	(tag) =	ssettag $0x1  }
0x1: {  	s0 =	rddreg [dreg:$0x0]  }
0x2: {  	s2 =	rddreg [dreg:$0x1];
	s3 =	simm.s32 $0x0  }
0x3: {  	s14 =	stileid.u32;
	s5 =	srdreg.scid;
	s16 =	simm.s32 $0x9  }
0x4: {  	s17 =	simm.s32 $0x80;
	s18 =	simm.s32 $0x280;
	s28 =	simm.s32 $0x0  }
0x5: {  	[smem:$0x7FF] =	sst s3;
	s1 =	smul.u32 $0x13900, s14;
	s4 =	sadd.s32 $0xDF600, s0  }
0x6: {  	s6 =	sand.u32 $0x1, s5;
	s19 =	smul.u32 $0x2720, s14;
	s7 =	sadd.s32 $0x11E00, s0  }
0x7: {  	s10 =	sadd.s32 $0x8000, s0;
	s11 =	sshll.u32 s14, $0x1;
	s24 =	sshll.u32 s14, $0x6  }
0x8: {  	s26 =	sshll.u32 s14, $0x5;
	s14 =	simm.s32 $0x200;
	_ =	strace $0x80000050  }
0x9: {  	s9 =	smul.u32 $0x27200, s6;
	s12 =	ssub.s32 $0x2, s6;
	s5 =	sor.u32 s6, s11  }
0xa: {  	s23 =	ssub.s32 $0x984, s11;
	s25 =	ssub.s32 $0x964, s11;
	s29 =	sadd.s32 s26, s10  }
0xb: {  	s6 =	sshll.u32 s6, $0x4;
	s31 =	sadd.s32 s26, s7;
	s26 =	simm.s32 $0x8  }
0xc: {  	s8 =	sshrl.u32 s1, $0x3;
	s20 =	sshrl.u32 s12, $0x1;
	[dreg:$0x3] =	wrdreg s23  }
0xd: {  	s13 =	sshll.u32 s5, $0x4;
	s1 =	sadd.s32 s1, s2;
	[dreg:$0x4] =	wrdreg s25  }
0xe: {  	s23 =	simm.s32 $0x5;
	s8 =	sadd.s32 s8, s0;
	s9 =	sadd.s32 s19, s9  }
0xf: {  	s12 =	ssub.s32 s12, s20;
	s21 =	sadd.s32 s7, s13;
	s22 =	sadd.s32 s10, s13  }
0x10: {  	s13 =	sadd.s32 s6, s31;
	s15 =	sshrl.u32 s1, $0x3;
	s19 =	simm.s32 $0x1  }
0x11: {  	s20 =	simm.s32 $0x400;
	s0 =	sadd.s32 s9, s0;
	[dreg:$0x5] =	wrdreg s21  }
0x12: {  	[dreg:$0x6] =	wrdreg s22;
	s8 =	sadd.s32 $0x42E00, s8;
	s9 =	sor.u32 $0x1C09, s24  }
0x13: {  	s30 =	smax.u32 s12, $0x1;
	s12 =	sadd.s32 s6, s29;
	[dreg:$0x7] =	wrdreg s8  }
0x14: {  	s21 =	simm.s32 $0x2;
	s0 =	sadd.s32 $0x6A000, s0;
	[dreg:$0x9] =	wrdreg s30  }
0x15: {  	s22 =	simm.s32 $0x4400;
	s24 =	simm.s32 $0x6;
	[dreg:$0x8] =	wrdreg s0  }
.LBB2_1:
0x16: {  	s0 =	rddreg [dreg:$0x5]  }
0x17: {  	s6 =	rddreg [dreg:$0x6]  }
0x18: {  	[tilespmem:s3], [sflag:$0x1] =	stream.linear.gather [hbm4b:s0+s3], $0x80, $0x38;
	[tilespmem:$0x1BD00] =	vst v63  }
0x19: {  	s7 =	rddreg [dreg:$0x7]  }
0x1a: {  	[tilespmem:s14], [sflag:$0x1] =	stream.linear.gather [hbm4b:s6+s3], $0x80, $0x38;
	[tilespmem:$0x1BD00] =	vst v63  }
0x1b: {  	[spmem:s15], [sflag:s9] =	dma.local [hbm:s7], $0x2720  }
0x1c: {  	_ =	swait.ge [sflag:s16], $0x2720  }
0x1d: {  	[sflag:s16] =	ssyncset.done $0x0  }
0x1e: {  	p0 =	por $0x1, $0x1;
	[sflag:s16] =	ssyncadd.s32 $0xFFFFD8E0  }
0x1f: {  	s0 =	simm.s32 @!p0 $0x7;
	[bflag:$0x0] =	sbarrier.arrive $0xFFFF  }
0x20: {  	_ =	swait.ge @!p0 [sflag:s0], $0x4000  }
0x21: {  	s1 =	sadd.s32 $0x0, s13;
	[sflag:s0] =	ssyncset.done @!p0 $0x0  }
0x22: {  	s1 =	sadd.s32 $0x200, s1;
	s6 =	sadd.s32 $0x0, s12;
	[sflag:s0] =	ssyncadd.s32 @!p0 $0xFFFFC000  }
0x23: {  	[tilespmem:s17], [sflag:$0x2] =	stream.linear.gather [hbm4b:s1+s3], $0x80, $0x38;
	[tilespmem:$0x1BD00] =	vst v63  }
0x24: {  	s8 =	sadd.s32 $0x200, s6  }
0x25: {  	[tilespmem:s18], [sflag:$0x2] =	stream.linear.gather [hbm4b:s8+s3], $0x80, $0x38;
	[tilespmem:$0x1BD00] =	vst v63  }
0x26: {  	_ =	swait.ge [sflag:s19], $0x80  }
0x27: {  	[sflag:s19] =	ssyncset.done $0x0  }
0x28: {  	[sflag:s19] =	ssyncadd.s32 $0xFFFFFF80  }
0x29: {  	_ =	swait.ge [sflag:s19], $0x80  }
0x2a: {  	[sflag:s19] =	ssyncset.done $0x0  }
0x2b: {  	s10 =	sadd.s32 $0x0, s5;
	s0 =	simm.s32 @!p0 $0x6;
	[sflag:s19] =	ssyncadd.s32 $0xFFFFFF80  }
0x2c: {  	[tilespmem:s20], [sflag:$0x5] =	stream.indirect.gather [hbm4b:s4+s17], $0x80, s3, s17, $0xb8;
	[tilespmem:$0x1BD00] =	vst v63  }
0x2d: {  	s6 =	simm.s32 @!p0 $0x4400;
	s1 =	sadd.s32 $0x40, s10;
	_ =	swait.ge @!p0 [sflag:s0], $0x4000  }
0x2e: {  	s7 =	simm.s32 @!p0 $0x80;
	p1 =	sgt.u32 s1, $0x9C3;
	[sflag:s0] =	ssyncset.done @!p0 $0x0  }
0x2f: {  	s8 =	simm.s32 @!p0 $0x380;
	[sflag:s0] =	ssyncadd.s32 @!p0 $0xFFFFC000;
	s0 =	simm.s32 @!p0 $0x8  }
0x30: {  	[spmem:s2] =	stream.indirect.scatter.add.f32 @!p0 [tilespmem:s6], [sflag:$0x8], $0x80, s8, s7, $0xb8;
	[tilespmem:$0x1BD00] =	vst v63  }
0x31: {  	s1 =	sadd.s32 @!p1 $0x0, s13;
	_ =	swait.ge @!p0 [sflag:s0], $0x4000  }
0x32: {  	s1 =	sadd.s32 @!p1 $0x400, s1;
	s6 =	simm.s32 @!p1 $0x0;
	[sflag:s0] =	ssyncset.done @!p0 $0x0  }
0x33: {  	s7 =	simm.s32 @!p1 $0x100;
	[sflag:s0] =	ssyncadd.s32 @!p0 $0xFFFFC000;
	s0 =	sadd.s32 @!p1 $0x0, s12  }
0x34: {  	[tilespmem:s7], [sflag:$0x3] =	stream.linear.gather @!p1 [hbm4b:s1+s6], $0x80, $0x38;
	[tilespmem:$0x1BD00] =	vst v63  }
0x35: {  	s1 =	simm.s32 @!p1 $0x300;
	s0 =	sadd.s32 @!p1 $0x400, s0  }
0x36: {  	[tilespmem:s1], [sflag:$0x3] =	stream.linear.gather @!p1 [hbm4b:s0+s6], $0x80, $0x38;
	[tilespmem:$0x1BD00] =	vst v63  }
0x37: {  	_ =	swait.ge [sflag:s21], $0x80  }
0x38: {  	[sflag:s21] =	ssyncset.done $0x0  }
0x39: {  	[sflag:s21] =	ssyncadd.s32 $0xFFFFFF80  }
0x3a: {  	_ =	swait.ge [sflag:s21], $0x80  }
0x3b: {  	[sflag:s21] =	ssyncset.done $0x0  }
0x3c: {  	[sflag:s21] =	ssyncadd.s32 $0xFFFFFF80  }
0x3d: {  	[tilespmem:s22], [sflag:$0x6] =	stream.indirect.gather [hbm4b:s4+s17], $0x80, s17, s17, $0xb8;
	[tilespmem:$0x1BD00] =	vst v63  }
0x3e: {  	_ =	swait.ge [sflag:s23], $0x4000  }
0x3f: {  	[sflag:s23] =	ssyncset.done $0x0;
	s11 =	rddreg [dreg:$0x3]  }
0x40: {  	[sflag:s23] =	ssyncadd.s32 $0xFFFFC000;
	p1 =	sle.u32 s11, $0x0  }
0x41: {  	[spmem:s2] =	stream.indirect.scatter.add.f32 [tilespmem:s20], [sflag:$0x7], $0x80, s14, s17, $0xb8;
	[tilespmem:$0x1BD00] =	vst v63  }
0x42: {  	s0 =	sadd.s32 @!p1 $0x0, s5  }
0x43: {  	s1 =	simm.s32 @!p1 $0x7;
	s0 =	sadd.s32 @!p1 $0x60, s0  }
0x44: {  	_ =	swait.ge @!p1 [sflag:s1], $0x4000;
	p0 =	sgt.u32 @!p1 s0, $0x9C3  }
0x45: {  	[sflag:s1] =	ssyncset.done @!p1 $0x0;
	p0 =	por p0, p1  }
0x46: {  	[sflag:s1] =	ssyncadd.s32 @!p1 $0xFFFFC000;
	s0 =	sadd.s32 @!p0 $0x0, s13;
	s6 =	simm.s32 @!p0 $0x0  }
0x47: {  	s7 =	sadd.s32 @!p0 $0x0, s12;
	s1 =	simm.s32 @!p0 $0x180;
	s0 =	sadd.s32 @!p0 $0x600, s0  }
0x48: {  	[tilespmem:s1], [sflag:$0x4] =	stream.linear.gather @!p0 [hbm4b:s0+s6], $0x80, $0x38;
	[tilespmem:$0x1BD00] =	vst v63  }
0x49: {  	s0 =	sadd.s32 @!p0 $0x600, s7;
	s1 =	simm.s32 @!p0 $0x380;
	s7 =	simm.s32 @!p1 $0x3  }
0x4a: {  	[tilespmem:s1], [sflag:$0x4] =	stream.linear.gather @!p0 [hbm4b:s0+s6], $0x80, $0x38;
	[tilespmem:$0x1BD00] =	vst v63  }
0x4b: {  	_ =	swait.ge @!p1 [sflag:s7], $0x80  }
0x4c: {  	[sflag:s7] =	ssyncset.done @!p1 $0x0  }
0x4d: {  	[sflag:s7] =	ssyncadd.s32 @!p1 $0xFFFFFF80  }
0x4e: {  	_ =	swait.ge @!p1 [sflag:s7], $0x80  }
0x4f: {  	s1 =	simm.s32 @!p1 $0x400;
	[sflag:s7] =	ssyncset.done @!p1 $0x0  }
0x50: {  	s6 =	simm.s32 @!p1 $0x80;
	s0 =	simm.s32 @!p1 $0x100;
	[sflag:s7] =	ssyncadd.s32 @!p1 $0xFFFFFF80  }
0x51: {  	[tilespmem:s1], [sflag:$0x5] =	stream.indirect.gather @!p1 [hbm4b:s4+s6], $0x80, s0, s6, $0xb8;
	[tilespmem:$0x1BD00] =	vst v63  }
0x52: {  	_ =	swait.ge [sflag:s24], $0x4000  }
0x53: {  	[sflag:s24] =	ssyncset.done $0x0;
	s25 =	rddreg [dreg:$0x4]  }
0x54: {  	[sflag:s24] =	ssyncadd.s32 $0xFFFFC000;
	p3 =	sle.u32 s25, $0x0  }
0x55: {  	[spmem:s2] =	stream.indirect.scatter.add.f32 [tilespmem:s22], [sflag:$0x8], $0x80, s18, s17, $0xb8;
	[tilespmem:$0x1BD00] =	vst v63  }
0x56: {  	s0 =	sadd.s32 @!p3 $0x0, s5  }
0x57: {  	s7 =	simm.s32 @!p3 $0x8;
	s0 =	sadd.s32 @!p3 $0x80, s0  }
0x58: {  	_ =	swait.ge @!p3 [sflag:s7], $0x4000;
	p0 =	sgt.u32 @!p3 s0, $0x9C3  }
0x59: {  	[sflag:s7] =	ssyncset.done @!p3 $0x0;
	p0 =	por p0, p3  }
0x5a: {  	[sflag:s7] =	ssyncadd.s32 @!p3 $0xFFFFC000;
	s0 =	sadd.s32 @!p0 $0x0, s13  }
0x5b: {  	s7 =	simm.s32 @!p0 $0x0;
	s8 =	sadd.s32 @!p0 $0x0, s12;
	s0 =	sadd.s32 @!p0 $0x800, s0  }
0x5c: {  	[tilespmem:s7], [sflag:$0x1] =	stream.linear.gather @!p0 [hbm4b:s0+s7], $0x80, $0x38;
	[tilespmem:$0x1BD00] =	vst v63  }
0x5d: {  	s30 =	simm.s32 @!p3 $0x4;
	s8 =	sadd.s32 @!p0 $0x800, s8;
	s0 =	simm.s32 @!p0 $0x200  }
0x5e: {  	[tilespmem:s0], [sflag:$0x1] =	stream.linear.gather @!p0 [hbm4b:s8+s7], $0x80, $0x38;
	[tilespmem:$0x1BD00] =	vst v63  }
0x5f: {  	_ =	swait.ge @!p3 [sflag:s30], $0x80  }
0x60: {  	[sflag:s30] =	ssyncset.done @!p3 $0x0  }
0x61: {  	s29 =	simm.s32 $0x800;
	s31 =	simm.s32 $0x1000;
	[sflag:s30] =	ssyncadd.s32 @!p3 $0xFFFFFF80  }
0x62: {  	p2 =	por $0x0, $0x0;
	s10 =	simm.s32 @!p3 $0x80;
	_ =	swait.ge @!p3 [sflag:s30], $0x80  }
0x63: {  	s0 =	simm.s32 @!p3 $0x180;
	s8 =	simm.s32 @!p3 $0x4400;
	[sflag:s30] =	ssyncset.done @!p3 $0x0  }
0x64: {  	s7 =	simm.s32 @!p1 $0x5;
	[sflag:s30] =	ssyncadd.s32 @!p3 $0xFFFFFF80;
	s30 =	simm.s32 $0x80  }
.LBB2_2:
0x65: {  	[tilespmem:s8], [sflag:$0x6] =	stream.indirect.gather @!p3 [hbm4b:s4+s10], $0x80, s0, s10, $0xb8;
	[tilespmem:$0x1BD00] =	vst v63  }
0x66: {  	_ =	swait.ge @!p1 [sflag:s7], $0x4000  }
0x67: {  	[sflag:s7] =	ssyncset.done @!p1 $0x0  }
0x68: {  	s8 =	simm.s32 @!p1 $0x300;
	s10 =	simm.s32 @!p2 $0x7;
	[sflag:s7] =	ssyncadd.s32 @!p1 $0xFFFFC000  }
0x69: {  	[spmem:s2] =	stream.indirect.scatter.add.f32 @!p1 [tilespmem:s1], [sflag:$0x7], $0x80, s8, s6, $0xb8;
	[tilespmem:$0x1BD00] =	vst v63  }
0x6a: {  	_ =	swait.ge @!p2 [sflag:s10], $0x4000  }
0x6b: {  	s6 =	sadd.s32 s29, s13;
	[sflag:s10] =	ssyncset.done @!p2 $0x0  }
0x6c: {  	s7 =	sadd.s32 s29, s12;
	s1 =	sadd.s32 $0x200, s6;
	[sflag:s10] =	ssyncadd.s32 @!p2 $0xFFFFC000  }
0x6d: {  	[tilespmem:s17], [sflag:$0x2] =	stream.linear.gather [hbm4b:s1+s3], $0x80, $0x38;
	[tilespmem:$0x1BD00] =	vst v63  }
0x6e: {  	s8 =	sadd.s32 $0x200, s7  }
0x6f: {  	[tilespmem:s18], [sflag:$0x2] =	stream.linear.gather [hbm4b:s8+s3], $0x80, $0x38;
	[tilespmem:$0x1BD00] =	vst v63  }
0x70: {  	_ =	swait.ge [sflag:s19], $0x80  }
0x71: {  	[sflag:s19] =	ssyncset.done $0x0  }
0x72: {  	[sflag:s19] =	ssyncadd.s32 $0xFFFFFF80  }
0x73: {  	_ =	swait.ge [sflag:s19], $0x80  }
0x74: {  	[sflag:s19] =	ssyncset.done $0x0  }
0x75: {  	s10 =	sadd.s32 s30, s5;
	s1 =	simm.s32 @!p2 $0x6;
	[sflag:s19] =	ssyncadd.s32 $0xFFFFFF80  }
0x76: {  	[tilespmem:s20], [sflag:$0x5] =	stream.indirect.gather [hbm4b:s4+s17], $0x80, s3, s17, $0xb8;
	[tilespmem:$0x1BD00] =	vst v63  }
0x77: {  	s7 =	simm.s32 @!p2 $0x4400;
	s6 =	sadd.s32 $0x40, s10;
	_ =	swait.ge @!p2 [sflag:s1], $0x4000  }
0x78: {  	s10 =	simm.s32 @!p2 $0x380;
	p1 =	sgt.u32 s6, $0x9C3;
	[sflag:s1] =	ssyncset.done @!p2 $0x0  }
0x79: {  	s8 =	simm.s32 @!p2 $0x80;
	[sflag:s1] =	ssyncadd.s32 @!p2 $0xFFFFC000;
	s1 =	simm.s32 @!p2 $0x8  }
0x7a: {  	[spmem:s2] =	stream.indirect.scatter.add.f32 @!p2 [tilespmem:s7], [sflag:$0x8], $0x80, s10, s8, $0xb8;
	[tilespmem:$0x1BD00] =	vst v63  }
0x7b: {  	s6 =	sadd.s32 @!p1 s29, s13;
	_ =	swait.ge @!p2 [sflag:s1], $0x4000  }
0x7c: {  	s6 =	sadd.s32 @!p1 $0x400, s6;
	s7 =	simm.s32 @!p1 $0x0;
	[sflag:s1] =	ssyncset.done @!p2 $0x0  }
0x7d: {  	s8 =	simm.s32 @!p1 $0x100;
	[sflag:s1] =	ssyncadd.s32 @!p2 $0xFFFFC000;
	s1 =	sadd.s32 @!p1 s29, s12  }
0x7e: {  	[tilespmem:s8], [sflag:$0x3] =	stream.linear.gather @!p1 [hbm4b:s6+s7], $0x80, $0x38;
	[tilespmem:$0x1BD00] =	vst v63  }
0x7f: {  	s10 =	simm.s32 @!p1 $0x300;
	s1 =	sadd.s32 @!p1 $0x400, s1  }
0x80: {  	[tilespmem:s10], [sflag:$0x3] =	stream.linear.gather @!p1 [hbm4b:s1+s7], $0x80, $0x38;
	[tilespmem:$0x1BD00] =	vst v63  }
0x81: {  	_ =	swait.ge [sflag:s21], $0x80  }
0x82: {  	[sflag:s21] =	ssyncset.done $0x0  }
0x83: {  	[sflag:s21] =	ssyncadd.s32 $0xFFFFFF80  }
0x84: {  	_ =	swait.ge [sflag:s21], $0x80  }
0x85: {  	[sflag:s21] =	ssyncset.done $0x0  }
0x86: {  	[sflag:s21] =	ssyncadd.s32 $0xFFFFFF80  }
0x87: {  	[tilespmem:s22], [sflag:$0x6] =	stream.indirect.gather [hbm4b:s4+s17], $0x80, s17, s17, $0xb8;
	[tilespmem:$0x1BD00] =	vst v63  }
0x88: {  	_ =	swait.ge [sflag:s23], $0x4000  }
0x89: {  	[sflag:s23] =	ssyncset.done $0x0;
	s11 =	rddreg [dreg:$0x3]  }
0x8a: {  	[sflag:s23] =	ssyncadd.s32 $0xFFFFC000;
	p1 =	sge.u32 s30, s11  }
0x8b: {  	[spmem:s2] =	stream.indirect.scatter.add.f32 [tilespmem:s20], [sflag:$0x7], $0x80, s14, s17, $0xb8;
	[tilespmem:$0x1BD00] =	vst v63  }
0x8c: {  	s6 =	sadd.s32 @!p1 s30, s5  }
0x8d: {  	s1 =	simm.s32 @!p1 $0x7;
	s6 =	sadd.s32 @!p1 $0x60, s6  }
0x8e: {  	_ =	swait.ge @!p1 [sflag:s1], $0x4000;
	p2 =	sgt.u32 @!p1 s6, $0x9C3  }
0x8f: {  	[sflag:s1] =	ssyncset.done @!p1 $0x0;
	p2 =	por p2, p1  }
0x90: {  	[sflag:s1] =	ssyncadd.s32 @!p1 $0xFFFFC000;
	s6 =	sadd.s32 @!p2 s29, s13;
	s7 =	simm.s32 @!p2 $0x0  }
0x91: {  	s8 =	sadd.s32 @!p2 s29, s12;
	s1 =	sadd.s32 @!p2 $0x600, s6;
	s6 =	simm.s32 @!p2 $0x180  }
0x92: {  	[tilespmem:s6], [sflag:$0x4] =	stream.linear.gather @!p2 [hbm4b:s1+s7], $0x80, $0x38;
	[tilespmem:$0x1BD00] =	vst v63  }
0x93: {  	s1 =	sadd.s32 @!p2 $0x600, s8;
	s6 =	simm.s32 @!p2 $0x380;
	s8 =	simm.s32 @!p1 $0x3  }
0x94: {  	[tilespmem:s6], [sflag:$0x4] =	stream.linear.gather @!p2 [hbm4b:s1+s7], $0x80, $0x38;
	[tilespmem:$0x1BD00] =	vst v63  }
0x95: {  	_ =	swait.ge @!p1 [sflag:s8], $0x80  }
0x96: {  	[sflag:s8] =	ssyncset.done @!p1 $0x0  }
0x97: {  	[sflag:s8] =	ssyncadd.s32 @!p1 $0xFFFFFF80  }
0x98: {  	_ =	swait.ge @!p1 [sflag:s8], $0x80  }
0x99: {  	s1 =	simm.s32 @!p1 $0x400;
	[sflag:s8] =	ssyncset.done @!p1 $0x0  }
0x9a: {  	s6 =	simm.s32 @!p1 $0x80;
	s7 =	simm.s32 @!p1 $0x100;
	[sflag:s8] =	ssyncadd.s32 @!p1 $0xFFFFFF80  }
0x9b: {  	[tilespmem:s1], [sflag:$0x5] =	stream.indirect.gather @!p1 [hbm4b:s4+s6], $0x80, s7, s6, $0xb8;
	[tilespmem:$0x1BD00] =	vst v63  }
0x9c: {  	_ =	swait.ge [sflag:s24], $0x4000  }
0x9d: {  	[sflag:s24] =	ssyncset.done $0x0;
	s25 =	rddreg [dreg:$0x4]  }
0x9e: {  	[sflag:s24] =	ssyncadd.s32 $0xFFFFC000;
	p3 =	sge.u32 s30, s25  }
0x9f: {  	[spmem:s2] =	stream.indirect.scatter.add.f32 [tilespmem:s22], [sflag:$0x8], $0x80, s18, s17, $0xb8;
	[tilespmem:$0x1BD00] =	vst v63  }
0xa0: {  	s8 =	sadd.s32 @!p3 s30, s5  }
0xa1: {  	s7 =	simm.s32 @!p3 $0x8;
	s8 =	sadd.s32 @!p3 $0x80, s8  }
0xa2: {  	_ =	swait.ge @!p3 [sflag:s7], $0x4000;
	p2 =	sgt.u32 @!p3 s8, $0x9C3  }
0xa3: {  	s0 =	smov.u32 s31;
	[sflag:s7] =	ssyncset.done @!p3 $0x0;
	p2 =	por p2, p3  }
0xa4: {  	s31 =	sadd.s32 $0x800, s31;
	[sflag:s7] =	ssyncadd.s32 @!p3 $0xFFFFC000;
	s7 =	sadd.s32 @!p2 s29, s13  }
0xa5: {  	s8 =	simm.s32 @!p2 $0x0;
	s10 =	sadd.s32 @!p2 s29, s12;
	s7 =	sadd.s32 @!p2 $0x800, s7  }
0xa6: {  	[tilespmem:s8], [sflag:$0x1] =	stream.linear.gather @!p2 [hbm4b:s7+s8], $0x80, $0x38;
	[tilespmem:$0x1BD00] =	vst v63  }
0xa7: {  	s25 =	simm.s32 @!p3 $0x4;
	s11 =	simm.s32 @!p2 $0x200;
	s7 =	sadd.s32 @!p2 $0x800, s10  }
0xa8: {  	[tilespmem:s11], [sflag:$0x1] =	stream.linear.gather @!p2 [hbm4b:s7+s8], $0x80, $0x38;
	[tilespmem:$0x1BD00] =	vst v63  }
0xa9: {  	p0 =	sne.s32 s31, $0xA000;
	_ =	swait.ge @!p3 [sflag:s25], $0x80  }
.Ltmp0:
0xaa: {  	[sflag:s25] =	ssyncset.done @!p3 $0x0;
	(pc) =	sbr.rel @p0 .LBB2_2-.Ltmp0, $4  }
0xab: {  	s30 =	sadd.s32 $0x80, s30;
	[sflag:s25] =	ssyncadd.s32 @!p3 $0xFFFFFF80  }
0xac: {  	s29 =	smov.u32 s0;
	s0 =	simm.s32 @!p3 $0x180;
	_ =	swait.ge @!p3 [sflag:s25], $0x80  }
0xad: {  	s10 =	simm.s32 @!p3 $0x80;
	s8 =	simm.s32 @!p3 $0x4400;
	[sflag:s25] =	ssyncset.done @!p3 $0x0  }
0xae: {  	p2 =	seq.s32 s29, $0x0;
	s7 =	simm.s32 @!p1 $0x5;
	[sflag:s25] =	ssyncadd.s32 @!p3 $0xFFFFFF80  }
0xaf: {  	[tilespmem:s8], [sflag:$0x6] =	stream.indirect.gather @!p3 [hbm4b:s4+s10], $0x80, s0, s10, $0xb8;
	[tilespmem:$0x1BD00] =	vst v63  }
0xb0: {  	_ =	swait.ge @!p1 [sflag:s7], $0x4000  }
0xb1: {  	[sflag:s7] =	ssyncset.done @!p1 $0x0  }
0xb2: {  	s0 =	simm.s32 @!p1 $0x300;
	[sflag:s7] =	ssyncadd.s32 @!p1 $0xFFFFC000  }
0xb3: {  	[spmem:s2] =	stream.indirect.scatter.add.f32 @!p1 [tilespmem:s1], [sflag:$0x7], $0x80, s0, s6, $0xb8;
	[tilespmem:$0x1BD00] =	vst v63  }
0xb4: {  	s0 =	simm.s32 @!p2 $0x7  }
0xb5: {  	_ =	swait.ge @!p2 [sflag:s0], $0x4000  }
0xb6: {  	s6 =	sadd.s32 s29, s13;
	[sflag:s0] =	ssyncset.done @!p2 $0x0  }
0xb7: {  	s7 =	sadd.s32 s29, s12;
	s1 =	sadd.s32 $0x200, s6;
	[sflag:s0] =	ssyncadd.s32 @!p2 $0xFFFFC000  }
0xb8: {  	[tilespmem:s17], [sflag:$0x2] =	stream.linear.gather [hbm4b:s1+s3], $0x80, $0x38;
	[tilespmem:$0x1BD00] =	vst v63  }
0xb9: {  	s8 =	sadd.s32 $0x200, s7  }
0xba: {  	[tilespmem:s18], [sflag:$0x2] =	stream.linear.gather [hbm4b:s8+s3], $0x80, $0x38;
	[tilespmem:$0x1BD00] =	vst v63  }
0xbb: {  	_ =	swait.ge [sflag:s19], $0x80  }
0xbc: {  	[sflag:s19] =	ssyncset.done $0x0  }
0xbd: {  	[sflag:s19] =	ssyncadd.s32 $0xFFFFFF80  }
0xbe: {  	_ =	swait.ge [sflag:s19], $0x80  }
0xbf: {  	[sflag:s19] =	ssyncset.done $0x0  }
0xc0: {  	s0 =	simm.s32 @!p2 $0x6;
	[sflag:s19] =	ssyncadd.s32 $0xFFFFFF80  }
0xc1: {  	[tilespmem:s20], [sflag:$0x5] =	stream.indirect.gather [hbm4b:s4+s17], $0x80, s3, s17, $0xb8;
	[tilespmem:$0x1BD00] =	vst v63  }
0xc2: {  	_ =	swait.ge @!p2 [sflag:s0], $0x4000  }
0xc3: {  	s10 =	sadd.s32 s30, s5;
	s6 =	simm.s32 @!p2 $0x80;
	[sflag:s0] =	ssyncset.done @!p2 $0x0  }
0xc4: {  	s1 =	simm.s32 @!p2 $0x4400;
	[sflag:s0] =	ssyncadd.s32 @!p2 $0xFFFFC000;
	s0 =	simm.s32 @!p2 $0x380  }
0xc5: {  	[spmem:s2] =	stream.indirect.scatter.add.f32 @!p2 [tilespmem:s1], [sflag:$0x8], $0x80, s0, s6, $0xb8;
	[tilespmem:$0x1BD00] =	vst v63  }
0xc6: {  	s0 =	sadd.s32 $0x40, s10;
	s1 =	simm.s32 @!p2 $0x8  }
0xc7: {  	p0 =	sgt.u32 s0, $0x9C3;
	_ =	swait.ge @!p2 [sflag:s1], $0x4000  }
0xc8: {  	s0 =	sadd.s32 @!p0 s29, s13;
	s6 =	simm.s32 @!p0 $0x0;
	[sflag:s1] =	ssyncset.done @!p2 $0x0  }
0xc9: {  	s0 =	sadd.s32 @!p0 $0x400, s0;
	[sflag:s1] =	ssyncadd.s32 @!p2 $0xFFFFC000;
	s1 =	simm.s32 @!p0 $0x100  }
0xca: {  	[tilespmem:s1], [sflag:$0x3] =	stream.linear.gather @!p0 [hbm4b:s0+s6], $0x80, $0x38;
	[tilespmem:$0x1BD00] =	vst v63  }
0xcb: {  	s0 =	sadd.s32 @!p0 s29, s12  }
0xcc: {  	s1 =	simm.s32 @!p0 $0x300;
	s0 =	sadd.s32 @!p0 $0x400, s0  }
0xcd: {  	[tilespmem:s1], [sflag:$0x3] =	stream.linear.gather @!p0 [hbm4b:s0+s6], $0x80, $0x38;
	[tilespmem:$0x1BD00] =	vst v63  }
0xce: {  	_ =	swait.ge [sflag:s21], $0x80  }
0xcf: {  	[sflag:s21] =	ssyncset.done $0x0  }
0xd0: {  	[sflag:s21] =	ssyncadd.s32 $0xFFFFFF80  }
0xd1: {  	_ =	swait.ge [sflag:s21], $0x80  }
0xd2: {  	[sflag:s21] =	ssyncset.done $0x0  }
0xd3: {  	[sflag:s21] =	ssyncadd.s32 $0xFFFFFF80  }
0xd4: {  	[tilespmem:s22], [sflag:$0x6] =	stream.indirect.gather [hbm4b:s4+s17], $0x80, s17, s17, $0xb8;
	[tilespmem:$0x1BD00] =	vst v63  }
0xd5: {  	_ =	swait.ge [sflag:s23], $0x4000  }
0xd6: {  	[sflag:s23] =	ssyncset.done $0x0;
	s11 =	rddreg [dreg:$0x3]  }
0xd7: {  	[sflag:s23] =	ssyncadd.s32 $0xFFFFC000;
	p0 =	sge.u32 s30, s11  }
0xd8: {  	[spmem:s2] =	stream.indirect.scatter.add.f32 [tilespmem:s20], [sflag:$0x7], $0x80, s14, s17, $0xb8;
	[tilespmem:$0x1BD00] =	vst v63  }
0xd9: {  	s0 =	sadd.s32 @!p0 s30, s5  }
0xda: {  	s1 =	simm.s32 @!p0 $0x7;
	s0 =	sadd.s32 @!p0 $0x60, s0  }
0xdb: {  	_ =	swait.ge @!p0 [sflag:s1], $0x4000;
	p1 =	sgt.u32 @!p0 s0, $0x9C3  }
0xdc: {  	[sflag:s1] =	ssyncset.done @!p0 $0x0;
	p1 =	por p1, p0  }
0xdd: {  	[sflag:s1] =	ssyncadd.s32 @!p0 $0xFFFFC000;
	s0 =	sadd.s32 @!p1 s29, s13  }
0xde: {  	s6 =	simm.s32 @!p1 $0x0;
	s1 =	simm.s32 @!p1 $0x180;
	s0 =	sadd.s32 @!p1 $0x600, s0  }
0xdf: {  	[tilespmem:s1], [sflag:$0x4] =	stream.linear.gather @!p1 [hbm4b:s0+s6], $0x80, $0x38;
	[tilespmem:$0x1BD00] =	vst v63  }
0xe0: {  	s0 =	sadd.s32 @!p1 s29, s12  }
0xe1: {  	s1 =	simm.s32 @!p1 $0x380;
	s0 =	sadd.s32 @!p1 $0x600, s0  }
0xe2: {  	[tilespmem:s1], [sflag:$0x4] =	stream.linear.gather @!p1 [hbm4b:s0+s6], $0x80, $0x38;
	[tilespmem:$0x1BD00] =	vst v63  }
0xe3: {  	s0 =	simm.s32 @!p0 $0x3  }
0xe4: {  	_ =	swait.ge @!p0 [sflag:s0], $0x80  }
0xe5: {  	[sflag:s0] =	ssyncset.done @!p0 $0x0  }
0xe6: {  	[sflag:s0] =	ssyncadd.s32 @!p0 $0xFFFFFF80  }
0xe7: {  	_ =	swait.ge @!p0 [sflag:s0], $0x80  }
0xe8: {  	s1 =	simm.s32 @!p0 $0x400;
	[sflag:s0] =	ssyncset.done @!p0 $0x0  }
0xe9: {  	s6 =	simm.s32 @!p0 $0x80;
	[sflag:s0] =	ssyncadd.s32 @!p0 $0xFFFFFF80;
	s0 =	simm.s32 @!p0 $0x100  }
0xea: {  	[tilespmem:s1], [sflag:$0x5] =	stream.indirect.gather @!p0 [hbm4b:s4+s6], $0x80, s0, s6, $0xb8;
	[tilespmem:$0x1BD00] =	vst v63  }
0xeb: {  	_ =	swait.ge [sflag:s24], $0x4000  }
0xec: {  	[sflag:s24] =	ssyncset.done $0x0;
	s25 =	rddreg [dreg:$0x4]  }
0xed: {  	[sflag:s24] =	ssyncadd.s32 $0xFFFFC000;
	p1 =	sge.u32 s30, s25  }
0xee: {  	[spmem:s2] =	stream.indirect.scatter.add.f32 [tilespmem:s22], [sflag:$0x8], $0x80, s18, s17, $0xb8;
	[tilespmem:$0x1BD00] =	vst v63  }
0xef: {  	s0 =	sadd.s32 @!p1 s30, s5  }
0xf0: {  	s7 =	simm.s32 @!p1 $0x8;
	s0 =	sadd.s32 @!p1 $0x80, s0  }
0xf1: {  	_ =	swait.ge @!p1 [sflag:s7], $0x4000;
	p2 =	sgt.u32 @!p1 s0, $0x9C3  }
0xf2: {  	[sflag:s7] =	ssyncset.done @!p1 $0x0;
	p2 =	por p2, p1  }
0xf3: {  	[sflag:s7] =	ssyncadd.s32 @!p1 $0xFFFFC000;
	s0 =	sadd.s32 @!p2 s29, s13  }
0xf4: {  	s7 =	simm.s32 @!p2 $0x0;
	s8 =	sadd.s32 @!p2 s29, s12;
	s0 =	sadd.s32 @!p2 $0x800, s0  }
0xf5: {  	[tilespmem:s7], [sflag:$0x1] =	stream.linear.gather @!p2 [hbm4b:s0+s7], $0x80, $0x38;
	[tilespmem:$0x1BD00] =	vst v63  }
0xf6: {  	s8 =	sadd.s32 @!p2 $0x800, s8;
	s0 =	simm.s32 @!p2 $0x200  }
0xf7: {  	[tilespmem:s0], [sflag:$0x1] =	stream.linear.gather @!p2 [hbm4b:s8+s7], $0x80, $0x38;
	[tilespmem:$0x1BD00] =	vst v63  }
0xf8: {  	s0 =	simm.s32 @!p1 $0x4  }
0xf9: {  	_ =	swait.ge @!p1 [sflag:s0], $0x80  }
0xfa: {  	[sflag:s0] =	ssyncset.done @!p1 $0x0  }
0xfb: {  	[sflag:s0] =	ssyncadd.s32 @!p1 $0xFFFFFF80  }
0xfc: {  	_ =	swait.ge @!p1 [sflag:s0], $0x80  }
0xfd: {  	s7 =	simm.s32 @!p1 $0x180;
	[sflag:s0] =	ssyncset.done @!p1 $0x0  }
0xfe: {  	s8 =	simm.s32 @!p1 $0x4400;
	[sflag:s0] =	ssyncadd.s32 @!p1 $0xFFFFFF80;
	s0 =	simm.s32 @!p1 $0x80  }
0xff: {  	[tilespmem:s8], [sflag:$0x6] =	stream.indirect.gather @!p1 [hbm4b:s4+s0], $0x80, s7, s0, $0xb8;
	[tilespmem:$0x1BD00] =	vst v63  }
0x100: {  	s0 =	simm.s32 @!p0 $0x5  }
0x101: {  	_ =	swait.ge @!p0 [sflag:s0], $0x4000  }
0x102: {  	[sflag:s0] =	ssyncset.done @!p0 $0x0  }
0x103: {  	s29 =	simm.s32 $0x7;
	[sflag:s0] =	ssyncadd.s32 @!p0 $0xFFFFC000;
	s0 =	simm.s32 @!p0 $0x300  }
0x104: {  	[spmem:s2] =	stream.indirect.scatter.add.f32 @!p0 [tilespmem:s1], [sflag:$0x7], $0x80, s0, s6, $0xb8;
	[tilespmem:$0x1BD00] =	vst v63  }
0x105: {  	_ =	swait.ge [sflag:s29], $0x4000  }
0x106: {  	[sflag:s29] =	ssyncset.done $0x0  }
0x107: {  	[sflag:s29] =	ssyncadd.s32 $0xFFFFC000  }
0x108: {  	_ =	swait.ge [sflag:s26], $0x4000  }
0x109: {  	[sflag:s26] =	ssyncset.done $0x0  }
0x10a: {  	[sflag:s26] =	ssyncadd.s32 $0xFFFFC000  }
0x10b: {  	[bflag:$0x0] =	sbarrier.arrive $0xFFFF  }
0x10c: {  	s30 =	rddreg [dreg:$0x8]  }
0x10d: {  	[hbm:s30], [sflag:s9] =	dma.local [spmem:s15], $0x2720  }
0x10e: {  	_ =	swait.ge [sflag:s16], $0x2720  }
0x10f: {  	s28 =	sadd.s32 $0x1, s28;
	s31 =	rddreg [dreg:$0x9]  }
0x110: {  	p0 =	sne.s32 s28, s31  }
.Ltmp1:
0x111: {  	_ = 	snop;
	(pc) =	sbr.rel @p0 .LBB2_1-.Ltmp1, $3  }
0x112: {  	_ =	sdelay $0x1  }
0x113: {  	[sflag:s16] =	ssyncset.done $0x0  }
0x114: {  	[sflag:s16] =	ssyncadd.s32 $0xFFFFD8E0  }
0x115: {  	_ =	sfence.sel $0x180000  }
0x116: {  	[bflag:$0x0] =	sbarrier.arrive $0xFFFF  }
0x117: {  	_ =	strace $0x90000050  }
0x118: {  	s0 =	stileid.u32;
	[bflag:$0x2] =	sbarrier.arrive $0xFFFF  }
0x119: {  	p0 =	sne.s32 s0, $0x0;
	s0 =	rddreg [dreg:$0x2]  }
0x11a: {  	s0 =	sadd.s32 @!p0 $0x100000, s0  }
0x11b: {  	[sflag:s0] =	ssyncadd.tile.s32 @!p0 $0x1;
	_ =	shalt  }
.Lfunc_end2:
_tile_overlayer_lowered:
.L_overlay_start_2:
0x11c: {  	(tag) =	ssettag $0x2  }
0x11d: {  	s0 =	rddreg [dreg:$0x0];
	s2 =	stileid.u32  }
0x11e: {  	s1 =	rddreg [dreg:$0x1];
	p0 =	sne.s32 s2, $0x0  }
0x11f: {  	s3 =	rddreg [dreg:$0x2];
	[bflag:$0x3] =	sbarrier.arrive $0xFFFF;
	s2 =	simm.s32 @!p0 $0x1C09  }
0x120: {  	[timem:s3], [sflag:s2] =	dma.local @!p0 [hbm:s0], s1  }
0x121: {  	s0 =	simm.s32 @!p0 $0x9  }
0x122: {  	_ =	swait.ge @!p0 [sflag:s0], s1  }
0x123: {  	s1 =	ssub.s32 @!p0 $0x0, s1;
	[sflag:s0] =	ssyncset.done @!p0 $0x0  }
0x124: {  	[sflag:s0] =	ssyncadd.s32 @!p0 s1  }
0x125: {  	[bflag:$0x3] =	sbarrier.arrive $0xFFFF  }
0x126: {  	_ =	shalt  }

</sc_bundles>
